<compile_context>
chip_gen: v7x
topology: tpu7x:2x2x1
jax: 0.10.2.dev20260603
libtpu: 0.0.44.dev20260713+nightly
codegen_flags: <defaults>
</compile_context>

<pallas_src>
import dataclasses
import functools

import jax
import jax.numpy as jnp
from jax import lax
from jax.experimental import pallas as pl
from jax.experimental.pallas import tpu as pltpu
from jax.experimental.pallas import tpu_sc as plsc

NUM_VIRTUAL = 1000
EMBED_DIM = 128
_NC = 2
_NS = 16
_NW = _NC * _NS
_LANES = 16
_CHUNK = 128
_NUM_ZERO_ROWS = 1024


@functools.lru_cache(maxsize=None)
def _make_sc_lookup(num_flat: int):
    assert num_flat % (_NW * _CHUNK) == 0
    b_per_w = num_flat // _NW
    n_chunks = b_per_w // _CHUNK
    mesh = plsc.VectorSubcoreMesh(core_axis_name="c", subcore_axis_name="s")
    cp = pltpu.CompilerParams()
    if "needs_layout_passes" in pltpu.CompilerParams.__dataclass_fields__:
        cp = dataclasses.replace(cp, needs_layout_passes=False)

    @functools.partial(
        pl.kernel,
        compiler_params=cp,
        out_type=jax.ShapeDtypeStruct((num_flat, EMBED_DIM), jnp.float32),
        mesh=mesh,
        scratch_types=[
            pltpu.VMEM((b_per_w,), jnp.int32),
            pltpu.VMEM((_LANES,), jnp.int32),
            pltpu.VMEM((_CHUNK, EMBED_DIM), jnp.float32),
            pltpu.VMEM((_CHUNK, EMBED_DIM), jnp.float32),
            pltpu.VMEM((b_per_w,), jnp.int32),
            pltpu.VMEM((n_chunks, _CHUNK), jnp.int32),
            pltpu.SemaphoreType.DMA,
        ],
    )
    def sc_lookup(ids_hbm, start_hbm, table_hbm, out_hbm,
                  idx_v, start_v, zero_buf, staging, row_cp, pos_cp, zsem):
        wid = lax.axis_index("s") * _NC + lax.axis_index("c")
        base = wid * b_per_w

        pltpu.sync_copy(table_hbm.at[pl.ds(NUM_VIRTUAL, _CHUNK)], zero_buf)
        zwrites = [
            pltpu.async_copy(
                zero_buf, out_hbm.at[pl.ds(base + g * _CHUNK, _CHUNK)], zsem)
            for g in range(n_chunks)
        ]

        pltpu.sync_copy(ids_hbm.at[pl.ds(base, b_per_w)], idx_v)
        pltpu.sync_copy(start_hbm, start_v)
        sv = start_v[...]
        nv = jnp.full((_LANES,), NUM_VIRTUAL, jnp.int32)
        lane = lax.iota(jnp.int32, _LANES)

        def body(it, carry):
            k, safe = carry
            off = it * _LANES
            v = idx_v[pl.ds(off, _LANES)]
            m = v >= sv
            d = jnp.minimum(v - sv, nv)
            pos = lane + (base + off)
            c = jnp.cumsum(m.astype(jnp.int32))
            t = jnp.maximum(k + c - 1, 0)
            plsc.store_scatter(row_cp, [t], d, mask=m)
            plsc.store_scatter(
                pos_cp, [t >> 7, t & (_CHUNK - 1)], pos, mask=m)
            nvpos = jnp.max(jnp.where(m, -1, pos))
            return k + jnp.max(c), jnp.where(nvpos >= 0, nvpos, safe)

        k, safe = lax.fori_loop(
            0, b_per_w // _LANES, body,
            (jnp.int32(0), base), unroll=False)

        g_base = (k >> 7) << 7
        safe_v = lane * 0 + safe
        for j in range(_CHUNK // _LANES):
            off = g_base + j * _LANES + lane
            sel = jnp.logical_and(off >= k, off < b_per_w)
            offc = jnp.minimum(off, b_per_w - 1)
            zr = nv + (off & (_NUM_ZERO_ROWS - 1))
            plsc.store_scatter(row_cp, [offc], zr, mask=sel)
            plsc.store_scatter(
                pos_cp, [offc >> 7, offc & (_CHUNK - 1)], safe_v, mask=sel)

        for cp in zwrites:
            cp.wait()

        for g in range(n_chunks):
            @pl.when(g * _CHUNK < k)
            def _():
                pltpu.sync_copy(
                    table_hbm.at[row_cp.at[pl.ds(g * _CHUNK, _CHUNK)]],
                    staging)
                pltpu.sync_copy(staging, out_hbm.at[pos_cp.at[g]])

    return sc_lookup


def kernel(token_ids, virtual_token_start_idx, virtual_embeddings):
    original_shape = token_ids.shape
    flat = token_ids.reshape(-1).astype(jnp.int32)
    num_flat = flat.shape[0]
    table = jnp.zeros((NUM_VIRTUAL + _NUM_ZERO_ROWS, EMBED_DIM), jnp.float32)
    table = table.at[:NUM_VIRTUAL].set(virtual_embeddings.astype(jnp.float32))
    start = jnp.full((_LANES,), virtual_token_start_idx, jnp.int32)
    out = _make_sc_lookup(num_flat)(flat, start, table)
    return out.reshape(*original_shape, EMBED_DIM)

# --- scband reference (transcript-rebuilt; emitter-appended) ---
"""Pipeline reference for scband-virtual-token-embedding-58884001628391 (READ-ONLY COPY).

The authoritative reference and input builder live on the scoring server;
editing this copy changes nothing except your own understanding.
"""

import jax, jax.numpy as jnp
import numpy as np

NUM_VIRTUAL = 1000
EMBED_DIM = 128

def setup_inputs(seed: int = 0) -> dict:
    key = jax.random.key(seed)
    k1, k2 = jax.random.split(key)
    token_ids = jax.random.randint(k1, (1024, 200), 0, 101000, dtype=jnp.int64 if jax.config.jax_enable_x64 else jnp.int32)
    virtual_embeddings = jax.random.normal(k2, (NUM_VIRTUAL, EMBED_DIM), dtype=jnp.float32)
    return {
        "token_ids": token_ids,
        "virtual_token_start_idx": 100000,
        "virtual_embeddings": virtual_embeddings,
    }

def reference(token_ids, virtual_token_start_idx, virtual_embeddings):
    # Faithful translation of VirtualTokenEmbedding.forward with profile_encoder=None.
    original_shape = token_ids.shape
    flat = token_ids.reshape(-1)
    is_virtual = flat >= virtual_token_start_idx
    # In torch, only virtual positions are gathered; here we gather all but use a
    # safe index (0) for non-virtual positions and mask the output, which is
    # mathematically identical (non-virtual rows are zero).
    virtual_indices = jnp.where(is_virtual, flat - virtual_token_start_idx, 0)
    embeddings = jnp.take(virtual_embeddings, virtual_indices, axis=0)
    output = jnp.where(is_virtual[:, None], embeddings, jnp.zeros_like(embeddings))
    return output.reshape(*original_shape, EMBED_DIM)

if __name__ == "__main__":
    import jax
    _d = setup_inputs()
    print(jax.jit(kernel)(*tuple(_d.values())))

</pallas_src>

<mosaic_0001>
#map = affine_map<(d0, d1) -> (0)>
#map1 = affine_map<(d0, d1) -> (0, 0)>
module attributes {stable_mosaic.version = 14 : i64} {
  func.func @sc_lookup(%arg0: i32, %arg1: i32, %arg2: memref<204800xi32, #tpu.memory_space<hbm>>, %arg3: memref<16xi32, #tpu.memory_space<hbm>>, %arg4: memref<2024x128xf32, #tpu.memory_space<hbm>>, %arg5: memref<204800x128xf32, #tpu.memory_space<hbm>>, %arg6: memref<6400xi32, #tpu.memory_space<vmem>>, %arg7: memref<16xi32, #tpu.memory_space<vmem>>, %arg8: memref<128x128xf32, #tpu.memory_space<vmem>>, %arg9: memref<128x128xf32, #tpu.memory_space<vmem>>, %arg10: memref<6400xi32, #tpu.memory_space<vmem>>, %arg11: memref<50x128xi32, #tpu.memory_space<vmem>>, %arg12: memref<!tpu.dma_semaphore, #tpu.memory_space<semaphore_mem>>) attributes {dimension_semantics = [#tpu.dimension_semantics<core_parallel>, #tpu.dimension_semantics<subcore_parallel>], iteration_bounds = array<i64: 2, 16>, scalar_prefetch = 0 : i64, scratch_operands = 7 : i64, tpu.core_type = #tpu.core_type<sc_vector_subcore>, window_params = [{transform_indices = #map}, {transform_indices = #map}, {transform_indices = #map1}, {transform_indices = #map1}]} {
    %mul3A = arith.constant 2 : i32
    %mul3A_0 = arith.muli %arg1, %mul3A : i32
    %add3A = arith.addi %mul3A_0, %arg0 : i32
    %mul3A_1 = arith.constant 6400 : i32
    %mul3A_2 = arith.muli %add3A, %mul3A_1 : i32
    "tpu.region"() ({
      %run_scoped3A = tpu.sem_alloc : memref<!tpu.dma_semaphore, #tpu.memory_space<semaphore_mem>>
      %dma_start3A_943 = arith.constant 1000 : i32
      %dma_start3A_944 = arith.constant 0 : i32
      %dma_start3A_945 = tpu.memref_slice %arg4[%dma_start3A_943, %dma_start3A_944] : memref<2024x128xf32, #tpu.memory_space<hbm>> -> memref<128x128xf32, #tpu.memory_space<hbm>>
      %dma_start3A_946 = arith.constant 1000 : i32
      %dma_start3A_947 = arith.constant 0 : i32
      %dma_start3A_948 = tpu.memref_slice %arg4[%dma_start3A_946, %dma_start3A_947] : memref<2024x128xf32, #tpu.memory_space<hbm>> -> memref<128x128xf32, #tpu.memory_space<hbm>>
      tpu.enqueue_dma source(%dma_start3A_948 : memref<128x128xf32, #tpu.memory_space<hbm>>) target(%arg8 : memref<128x128xf32, #tpu.memory_space<vmem>>) target_semaphore(%run_scoped3A : memref<!tpu.dma_semaphore, #tpu.memory_space<semaphore_mem>>)
      %dma_wait3A_949 = arith.constant 1000 : i32
      %dma_wait3A_950 = arith.constant 0 : i32
      %dma_wait3A_951 = tpu.memref_slice %arg4[%dma_wait3A_949, %dma_wait3A_950] : memref<2024x128xf32, #tpu.memory_space<hbm>> -> memref<128x128xf32, #tpu.memory_space<hbm>>
      %dma_wait3A_952 = arith.constant 1000 : i32
      %dma_wait3A_953 = arith.constant 0 : i32
      %dma_wait3A_954 = tpu.memref_slice %arg4[%dma_wait3A_952, %dma_wait3A_953] : memref<2024x128xf32, #tpu.memory_space<hbm>> -> memref<128x128xf32, #tpu.memory_space<hbm>>
      tpu.wait_dma2 semaphore(%run_scoped3A : memref<!tpu.dma_semaphore, #tpu.memory_space<semaphore_mem>>) src(%dma_wait3A_954 : memref<128x128xf32, #tpu.memory_space<hbm>>) dst(%arg8 : memref<128x128xf32, #tpu.memory_space<vmem>>)
      tpu.yield
    }) : () -> ()
    %add3A_3 = arith.constant 0 : i32
    %add3A_4 = arith.addi %mul3A_2, %add3A_3 : i32
    %dma_start3A = arith.constant 0 : i32
    %dma_start3A_5 = tpu.memref_slice %arg5[%add3A_4, %dma_start3A] : memref<204800x128xf32, #tpu.memory_space<hbm>> -> memref<128x128xf32, #tpu.memory_space<hbm>>
    %dma_start3A_6 = arith.constant 0 : i32
    %dma_start3A_7 = tpu.memref_slice %arg5[%add3A_4, %dma_start3A_6] : memref<204800x128xf32, #tpu.memory_space<hbm>> -> memref<128x128xf32, #tpu.memory_space<hbm>>
    tpu.enqueue_dma source(%arg8 : memref<128x128xf32, #tpu.memory_space<vmem>>) target(%dma_start3A_7 : memref<128x128xf32, #tpu.memory_space<hbm>>) target_semaphore(%arg12 : memref<!tpu.dma_semaphore, #tpu.memory_space<semaphore_mem>>)
    %add3A_8 = arith.constant 128 : i32
    %add3A_9 = arith.addi %mul3A_2, %add3A_8 : i32
    %dma_start3A_10 = arith.constant 0 : i32
    %dma_start3A_11 = tpu.memref_slice %arg5[%add3A_9, %dma_start3A_10] : memref<204800x128xf32, #tpu.memory_space<hbm>> -> memref<128x128xf32, #tpu.memory_space<hbm>>
    %dma_start3A_12 = arith.constant 0 : i32
    %dma_start3A_13 = tpu.memref_slice %arg5[%add3A_9, %dma_start3A_12] : memref<204800x128xf32, #tpu.memory_space<hbm>> -> memref<128x128xf32, #tpu.memory_space<hbm>>
    tpu.enqueue_dma source(%arg8 : memref<128x128xf32, #tpu.memory_space<vmem>>) target(%dma_start3A_13 : memref<128x128xf32, #tpu.memory_space<hbm>>) target_semaphore(%arg12 : memref<!tpu.dma_semaphore, #tpu.memory_space<semaphore_mem>>)
    %add3A_14 = arith.constant 256 : i32
    %add3A_15 = arith.addi %mul3A_2, %add3A_14 : i32
    %dma_start3A_16 = arith.constant 0 : i32
    %dma_start3A_17 = tpu.memref_slice %arg5[%add3A_15, %dma_start3A_16] : memref<204800x128xf32, #tpu.memory_space<hbm>> -> memref<128x128xf32, #tpu.memory_space<hbm>>
    %dma_start3A_18 = arith.constant 0 : i32
    %dma_start3A_19 = tpu.memref_slice %arg5[%add3A_15, %dma_start3A_18] : memref<204800x128xf32, #tpu.memory_space<hbm>> -> memref<128x128xf32, #tpu.memory_space<hbm>>
    tpu.enqueue_dma source(%arg8 : memref<128x128xf32, #tpu.memory_space<vmem>>) target(%dma_start3A_19 : memref<128x128xf32, #tpu.memory_space<hbm>>) target_semaphore(%arg12 : memref<!tpu.dma_semaphore, #tpu.memory_space<semaphore_mem>>)
    %add3A_20 = arith.constant 384 : i32
    %add3A_21 = arith.addi %mul3A_2, %add3A_20 : i32
    %dma_start3A_22 = arith.constant 0 : i32
    %dma_start3A_23 = tpu.memref_slice %arg5[%add3A_21, %dma_start3A_22] : memref<204800x128xf32, #tpu.memory_space<hbm>> -> memref<128x128xf32, #tpu.memory_space<hbm>>
    %dma_start3A_24 = arith.constant 0 : i32
    %dma_start3A_25 = tpu.memref_slice %arg5[%add3A_21, %dma_start3A_24] : memref<204800x128xf32, #tpu.memory_space<hbm>> -> memref<128x128xf32, #tpu.memory_space<hbm>>
    tpu.enqueue_dma source(%arg8 : memref<128x128xf32, #tpu.memory_space<vmem>>) target(%dma_start3A_25 : memref<128x128xf32, #tpu.memory_space<hbm>>) target_semaphore(%arg12 : memref<!tpu.dma_semaphore, #tpu.memory_space<semaphore_mem>>)
    %add3A_26 = arith.constant 512 : i32
    %add3A_27 = arith.addi %mul3A_2, %add3A_26 : i32
    %dma_start3A_28 = arith.constant 0 : i32
    %dma_start3A_29 = tpu.memref_slice %arg5[%add3A_27, %dma_start3A_28] : memref<204800x128xf32, #tpu.memory_space<hbm>> -> memref<128x128xf32, #tpu.memory_space<hbm>>
    %dma_start3A_30 = arith.constant 0 : i32
    %dma_start3A_31 = tpu.memref_slice %arg5[%add3A_27, %dma_start3A_30] : memref<204800x128xf32, #tpu.memory_space<hbm>> -> memref<128x128xf32, #tpu.memory_space<hbm>>
    tpu.enqueue_dma source(%arg8 : memref<128x128xf32, #tpu.memory_space<vmem>>) target(%dma_start3A_31 : memref<128x128xf32, #tpu.memory_space<hbm>>) target_semaphore(%arg12 : memref<!tpu.dma_semaphore, #tpu.memory_space<semaphore_mem>>)
    %add3A_32 = arith.constant 640 : i32
    %add3A_33 = arith.addi %mul3A_2, %add3A_32 : i32
    %dma_start3A_34 = arith.constant 0 : i32
    %dma_start3A_35 = tpu.memref_slice %arg5[%add3A_33, %dma_start3A_34] : memref<204800x128xf32, #tpu.memory_space<hbm>> -> memref<128x128xf32, #tpu.memory_space<hbm>>
    %dma_start3A_36 = arith.constant 0 : i32
    %dma_start3A_37 = tpu.memref_slice %arg5[%add3A_33, %dma_start3A_36] : memref<204800x128xf32, #tpu.memory_space<hbm>> -> memref<128x128xf32, #tpu.memory_space<hbm>>
    tpu.enqueue_dma source(%arg8 : memref<128x128xf32, #tpu.memory_space<vmem>>) target(%dma_start3A_37 : memref<128x128xf32, #tpu.memory_space<hbm>>) target_semaphore(%arg12 : memref<!tpu.dma_semaphore, #tpu.memory_space<semaphore_mem>>)
    %add3A_38 = arith.constant 768 : i32
    %add3A_39 = arith.addi %mul3A_2, %add3A_38 : i32
    %dma_start3A_40 = arith.constant 0 : i32
    %dma_start3A_41 = tpu.memref_slice %arg5[%add3A_39, %dma_start3A_40] : memref<204800x128xf32, #tpu.memory_space<hbm>> -> memref<128x128xf32, #tpu.memory_space<hbm>>
    %dma_start3A_42 = arith.constant 0 : i32
    %dma_start3A_43 = tpu.memref_slice %arg5[%add3A_39, %dma_start3A_42] : memref<204800x128xf32, #tpu.memory_space<hbm>> -> memref<128x128xf32, #tpu.memory_space<hbm>>
    tpu.enqueue_dma source(%arg8 : memref<128x128xf32, #tpu.memory_space<vmem>>) target(%dma_start3A_43 : memref<128x128xf32, #tpu.memory_space<hbm>>) target_semaphore(%arg12 : memref<!tpu.dma_semaphore, #tpu.memory_space<semaphore_mem>>)
    %add3A_44 = arith.constant 896 : i32
    %add3A_45 = arith.addi %mul3A_2, %add3A_44 : i32
    %dma_start3A_46 = arith.constant 0 : i32
    %dma_start3A_47 = tpu.memref_slice %arg5[%add3A_45, %dma_start3A_46] : memref<204800x128xf32, #tpu.memory_space<hbm>> -> memref<128x128xf32, #tpu.memory_space<hbm>>
    %dma_start3A_48 = arith.constant 0 : i32
    %dma_start3A_49 = tpu.memref_slice %arg5[%add3A_45, %dma_start3A_48] : memref<204800x128xf32, #tpu.memory_space<hbm>> -> memref<128x128xf32, #tpu.memory_space<hbm>>
    tpu.enqueue_dma source(%arg8 : memref<128x128xf32, #tpu.memory_space<vmem>>) target(%dma_start3A_49 : memref<128x128xf32, #tpu.memory_space<hbm>>) target_semaphore(%arg12 : memref<!tpu.dma_semaphore, #tpu.memory_space<semaphore_mem>>)
    %add3A_50 = arith.constant 1024 : i32
    %add3A_51 = arith.addi %mul3A_2, %add3A_50 : i32
    %dma_start3A_52 = arith.constant 0 : i32
    %dma_start3A_53 = tpu.memref_slice %arg5[%add3A_51, %dma_start3A_52] : memref<204800x128xf32, #tpu.memory_space<hbm>> -> memref<128x128xf32, #tpu.memory_space<hbm>>
    %dma_start3A_54 = arith.constant 0 : i32
    %dma_start3A_55 = tpu.memref_slice %arg5[%add3A_51, %dma_start3A_54] : memref<204800x128xf32, #tpu.memory_space<hbm>> -> memref<128x128xf32, #tpu.memory_space<hbm>>
    tpu.enqueue_dma source(%arg8 : memref<128x128xf32, #tpu.memory_space<vmem>>) target(%dma_start3A_55 : memref<128x128xf32, #tpu.memory_space<hbm>>) target_semaphore(%arg12 : memref<!tpu.dma_semaphore, #tpu.memory_space<semaphore_mem>>)
    %add3A_56 = arith.constant 1152 : i32
    %add3A_57 = arith.addi %mul3A_2, %add3A_56 : i32
    %dma_start3A_58 = arith.constant 0 : i32
    %dma_start3A_59 = tpu.memref_slice %arg5[%add3A_57, %dma_start3A_58] : memref<204800x128xf32, #tpu.memory_space<hbm>> -> memref<128x128xf32, #tpu.memory_space<hbm>>
    %dma_start3A_60 = arith.constant 0 : i32
    %dma_start3A_61 = tpu.memref_slice %arg5[%add3A_57, %dma_start3A_60] : memref<204800x128xf32, #tpu.memory_space<hbm>> -> memref<128x128xf32, #tpu.memory_space<hbm>>
    tpu.enqueue_dma source(%arg8 : memref<128x128xf32, #tpu.memory_space<vmem>>) target(%dma_start3A_61 : memref<128x128xf32, #tpu.memory_space<hbm>>) target_semaphore(%arg12 : memref<!tpu.dma_semaphore, #tpu.memory_space<semaphore_mem>>)
    %add3A_62 = arith.constant 1280 : i32
    %add3A_63 = arith.addi %mul3A_2, %add3A_62 : i32
    %dma_start3A_64 = arith.constant 0 : i32
    %dma_start3A_65 = tpu.memref_slice %arg5[%add3A_63, %dma_start3A_64] : memref<204800x128xf32, #tpu.memory_space<hbm>> -> memref<128x128xf32, #tpu.memory_space<hbm>>
    %dma_start3A_66 = arith.constant 0 : i32
    %dma_start3A_67 = tpu.memref_slice %arg5[%add3A_63, %dma_start3A_66] : memref<204800x128xf32, #tpu.memory_space<hbm>> -> memref<128x128xf32, #tpu.memory_space<hbm>>
    tpu.enqueue_dma source(%arg8 : memref<128x128xf32, #tpu.memory_space<vmem>>) target(%dma_start3A_67 : memref<128x128xf32, #tpu.memory_space<hbm>>) target_semaphore(%arg12 : memref<!tpu.dma_semaphore, #tpu.memory_space<semaphore_mem>>)
    %add3A_68 = arith.constant 1408 : i32
    %add3A_69 = arith.addi %mul3A_2, %add3A_68 : i32
    %dma_start3A_70 = arith.constant 0 : i32
    %dma_start3A_71 = tpu.memref_slice %arg5[%add3A_69, %dma_start3A_70] : memref<204800x128xf32, #tpu.memory_space<hbm>> -> memref<128x128xf32, #tpu.memory_space<hbm>>
    %dma_start3A_72 = arith.constant 0 : i32
    %dma_start3A_73 = tpu.memref_slice %arg5[%add3A_69, %dma_start3A_72] : memref<204800x128xf32, #tpu.memory_space<hbm>> -> memref<128x128xf32, #tpu.memory_space<hbm>>
    tpu.enqueue_dma source(%arg8 : memref<128x128xf32, #tpu.memory_space<vmem>>) target(%dma_start3A_73 : memref<128x128xf32, #tpu.memory_space<hbm>>) target_semaphore(%arg12 : memref<!tpu.dma_semaphore, #tpu.memory_space<semaphore_mem>>)
    %add3A_74 = arith.constant 1536 : i32
    %add3A_75 = arith.addi %mul3A_2, %add3A_74 : i32
    %dma_start3A_76 = arith.constant 0 : i32
    %dma_start3A_77 = tpu.memref_slice %arg5[%add3A_75, %dma_start3A_76] : memref<204800x128xf32, #tpu.memory_space<hbm>> -> memref<128x128xf32, #tpu.memory_space<hbm>>
    %dma_start3A_78 = arith.constant 0 : i32
    %dma_start3A_79 = tpu.memref_slice %arg5[%add3A_75, %dma_start3A_78] : memref<204800x128xf32, #tpu.memory_space<hbm>> -> memref<128x128xf32, #tpu.memory_space<hbm>>
    tpu.enqueue_dma source(%arg8 : memref<128x128xf32, #tpu.memory_space<vmem>>) target(%dma_start3A_79 : memref<128x128xf32, #tpu.memory_space<hbm>>) target_semaphore(%arg12 : memref<!tpu.dma_semaphore, #tpu.memory_space<semaphore_mem>>)
    %add3A_80 = arith.constant 1664 : i32
    %add3A_81 = arith.addi %mul3A_2, %add3A_80 : i32
    %dma_start3A_82 = arith.constant 0 : i32
    %dma_start3A_83 = tpu.memref_slice %arg5[%add3A_81, %dma_start3A_82] : memref<204800x128xf32, #tpu.memory_space<hbm>> -> memref<128x128xf32, #tpu.memory_space<hbm>>
    %dma_start3A_84 = arith.constant 0 : i32
    %dma_start3A_85 = tpu.memref_slice %arg5[%add3A_81, %dma_start3A_84] : memref<204800x128xf32, #tpu.memory_space<hbm>> -> memref<128x128xf32, #tpu.memory_space<hbm>>
    tpu.enqueue_dma source(%arg8 : memref<128x128xf32, #tpu.memory_space<vmem>>) target(%dma_start3A_85 : memref<128x128xf32, #tpu.memory_space<hbm>>) target_semaphore(%arg12 : memref<!tpu.dma_semaphore, #tpu.memory_space<semaphore_mem>>)
    %add3A_86 = arith.constant 1792 : i32
    %add3A_87 = arith.addi %mul3A_2, %add3A_86 : i32
    %dma_start3A_88 = arith.constant 0 : i32
    %dma_start3A_89 = tpu.memref_slice %arg5[%add3A_87, %dma_start3A_88] : memref<204800x128xf32, #tpu.memory_space<hbm>> -> memref<128x128xf32, #tpu.memory_space<hbm>>
    %dma_start3A_90 = arith.constant 0 : i32
    %dma_start3A_91 = tpu.memref_slice %arg5[%add3A_87, %dma_start3A_90] : memref<204800x128xf32, #tpu.memory_space<hbm>> -> memref<128x128xf32, #tpu.memory_space<hbm>>
    tpu.enqueue_dma source(%arg8 : memref<128x128xf32, #tpu.memory_space<vmem>>) target(%dma_start3A_91 : memref<128x128xf32, #tpu.memory_space<hbm>>) target_semaphore(%arg12 : memref<!tpu.dma_semaphore, #tpu.memory_space<semaphore_mem>>)
    %add3A_92 = arith.constant 1920 : i32
    %add3A_93 = arith.addi %mul3A_2, %add3A_92 : i32
    %dma_start3A_94 = arith.constant 0 : i32
    %dma_start3A_95 = tpu.memref_slice %arg5[%add3A_93, %dma_start3A_94] : memref<204800x128xf32, #tpu.memory_space<hbm>> -> memref<128x128xf32, #tpu.memory_space<hbm>>
    %dma_start3A_96 = arith.constant 0 : i32
    %dma_start3A_97 = tpu.memref_slice %arg5[%add3A_93, %dma_start3A_96] : memref<204800x128xf32, #tpu.memory_space<hbm>> -> memref<128x128xf32, #tpu.memory_space<hbm>>
    tpu.enqueue_dma source(%arg8 : memref<128x128xf32, #tpu.memory_space<vmem>>) target(%dma_start3A_97 : memref<128x128xf32, #tpu.memory_space<hbm>>) target_semaphore(%arg12 : memref<!tpu.dma_semaphore, #tpu.memory_space<semaphore_mem>>)
    %add3A_98 = arith.constant 2048 : i32
    %add3A_99 = arith.addi %mul3A_2, %add3A_98 : i32
    %dma_start3A_100 = arith.constant 0 : i32
    %dma_start3A_101 = tpu.memref_slice %arg5[%add3A_99, %dma_start3A_100] : memref<204800x128xf32, #tpu.memory_space<hbm>> -> memref<128x128xf32, #tpu.memory_space<hbm>>
    %dma_start3A_102 = arith.constant 0 : i32
    %dma_start3A_103 = tpu.memref_slice %arg5[%add3A_99, %dma_start3A_102] : memref<204800x128xf32, #tpu.memory_space<hbm>> -> memref<128x128xf32, #tpu.memory_space<hbm>>
    tpu.enqueue_dma source(%arg8 : memref<128x128xf32, #tpu.memory_space<vmem>>) target(%dma_start3A_103 : memref<128x128xf32, #tpu.memory_space<hbm>>) target_semaphore(%arg12 : memref<!tpu.dma_semaphore, #tpu.memory_space<semaphore_mem>>)
    %add3A_104 = arith.constant 2176 : i32
    %add3A_105 = arith.addi %mul3A_2, %add3A_104 : i32
    %dma_start3A_106 = arith.constant 0 : i32
    %dma_start3A_107 = tpu.memref_slice %arg5[%add3A_105, %dma_start3A_106] : memref<204800x128xf32, #tpu.memory_space<hbm>> -> memref<128x128xf32, #tpu.memory_space<hbm>>
    %dma_start3A_108 = arith.constant 0 : i32
    %dma_start3A_109 = tpu.memref_slice %arg5[%add3A_105, %dma_start3A_108] : memref<204800x128xf32, #tpu.memory_space<hbm>> -> memref<128x128xf32, #tpu.memory_space<hbm>>
    tpu.enqueue_dma source(%arg8 : memref<128x128xf32, #tpu.memory_space<vmem>>) target(%dma_start3A_109 : memref<128x128xf32, #tpu.memory_space<hbm>>) target_semaphore(%arg12 : memref<!tpu.dma_semaphore, #tpu.memory_space<semaphore_mem>>)
    %add3A_110 = arith.constant 2304 : i32
    %add3A_111 = arith.addi %mul3A_2, %add3A_110 : i32
    %dma_start3A_112 = arith.constant 0 : i32
    %dma_start3A_113 = tpu.memref_slice %arg5[%add3A_111, %dma_start3A_112] : memref<204800x128xf32, #tpu.memory_space<hbm>> -> memref<128x128xf32, #tpu.memory_space<hbm>>
    %dma_start3A_114 = arith.constant 0 : i32
    %dma_start3A_115 = tpu.memref_slice %arg5[%add3A_111, %dma_start3A_114] : memref<204800x128xf32, #tpu.memory_space<hbm>> -> memref<128x128xf32, #tpu.memory_space<hbm>>
    tpu.enqueue_dma source(%arg8 : memref<128x128xf32, #tpu.memory_space<vmem>>) target(%dma_start3A_115 : memref<128x128xf32, #tpu.memory_space<hbm>>) target_semaphore(%arg12 : memref<!tpu.dma_semaphore, #tpu.memory_space<semaphore_mem>>)
    %add3A_116 = arith.constant 2432 : i32
    %add3A_117 = arith.addi %mul3A_2, %add3A_116 : i32
    %dma_start3A_118 = arith.constant 0 : i32
    %dma_start3A_119 = tpu.memref_slice %arg5[%add3A_117, %dma_start3A_118] : memref<204800x128xf32, #tpu.memory_space<hbm>> -> memref<128x128xf32, #tpu.memory_space<hbm>>
    %dma_start3A_120 = arith.constant 0 : i32
    %dma_start3A_121 = tpu.memref_slice %arg5[%add3A_117, %dma_start3A_120] : memref<204800x128xf32, #tpu.memory_space<hbm>> -> memref<128x128xf32, #tpu.memory_space<hbm>>
    tpu.enqueue_dma source(%arg8 : memref<128x128xf32, #tpu.memory_space<vmem>>) target(%dma_start3A_121 : memref<128x128xf32, #tpu.memory_space<hbm>>) target_semaphore(%arg12 : memref<!tpu.dma_semaphore, #tpu.memory_space<semaphore_mem>>)
    %add3A_122 = arith.constant 2560 : i32
    %add3A_123 = arith.addi %mul3A_2, %add3A_122 : i32
    %dma_start3A_124 = arith.constant 0 : i32
    %dma_start3A_125 = tpu.memref_slice %arg5[%add3A_123, %dma_start3A_124] : memref<204800x128xf32, #tpu.memory_space<hbm>> -> memref<128x128xf32, #tpu.memory_space<hbm>>
    %dma_start3A_126 = arith.constant 0 : i32
    %dma_start3A_127 = tpu.memref_slice %arg5[%add3A_123, %dma_start3A_126] : memref<204800x128xf32, #tpu.memory_space<hbm>> -> memref<128x128xf32, #tpu.memory_space<hbm>>
    tpu.enqueue_dma source(%arg8 : memref<128x128xf32, #tpu.memory_space<vmem>>) target(%dma_start3A_127 : memref<128x128xf32, #tpu.memory_space<hbm>>) target_semaphore(%arg12 : memref<!tpu.dma_semaphore, #tpu.memory_space<semaphore_mem>>)
    %add3A_128 = arith.constant 2688 : i32
    %add3A_129 = arith.addi %mul3A_2, %add3A_128 : i32
    %dma_start3A_130 = arith.constant 0 : i32
    %dma_start3A_131 = tpu.memref_slice %arg5[%add3A_129, %dma_start3A_130] : memref<204800x128xf32, #tpu.memory_space<hbm>> -> memref<128x128xf32, #tpu.memory_space<hbm>>
    %dma_start3A_132 = arith.constant 0 : i32
    %dma_start3A_133 = tpu.memref_slice %arg5[%add3A_129, %dma_start3A_132] : memref<204800x128xf32, #tpu.memory_space<hbm>> -> memref<128x128xf32, #tpu.memory_space<hbm>>
    tpu.enqueue_dma source(%arg8 : memref<128x128xf32, #tpu.memory_space<vmem>>) target(%dma_start3A_133 : memref<128x128xf32, #tpu.memory_space<hbm>>) target_semaphore(%arg12 : memref<!tpu.dma_semaphore, #tpu.memory_space<semaphore_mem>>)
    %add3A_134 = arith.constant 2816 : i32
    %add3A_135 = arith.addi %mul3A_2, %add3A_134 : i32
    %dma_start3A_136 = arith.constant 0 : i32
    %dma_start3A_137 = tpu.memref_slice %arg5[%add3A_135, %dma_start3A_136] : memref<204800x128xf32, #tpu.memory_space<hbm>> -> memref<128x128xf32, #tpu.memory_space<hbm>>
    %dma_start3A_138 = arith.constant 0 : i32
    %dma_start3A_139 = tpu.memref_slice %arg5[%add3A_135, %dma_start3A_138] : memref<204800x128xf32, #tpu.memory_space<hbm>> -> memref<128x128xf32, #tpu.memory_space<hbm>>
    tpu.enqueue_dma source(%arg8 : memref<128x128xf32, #tpu.memory_space<vmem>>) target(%dma_start3A_139 : memref<128x128xf32, #tpu.memory_space<hbm>>) target_semaphore(%arg12 : memref<!tpu.dma_semaphore, #tpu.memory_space<semaphore_mem>>)
    %add3A_140 = arith.constant 2944 : i32
    %add3A_141 = arith.addi %mul3A_2, %add3A_140 : i32
    %dma_start3A_142 = arith.constant 0 : i32
    %dma_start3A_143 = tpu.memref_slice %arg5[%add3A_141, %dma_start3A_142] : memref<204800x128xf32, #tpu.memory_space<hbm>> -> memref<128x128xf32, #tpu.memory_space<hbm>>
    %dma_start3A_144 = arith.constant 0 : i32
    %dma_start3A_145 = tpu.memref_slice %arg5[%add3A_141, %dma_start3A_144] : memref<204800x128xf32, #tpu.memory_space<hbm>> -> memref<128x128xf32, #tpu.memory_space<hbm>>
    tpu.enqueue_dma source(%arg8 : memref<128x128xf32, #tpu.memory_space<vmem>>) target(%dma_start3A_145 : memref<128x128xf32, #tpu.memory_space<hbm>>) target_semaphore(%arg12 : memref<!tpu.dma_semaphore, #tpu.memory_space<semaphore_mem>>)
    %add3A_146 = arith.constant 3072 : i32
    %add3A_147 = arith.addi %mul3A_2, %add3A_146 : i32
    %dma_start3A_148 = arith.constant 0 : i32
    %dma_start3A_149 = tpu.memref_slice %arg5[%add3A_147, %dma_start3A_148] : memref<204800x128xf32, #tpu.memory_space<hbm>> -> memref<128x128xf32, #tpu.memory_space<hbm>>
    %dma_start3A_150 = arith.constant 0 : i32
    %dma_start3A_151 = tpu.memref_slice %arg5[%add3A_147, %dma_start3A_150] : memref<204800x128xf32, #tpu.memory_space<hbm>> -> memref<128x128xf32, #tpu.memory_space<hbm>>
    tpu.enqueue_dma source(%arg8 : memref<128x128xf32, #tpu.memory_space<vmem>>) target(%dma_start3A_151 : memref<128x128xf32, #tpu.memory_space<hbm>>) target_semaphore(%arg12 : memref<!tpu.dma_semaphore, #tpu.memory_space<semaphore_mem>>)
    %add3A_152 = arith.constant 3200 : i32
    %add3A_153 = arith.addi %mul3A_2, %add3A_152 : i32
    %dma_start3A_154 = arith.constant 0 : i32
    %dma_start3A_155 = tpu.memref_slice %arg5[%add3A_153, %dma_start3A_154] : memref<204800x128xf32, #tpu.memory_space<hbm>> -> memref<128x128xf32, #tpu.memory_space<hbm>>
    %dma_start3A_156 = arith.constant 0 : i32
    %dma_start3A_157 = tpu.memref_slice %arg5[%add3A_153, %dma_start3A_156] : memref<204800x128xf32, #tpu.memory_space<hbm>> -> memref<128x128xf32, #tpu.memory_space<hbm>>
    tpu.enqueue_dma source(%arg8 : memref<128x128xf32, #tpu.memory_space<vmem>>) target(%dma_start3A_157 : memref<128x128xf32, #tpu.memory_space<hbm>>) target_semaphore(%arg12 : memref<!tpu.dma_semaphore, #tpu.memory_space<semaphore_mem>>)
    %add3A_158 = arith.constant 3328 : i32
    %add3A_159 = arith.addi %mul3A_2, %add3A_158 : i32
    %dma_start3A_160 = arith.constant 0 : i32
    %dma_start3A_161 = tpu.memref_slice %arg5[%add3A_159, %dma_start3A_160] : memref<204800x128xf32, #tpu.memory_space<hbm>> -> memref<128x128xf32, #tpu.memory_space<hbm>>
    %dma_start3A_162 = arith.constant 0 : i32
    %dma_start3A_163 = tpu.memref_slice %arg5[%add3A_159, %dma_start3A_162] : memref<204800x128xf32, #tpu.memory_space<hbm>> -> memref<128x128xf32, #tpu.memory_space<hbm>>
    tpu.enqueue_dma source(%arg8 : memref<128x128xf32, #tpu.memory_space<vmem>>) target(%dma_start3A_163 : memref<128x128xf32, #tpu.memory_space<hbm>>) target_semaphore(%arg12 : memref<!tpu.dma_semaphore, #tpu.memory_space<semaphore_mem>>)
    %add3A_164 = arith.constant 3456 : i32
    %add3A_165 = arith.addi %mul3A_2, %add3A_164 : i32
    %dma_start3A_166 = arith.constant 0 : i32
    %dma_start3A_167 = tpu.memref_slice %arg5[%add3A_165, %dma_start3A_166] : memref<204800x128xf32, #tpu.memory_space<hbm>> -> memref<128x128xf32, #tpu.memory_space<hbm>>
    %dma_start3A_168 = arith.constant 0 : i32
    %dma_start3A_169 = tpu.memref_slice %arg5[%add3A_165, %dma_start3A_168] : memref<204800x128xf32, #tpu.memory_space<hbm>> -> memref<128x128xf32, #tpu.memory_space<hbm>>
    tpu.enqueue_dma source(%arg8 : memref<128x128xf32, #tpu.memory_space<vmem>>) target(%dma_start3A_169 : memref<128x128xf32, #tpu.memory_space<hbm>>) target_semaphore(%arg12 : memref<!tpu.dma_semaphore, #tpu.memory_space<semaphore_mem>>)
    %add3A_170 = arith.constant 3584 : i32
    %add3A_171 = arith.addi %mul3A_2, %add3A_170 : i32
    %dma_start3A_172 = arith.constant 0 : i32
    %dma_start3A_173 = tpu.memref_slice %arg5[%add3A_171, %dma_start3A_172] : memref<204800x128xf32, #tpu.memory_space<hbm>> -> memref<128x128xf32, #tpu.memory_space<hbm>>
    %dma_start3A_174 = arith.constant 0 : i32
    %dma_start3A_175 = tpu.memref_slice %arg5[%add3A_171, %dma_start3A_174] : memref<204800x128xf32, #tpu.memory_space<hbm>> -> memref<128x128xf32, #tpu.memory_space<hbm>>
    tpu.enqueue_dma source(%arg8 : memref<128x128xf32, #tpu.memory_space<vmem>>) target(%dma_start3A_175 : memref<128x128xf32, #tpu.memory_space<hbm>>) target_semaphore(%arg12 : memref<!tpu.dma_semaphore, #tpu.memory_space<semaphore_mem>>)
    %add3A_176 = arith.constant 3712 : i32
    %add3A_177 = arith.addi %mul3A_2, %add3A_176 : i32
    %dma_start3A_178 = arith.constant 0 : i32
    %dma_start3A_179 = tpu.memref_slice %arg5[%add3A_177, %dma_start3A_178] : memref<204800x128xf32, #tpu.memory_space<hbm>> -> memref<128x128xf32, #tpu.memory_space<hbm>>
    %dma_start3A_180 = arith.constant 0 : i32
    %dma_start3A_181 = tpu.memref_slice %arg5[%add3A_177, %dma_start3A_180] : memref<204800x128xf32, #tpu.memory_space<hbm>> -> memref<128x128xf32, #tpu.memory_space<hbm>>
    tpu.enqueue_dma source(%arg8 : memref<128x128xf32, #tpu.memory_space<vmem>>) target(%dma_start3A_181 : memref<128x128xf32, #tpu.memory_space<hbm>>) target_semaphore(%arg12 : memref<!tpu.dma_semaphore, #tpu.memory_space<semaphore_mem>>)
    %add3A_182 = arith.constant 3840 : i32
    %add3A_183 = arith.addi %mul3A_2, %add3A_182 : i32
    %dma_start3A_184 = arith.constant 0 : i32
    %dma_start3A_185 = tpu.memref_slice %arg5[%add3A_183, %dma_start3A_184] : memref<204800x128xf32, #tpu.memory_space<hbm>> -> memref<128x128xf32, #tpu.memory_space<hbm>>
    %dma_start3A_186 = arith.constant 0 : i32
    %dma_start3A_187 = tpu.memref_slice %arg5[%add3A_183, %dma_start3A_186] : memref<204800x128xf32, #tpu.memory_space<hbm>> -> memref<128x128xf32, #tpu.memory_space<hbm>>
    tpu.enqueue_dma source(%arg8 : memref<128x128xf32, #tpu.memory_space<vmem>>) target(%dma_start3A_187 : memref<128x128xf32, #tpu.memory_space<hbm>>) target_semaphore(%arg12 : memref<!tpu.dma_semaphore, #tpu.memory_space<semaphore_mem>>)
    %add3A_188 = arith.constant 3968 : i32
    %add3A_189 = arith.addi %mul3A_2, %add3A_188 : i32
    %dma_start3A_190 = arith.constant 0 : i32
    %dma_start3A_191 = tpu.memref_slice %arg5[%add3A_189, %dma_start3A_190] : memref<204800x128xf32, #tpu.memory_space<hbm>> -> memref<128x128xf32, #tpu.memory_space<hbm>>
    %dma_start3A_192 = arith.constant 0 : i32
    %dma_start3A_193 = tpu.memref_slice %arg5[%add3A_189, %dma_start3A_192] : memref<204800x128xf32, #tpu.memory_space<hbm>> -> memref<128x128xf32, #tpu.memory_space<hbm>>
    tpu.enqueue_dma source(%arg8 : memref<128x128xf32, #tpu.memory_space<vmem>>) target(%dma_start3A_193 : memref<128x128xf32, #tpu.memory_space<hbm>>) target_semaphore(%arg12 : memref<!tpu.dma_semaphore, #tpu.memory_space<semaphore_mem>>)
    %add3A_194 = arith.constant 4096 : i32
    %add3A_195 = arith.addi %mul3A_2, %add3A_194 : i32
    %dma_start3A_196 = arith.constant 0 : i32
    %dma_start3A_197 = tpu.memref_slice %arg5[%add3A_195, %dma_start3A_196] : memref<204800x128xf32, #tpu.memory_space<hbm>> -> memref<128x128xf32, #tpu.memory_space<hbm>>
    %dma_start3A_198 = arith.constant 0 : i32
    %dma_start3A_199 = tpu.memref_slice %arg5[%add3A_195, %dma_start3A_198] : memref<204800x128xf32, #tpu.memory_space<hbm>> -> memref<128x128xf32, #tpu.memory_space<hbm>>
    tpu.enqueue_dma source(%arg8 : memref<128x128xf32, #tpu.memory_space<vmem>>) target(%dma_start3A_199 : memref<128x128xf32, #tpu.memory_space<hbm>>) target_semaphore(%arg12 : memref<!tpu.dma_semaphore, #tpu.memory_space<semaphore_mem>>)
    %add3A_200 = arith.constant 4224 : i32
    %add3A_201 = arith.addi %mul3A_2, %add3A_200 : i32
    %dma_start3A_202 = arith.constant 0 : i32
    %dma_start3A_203 = tpu.memref_slice %arg5[%add3A_201, %dma_start3A_202] : memref<204800x128xf32, #tpu.memory_space<hbm>> -> memref<128x128xf32, #tpu.memory_space<hbm>>
    %dma_start3A_204 = arith.constant 0 : i32
    %dma_start3A_205 = tpu.memref_slice %arg5[%add3A_201, %dma_start3A_204] : memref<204800x128xf32, #tpu.memory_space<hbm>> -> memref<128x128xf32, #tpu.memory_space<hbm>>
    tpu.enqueue_dma source(%arg8 : memref<128x128xf32, #tpu.memory_space<vmem>>) target(%dma_start3A_205 : memref<128x128xf32, #tpu.memory_space<hbm>>) target_semaphore(%arg12 : memref<!tpu.dma_semaphore, #tpu.memory_space<semaphore_mem>>)
    %add3A_206 = arith.constant 4352 : i32
    %add3A_207 = arith.addi %mul3A_2, %add3A_206 : i32
    %dma_start3A_208 = arith.constant 0 : i32
    %dma_start3A_209 = tpu.memref_slice %arg5[%add3A_207, %dma_start3A_208] : memref<204800x128xf32, #tpu.memory_space<hbm>> -> memref<128x128xf32, #tpu.memory_space<hbm>>
    %dma_start3A_210 = arith.constant 0 : i32
    %dma_start3A_211 = tpu.memref_slice %arg5[%add3A_207, %dma_start3A_210] : memref<204800x128xf32, #tpu.memory_space<hbm>> -> memref<128x128xf32, #tpu.memory_space<hbm>>
    tpu.enqueue_dma source(%arg8 : memref<128x128xf32, #tpu.memory_space<vmem>>) target(%dma_start3A_211 : memref<128x128xf32, #tpu.memory_space<hbm>>) target_semaphore(%arg12 : memref<!tpu.dma_semaphore, #tpu.memory_space<semaphore_mem>>)
    %add3A_212 = arith.constant 4480 : i32
    %add3A_213 = arith.addi %mul3A_2, %add3A_212 : i32
    %dma_start3A_214 = arith.constant 0 : i32
    %dma_start3A_215 = tpu.memref_slice %arg5[%add3A_213, %dma_start3A_214] : memref<204800x128xf32, #tpu.memory_space<hbm>> -> memref<128x128xf32, #tpu.memory_space<hbm>>
    %dma_start3A_216 = arith.constant 0 : i32
    %dma_start3A_217 = tpu.memref_slice %arg5[%add3A_213, %dma_start3A_216] : memref<204800x128xf32, #tpu.memory_space<hbm>> -> memref<128x128xf32, #tpu.memory_space<hbm>>
    tpu.enqueue_dma source(%arg8 : memref<128x128xf32, #tpu.memory_space<vmem>>) target(%dma_start3A_217 : memref<128x128xf32, #tpu.memory_space<hbm>>) target_semaphore(%arg12 : memref<!tpu.dma_semaphore, #tpu.memory_space<semaphore_mem>>)
    %add3A_218 = arith.constant 4608 : i32
    %add3A_219 = arith.addi %mul3A_2, %add3A_218 : i32
    %dma_start3A_220 = arith.constant 0 : i32
    %dma_start3A_221 = tpu.memref_slice %arg5[%add3A_219, %dma_start3A_220] : memref<204800x128xf32, #tpu.memory_space<hbm>> -> memref<128x128xf32, #tpu.memory_space<hbm>>
    %dma_start3A_222 = arith.constant 0 : i32
    %dma_start3A_223 = tpu.memref_slice %arg5[%add3A_219, %dma_start3A_222] : memref<204800x128xf32, #tpu.memory_space<hbm>> -> memref<128x128xf32, #tpu.memory_space<hbm>>
    tpu.enqueue_dma source(%arg8 : memref<128x128xf32, #tpu.memory_space<vmem>>) target(%dma_start3A_223 : memref<128x128xf32, #tpu.memory_space<hbm>>) target_semaphore(%arg12 : memref<!tpu.dma_semaphore, #tpu.memory_space<semaphore_mem>>)
    %add3A_224 = arith.constant 4736 : i32
    %add3A_225 = arith.addi %mul3A_2, %add3A_224 : i32
    %dma_start3A_226 = arith.constant 0 : i32
    %dma_start3A_227 = tpu.memref_slice %arg5[%add3A_225, %dma_start3A_226] : memref<204800x128xf32, #tpu.memory_space<hbm>> -> memref<128x128xf32, #tpu.memory_space<hbm>>
    %dma_start3A_228 = arith.constant 0 : i32
    %dma_start3A_229 = tpu.memref_slice %arg5[%add3A_225, %dma_start3A_228] : memref<204800x128xf32, #tpu.memory_space<hbm>> -> memref<128x128xf32, #tpu.memory_space<hbm>>
    tpu.enqueue_dma source(%arg8 : memref<128x128xf32, #tpu.memory_space<vmem>>) target(%dma_start3A_229 : memref<128x128xf32, #tpu.memory_space<hbm>>) target_semaphore(%arg12 : memref<!tpu.dma_semaphore, #tpu.memory_space<semaphore_mem>>)
    %add3A_230 = arith.constant 4864 : i32
    %add3A_231 = arith.addi %mul3A_2, %add3A_230 : i32
    %dma_start3A_232 = arith.constant 0 : i32
    %dma_start3A_233 = tpu.memref_slice %arg5[%add3A_231, %dma_start3A_232] : memref<204800x128xf32, #tpu.memory_space<hbm>> -> memref<128x128xf32, #tpu.memory_space<hbm>>
    %dma_start3A_234 = arith.constant 0 : i32
    %dma_start3A_235 = tpu.memref_slice %arg5[%add3A_231, %dma_start3A_234] : memref<204800x128xf32, #tpu.memory_space<hbm>> -> memref<128x128xf32, #tpu.memory_space<hbm>>
    tpu.enqueue_dma source(%arg8 : memref<128x128xf32, #tpu.memory_space<vmem>>) target(%dma_start3A_235 : memref<128x128xf32, #tpu.memory_space<hbm>>) target_semaphore(%arg12 : memref<!tpu.dma_semaphore, #tpu.memory_space<semaphore_mem>>)
    %add3A_236 = arith.constant 4992 : i32
    %add3A_237 = arith.addi %mul3A_2, %add3A_236 : i32
    %dma_start3A_238 = arith.constant 0 : i32
    %dma_start3A_239 = tpu.memref_slice %arg5[%add3A_237, %dma_start3A_238] : memref<204800x128xf32, #tpu.memory_space<hbm>> -> memref<128x128xf32, #tpu.memory_space<hbm>>
    %dma_start3A_240 = arith.constant 0 : i32
    %dma_start3A_241 = tpu.memref_slice %arg5[%add3A_237, %dma_start3A_240] : memref<204800x128xf32, #tpu.memory_space<hbm>> -> memref<128x128xf32, #tpu.memory_space<hbm>>
    tpu.enqueue_dma source(%arg8 : memref<128x128xf32, #tpu.memory_space<vmem>>) target(%dma_start3A_241 : memref<128x128xf32, #tpu.memory_space<hbm>>) target_semaphore(%arg12 : memref<!tpu.dma_semaphore, #tpu.memory_space<semaphore_mem>>)
    %add3A_242 = arith.constant 5120 : i32
    %add3A_243 = arith.addi %mul3A_2, %add3A_242 : i32
    %dma_start3A_244 = arith.constant 0 : i32
    %dma_start3A_245 = tpu.memref_slice %arg5[%add3A_243, %dma_start3A_244] : memref<204800x128xf32, #tpu.memory_space<hbm>> -> memref<128x128xf32, #tpu.memory_space<hbm>>
    %dma_start3A_246 = arith.constant 0 : i32
    %dma_start3A_247 = tpu.memref_slice %arg5[%add3A_243, %dma_start3A_246] : memref<204800x128xf32, #tpu.memory_space<hbm>> -> memref<128x128xf32, #tpu.memory_space<hbm>>
    tpu.enqueue_dma source(%arg8 : memref<128x128xf32, #tpu.memory_space<vmem>>) target(%dma_start3A_247 : memref<128x128xf32, #tpu.memory_space<hbm>>) target_semaphore(%arg12 : memref<!tpu.dma_semaphore, #tpu.memory_space<semaphore_mem>>)
    %add3A_248 = arith.constant 5248 : i32
    %add3A_249 = arith.addi %mul3A_2, %add3A_248 : i32
    %dma_start3A_250 = arith.constant 0 : i32
    %dma_start3A_251 = tpu.memref_slice %arg5[%add3A_249, %dma_start3A_250] : memref<204800x128xf32, #tpu.memory_space<hbm>> -> memref<128x128xf32, #tpu.memory_space<hbm>>
    %dma_start3A_252 = arith.constant 0 : i32
    %dma_start3A_253 = tpu.memref_slice %arg5[%add3A_249, %dma_start3A_252] : memref<204800x128xf32, #tpu.memory_space<hbm>> -> memref<128x128xf32, #tpu.memory_space<hbm>>
    tpu.enqueue_dma source(%arg8 : memref<128x128xf32, #tpu.memory_space<vmem>>) target(%dma_start3A_253 : memref<128x128xf32, #tpu.memory_space<hbm>>) target_semaphore(%arg12 : memref<!tpu.dma_semaphore, #tpu.memory_space<semaphore_mem>>)
    %add3A_254 = arith.constant 5376 : i32
    %add3A_255 = arith.addi %mul3A_2, %add3A_254 : i32
    %dma_start3A_256 = arith.constant 0 : i32
    %dma_start3A_257 = tpu.memref_slice %arg5[%add3A_255, %dma_start3A_256] : memref<204800x128xf32, #tpu.memory_space<hbm>> -> memref<128x128xf32, #tpu.memory_space<hbm>>
    %dma_start3A_258 = arith.constant 0 : i32
    %dma_start3A_259 = tpu.memref_slice %arg5[%add3A_255, %dma_start3A_258] : memref<204800x128xf32, #tpu.memory_space<hbm>> -> memref<128x128xf32, #tpu.memory_space<hbm>>
    tpu.enqueue_dma source(%arg8 : memref<128x128xf32, #tpu.memory_space<vmem>>) target(%dma_start3A_259 : memref<128x128xf32, #tpu.memory_space<hbm>>) target_semaphore(%arg12 : memref<!tpu.dma_semaphore, #tpu.memory_space<semaphore_mem>>)
    %add3A_260 = arith.constant 5504 : i32
    %add3A_261 = arith.addi %mul3A_2, %add3A_260 : i32
    %dma_start3A_262 = arith.constant 0 : i32
    %dma_start3A_263 = tpu.memref_slice %arg5[%add3A_261, %dma_start3A_262] : memref<204800x128xf32, #tpu.memory_space<hbm>> -> memref<128x128xf32, #tpu.memory_space<hbm>>
    %dma_start3A_264 = arith.constant 0 : i32
    %dma_start3A_265 = tpu.memref_slice %arg5[%add3A_261, %dma_start3A_264] : memref<204800x128xf32, #tpu.memory_space<hbm>> -> memref<128x128xf32, #tpu.memory_space<hbm>>
    tpu.enqueue_dma source(%arg8 : memref<128x128xf32, #tpu.memory_space<vmem>>) target(%dma_start3A_265 : memref<128x128xf32, #tpu.memory_space<hbm>>) target_semaphore(%arg12 : memref<!tpu.dma_semaphore, #tpu.memory_space<semaphore_mem>>)
    %add3A_266 = arith.constant 5632 : i32
    %add3A_267 = arith.addi %mul3A_2, %add3A_266 : i32
    %dma_start3A_268 = arith.constant 0 : i32
    %dma_start3A_269 = tpu.memref_slice %arg5[%add3A_267, %dma_start3A_268] : memref<204800x128xf32, #tpu.memory_space<hbm>> -> memref<128x128xf32, #tpu.memory_space<hbm>>
    %dma_start3A_270 = arith.constant 0 : i32
    %dma_start3A_271 = tpu.memref_slice %arg5[%add3A_267, %dma_start3A_270] : memref<204800x128xf32, #tpu.memory_space<hbm>> -> memref<128x128xf32, #tpu.memory_space<hbm>>
    tpu.enqueue_dma source(%arg8 : memref<128x128xf32, #tpu.memory_space<vmem>>) target(%dma_start3A_271 : memref<128x128xf32, #tpu.memory_space<hbm>>) target_semaphore(%arg12 : memref<!tpu.dma_semaphore, #tpu.memory_space<semaphore_mem>>)
    %add3A_272 = arith.constant 5760 : i32
    %add3A_273 = arith.addi %mul3A_2, %add3A_272 : i32
    %dma_start3A_274 = arith.constant 0 : i32
    %dma_start3A_275 = tpu.memref_slice %arg5[%add3A_273, %dma_start3A_274] : memref<204800x128xf32, #tpu.memory_space<hbm>> -> memref<128x128xf32, #tpu.memory_space<hbm>>
    %dma_start3A_276 = arith.constant 0 : i32
    %dma_start3A_277 = tpu.memref_slice %arg5[%add3A_273, %dma_start3A_276] : memref<204800x128xf32, #tpu.memory_space<hbm>> -> memref<128x128xf32, #tpu.memory_space<hbm>>
    tpu.enqueue_dma source(%arg8 : memref<128x128xf32, #tpu.memory_space<vmem>>) target(%dma_start3A_277 : memref<128x128xf32, #tpu.memory_space<hbm>>) target_semaphore(%arg12 : memref<!tpu.dma_semaphore, #tpu.memory_space<semaphore_mem>>)
    %add3A_278 = arith.constant 5888 : i32
    %add3A_279 = arith.addi %mul3A_2, %add3A_278 : i32
    %dma_start3A_280 = arith.constant 0 : i32
    %dma_start3A_281 = tpu.memref_slice %arg5[%add3A_279, %dma_start3A_280] : memref<204800x128xf32, #tpu.memory_space<hbm>> -> memref<128x128xf32, #tpu.memory_space<hbm>>
    %dma_start3A_282 = arith.constant 0 : i32
    %dma_start3A_283 = tpu.memref_slice %arg5[%add3A_279, %dma_start3A_282] : memref<204800x128xf32, #tpu.memory_space<hbm>> -> memref<128x128xf32, #tpu.memory_space<hbm>>
    tpu.enqueue_dma source(%arg8 : memref<128x128xf32, #tpu.memory_space<vmem>>) target(%dma_start3A_283 : memref<128x128xf32, #tpu.memory_space<hbm>>) target_semaphore(%arg12 : memref<!tpu.dma_semaphore, #tpu.memory_space<semaphore_mem>>)
    %add3A_284 = arith.constant 6016 : i32
    %add3A_285 = arith.addi %mul3A_2, %add3A_284 : i32
    %dma_start3A_286 = arith.constant 0 : i32
    %dma_start3A_287 = tpu.memref_slice %arg5[%add3A_285, %dma_start3A_286] : memref<204800x128xf32, #tpu.memory_space<hbm>> -> memref<128x128xf32, #tpu.memory_space<hbm>>
    %dma_start3A_288 = arith.constant 0 : i32
    %dma_start3A_289 = tpu.memref_slice %arg5[%add3A_285, %dma_start3A_288] : memref<204800x128xf32, #tpu.memory_space<hbm>> -> memref<128x128xf32, #tpu.memory_space<hbm>>
    tpu.enqueue_dma source(%arg8 : memref<128x128xf32, #tpu.memory_space<vmem>>) target(%dma_start3A_289 : memref<128x128xf32, #tpu.memory_space<hbm>>) target_semaphore(%arg12 : memref<!tpu.dma_semaphore, #tpu.memory_space<semaphore_mem>>)
    %add3A_290 = arith.constant 6144 : i32
    %add3A_291 = arith.addi %mul3A_2, %add3A_290 : i32
    %dma_start3A_292 = arith.constant 0 : i32
    %dma_start3A_293 = tpu.memref_slice %arg5[%add3A_291, %dma_start3A_292] : memref<204800x128xf32, #tpu.memory_space<hbm>> -> memref<128x128xf32, #tpu.memory_space<hbm>>
    %dma_start3A_294 = arith.constant 0 : i32
    %dma_start3A_295 = tpu.memref_slice %arg5[%add3A_291, %dma_start3A_294] : memref<204800x128xf32, #tpu.memory_space<hbm>> -> memref<128x128xf32, #tpu.memory_space<hbm>>
    tpu.enqueue_dma source(%arg8 : memref<128x128xf32, #tpu.memory_space<vmem>>) target(%dma_start3A_295 : memref<128x128xf32, #tpu.memory_space<hbm>>) target_semaphore(%arg12 : memref<!tpu.dma_semaphore, #tpu.memory_space<semaphore_mem>>)
    %add3A_296 = arith.constant 6272 : i32
    %add3A_297 = arith.addi %mul3A_2, %add3A_296 : i32
    %dma_start3A_298 = arith.constant 0 : i32
    %dma_start3A_299 = tpu.memref_slice %arg5[%add3A_297, %dma_start3A_298] : memref<204800x128xf32, #tpu.memory_space<hbm>> -> memref<128x128xf32, #tpu.memory_space<hbm>>
    %dma_start3A_300 = arith.constant 0 : i32
    %dma_start3A_301 = tpu.memref_slice %arg5[%add3A_297, %dma_start3A_300] : memref<204800x128xf32, #tpu.memory_space<hbm>> -> memref<128x128xf32, #tpu.memory_space<hbm>>
    tpu.enqueue_dma source(%arg8 : memref<128x128xf32, #tpu.memory_space<vmem>>) target(%dma_start3A_301 : memref<128x128xf32, #tpu.memory_space<hbm>>) target_semaphore(%arg12 : memref<!tpu.dma_semaphore, #tpu.memory_space<semaphore_mem>>)
    "tpu.region"() ({
      %run_scoped3A = tpu.sem_alloc : memref<!tpu.dma_semaphore, #tpu.memory_space<semaphore_mem>>
      %dma_start3A_943 = tpu.memref_slice %arg2[%mul3A_2] : memref<204800xi32, #tpu.memory_space<hbm>> -> memref<6400xi32, #tpu.memory_space<hbm>>
      %dma_start3A_944 = tpu.memref_slice %arg2[%mul3A_2] : memref<204800xi32, #tpu.memory_space<hbm>> -> memref<6400xi32, #tpu.memory_space<hbm>>
      tpu.enqueue_dma source(%dma_start3A_944 : memref<6400xi32, #tpu.memory_space<hbm>>) target(%arg6 : memref<6400xi32, #tpu.memory_space<vmem>>) target_semaphore(%run_scoped3A : memref<!tpu.dma_semaphore, #tpu.memory_space<semaphore_mem>>)
      %dma_wait3A_945 = tpu.memref_slice %arg2[%mul3A_2] : memref<204800xi32, #tpu.memory_space<hbm>> -> memref<6400xi32, #tpu.memory_space<hbm>>
      %dma_wait3A_946 = tpu.memref_slice %arg2[%mul3A_2] : memref<204800xi32, #tpu.memory_space<hbm>> -> memref<6400xi32, #tpu.memory_space<hbm>>
      tpu.wait_dma2 semaphore(%run_scoped3A : memref<!tpu.dma_semaphore, #tpu.memory_space<semaphore_mem>>) src(%dma_wait3A_946 : memref<6400xi32, #tpu.memory_space<hbm>>) dst(%arg6 : memref<6400xi32, #tpu.memory_space<vmem>>)
      tpu.yield
    }) : () -> ()
    "tpu.region"() ({
      %run_scoped3A = tpu.sem_alloc : memref<!tpu.dma_semaphore, #tpu.memory_space<semaphore_mem>>
      tpu.enqueue_dma source(%arg3 : memref<16xi32, #tpu.memory_space<hbm>>) target(%arg7 : memref<16xi32, #tpu.memory_space<vmem>>) target_semaphore(%run_scoped3A : memref<!tpu.dma_semaphore, #tpu.memory_space<semaphore_mem>>)
      tpu.wait_dma2 semaphore(%run_scoped3A : memref<!tpu.dma_semaphore, #tpu.memory_space<semaphore_mem>>) src(%arg3 : memref<16xi32, #tpu.memory_space<hbm>>) dst(%arg7 : memref<16xi32, #tpu.memory_space<vmem>>)
      tpu.yield
    }) : () -> ()
    %get3A = arith.constant 0 : index
    %get3A_302 = tpu.vector_load %arg7[%get3A] {strides = array<i32>} : memref<16xi32, #tpu.memory_space<vmem>>, vector<16xi32>,
    %broadcast_in_dim3A = arith.constant 1000 : i32
    %broadcast_in_dim3A_303 = vector.broadcast %broadcast_in_dim3A : i32 to vector<16xi32>
    %iota3A = tpu.iota {dimensions = array<i32: 0>} : vector<16xi32>
    %scan3A = arith.constant 0 : i32
    %scan3A_304 = arith.constant 0 : i32
    %scan3A_305 = arith.constant 400 : i32
    %scan3A_306 = arith.addi %scan3A_304, %scan3A_305 : i32
    %scan3A_307 = arith.constant 1 : i32
    %scan3A_308:2 = scf.for %scan3A_943 = %scan3A_304 to %scan3A_306 step %scan3A_307 iter_args(%scan3A_944 = %scan3A, %scan3A_945 = %mul3A_2) -> (i32, i32)  : i32 {
      %mul3A_946 = arith.constant 16 : i32
      %mul3A_947 = arith.muli %scan3A_943, %mul3A_946 : i32
      %get3A_948 = arith.index_cast %mul3A_947 : i32 to index
      %get3A_949 = tpu.vector_load %arg6[%get3A_948] {strides = array<i32>} : memref<6400xi32, #tpu.memory_space<vmem>>, vector<16xi32>,
      %ge3A_950 = arith.cmpi sge, %get3A_949, %get3A_302 : vector<16xi32>
      %sub3A = arith.subi %get3A_949, %get3A_302 : vector<16xi32>
      %min3A_951 = arith.minsi %sub3A, %broadcast_in_dim3A_303 : vector<16xi32>
      %add3A_952 = arith.addi %mul3A_2, %mul3A_947 : i32
      %add3A_953 = vector.broadcast %add3A_952 : i32 to vector<16xi32>
      %add3A_954 = arith.addi %iota3A, %add3A_953 : vector<16xi32>
      %convert_element_type3A_955 = arith.extui %ge3A_950 : vector<16xi1> to vector<16xi32>
      %cumsum3A = arith.constant true
      %cumsum3A_956 = vector.broadcast %cumsum3A : i1 to vector<16xi1>
      %cumsum3A_957 = tpu.scan <sum>, %convert_element_type3A_955 masked %cumsum3A_956 : vector<16xi32>, vector<16xi1> -> vector<16xi32>
      %add3A_958 = vector.broadcast %scan3A_944 : i32 to vector<16xi32>
      %add3A_959 = arith.addi %add3A_958, %cumsum3A_957 : vector<16xi32>
      %sub3A_960 = arith.constant 1 : i32
      %sub3A_961 = vector.broadcast %sub3A_960 : i32 to vector<16xi32>
      %sub3A_962 = arith.subi %add3A_959, %sub3A_961 : vector<16xi32>
      %max3A = arith.constant 0 : i32
      %max3A_963 = vector.broadcast %max3A : i32 to vector<16xi32>
      %max3A_964 = arith.maxsi %sub3A_962, %max3A_963 : vector<16xi32>
      tpu.vector_store_idx %arg10[%max3A_964], %min3A_951 masked %ge3A_950 : memref<6400xi32, #tpu.memory_space<vmem>>[vector<16xi32>], vector<16xi32>, vector<16xi1>
      %shift_right_arithmetic3A_965 = arith.constant 7 : i32
      %shift_right_arithmetic3A_966 = vector.broadcast %shift_right_arithmetic3A_965 : i32 to vector<16xi32>
      %shift_right_arithmetic3A_967 = arith.shrsi %max3A_964, %shift_right_arithmetic3A_966 : vector<16xi32>
      %and3A_968 = arith.constant 127 : i32
      %and3A_969 = vector.broadcast %and3A_968 : i32 to vector<16xi32>
      %and3A_970 = arith.andi %max3A_964, %and3A_969 : vector<16xi32>
      tpu.vector_store_idx %arg11[%shift_right_arithmetic3A_967, %and3A_970], %add3A_954 masked %ge3A_950 : memref<50x128xi32, #tpu.memory_space<vmem>>[vector<16xi32>, vector<16xi32>], vector<16xi32>, vector<16xi1>
      %jit3A = arith.constant -1 : i32
      %broadcast_in_dim3A_971 = vector.broadcast %jit3A : i32 to vector<16xi32>
      %select_n3A = arith.select %ge3A_950, %broadcast_in_dim3A_971, %add3A_954 : vector<16xi1>, vector<16xi32>
      %reduce_max3A = arith.constant true
      %reduce_max3A_972 = vector.broadcast %reduce_max3A : i1 to vector<16xi1>
      %reduce_max3A_973 = arith.constant -2147483648 : i32
      %reduce_max3A_974 = vector.broadcast %reduce_max3A_973 : i32 to vector<16xi32>
      %reduce_max3A_975 = arith.xori %select_n3A, %reduce_max3A_974 : vector<16xi32>
      %reduce_max3A_976 = tpu.scan <max>, %reduce_max3A_975 masked %reduce_max3A_972 : vector<16xi32>, vector<16xi1> -> vector<16xi32>
      %reduce_max3A_977 = arith.xori %reduce_max3A_976, %reduce_max3A_974 : vector<16xi32>
      %reduce_max3A_978 = vector.extract %reduce_max3A_977[15] : i32 from vector<16xi32>
      %reduce_max3A_979 = arith.constant true
      %reduce_max3A_980 = vector.broadcast %reduce_max3A_979 : i1 to vector<16xi1>
      %reduce_max3A_981 = arith.constant -2147483648 : i32
      %reduce_max3A_982 = vector.broadcast %reduce_max3A_981 : i32 to vector<16xi32>
      %reduce_max3A_983 = arith.xori %cumsum3A_957, %reduce_max3A_982 : vector<16xi32>
      %reduce_max3A_984 = tpu.scan <max>, %reduce_max3A_983 masked %reduce_max3A_980 : vector<16xi32>, vector<16xi1> -> vector<16xi32>
      %reduce_max3A_985 = arith.xori %reduce_max3A_984, %reduce_max3A_982 : vector<16xi32>
      %reduce_max3A_986 = vector.extract %reduce_max3A_985[15] : i32 from vector<16xi32>
      %add3A_987 = arith.addi %scan3A_944, %reduce_max3A_986 : i32
      %ge3A_988 = arith.constant 0 : i32
      %ge3A_989 = arith.cmpi sge, %reduce_max3A_978, %ge3A_988 : i32
      %select_n3A_990 = arith.select %ge3A_989, %reduce_max3A_978, %scan3A_945 : i32
      scf.yield %add3A_987, %select_n3A_990 : i32, i32
    }
    %scan3A_309 = arith.constant 400 : i32
    %shift_right_arithmetic3A = arith.constant 7 : i32
    %shift_right_arithmetic3A_310 = arith.shrsi %scan3A_308#0, %shift_right_arithmetic3A : i32
    %shift_left3A = arith.constant 7 : i32
    %shift_left3A_311 = arith.shli %shift_right_arithmetic3A_310, %shift_left3A : i32
    %mul3A_312 = arith.constant 0 : i32
    %mul3A_313 = vector.broadcast %mul3A_312 : i32 to vector<16xi32>
    %mul3A_314 = arith.muli %iota3A, %mul3A_313 : vector<16xi32>
    %add3A_315 = vector.broadcast %scan3A_308#1 : i32 to vector<16xi32>
    %add3A_316 = arith.addi %mul3A_314, %add3A_315 : vector<16xi32>
    %add3A_317 = arith.constant 0 : i32
    %add3A_318 = arith.addi %shift_left3A_311, %add3A_317 : i32
    %add3A_319 = vector.broadcast %add3A_318 : i32 to vector<16xi32>
    %add3A_320 = arith.addi %add3A_319, %iota3A : vector<16xi32>
    %ge3A = vector.broadcast %scan3A_308#0 : i32 to vector<16xi32>
    %ge3A_321 = arith.cmpi sge, %add3A_320, %ge3A : vector<16xi32>
    %lt3A = arith.constant 6400 : i32
    %lt3A_322 = vector.broadcast %lt3A : i32 to vector<16xi32>
    %lt3A_323 = arith.cmpi slt, %add3A_320, %lt3A_322 : vector<16xi32>
    %and3A = arith.andi %ge3A_321, %lt3A_323 : vector<16xi1>
    %min3A = arith.constant 6399 : i32
    %min3A_324 = vector.broadcast %min3A : i32 to vector<16xi32>
    %min3A_325 = arith.minsi %add3A_320, %min3A_324 : vector<16xi32>
    %and3A_326 = arith.constant 1023 : i32
    %and3A_327 = vector.broadcast %and3A_326 : i32 to vector<16xi32>
    %and3A_328 = arith.andi %add3A_320, %and3A_327 : vector<16xi32>
    %add3A_329 = arith.addi %broadcast_in_dim3A_303, %and3A_328 : vector<16xi32>
    tpu.vector_store_idx %arg10[%min3A_325], %add3A_329 masked %and3A : memref<6400xi32, #tpu.memory_space<vmem>>[vector<16xi32>], vector<16xi32>, vector<16xi1>
    %shift_right_arithmetic3A_330 = arith.constant 7 : i32
    %shift_right_arithmetic3A_331 = vector.broadcast %shift_right_arithmetic3A_330 : i32 to vector<16xi32>
    %shift_right_arithmetic3A_332 = arith.shrsi %min3A_325, %shift_right_arithmetic3A_331 : vector<16xi32>
    %and3A_333 = arith.constant 127 : i32
    %and3A_334 = vector.broadcast %and3A_333 : i32 to vector<16xi32>
    %and3A_335 = arith.andi %min3A_325, %and3A_334 : vector<16xi32>
    tpu.vector_store_idx %arg11[%shift_right_arithmetic3A_332, %and3A_335], %add3A_316 masked %and3A : memref<50x128xi32, #tpu.memory_space<vmem>>[vector<16xi32>, vector<16xi32>], vector<16xi32>, vector<16xi1>
    %add3A_336 = arith.constant 16 : i32
    %add3A_337 = arith.addi %shift_left3A_311, %add3A_336 : i32
    %add3A_338 = vector.broadcast %add3A_337 : i32 to vector<16xi32>
    %add3A_339 = arith.addi %add3A_338, %iota3A : vector<16xi32>
    %ge3A_340 = vector.broadcast %scan3A_308#0 : i32 to vector<16xi32>
    %ge3A_341 = arith.cmpi sge, %add3A_339, %ge3A_340 : vector<16xi32>
    %lt3A_342 = arith.constant 6400 : i32
    %lt3A_343 = vector.broadcast %lt3A_342 : i32 to vector<16xi32>
    %lt3A_344 = arith.cmpi slt, %add3A_339, %lt3A_343 : vector<16xi32>
    %and3A_345 = arith.andi %ge3A_341, %lt3A_344 : vector<16xi1>
    %min3A_346 = arith.constant 6399 : i32
    %min3A_347 = vector.broadcast %min3A_346 : i32 to vector<16xi32>
    %min3A_348 = arith.minsi %add3A_339, %min3A_347 : vector<16xi32>
    %and3A_349 = arith.constant 1023 : i32
    %and3A_350 = vector.broadcast %and3A_349 : i32 to vector<16xi32>
    %and3A_351 = arith.andi %add3A_339, %and3A_350 : vector<16xi32>
    %add3A_352 = arith.addi %broadcast_in_dim3A_303, %and3A_351 : vector<16xi32>
    tpu.vector_store_idx %arg10[%min3A_348], %add3A_352 masked %and3A_345 : memref<6400xi32, #tpu.memory_space<vmem>>[vector<16xi32>], vector<16xi32>, vector<16xi1>
    %shift_right_arithmetic3A_353 = arith.constant 7 : i32
    %shift_right_arithmetic3A_354 = vector.broadcast %shift_right_arithmetic3A_353 : i32 to vector<16xi32>
    %shift_right_arithmetic3A_355 = arith.shrsi %min3A_348, %shift_right_arithmetic3A_354 : vector<16xi32>
    %and3A_356 = arith.constant 127 : i32
    %and3A_357 = vector.broadcast %and3A_356 : i32 to vector<16xi32>
    %and3A_358 = arith.andi %min3A_348, %and3A_357 : vector<16xi32>
    tpu.vector_store_idx %arg11[%shift_right_arithmetic3A_355, %and3A_358], %add3A_316 masked %and3A_345 : memref<50x128xi32, #tpu.memory_space<vmem>>[vector<16xi32>, vector<16xi32>], vector<16xi32>, vector<16xi1>
    %add3A_359 = arith.constant 32 : i32
    %add3A_360 = arith.addi %shift_left3A_311, %add3A_359 : i32
    %add3A_361 = vector.broadcast %add3A_360 : i32 to vector<16xi32>
    %add3A_362 = arith.addi %add3A_361, %iota3A : vector<16xi32>
    %ge3A_363 = vector.broadcast %scan3A_308#0 : i32 to vector<16xi32>
    %ge3A_364 = arith.cmpi sge, %add3A_362, %ge3A_363 : vector<16xi32>
    %lt3A_365 = arith.constant 6400 : i32
    %lt3A_366 = vector.broadcast %lt3A_365 : i32 to vector<16xi32>
    %lt3A_367 = arith.cmpi slt, %add3A_362, %lt3A_366 : vector<16xi32>
    %and3A_368 = arith.andi %ge3A_364, %lt3A_367 : vector<16xi1>
    %min3A_369 = arith.constant 6399 : i32
    %min3A_370 = vector.broadcast %min3A_369 : i32 to vector<16xi32>
    %min3A_371 = arith.minsi %add3A_362, %min3A_370 : vector<16xi32>
    %and3A_372 = arith.constant 1023 : i32
    %and3A_373 = vector.broadcast %and3A_372 : i32 to vector<16xi32>
    %and3A_374 = arith.andi %add3A_362, %and3A_373 : vector<16xi32>
    %add3A_375 = arith.addi %broadcast_in_dim3A_303, %and3A_374 : vector<16xi32>
    tpu.vector_store_idx %arg10[%min3A_371], %add3A_375 masked %and3A_368 : memref<6400xi32, #tpu.memory_space<vmem>>[vector<16xi32>], vector<16xi32>, vector<16xi1>
    %shift_right_arithmetic3A_376 = arith.constant 7 : i32
    %shift_right_arithmetic3A_377 = vector.broadcast %shift_right_arithmetic3A_376 : i32 to vector<16xi32>
    %shift_right_arithmetic3A_378 = arith.shrsi %min3A_371, %shift_right_arithmetic3A_377 : vector<16xi32>
    %and3A_379 = arith.constant 127 : i32
    %and3A_380 = vector.broadcast %and3A_379 : i32 to vector<16xi32>
    %and3A_381 = arith.andi %min3A_371, %and3A_380 : vector<16xi32>
    tpu.vector_store_idx %arg11[%shift_right_arithmetic3A_378, %and3A_381], %add3A_316 masked %and3A_368 : memref<50x128xi32, #tpu.memory_space<vmem>>[vector<16xi32>, vector<16xi32>], vector<16xi32>, vector<16xi1>
    %add3A_382 = arith.constant 48 : i32
    %add3A_383 = arith.addi %shift_left3A_311, %add3A_382 : i32
    %add3A_384 = vector.broadcast %add3A_383 : i32 to vector<16xi32>
    %add3A_385 = arith.addi %add3A_384, %iota3A : vector<16xi32>
    %ge3A_386 = vector.broadcast %scan3A_308#0 : i32 to vector<16xi32>
    %ge3A_387 = arith.cmpi sge, %add3A_385, %ge3A_386 : vector<16xi32>
    %lt3A_388 = arith.constant 6400 : i32
    %lt3A_389 = vector.broadcast %lt3A_388 : i32 to vector<16xi32>
    %lt3A_390 = arith.cmpi slt, %add3A_385, %lt3A_389 : vector<16xi32>
    %and3A_391 = arith.andi %ge3A_387, %lt3A_390 : vector<16xi1>
    %min3A_392 = arith.constant 6399 : i32
    %min3A_393 = vector.broadcast %min3A_392 : i32 to vector<16xi32>
    %min3A_394 = arith.minsi %add3A_385, %min3A_393 : vector<16xi32>
    %and3A_395 = arith.constant 1023 : i32
    %and3A_396 = vector.broadcast %and3A_395 : i32 to vector<16xi32>
    %and3A_397 = arith.andi %add3A_385, %and3A_396 : vector<16xi32>
    %add3A_398 = arith.addi %broadcast_in_dim3A_303, %and3A_397 : vector<16xi32>
    tpu.vector_store_idx %arg10[%min3A_394], %add3A_398 masked %and3A_391 : memref<6400xi32, #tpu.memory_space<vmem>>[vector<16xi32>], vector<16xi32>, vector<16xi1>
    %shift_right_arithmetic3A_399 = arith.constant 7 : i32
    %shift_right_arithmetic3A_400 = vector.broadcast %shift_right_arithmetic3A_399 : i32 to vector<16xi32>
    %shift_right_arithmetic3A_401 = arith.shrsi %min3A_394, %shift_right_arithmetic3A_400 : vector<16xi32>
    %and3A_402 = arith.constant 127 : i32
    %and3A_403 = vector.broadcast %and3A_402 : i32 to vector<16xi32>
    %and3A_404 = arith.andi %min3A_394, %and3A_403 : vector<16xi32>
    tpu.vector_store_idx %arg11[%shift_right_arithmetic3A_401, %and3A_404], %add3A_316 masked %and3A_391 : memref<50x128xi32, #tpu.memory_space<vmem>>[vector<16xi32>, vector<16xi32>], vector<16xi32>, vector<16xi1>
    %add3A_405 = arith.constant 64 : i32
    %add3A_406 = arith.addi %shift_left3A_311, %add3A_405 : i32
    %add3A_407 = vector.broadcast %add3A_406 : i32 to vector<16xi32>
    %add3A_408 = arith.addi %add3A_407, %iota3A : vector<16xi32>
    %ge3A_409 = vector.broadcast %scan3A_308#0 : i32 to vector<16xi32>
    %ge3A_410 = arith.cmpi sge, %add3A_408, %ge3A_409 : vector<16xi32>
    %lt3A_411 = arith.constant 6400 : i32
    %lt3A_412 = vector.broadcast %lt3A_411 : i32 to vector<16xi32>
    %lt3A_413 = arith.cmpi slt, %add3A_408, %lt3A_412 : vector<16xi32>
    %and3A_414 = arith.andi %ge3A_410, %lt3A_413 : vector<16xi1>
    %min3A_415 = arith.constant 6399 : i32
    %min3A_416 = vector.broadcast %min3A_415 : i32 to vector<16xi32>
    %min3A_417 = arith.minsi %add3A_408, %min3A_416 : vector<16xi32>
    %and3A_418 = arith.constant 1023 : i32
    %and3A_419 = vector.broadcast %and3A_418 : i32 to vector<16xi32>
    %and3A_420 = arith.andi %add3A_408, %and3A_419 : vector<16xi32>
    %add3A_421 = arith.addi %broadcast_in_dim3A_303, %and3A_420 : vector<16xi32>
    tpu.vector_store_idx %arg10[%min3A_417], %add3A_421 masked %and3A_414 : memref<6400xi32, #tpu.memory_space<vmem>>[vector<16xi32>], vector<16xi32>, vector<16xi1>
    %shift_right_arithmetic3A_422 = arith.constant 7 : i32
    %shift_right_arithmetic3A_423 = vector.broadcast %shift_right_arithmetic3A_422 : i32 to vector<16xi32>
    %shift_right_arithmetic3A_424 = arith.shrsi %min3A_417, %shift_right_arithmetic3A_423 : vector<16xi32>
    %and3A_425 = arith.constant 127 : i32
    %and3A_426 = vector.broadcast %and3A_425 : i32 to vector<16xi32>
    %and3A_427 = arith.andi %min3A_417, %and3A_426 : vector<16xi32>
    tpu.vector_store_idx %arg11[%shift_right_arithmetic3A_424, %and3A_427], %add3A_316 masked %and3A_414 : memref<50x128xi32, #tpu.memory_space<vmem>>[vector<16xi32>, vector<16xi32>], vector<16xi32>, vector<16xi1>
    %add3A_428 = arith.constant 80 : i32
    %add3A_429 = arith.addi %shift_left3A_311, %add3A_428 : i32
    %add3A_430 = vector.broadcast %add3A_429 : i32 to vector<16xi32>
    %add3A_431 = arith.addi %add3A_430, %iota3A : vector<16xi32>
    %ge3A_432 = vector.broadcast %scan3A_308#0 : i32 to vector<16xi32>
    %ge3A_433 = arith.cmpi sge, %add3A_431, %ge3A_432 : vector<16xi32>
    %lt3A_434 = arith.constant 6400 : i32
    %lt3A_435 = vector.broadcast %lt3A_434 : i32 to vector<16xi32>
    %lt3A_436 = arith.cmpi slt, %add3A_431, %lt3A_435 : vector<16xi32>
    %and3A_437 = arith.andi %ge3A_433, %lt3A_436 : vector<16xi1>
    %min3A_438 = arith.constant 6399 : i32
    %min3A_439 = vector.broadcast %min3A_438 : i32 to vector<16xi32>
    %min3A_440 = arith.minsi %add3A_431, %min3A_439 : vector<16xi32>
    %and3A_441 = arith.constant 1023 : i32
    %and3A_442 = vector.broadcast %and3A_441 : i32 to vector<16xi32>
    %and3A_443 = arith.andi %add3A_431, %and3A_442 : vector<16xi32>
    %add3A_444 = arith.addi %broadcast_in_dim3A_303, %and3A_443 : vector<16xi32>
    tpu.vector_store_idx %arg10[%min3A_440], %add3A_444 masked %and3A_437 : memref<6400xi32, #tpu.memory_space<vmem>>[vector<16xi32>], vector<16xi32>, vector<16xi1>
    %shift_right_arithmetic3A_445 = arith.constant 7 : i32
    %shift_right_arithmetic3A_446 = vector.broadcast %shift_right_arithmetic3A_445 : i32 to vector<16xi32>
    %shift_right_arithmetic3A_447 = arith.shrsi %min3A_440, %shift_right_arithmetic3A_446 : vector<16xi32>
    %and3A_448 = arith.constant 127 : i32
    %and3A_449 = vector.broadcast %and3A_448 : i32 to vector<16xi32>
    %and3A_450 = arith.andi %min3A_440, %and3A_449 : vector<16xi32>
    tpu.vector_store_idx %arg11[%shift_right_arithmetic3A_447, %and3A_450], %add3A_316 masked %and3A_437 : memref<50x128xi32, #tpu.memory_space<vmem>>[vector<16xi32>, vector<16xi32>], vector<16xi32>, vector<16xi1>
    %add3A_451 = arith.constant 96 : i32
    %add3A_452 = arith.addi %shift_left3A_311, %add3A_451 : i32
    %add3A_453 = vector.broadcast %add3A_452 : i32 to vector<16xi32>
    %add3A_454 = arith.addi %add3A_453, %iota3A : vector<16xi32>
    %ge3A_455 = vector.broadcast %scan3A_308#0 : i32 to vector<16xi32>
    %ge3A_456 = arith.cmpi sge, %add3A_454, %ge3A_455 : vector<16xi32>
    %lt3A_457 = arith.constant 6400 : i32
    %lt3A_458 = vector.broadcast %lt3A_457 : i32 to vector<16xi32>
    %lt3A_459 = arith.cmpi slt, %add3A_454, %lt3A_458 : vector<16xi32>
    %and3A_460 = arith.andi %ge3A_456, %lt3A_459 : vector<16xi1>
    %min3A_461 = arith.constant 6399 : i32
    %min3A_462 = vector.broadcast %min3A_461 : i32 to vector<16xi32>
    %min3A_463 = arith.minsi %add3A_454, %min3A_462 : vector<16xi32>
    %and3A_464 = arith.constant 1023 : i32
    %and3A_465 = vector.broadcast %and3A_464 : i32 to vector<16xi32>
    %and3A_466 = arith.andi %add3A_454, %and3A_465 : vector<16xi32>
    %add3A_467 = arith.addi %broadcast_in_dim3A_303, %and3A_466 : vector<16xi32>
    tpu.vector_store_idx %arg10[%min3A_463], %add3A_467 masked %and3A_460 : memref<6400xi32, #tpu.memory_space<vmem>>[vector<16xi32>], vector<16xi32>, vector<16xi1>
    %shift_right_arithmetic3A_468 = arith.constant 7 : i32
    %shift_right_arithmetic3A_469 = vector.broadcast %shift_right_arithmetic3A_468 : i32 to vector<16xi32>
    %shift_right_arithmetic3A_470 = arith.shrsi %min3A_463, %shift_right_arithmetic3A_469 : vector<16xi32>
    %and3A_471 = arith.constant 127 : i32
    %and3A_472 = vector.broadcast %and3A_471 : i32 to vector<16xi32>
    %and3A_473 = arith.andi %min3A_463, %and3A_472 : vector<16xi32>
    tpu.vector_store_idx %arg11[%shift_right_arithmetic3A_470, %and3A_473], %add3A_316 masked %and3A_460 : memref<50x128xi32, #tpu.memory_space<vmem>>[vector<16xi32>, vector<16xi32>], vector<16xi32>, vector<16xi1>
    %add3A_474 = arith.constant 112 : i32
    %add3A_475 = arith.addi %shift_left3A_311, %add3A_474 : i32
    %add3A_476 = vector.broadcast %add3A_475 : i32 to vector<16xi32>
    %add3A_477 = arith.addi %add3A_476, %iota3A : vector<16xi32>
    %ge3A_478 = vector.broadcast %scan3A_308#0 : i32 to vector<16xi32>
    %ge3A_479 = arith.cmpi sge, %add3A_477, %ge3A_478 : vector<16xi32>
    %lt3A_480 = arith.constant 6400 : i32
    %lt3A_481 = vector.broadcast %lt3A_480 : i32 to vector<16xi32>
    %lt3A_482 = arith.cmpi slt, %add3A_477, %lt3A_481 : vector<16xi32>
    %and3A_483 = arith.andi %ge3A_479, %lt3A_482 : vector<16xi1>
    %min3A_484 = arith.constant 6399 : i32
    %min3A_485 = vector.broadcast %min3A_484 : i32 to vector<16xi32>
    %min3A_486 = arith.minsi %add3A_477, %min3A_485 : vector<16xi32>
    %and3A_487 = arith.constant 1023 : i32
    %and3A_488 = vector.broadcast %and3A_487 : i32 to vector<16xi32>
    %and3A_489 = arith.andi %add3A_477, %and3A_488 : vector<16xi32>
    %add3A_490 = arith.addi %broadcast_in_dim3A_303, %and3A_489 : vector<16xi32>
    tpu.vector_store_idx %arg10[%min3A_486], %add3A_490 masked %and3A_483 : memref<6400xi32, #tpu.memory_space<vmem>>[vector<16xi32>], vector<16xi32>, vector<16xi1>
    %shift_right_arithmetic3A_491 = arith.constant 7 : i32
    %shift_right_arithmetic3A_492 = vector.broadcast %shift_right_arithmetic3A_491 : i32 to vector<16xi32>
    %shift_right_arithmetic3A_493 = arith.shrsi %min3A_486, %shift_right_arithmetic3A_492 : vector<16xi32>
    %and3A_494 = arith.constant 127 : i32
    %and3A_495 = vector.broadcast %and3A_494 : i32 to vector<16xi32>
    %and3A_496 = arith.andi %min3A_486, %and3A_495 : vector<16xi32>
    tpu.vector_store_idx %arg11[%shift_right_arithmetic3A_493, %and3A_496], %add3A_316 masked %and3A_483 : memref<50x128xi32, #tpu.memory_space<vmem>>[vector<16xi32>, vector<16xi32>], vector<16xi32>, vector<16xi1>
    %dma_wait3A = arith.constant 0 : i32
    %dma_wait3A_497 = tpu.memref_slice %arg5[%add3A_4, %dma_wait3A] : memref<204800x128xf32, #tpu.memory_space<hbm>> -> memref<128x128xf32, #tpu.memory_space<hbm>>
    %dma_wait3A_498 = arith.constant 0 : i32
    %dma_wait3A_499 = tpu.memref_slice %arg5[%add3A_4, %dma_wait3A_498] : memref<204800x128xf32, #tpu.memory_space<hbm>> -> memref<128x128xf32, #tpu.memory_space<hbm>>
    tpu.wait_dma2 semaphore(%arg12 : memref<!tpu.dma_semaphore, #tpu.memory_space<semaphore_mem>>) src(%arg8 : memref<128x128xf32, #tpu.memory_space<vmem>>) dst(%dma_wait3A_499 : memref<128x128xf32, #tpu.memory_space<hbm>>)
    %dma_wait3A_500 = arith.constant 0 : i32
    %dma_wait3A_501 = tpu.memref_slice %arg5[%add3A_9, %dma_wait3A_500] : memref<204800x128xf32, #tpu.memory_space<hbm>> -> memref<128x128xf32, #tpu.memory_space<hbm>>
    %dma_wait3A_502 = arith.constant 0 : i32
    %dma_wait3A_503 = tpu.memref_slice %arg5[%add3A_9, %dma_wait3A_502] : memref<204800x128xf32, #tpu.memory_space<hbm>> -> memref<128x128xf32, #tpu.memory_space<hbm>>
    tpu.wait_dma2 semaphore(%arg12 : memref<!tpu.dma_semaphore, #tpu.memory_space<semaphore_mem>>) src(%arg8 : memref<128x128xf32, #tpu.memory_space<vmem>>) dst(%dma_wait3A_503 : memref<128x128xf32, #tpu.memory_space<hbm>>)
    %dma_wait3A_504 = arith.constant 0 : i32
    %dma_wait3A_505 = tpu.memref_slice %arg5[%add3A_15, %dma_wait3A_504] : memref<204800x128xf32, #tpu.memory_space<hbm>> -> memref<128x128xf32, #tpu.memory_space<hbm>>
    %dma_wait3A_506 = arith.constant 0 : i32
    %dma_wait3A_507 = tpu.memref_slice %arg5[%add3A_15, %dma_wait3A_506] : memref<204800x128xf32, #tpu.memory_space<hbm>> -> memref<128x128xf32, #tpu.memory_space<hbm>>
    tpu.wait_dma2 semaphore(%arg12 : memref<!tpu.dma_semaphore, #tpu.memory_space<semaphore_mem>>) src(%arg8 : memref<128x128xf32, #tpu.memory_space<vmem>>) dst(%dma_wait3A_507 : memref<128x128xf32, #tpu.memory_space<hbm>>)
    %dma_wait3A_508 = arith.constant 0 : i32
    %dma_wait3A_509 = tpu.memref_slice %arg5[%add3A_21, %dma_wait3A_508] : memref<204800x128xf32, #tpu.memory_space<hbm>> -> memref<128x128xf32, #tpu.memory_space<hbm>>
    %dma_wait3A_510 = arith.constant 0 : i32
    %dma_wait3A_511 = tpu.memref_slice %arg5[%add3A_21, %dma_wait3A_510] : memref<204800x128xf32, #tpu.memory_space<hbm>> -> memref<128x128xf32, #tpu.memory_space<hbm>>
    tpu.wait_dma2 semaphore(%arg12 : memref<!tpu.dma_semaphore, #tpu.memory_space<semaphore_mem>>) src(%arg8 : memref<128x128xf32, #tpu.memory_space<vmem>>) dst(%dma_wait3A_511 : memref<128x128xf32, #tpu.memory_space<hbm>>)
    %dma_wait3A_512 = arith.constant 0 : i32
    %dma_wait3A_513 = tpu.memref_slice %arg5[%add3A_27, %dma_wait3A_512] : memref<204800x128xf32, #tpu.memory_space<hbm>> -> memref<128x128xf32, #tpu.memory_space<hbm>>
    %dma_wait3A_514 = arith.constant 0 : i32
    %dma_wait3A_515 = tpu.memref_slice %arg5[%add3A_27, %dma_wait3A_514] : memref<204800x128xf32, #tpu.memory_space<hbm>> -> memref<128x128xf32, #tpu.memory_space<hbm>>
    tpu.wait_dma2 semaphore(%arg12 : memref<!tpu.dma_semaphore, #tpu.memory_space<semaphore_mem>>) src(%arg8 : memref<128x128xf32, #tpu.memory_space<vmem>>) dst(%dma_wait3A_515 : memref<128x128xf32, #tpu.memory_space<hbm>>)
    %dma_wait3A_516 = arith.constant 0 : i32
    %dma_wait3A_517 = tpu.memref_slice %arg5[%add3A_33, %dma_wait3A_516] : memref<204800x128xf32, #tpu.memory_space<hbm>> -> memref<128x128xf32, #tpu.memory_space<hbm>>
    %dma_wait3A_518 = arith.constant 0 : i32
    %dma_wait3A_519 = tpu.memref_slice %arg5[%add3A_33, %dma_wait3A_518] : memref<204800x128xf32, #tpu.memory_space<hbm>> -> memref<128x128xf32, #tpu.memory_space<hbm>>
    tpu.wait_dma2 semaphore(%arg12 : memref<!tpu.dma_semaphore, #tpu.memory_space<semaphore_mem>>) src(%arg8 : memref<128x128xf32, #tpu.memory_space<vmem>>) dst(%dma_wait3A_519 : memref<128x128xf32, #tpu.memory_space<hbm>>)
    %dma_wait3A_520 = arith.constant 0 : i32
    %dma_wait3A_521 = tpu.memref_slice %arg5[%add3A_39, %dma_wait3A_520] : memref<204800x128xf32, #tpu.memory_space<hbm>> -> memref<128x128xf32, #tpu.memory_space<hbm>>
    %dma_wait3A_522 = arith.constant 0 : i32
    %dma_wait3A_523 = tpu.memref_slice %arg5[%add3A_39, %dma_wait3A_522] : memref<204800x128xf32, #tpu.memory_space<hbm>> -> memref<128x128xf32, #tpu.memory_space<hbm>>
    tpu.wait_dma2 semaphore(%arg12 : memref<!tpu.dma_semaphore, #tpu.memory_space<semaphore_mem>>) src(%arg8 : memref<128x128xf32, #tpu.memory_space<vmem>>) dst(%dma_wait3A_523 : memref<128x128xf32, #tpu.memory_space<hbm>>)
    %dma_wait3A_524 = arith.constant 0 : i32
    %dma_wait3A_525 = tpu.memref_slice %arg5[%add3A_45, %dma_wait3A_524] : memref<204800x128xf32, #tpu.memory_space<hbm>> -> memref<128x128xf32, #tpu.memory_space<hbm>>
    %dma_wait3A_526 = arith.constant 0 : i32
    %dma_wait3A_527 = tpu.memref_slice %arg5[%add3A_45, %dma_wait3A_526] : memref<204800x128xf32, #tpu.memory_space<hbm>> -> memref<128x128xf32, #tpu.memory_space<hbm>>
    tpu.wait_dma2 semaphore(%arg12 : memref<!tpu.dma_semaphore, #tpu.memory_space<semaphore_mem>>) src(%arg8 : memref<128x128xf32, #tpu.memory_space<vmem>>) dst(%dma_wait3A_527 : memref<128x128xf32, #tpu.memory_space<hbm>>)
    %dma_wait3A_528 = arith.constant 0 : i32
    %dma_wait3A_529 = tpu.memref_slice %arg5[%add3A_51, %dma_wait3A_528] : memref<204800x128xf32, #tpu.memory_space<hbm>> -> memref<128x128xf32, #tpu.memory_space<hbm>>
    %dma_wait3A_530 = arith.constant 0 : i32
    %dma_wait3A_531 = tpu.memref_slice %arg5[%add3A_51, %dma_wait3A_530] : memref<204800x128xf32, #tpu.memory_space<hbm>> -> memref<128x128xf32, #tpu.memory_space<hbm>>
    tpu.wait_dma2 semaphore(%arg12 : memref<!tpu.dma_semaphore, #tpu.memory_space<semaphore_mem>>) src(%arg8 : memref<128x128xf32, #tpu.memory_space<vmem>>) dst(%dma_wait3A_531 : memref<128x128xf32, #tpu.memory_space<hbm>>)
    %dma_wait3A_532 = arith.constant 0 : i32
    %dma_wait3A_533 = tpu.memref_slice %arg5[%add3A_57, %dma_wait3A_532] : memref<204800x128xf32, #tpu.memory_space<hbm>> -> memref<128x128xf32, #tpu.memory_space<hbm>>
    %dma_wait3A_534 = arith.constant 0 : i32
    %dma_wait3A_535 = tpu.memref_slice %arg5[%add3A_57, %dma_wait3A_534] : memref<204800x128xf32, #tpu.memory_space<hbm>> -> memref<128x128xf32, #tpu.memory_space<hbm>>
    tpu.wait_dma2 semaphore(%arg12 : memref<!tpu.dma_semaphore, #tpu.memory_space<semaphore_mem>>) src(%arg8 : memref<128x128xf32, #tpu.memory_space<vmem>>) dst(%dma_wait3A_535 : memref<128x128xf32, #tpu.memory_space<hbm>>)
    %dma_wait3A_536 = arith.constant 0 : i32
    %dma_wait3A_537 = tpu.memref_slice %arg5[%add3A_63, %dma_wait3A_536] : memref<204800x128xf32, #tpu.memory_space<hbm>> -> memref<128x128xf32, #tpu.memory_space<hbm>>
    %dma_wait3A_538 = arith.constant 0 : i32
    %dma_wait3A_539 = tpu.memref_slice %arg5[%add3A_63, %dma_wait3A_538] : memref<204800x128xf32, #tpu.memory_space<hbm>> -> memref<128x128xf32, #tpu.memory_space<hbm>>
    tpu.wait_dma2 semaphore(%arg12 : memref<!tpu.dma_semaphore, #tpu.memory_space<semaphore_mem>>) src(%arg8 : memref<128x128xf32, #tpu.memory_space<vmem>>) dst(%dma_wait3A_539 : memref<128x128xf32, #tpu.memory_space<hbm>>)
    %dma_wait3A_540 = arith.constant 0 : i32
    %dma_wait3A_541 = tpu.memref_slice %arg5[%add3A_69, %dma_wait3A_540] : memref<204800x128xf32, #tpu.memory_space<hbm>> -> memref<128x128xf32, #tpu.memory_space<hbm>>
    %dma_wait3A_542 = arith.constant 0 : i32
    %dma_wait3A_543 = tpu.memref_slice %arg5[%add3A_69, %dma_wait3A_542] : memref<204800x128xf32, #tpu.memory_space<hbm>> -> memref<128x128xf32, #tpu.memory_space<hbm>>
    tpu.wait_dma2 semaphore(%arg12 : memref<!tpu.dma_semaphore, #tpu.memory_space<semaphore_mem>>) src(%arg8 : memref<128x128xf32, #tpu.memory_space<vmem>>) dst(%dma_wait3A_543 : memref<128x128xf32, #tpu.memory_space<hbm>>)
    %dma_wait3A_544 = arith.constant 0 : i32
    %dma_wait3A_545 = tpu.memref_slice %arg5[%add3A_75, %dma_wait3A_544] : memref<204800x128xf32, #tpu.memory_space<hbm>> -> memref<128x128xf32, #tpu.memory_space<hbm>>
    %dma_wait3A_546 = arith.constant 0 : i32
    %dma_wait3A_547 = tpu.memref_slice %arg5[%add3A_75, %dma_wait3A_546] : memref<204800x128xf32, #tpu.memory_space<hbm>> -> memref<128x128xf32, #tpu.memory_space<hbm>>
    tpu.wait_dma2 semaphore(%arg12 : memref<!tpu.dma_semaphore, #tpu.memory_space<semaphore_mem>>) src(%arg8 : memref<128x128xf32, #tpu.memory_space<vmem>>) dst(%dma_wait3A_547 : memref<128x128xf32, #tpu.memory_space<hbm>>)
    %dma_wait3A_548 = arith.constant 0 : i32
    %dma_wait3A_549 = tpu.memref_slice %arg5[%add3A_81, %dma_wait3A_548] : memref<204800x128xf32, #tpu.memory_space<hbm>> -> memref<128x128xf32, #tpu.memory_space<hbm>>
    %dma_wait3A_550 = arith.constant 0 : i32
    %dma_wait3A_551 = tpu.memref_slice %arg5[%add3A_81, %dma_wait3A_550] : memref<204800x128xf32, #tpu.memory_space<hbm>> -> memref<128x128xf32, #tpu.memory_space<hbm>>
    tpu.wait_dma2 semaphore(%arg12 : memref<!tpu.dma_semaphore, #tpu.memory_space<semaphore_mem>>) src(%arg8 : memref<128x128xf32, #tpu.memory_space<vmem>>) dst(%dma_wait3A_551 : memref<128x128xf32, #tpu.memory_space<hbm>>)
    %dma_wait3A_552 = arith.constant 0 : i32
    %dma_wait3A_553 = tpu.memref_slice %arg5[%add3A_87, %dma_wait3A_552] : memref<204800x128xf32, #tpu.memory_space<hbm>> -> memref<128x128xf32, #tpu.memory_space<hbm>>
    %dma_wait3A_554 = arith.constant 0 : i32
    %dma_wait3A_555 = tpu.memref_slice %arg5[%add3A_87, %dma_wait3A_554] : memref<204800x128xf32, #tpu.memory_space<hbm>> -> memref<128x128xf32, #tpu.memory_space<hbm>>
    tpu.wait_dma2 semaphore(%arg12 : memref<!tpu.dma_semaphore, #tpu.memory_space<semaphore_mem>>) src(%arg8 : memref<128x128xf32, #tpu.memory_space<vmem>>) dst(%dma_wait3A_555 : memref<128x128xf32, #tpu.memory_space<hbm>>)
    %dma_wait3A_556 = arith.constant 0 : i32
    %dma_wait3A_557 = tpu.memref_slice %arg5[%add3A_93, %dma_wait3A_556] : memref<204800x128xf32, #tpu.memory_space<hbm>> -> memref<128x128xf32, #tpu.memory_space<hbm>>
    %dma_wait3A_558 = arith.constant 0 : i32
    %dma_wait3A_559 = tpu.memref_slice %arg5[%add3A_93, %dma_wait3A_558] : memref<204800x128xf32, #tpu.memory_space<hbm>> -> memref<128x128xf32, #tpu.memory_space<hbm>>
    tpu.wait_dma2 semaphore(%arg12 : memref<!tpu.dma_semaphore, #tpu.memory_space<semaphore_mem>>) src(%arg8 : memref<128x128xf32, #tpu.memory_space<vmem>>) dst(%dma_wait3A_559 : memref<128x128xf32, #tpu.memory_space<hbm>>)
    %dma_wait3A_560 = arith.constant 0 : i32
    %dma_wait3A_561 = tpu.memref_slice %arg5[%add3A_99, %dma_wait3A_560] : memref<204800x128xf32, #tpu.memory_space<hbm>> -> memref<128x128xf32, #tpu.memory_space<hbm>>
    %dma_wait3A_562 = arith.constant 0 : i32
    %dma_wait3A_563 = tpu.memref_slice %arg5[%add3A_99, %dma_wait3A_562] : memref<204800x128xf32, #tpu.memory_space<hbm>> -> memref<128x128xf32, #tpu.memory_space<hbm>>
    tpu.wait_dma2 semaphore(%arg12 : memref<!tpu.dma_semaphore, #tpu.memory_space<semaphore_mem>>) src(%arg8 : memref<128x128xf32, #tpu.memory_space<vmem>>) dst(%dma_wait3A_563 : memref<128x128xf32, #tpu.memory_space<hbm>>)
    %dma_wait3A_564 = arith.constant 0 : i32
    %dma_wait3A_565 = tpu.memref_slice %arg5[%add3A_105, %dma_wait3A_564] : memref<204800x128xf32, #tpu.memory_space<hbm>> -> memref<128x128xf32, #tpu.memory_space<hbm>>
    %dma_wait3A_566 = arith.constant 0 : i32
    %dma_wait3A_567 = tpu.memref_slice %arg5[%add3A_105, %dma_wait3A_566] : memref<204800x128xf32, #tpu.memory_space<hbm>> -> memref<128x128xf32, #tpu.memory_space<hbm>>
    tpu.wait_dma2 semaphore(%arg12 : memref<!tpu.dma_semaphore, #tpu.memory_space<semaphore_mem>>) src(%arg8 : memref<128x128xf32, #tpu.memory_space<vmem>>) dst(%dma_wait3A_567 : memref<128x128xf32, #tpu.memory_space<hbm>>)
    %dma_wait3A_568 = arith.constant 0 : i32
    %dma_wait3A_569 = tpu.memref_slice %arg5[%add3A_111, %dma_wait3A_568] : memref<204800x128xf32, #tpu.memory_space<hbm>> -> memref<128x128xf32, #tpu.memory_space<hbm>>
    %dma_wait3A_570 = arith.constant 0 : i32
    %dma_wait3A_571 = tpu.memref_slice %arg5[%add3A_111, %dma_wait3A_570] : memref<204800x128xf32, #tpu.memory_space<hbm>> -> memref<128x128xf32, #tpu.memory_space<hbm>>
    tpu.wait_dma2 semaphore(%arg12 : memref<!tpu.dma_semaphore, #tpu.memory_space<semaphore_mem>>) src(%arg8 : memref<128x128xf32, #tpu.memory_space<vmem>>) dst(%dma_wait3A_571 : memref<128x128xf32, #tpu.memory_space<hbm>>)
    %dma_wait3A_572 = arith.constant 0 : i32
    %dma_wait3A_573 = tpu.memref_slice %arg5[%add3A_117, %dma_wait3A_572] : memref<204800x128xf32, #tpu.memory_space<hbm>> -> memref<128x128xf32, #tpu.memory_space<hbm>>
    %dma_wait3A_574 = arith.constant 0 : i32
    %dma_wait3A_575 = tpu.memref_slice %arg5[%add3A_117, %dma_wait3A_574] : memref<204800x128xf32, #tpu.memory_space<hbm>> -> memref<128x128xf32, #tpu.memory_space<hbm>>
    tpu.wait_dma2 semaphore(%arg12 : memref<!tpu.dma_semaphore, #tpu.memory_space<semaphore_mem>>) src(%arg8 : memref<128x128xf32, #tpu.memory_space<vmem>>) dst(%dma_wait3A_575 : memref<128x128xf32, #tpu.memory_space<hbm>>)
    %dma_wait3A_576 = arith.constant 0 : i32
    %dma_wait3A_577 = tpu.memref_slice %arg5[%add3A_123, %dma_wait3A_576] : memref<204800x128xf32, #tpu.memory_space<hbm>> -> memref<128x128xf32, #tpu.memory_space<hbm>>
    %dma_wait3A_578 = arith.constant 0 : i32
    %dma_wait3A_579 = tpu.memref_slice %arg5[%add3A_123, %dma_wait3A_578] : memref<204800x128xf32, #tpu.memory_space<hbm>> -> memref<128x128xf32, #tpu.memory_space<hbm>>
    tpu.wait_dma2 semaphore(%arg12 : memref<!tpu.dma_semaphore, #tpu.memory_space<semaphore_mem>>) src(%arg8 : memref<128x128xf32, #tpu.memory_space<vmem>>) dst(%dma_wait3A_579 : memref<128x128xf32, #tpu.memory_space<hbm>>)
    %dma_wait3A_580 = arith.constant 0 : i32
    %dma_wait3A_581 = tpu.memref_slice %arg5[%add3A_129, %dma_wait3A_580] : memref<204800x128xf32, #tpu.memory_space<hbm>> -> memref<128x128xf32, #tpu.memory_space<hbm>>
    %dma_wait3A_582 = arith.constant 0 : i32
    %dma_wait3A_583 = tpu.memref_slice %arg5[%add3A_129, %dma_wait3A_582] : memref<204800x128xf32, #tpu.memory_space<hbm>> -> memref<128x128xf32, #tpu.memory_space<hbm>>
    tpu.wait_dma2 semaphore(%arg12 : memref<!tpu.dma_semaphore, #tpu.memory_space<semaphore_mem>>) src(%arg8 : memref<128x128xf32, #tpu.memory_space<vmem>>) dst(%dma_wait3A_583 : memref<128x128xf32, #tpu.memory_space<hbm>>)
    %dma_wait3A_584 = arith.constant 0 : i32
    %dma_wait3A_585 = tpu.memref_slice %arg5[%add3A_135, %dma_wait3A_584] : memref<204800x128xf32, #tpu.memory_space<hbm>> -> memref<128x128xf32, #tpu.memory_space<hbm>>
    %dma_wait3A_586 = arith.constant 0 : i32
    %dma_wait3A_587 = tpu.memref_slice %arg5[%add3A_135, %dma_wait3A_586] : memref<204800x128xf32, #tpu.memory_space<hbm>> -> memref<128x128xf32, #tpu.memory_space<hbm>>
    tpu.wait_dma2 semaphore(%arg12 : memref<!tpu.dma_semaphore, #tpu.memory_space<semaphore_mem>>) src(%arg8 : memref<128x128xf32, #tpu.memory_space<vmem>>) dst(%dma_wait3A_587 : memref<128x128xf32, #tpu.memory_space<hbm>>)
    %dma_wait3A_588 = arith.constant 0 : i32
    %dma_wait3A_589 = tpu.memref_slice %arg5[%add3A_141, %dma_wait3A_588] : memref<204800x128xf32, #tpu.memory_space<hbm>> -> memref<128x128xf32, #tpu.memory_space<hbm>>
    %dma_wait3A_590 = arith.constant 0 : i32
    %dma_wait3A_591 = tpu.memref_slice %arg5[%add3A_141, %dma_wait3A_590] : memref<204800x128xf32, #tpu.memory_space<hbm>> -> memref<128x128xf32, #tpu.memory_space<hbm>>
    tpu.wait_dma2 semaphore(%arg12 : memref<!tpu.dma_semaphore, #tpu.memory_space<semaphore_mem>>) src(%arg8 : memref<128x128xf32, #tpu.memory_space<vmem>>) dst(%dma_wait3A_591 : memref<128x128xf32, #tpu.memory_space<hbm>>)
    %dma_wait3A_592 = arith.constant 0 : i32
    %dma_wait3A_593 = tpu.memref_slice %arg5[%add3A_147, %dma_wait3A_592] : memref<204800x128xf32, #tpu.memory_space<hbm>> -> memref<128x128xf32, #tpu.memory_space<hbm>>
    %dma_wait3A_594 = arith.constant 0 : i32
    %dma_wait3A_595 = tpu.memref_slice %arg5[%add3A_147, %dma_wait3A_594] : memref<204800x128xf32, #tpu.memory_space<hbm>> -> memref<128x128xf32, #tpu.memory_space<hbm>>
    tpu.wait_dma2 semaphore(%arg12 : memref<!tpu.dma_semaphore, #tpu.memory_space<semaphore_mem>>) src(%arg8 : memref<128x128xf32, #tpu.memory_space<vmem>>) dst(%dma_wait3A_595 : memref<128x128xf32, #tpu.memory_space<hbm>>)
    %dma_wait3A_596 = arith.constant 0 : i32
    %dma_wait3A_597 = tpu.memref_slice %arg5[%add3A_153, %dma_wait3A_596] : memref<204800x128xf32, #tpu.memory_space<hbm>> -> memref<128x128xf32, #tpu.memory_space<hbm>>
    %dma_wait3A_598 = arith.constant 0 : i32
    %dma_wait3A_599 = tpu.memref_slice %arg5[%add3A_153, %dma_wait3A_598] : memref<204800x128xf32, #tpu.memory_space<hbm>> -> memref<128x128xf32, #tpu.memory_space<hbm>>
    tpu.wait_dma2 semaphore(%arg12 : memref<!tpu.dma_semaphore, #tpu.memory_space<semaphore_mem>>) src(%arg8 : memref<128x128xf32, #tpu.memory_space<vmem>>) dst(%dma_wait3A_599 : memref<128x128xf32, #tpu.memory_space<hbm>>)
    %dma_wait3A_600 = arith.constant 0 : i32
    %dma_wait3A_601 = tpu.memref_slice %arg5[%add3A_159, %dma_wait3A_600] : memref<204800x128xf32, #tpu.memory_space<hbm>> -> memref<128x128xf32, #tpu.memory_space<hbm>>
    %dma_wait3A_602 = arith.constant 0 : i32
    %dma_wait3A_603 = tpu.memref_slice %arg5[%add3A_159, %dma_wait3A_602] : memref<204800x128xf32, #tpu.memory_space<hbm>> -> memref<128x128xf32, #tpu.memory_space<hbm>>
    tpu.wait_dma2 semaphore(%arg12 : memref<!tpu.dma_semaphore, #tpu.memory_space<semaphore_mem>>) src(%arg8 : memref<128x128xf32, #tpu.memory_space<vmem>>) dst(%dma_wait3A_603 : memref<128x128xf32, #tpu.memory_space<hbm>>)
    %dma_wait3A_604 = arith.constant 0 : i32
    %dma_wait3A_605 = tpu.memref_slice %arg5[%add3A_165, %dma_wait3A_604] : memref<204800x128xf32, #tpu.memory_space<hbm>> -> memref<128x128xf32, #tpu.memory_space<hbm>>
    %dma_wait3A_606 = arith.constant 0 : i32
    %dma_wait3A_607 = tpu.memref_slice %arg5[%add3A_165, %dma_wait3A_606] : memref<204800x128xf32, #tpu.memory_space<hbm>> -> memref<128x128xf32, #tpu.memory_space<hbm>>
    tpu.wait_dma2 semaphore(%arg12 : memref<!tpu.dma_semaphore, #tpu.memory_space<semaphore_mem>>) src(%arg8 : memref<128x128xf32, #tpu.memory_space<vmem>>) dst(%dma_wait3A_607 : memref<128x128xf32, #tpu.memory_space<hbm>>)
    %dma_wait3A_608 = arith.constant 0 : i32
    %dma_wait3A_609 = tpu.memref_slice %arg5[%add3A_171, %dma_wait3A_608] : memref<204800x128xf32, #tpu.memory_space<hbm>> -> memref<128x128xf32, #tpu.memory_space<hbm>>
    %dma_wait3A_610 = arith.constant 0 : i32
    %dma_wait3A_611 = tpu.memref_slice %arg5[%add3A_171, %dma_wait3A_610] : memref<204800x128xf32, #tpu.memory_space<hbm>> -> memref<128x128xf32, #tpu.memory_space<hbm>>
    tpu.wait_dma2 semaphore(%arg12 : memref<!tpu.dma_semaphore, #tpu.memory_space<semaphore_mem>>) src(%arg8 : memref<128x128xf32, #tpu.memory_space<vmem>>) dst(%dma_wait3A_611 : memref<128x128xf32, #tpu.memory_space<hbm>>)
    %dma_wait3A_612 = arith.constant 0 : i32
    %dma_wait3A_613 = tpu.memref_slice %arg5[%add3A_177, %dma_wait3A_612] : memref<204800x128xf32, #tpu.memory_space<hbm>> -> memref<128x128xf32, #tpu.memory_space<hbm>>
    %dma_wait3A_614 = arith.constant 0 : i32
    %dma_wait3A_615 = tpu.memref_slice %arg5[%add3A_177, %dma_wait3A_614] : memref<204800x128xf32, #tpu.memory_space<hbm>> -> memref<128x128xf32, #tpu.memory_space<hbm>>
    tpu.wait_dma2 semaphore(%arg12 : memref<!tpu.dma_semaphore, #tpu.memory_space<semaphore_mem>>) src(%arg8 : memref<128x128xf32, #tpu.memory_space<vmem>>) dst(%dma_wait3A_615 : memref<128x128xf32, #tpu.memory_space<hbm>>)
    %dma_wait3A_616 = arith.constant 0 : i32
    %dma_wait3A_617 = tpu.memref_slice %arg5[%add3A_183, %dma_wait3A_616] : memref<204800x128xf32, #tpu.memory_space<hbm>> -> memref<128x128xf32, #tpu.memory_space<hbm>>
    %dma_wait3A_618 = arith.constant 0 : i32
    %dma_wait3A_619 = tpu.memref_slice %arg5[%add3A_183, %dma_wait3A_618] : memref<204800x128xf32, #tpu.memory_space<hbm>> -> memref<128x128xf32, #tpu.memory_space<hbm>>
    tpu.wait_dma2 semaphore(%arg12 : memref<!tpu.dma_semaphore, #tpu.memory_space<semaphore_mem>>) src(%arg8 : memref<128x128xf32, #tpu.memory_space<vmem>>) dst(%dma_wait3A_619 : memref<128x128xf32, #tpu.memory_space<hbm>>)
    %dma_wait3A_620 = arith.constant 0 : i32
    %dma_wait3A_621 = tpu.memref_slice %arg5[%add3A_189, %dma_wait3A_620] : memref<204800x128xf32, #tpu.memory_space<hbm>> -> memref<128x128xf32, #tpu.memory_space<hbm>>
    %dma_wait3A_622 = arith.constant 0 : i32
    %dma_wait3A_623 = tpu.memref_slice %arg5[%add3A_189, %dma_wait3A_622] : memref<204800x128xf32, #tpu.memory_space<hbm>> -> memref<128x128xf32, #tpu.memory_space<hbm>>
    tpu.wait_dma2 semaphore(%arg12 : memref<!tpu.dma_semaphore, #tpu.memory_space<semaphore_mem>>) src(%arg8 : memref<128x128xf32, #tpu.memory_space<vmem>>) dst(%dma_wait3A_623 : memref<128x128xf32, #tpu.memory_space<hbm>>)
    %dma_wait3A_624 = arith.constant 0 : i32
    %dma_wait3A_625 = tpu.memref_slice %arg5[%add3A_195, %dma_wait3A_624] : memref<204800x128xf32, #tpu.memory_space<hbm>> -> memref<128x128xf32, #tpu.memory_space<hbm>>
    %dma_wait3A_626 = arith.constant 0 : i32
    %dma_wait3A_627 = tpu.memref_slice %arg5[%add3A_195, %dma_wait3A_626] : memref<204800x128xf32, #tpu.memory_space<hbm>> -> memref<128x128xf32, #tpu.memory_space<hbm>>
    tpu.wait_dma2 semaphore(%arg12 : memref<!tpu.dma_semaphore, #tpu.memory_space<semaphore_mem>>) src(%arg8 : memref<128x128xf32, #tpu.memory_space<vmem>>) dst(%dma_wait3A_627 : memref<128x128xf32, #tpu.memory_space<hbm>>)
    %dma_wait3A_628 = arith.constant 0 : i32
    %dma_wait3A_629 = tpu.memref_slice %arg5[%add3A_201, %dma_wait3A_628] : memref<204800x128xf32, #tpu.memory_space<hbm>> -> memref<128x128xf32, #tpu.memory_space<hbm>>
    %dma_wait3A_630 = arith.constant 0 : i32
    %dma_wait3A_631 = tpu.memref_slice %arg5[%add3A_201, %dma_wait3A_630] : memref<204800x128xf32, #tpu.memory_space<hbm>> -> memref<128x128xf32, #tpu.memory_space<hbm>>
    tpu.wait_dma2 semaphore(%arg12 : memref<!tpu.dma_semaphore, #tpu.memory_space<semaphore_mem>>) src(%arg8 : memref<128x128xf32, #tpu.memory_space<vmem>>) dst(%dma_wait3A_631 : memref<128x128xf32, #tpu.memory_space<hbm>>)
    %dma_wait3A_632 = arith.constant 0 : i32
    %dma_wait3A_633 = tpu.memref_slice %arg5[%add3A_207, %dma_wait3A_632] : memref<204800x128xf32, #tpu.memory_space<hbm>> -> memref<128x128xf32, #tpu.memory_space<hbm>>
    %dma_wait3A_634 = arith.constant 0 : i32
    %dma_wait3A_635 = tpu.memref_slice %arg5[%add3A_207, %dma_wait3A_634] : memref<204800x128xf32, #tpu.memory_space<hbm>> -> memref<128x128xf32, #tpu.memory_space<hbm>>
    tpu.wait_dma2 semaphore(%arg12 : memref<!tpu.dma_semaphore, #tpu.memory_space<semaphore_mem>>) src(%arg8 : memref<128x128xf32, #tpu.memory_space<vmem>>) dst(%dma_wait3A_635 : memref<128x128xf32, #tpu.memory_space<hbm>>)
    %dma_wait3A_636 = arith.constant 0 : i32
    %dma_wait3A_637 = tpu.memref_slice %arg5[%add3A_213, %dma_wait3A_636] : memref<204800x128xf32, #tpu.memory_space<hbm>> -> memref<128x128xf32, #tpu.memory_space<hbm>>
    %dma_wait3A_638 = arith.constant 0 : i32
    %dma_wait3A_639 = tpu.memref_slice %arg5[%add3A_213, %dma_wait3A_638] : memref<204800x128xf32, #tpu.memory_space<hbm>> -> memref<128x128xf32, #tpu.memory_space<hbm>>
    tpu.wait_dma2 semaphore(%arg12 : memref<!tpu.dma_semaphore, #tpu.memory_space<semaphore_mem>>) src(%arg8 : memref<128x128xf32, #tpu.memory_space<vmem>>) dst(%dma_wait3A_639 : memref<128x128xf32, #tpu.memory_space<hbm>>)
    %dma_wait3A_640 = arith.constant 0 : i32
    %dma_wait3A_641 = tpu.memref_slice %arg5[%add3A_219, %dma_wait3A_640] : memref<204800x128xf32, #tpu.memory_space<hbm>> -> memref<128x128xf32, #tpu.memory_space<hbm>>
    %dma_wait3A_642 = arith.constant 0 : i32
    %dma_wait3A_643 = tpu.memref_slice %arg5[%add3A_219, %dma_wait3A_642] : memref<204800x128xf32, #tpu.memory_space<hbm>> -> memref<128x128xf32, #tpu.memory_space<hbm>>
    tpu.wait_dma2 semaphore(%arg12 : memref<!tpu.dma_semaphore, #tpu.memory_space<semaphore_mem>>) src(%arg8 : memref<128x128xf32, #tpu.memory_space<vmem>>) dst(%dma_wait3A_643 : memref<128x128xf32, #tpu.memory_space<hbm>>)
    %dma_wait3A_644 = arith.constant 0 : i32
    %dma_wait3A_645 = tpu.memref_slice %arg5[%add3A_225, %dma_wait3A_644] : memref<204800x128xf32, #tpu.memory_space<hbm>> -> memref<128x128xf32, #tpu.memory_space<hbm>>
    %dma_wait3A_646 = arith.constant 0 : i32
    %dma_wait3A_647 = tpu.memref_slice %arg5[%add3A_225, %dma_wait3A_646] : memref<204800x128xf32, #tpu.memory_space<hbm>> -> memref<128x128xf32, #tpu.memory_space<hbm>>
    tpu.wait_dma2 semaphore(%arg12 : memref<!tpu.dma_semaphore, #tpu.memory_space<semaphore_mem>>) src(%arg8 : memref<128x128xf32, #tpu.memory_space<vmem>>) dst(%dma_wait3A_647 : memref<128x128xf32, #tpu.memory_space<hbm>>)
    %dma_wait3A_648 = arith.constant 0 : i32
    %dma_wait3A_649 = tpu.memref_slice %arg5[%add3A_231, %dma_wait3A_648] : memref<204800x128xf32, #tpu.memory_space<hbm>> -> memref<128x128xf32, #tpu.memory_space<hbm>>
    %dma_wait3A_650 = arith.constant 0 : i32
    %dma_wait3A_651 = tpu.memref_slice %arg5[%add3A_231, %dma_wait3A_650] : memref<204800x128xf32, #tpu.memory_space<hbm>> -> memref<128x128xf32, #tpu.memory_space<hbm>>
    tpu.wait_dma2 semaphore(%arg12 : memref<!tpu.dma_semaphore, #tpu.memory_space<semaphore_mem>>) src(%arg8 : memref<128x128xf32, #tpu.memory_space<vmem>>) dst(%dma_wait3A_651 : memref<128x128xf32, #tpu.memory_space<hbm>>)
    %dma_wait3A_652 = arith.constant 0 : i32
    %dma_wait3A_653 = tpu.memref_slice %arg5[%add3A_237, %dma_wait3A_652] : memref<204800x128xf32, #tpu.memory_space<hbm>> -> memref<128x128xf32, #tpu.memory_space<hbm>>
    %dma_wait3A_654 = arith.constant 0 : i32
    %dma_wait3A_655 = tpu.memref_slice %arg5[%add3A_237, %dma_wait3A_654] : memref<204800x128xf32, #tpu.memory_space<hbm>> -> memref<128x128xf32, #tpu.memory_space<hbm>>
    tpu.wait_dma2 semaphore(%arg12 : memref<!tpu.dma_semaphore, #tpu.memory_space<semaphore_mem>>) src(%arg8 : memref<128x128xf32, #tpu.memory_space<vmem>>) dst(%dma_wait3A_655 : memref<128x128xf32, #tpu.memory_space<hbm>>)
    %dma_wait3A_656 = arith.constant 0 : i32
    %dma_wait3A_657 = tpu.memref_slice %arg5[%add3A_243, %dma_wait3A_656] : memref<204800x128xf32, #tpu.memory_space<hbm>> -> memref<128x128xf32, #tpu.memory_space<hbm>>
    %dma_wait3A_658 = arith.constant 0 : i32
    %dma_wait3A_659 = tpu.memref_slice %arg5[%add3A_243, %dma_wait3A_658] : memref<204800x128xf32, #tpu.memory_space<hbm>> -> memref<128x128xf32, #tpu.memory_space<hbm>>
    tpu.wait_dma2 semaphore(%arg12 : memref<!tpu.dma_semaphore, #tpu.memory_space<semaphore_mem>>) src(%arg8 : memref<128x128xf32, #tpu.memory_space<vmem>>) dst(%dma_wait3A_659 : memref<128x128xf32, #tpu.memory_space<hbm>>)
    %dma_wait3A_660 = arith.constant 0 : i32
    %dma_wait3A_661 = tpu.memref_slice %arg5[%add3A_249, %dma_wait3A_660] : memref<204800x128xf32, #tpu.memory_space<hbm>> -> memref<128x128xf32, #tpu.memory_space<hbm>>
    %dma_wait3A_662 = arith.constant 0 : i32
    %dma_wait3A_663 = tpu.memref_slice %arg5[%add3A_249, %dma_wait3A_662] : memref<204800x128xf32, #tpu.memory_space<hbm>> -> memref<128x128xf32, #tpu.memory_space<hbm>>
    tpu.wait_dma2 semaphore(%arg12 : memref<!tpu.dma_semaphore, #tpu.memory_space<semaphore_mem>>) src(%arg8 : memref<128x128xf32, #tpu.memory_space<vmem>>) dst(%dma_wait3A_663 : memref<128x128xf32, #tpu.memory_space<hbm>>)
    %dma_wait3A_664 = arith.constant 0 : i32
    %dma_wait3A_665 = tpu.memref_slice %arg5[%add3A_255, %dma_wait3A_664] : memref<204800x128xf32, #tpu.memory_space<hbm>> -> memref<128x128xf32, #tpu.memory_space<hbm>>
    %dma_wait3A_666 = arith.constant 0 : i32
    %dma_wait3A_667 = tpu.memref_slice %arg5[%add3A_255, %dma_wait3A_666] : memref<204800x128xf32, #tpu.memory_space<hbm>> -> memref<128x128xf32, #tpu.memory_space<hbm>>
    tpu.wait_dma2 semaphore(%arg12 : memref<!tpu.dma_semaphore, #tpu.memory_space<semaphore_mem>>) src(%arg8 : memref<128x128xf32, #tpu.memory_space<vmem>>) dst(%dma_wait3A_667 : memref<128x128xf32, #tpu.memory_space<hbm>>)
    %dma_wait3A_668 = arith.constant 0 : i32
    %dma_wait3A_669 = tpu.memref_slice %arg5[%add3A_261, %dma_wait3A_668] : memref<204800x128xf32, #tpu.memory_space<hbm>> -> memref<128x128xf32, #tpu.memory_space<hbm>>
    %dma_wait3A_670 = arith.constant 0 : i32
    %dma_wait3A_671 = tpu.memref_slice %arg5[%add3A_261, %dma_wait3A_670] : memref<204800x128xf32, #tpu.memory_space<hbm>> -> memref<128x128xf32, #tpu.memory_space<hbm>>
    tpu.wait_dma2 semaphore(%arg12 : memref<!tpu.dma_semaphore, #tpu.memory_space<semaphore_mem>>) src(%arg8 : memref<128x128xf32, #tpu.memory_space<vmem>>) dst(%dma_wait3A_671 : memref<128x128xf32, #tpu.memory_space<hbm>>)
    %dma_wait3A_672 = arith.constant 0 : i32
    %dma_wait3A_673 = tpu.memref_slice %arg5[%add3A_267, %dma_wait3A_672] : memref<204800x128xf32, #tpu.memory_space<hbm>> -> memref<128x128xf32, #tpu.memory_space<hbm>>
    %dma_wait3A_674 = arith.constant 0 : i32
    %dma_wait3A_675 = tpu.memref_slice %arg5[%add3A_267, %dma_wait3A_674] : memref<204800x128xf32, #tpu.memory_space<hbm>> -> memref<128x128xf32, #tpu.memory_space<hbm>>
    tpu.wait_dma2 semaphore(%arg12 : memref<!tpu.dma_semaphore, #tpu.memory_space<semaphore_mem>>) src(%arg8 : memref<128x128xf32, #tpu.memory_space<vmem>>) dst(%dma_wait3A_675 : memref<128x128xf32, #tpu.memory_space<hbm>>)
    %dma_wait3A_676 = arith.constant 0 : i32
    %dma_wait3A_677 = tpu.memref_slice %arg5[%add3A_273, %dma_wait3A_676] : memref<204800x128xf32, #tpu.memory_space<hbm>> -> memref<128x128xf32, #tpu.memory_space<hbm>>
    %dma_wait3A_678 = arith.constant 0 : i32
    %dma_wait3A_679 = tpu.memref_slice %arg5[%add3A_273, %dma_wait3A_678] : memref<204800x128xf32, #tpu.memory_space<hbm>> -> memref<128x128xf32, #tpu.memory_space<hbm>>
    tpu.wait_dma2 semaphore(%arg12 : memref<!tpu.dma_semaphore, #tpu.memory_space<semaphore_mem>>) src(%arg8 : memref<128x128xf32, #tpu.memory_space<vmem>>) dst(%dma_wait3A_679 : memref<128x128xf32, #tpu.memory_space<hbm>>)
    %dma_wait3A_680 = arith.constant 0 : i32
    %dma_wait3A_681 = tpu.memref_slice %arg5[%add3A_279, %dma_wait3A_680] : memref<204800x128xf32, #tpu.memory_space<hbm>> -> memref<128x128xf32, #tpu.memory_space<hbm>>
    %dma_wait3A_682 = arith.constant 0 : i32
    %dma_wait3A_683 = tpu.memref_slice %arg5[%add3A_279, %dma_wait3A_682] : memref<204800x128xf32, #tpu.memory_space<hbm>> -> memref<128x128xf32, #tpu.memory_space<hbm>>
    tpu.wait_dma2 semaphore(%arg12 : memref<!tpu.dma_semaphore, #tpu.memory_space<semaphore_mem>>) src(%arg8 : memref<128x128xf32, #tpu.memory_space<vmem>>) dst(%dma_wait3A_683 : memref<128x128xf32, #tpu.memory_space<hbm>>)
    %dma_wait3A_684 = arith.constant 0 : i32
    %dma_wait3A_685 = tpu.memref_slice %arg5[%add3A_285, %dma_wait3A_684] : memref<204800x128xf32, #tpu.memory_space<hbm>> -> memref<128x128xf32, #tpu.memory_space<hbm>>
    %dma_wait3A_686 = arith.constant 0 : i32
    %dma_wait3A_687 = tpu.memref_slice %arg5[%add3A_285, %dma_wait3A_686] : memref<204800x128xf32, #tpu.memory_space<hbm>> -> memref<128x128xf32, #tpu.memory_space<hbm>>
    tpu.wait_dma2 semaphore(%arg12 : memref<!tpu.dma_semaphore, #tpu.memory_space<semaphore_mem>>) src(%arg8 : memref<128x128xf32, #tpu.memory_space<vmem>>) dst(%dma_wait3A_687 : memref<128x128xf32, #tpu.memory_space<hbm>>)
    %dma_wait3A_688 = arith.constant 0 : i32
    %dma_wait3A_689 = tpu.memref_slice %arg5[%add3A_291, %dma_wait3A_688] : memref<204800x128xf32, #tpu.memory_space<hbm>> -> memref<128x128xf32, #tpu.memory_space<hbm>>
    %dma_wait3A_690 = arith.constant 0 : i32
    %dma_wait3A_691 = tpu.memref_slice %arg5[%add3A_291, %dma_wait3A_690] : memref<204800x128xf32, #tpu.memory_space<hbm>> -> memref<128x128xf32, #tpu.memory_space<hbm>>
    tpu.wait_dma2 semaphore(%arg12 : memref<!tpu.dma_semaphore, #tpu.memory_space<semaphore_mem>>) src(%arg8 : memref<128x128xf32, #tpu.memory_space<vmem>>) dst(%dma_wait3A_691 : memref<128x128xf32, #tpu.memory_space<hbm>>)
    %dma_wait3A_692 = arith.constant 0 : i32
    %dma_wait3A_693 = tpu.memref_slice %arg5[%add3A_297, %dma_wait3A_692] : memref<204800x128xf32, #tpu.memory_space<hbm>> -> memref<128x128xf32, #tpu.memory_space<hbm>>
    %dma_wait3A_694 = arith.constant 0 : i32
    %dma_wait3A_695 = tpu.memref_slice %arg5[%add3A_297, %dma_wait3A_694] : memref<204800x128xf32, #tpu.memory_space<hbm>> -> memref<128x128xf32, #tpu.memory_space<hbm>>
    tpu.wait_dma2 semaphore(%arg12 : memref<!tpu.dma_semaphore, #tpu.memory_space<semaphore_mem>>) src(%arg8 : memref<128x128xf32, #tpu.memory_space<vmem>>) dst(%dma_wait3A_695 : memref<128x128xf32, #tpu.memory_space<hbm>>)
    %gt3A = arith.constant 0 : i32
    %gt3A_696 = arith.cmpi sgt, %scan3A_308#0, %gt3A : i32
    %convert_element_type3A = arith.extui %gt3A_696 : i1 to i32
    %cond3A = arith.constant 0 : i32
    %cond3A_697 = arith.cmpi ne, %convert_element_type3A, %cond3A : i32
    scf.if %cond3A_697 {
      "tpu.region"() ({
        %run_scoped3A_943 = tpu.sem_alloc : memref<!tpu.dma_semaphore, #tpu.memory_space<semaphore_mem>>
        %dma_start3A_944 = arith.constant 0 : i32
        %dma_start3A_945 = tpu.memref_slice %arg10[%dma_start3A_944] : memref<6400xi32, #tpu.memory_space<vmem>> -> memref<128xi32, #tpu.memory_space<vmem>>
        %dma_start3A_946 = arith.constant 0 : i32
        %dma_start3A_947 = arith.constant 0 : i32
        %dma_start3A_948 = tpu.memref_slice %arg4[%dma_start3A_946, %dma_start3A_947] : memref<2024x128xf32, #tpu.memory_space<hbm>> -> memref<2024x128xf32, #tpu.memory_space<hbm>>
        tpu.enqueue_indirect_dma source(%dma_start3A_948 : memref<2024x128xf32, #tpu.memory_space<hbm>>) target(%arg9 : memref<128x128xf32, #tpu.memory_space<vmem>>) offsets(%dma_start3A_945 : memref<128xi32, #tpu.memory_space<vmem>>) semaphore(%run_scoped3A_943 : memref<!tpu.dma_semaphore, #tpu.memory_space<semaphore_mem>>)
        %dma_wait3A_949 = arith.constant 0 : i32
        %dma_wait3A_950 = tpu.memref_slice %arg10[%dma_wait3A_949] : memref<6400xi32, #tpu.memory_space<vmem>> -> memref<128xi32, #tpu.memory_space<vmem>>
        %dma_wait3A_951 = arith.constant 0 : i32
        %dma_wait3A_952 = arith.constant 0 : i32
        %dma_wait3A_953 = tpu.memref_slice %arg4[%dma_wait3A_951, %dma_wait3A_952] : memref<2024x128xf32, #tpu.memory_space<hbm>> -> memref<2024x128xf32, #tpu.memory_space<hbm>>
        tpu.wait_indirect_dma semaphore(%run_scoped3A_943 : memref<!tpu.dma_semaphore, #tpu.memory_space<semaphore_mem>>) src(%dma_wait3A_953 : memref<2024x128xf32, #tpu.memory_space<hbm>>) dst(%arg9 : memref<128x128xf32, #tpu.memory_space<vmem>>)
        tpu.yield
      }) : () -> ()
      %run_scoped3A = arith.constant 0 : i32
      "tpu.region"() ({
        %run_scoped3A_943 = tpu.sem_alloc : memref<!tpu.dma_semaphore, #tpu.memory_space<semaphore_mem>>
        %dma_start3A_944 = arith.constant 0 : i32
        %dma_start3A_945 = tpu.memref_slice %arg11[%run_scoped3A, %dma_start3A_944] : memref<50x128xi32, #tpu.memory_space<vmem>> -> memref<1x128xi32, #tpu.memory_space<vmem>>
        %dma_start3A_946 = tpu.memref_squeeze %dma_start3A_945 : memref<1x128xi32, #tpu.memory_space<vmem>> -> memref<128xi32, #tpu.memory_space<vmem>>
        %dma_start3A_947 = arith.constant 0 : i32
        %dma_start3A_948 = arith.constant 0 : i32
        %dma_start3A_949 = tpu.memref_slice %arg5[%dma_start3A_947, %dma_start3A_948] : memref<204800x128xf32, #tpu.memory_space<hbm>> -> memref<204800x128xf32, #tpu.memory_space<hbm>>
        tpu.enqueue_indirect_dma source(%arg9 : memref<128x128xf32, #tpu.memory_space<vmem>>) target(%dma_start3A_949 : memref<204800x128xf32, #tpu.memory_space<hbm>>) offsets(%dma_start3A_946 : memref<128xi32, #tpu.memory_space<vmem>>) semaphore(%run_scoped3A_943 : memref<!tpu.dma_semaphore, #tpu.memory_space<semaphore_mem>>)
        %dma_wait3A_950 = arith.constant 0 : i32
        %dma_wait3A_951 = tpu.memref_slice %arg11[%run_scoped3A, %dma_wait3A_950] : memref<50x128xi32, #tpu.memory_space<vmem>> -> memref<1x128xi32, #tpu.memory_space<vmem>>
        %dma_wait3A_952 = tpu.memref_squeeze %dma_wait3A_951 : memref<1x128xi32, #tpu.memory_space<vmem>> -> memref<128xi32, #tpu.memory_space<vmem>>
        %dma_wait3A_953 = arith.constant 0 : i32
        %dma_wait3A_954 = arith.constant 0 : i32
        %dma_wait3A_955 = tpu.memref_slice %arg5[%dma_wait3A_953, %dma_wait3A_954] : memref<204800x128xf32, #tpu.memory_space<hbm>> -> memref<204800x128xf32, #tpu.memory_space<hbm>>
        tpu.wait_indirect_dma semaphore(%run_scoped3A_943 : memref<!tpu.dma_semaphore, #tpu.memory_space<semaphore_mem>>) src(%arg9 : memref<128x128xf32, #tpu.memory_space<vmem>>) dst(%dma_wait3A_955 : memref<204800x128xf32, #tpu.memory_space<hbm>>)
        tpu.yield
      }) : () -> ()
    } else {
    }
    %gt3A_698 = arith.constant 128 : i32
    %gt3A_699 = arith.cmpi sgt, %scan3A_308#0, %gt3A_698 : i32
    %convert_element_type3A_700 = arith.extui %gt3A_699 : i1 to i32
    %cond3A_701 = arith.constant 0 : i32
    %cond3A_702 = arith.cmpi ne, %convert_element_type3A_700, %cond3A_701 : i32
    scf.if %cond3A_702 {
      "tpu.region"() ({
        %run_scoped3A_943 = tpu.sem_alloc : memref<!tpu.dma_semaphore, #tpu.memory_space<semaphore_mem>>
        %dma_start3A_944 = arith.constant 128 : i32
        %dma_start3A_945 = tpu.memref_slice %arg10[%dma_start3A_944] : memref<6400xi32, #tpu.memory_space<vmem>> -> memref<128xi32, #tpu.memory_space<vmem>>
        %dma_start3A_946 = arith.constant 0 : i32
        %dma_start3A_947 = arith.constant 0 : i32
        %dma_start3A_948 = tpu.memref_slice %arg4[%dma_start3A_946, %dma_start3A_947] : memref<2024x128xf32, #tpu.memory_space<hbm>> -> memref<2024x128xf32, #tpu.memory_space<hbm>>
        tpu.enqueue_indirect_dma source(%dma_start3A_948 : memref<2024x128xf32, #tpu.memory_space<hbm>>) target(%arg9 : memref<128x128xf32, #tpu.memory_space<vmem>>) offsets(%dma_start3A_945 : memref<128xi32, #tpu.memory_space<vmem>>) semaphore(%run_scoped3A_943 : memref<!tpu.dma_semaphore, #tpu.memory_space<semaphore_mem>>)
        %dma_wait3A_949 = arith.constant 128 : i32
        %dma_wait3A_950 = tpu.memref_slice %arg10[%dma_wait3A_949] : memref<6400xi32, #tpu.memory_space<vmem>> -> memref<128xi32, #tpu.memory_space<vmem>>
        %dma_wait3A_951 = arith.constant 0 : i32
        %dma_wait3A_952 = arith.constant 0 : i32
        %dma_wait3A_953 = tpu.memref_slice %arg4[%dma_wait3A_951, %dma_wait3A_952] : memref<2024x128xf32, #tpu.memory_space<hbm>> -> memref<2024x128xf32, #tpu.memory_space<hbm>>
        tpu.wait_indirect_dma semaphore(%run_scoped3A_943 : memref<!tpu.dma_semaphore, #tpu.memory_space<semaphore_mem>>) src(%dma_wait3A_953 : memref<2024x128xf32, #tpu.memory_space<hbm>>) dst(%arg9 : memref<128x128xf32, #tpu.memory_space<vmem>>)
        tpu.yield
      }) : () -> ()
      %run_scoped3A = arith.constant 1 : i32
      "tpu.region"() ({
        %run_scoped3A_943 = tpu.sem_alloc : memref<!tpu.dma_semaphore, #tpu.memory_space<semaphore_mem>>
        %dma_start3A_944 = arith.constant 0 : i32
        %dma_start3A_945 = tpu.memref_slice %arg11[%run_scoped3A, %dma_start3A_944] : memref<50x128xi32, #tpu.memory_space<vmem>> -> memref<1x128xi32, #tpu.memory_space<vmem>>
        %dma_start3A_946 = tpu.memref_squeeze %dma_start3A_945 : memref<1x128xi32, #tpu.memory_space<vmem>> -> memref<128xi32, #tpu.memory_space<vmem>>
        %dma_start3A_947 = arith.constant 0 : i32
        %dma_start3A_948 = arith.constant 0 : i32
        %dma_start3A_949 = tpu.memref_slice %arg5[%dma_start3A_947, %dma_start3A_948] : memref<204800x128xf32, #tpu.memory_space<hbm>> -> memref<204800x128xf32, #tpu.memory_space<hbm>>
        tpu.enqueue_indirect_dma source(%arg9 : memref<128x128xf32, #tpu.memory_space<vmem>>) target(%dma_start3A_949 : memref<204800x128xf32, #tpu.memory_space<hbm>>) offsets(%dma_start3A_946 : memref<128xi32, #tpu.memory_space<vmem>>) semaphore(%run_scoped3A_943 : memref<!tpu.dma_semaphore, #tpu.memory_space<semaphore_mem>>)
        %dma_wait3A_950 = arith.constant 0 : i32
        %dma_wait3A_951 = tpu.memref_slice %arg11[%run_scoped3A, %dma_wait3A_950] : memref<50x128xi32, #tpu.memory_space<vmem>> -> memref<1x128xi32, #tpu.memory_space<vmem>>
        %dma_wait3A_952 = tpu.memref_squeeze %dma_wait3A_951 : memref<1x128xi32, #tpu.memory_space<vmem>> -> memref<128xi32, #tpu.memory_space<vmem>>
        %dma_wait3A_953 = arith.constant 0 : i32
        %dma_wait3A_954 = arith.constant 0 : i32
        %dma_wait3A_955 = tpu.memref_slice %arg5[%dma_wait3A_953, %dma_wait3A_954] : memref<204800x128xf32, #tpu.memory_space<hbm>> -> memref<204800x128xf32, #tpu.memory_space<hbm>>
        tpu.wait_indirect_dma semaphore(%run_scoped3A_943 : memref<!tpu.dma_semaphore, #tpu.memory_space<semaphore_mem>>) src(%arg9 : memref<128x128xf32, #tpu.memory_space<vmem>>) dst(%dma_wait3A_955 : memref<204800x128xf32, #tpu.memory_space<hbm>>)
        tpu.yield
      }) : () -> ()
    } else {
    }
    %gt3A_703 = arith.constant 256 : i32
    %gt3A_704 = arith.cmpi sgt, %scan3A_308#0, %gt3A_703 : i32
    %convert_element_type3A_705 = arith.extui %gt3A_704 : i1 to i32
    %cond3A_706 = arith.constant 0 : i32
    %cond3A_707 = arith.cmpi ne, %convert_element_type3A_705, %cond3A_706 : i32
    scf.if %cond3A_707 {
      "tpu.region"() ({
        %run_scoped3A_943 = tpu.sem_alloc : memref<!tpu.dma_semaphore, #tpu.memory_space<semaphore_mem>>
        %dma_start3A_944 = arith.constant 256 : i32
        %dma_start3A_945 = tpu.memref_slice %arg10[%dma_start3A_944] : memref<6400xi32, #tpu.memory_space<vmem>> -> memref<128xi32, #tpu.memory_space<vmem>>
        %dma_start3A_946 = arith.constant 0 : i32
        %dma_start3A_947 = arith.constant 0 : i32
        %dma_start3A_948 = tpu.memref_slice %arg4[%dma_start3A_946, %dma_start3A_947] : memref<2024x128xf32, #tpu.memory_space<hbm>> -> memref<2024x128xf32, #tpu.memory_space<hbm>>
        tpu.enqueue_indirect_dma source(%dma_start3A_948 : memref<2024x128xf32, #tpu.memory_space<hbm>>) target(%arg9 : memref<128x128xf32, #tpu.memory_space<vmem>>) offsets(%dma_start3A_945 : memref<128xi32, #tpu.memory_space<vmem>>) semaphore(%run_scoped3A_943 : memref<!tpu.dma_semaphore, #tpu.memory_space<semaphore_mem>>)
        %dma_wait3A_949 = arith.constant 256 : i32
        %dma_wait3A_950 = tpu.memref_slice %arg10[%dma_wait3A_949] : memref<6400xi32, #tpu.memory_space<vmem>> -> memref<128xi32, #tpu.memory_space<vmem>>
        %dma_wait3A_951 = arith.constant 0 : i32
        %dma_wait3A_952 = arith.constant 0 : i32
        %dma_wait3A_953 = tpu.memref_slice %arg4[%dma_wait3A_951, %dma_wait3A_952] : memref<2024x128xf32, #tpu.memory_space<hbm>> -> memref<2024x128xf32, #tpu.memory_space<hbm>>
        tpu.wait_indirect_dma semaphore(%run_scoped3A_943 : memref<!tpu.dma_semaphore, #tpu.memory_space<semaphore_mem>>) src(%dma_wait3A_953 : memref<2024x128xf32, #tpu.memory_space<hbm>>) dst(%arg9 : memref<128x128xf32, #tpu.memory_space<vmem>>)
        tpu.yield
      }) : () -> ()
      %run_scoped3A = arith.constant 2 : i32
      "tpu.region"() ({
        %run_scoped3A_943 = tpu.sem_alloc : memref<!tpu.dma_semaphore, #tpu.memory_space<semaphore_mem>>
        %dma_start3A_944 = arith.constant 0 : i32
        %dma_start3A_945 = tpu.memref_slice %arg11[%run_scoped3A, %dma_start3A_944] : memref<50x128xi32, #tpu.memory_space<vmem>> -> memref<1x128xi32, #tpu.memory_space<vmem>>
        %dma_start3A_946 = tpu.memref_squeeze %dma_start3A_945 : memref<1x128xi32, #tpu.memory_space<vmem>> -> memref<128xi32, #tpu.memory_space<vmem>>
        %dma_start3A_947 = arith.constant 0 : i32
        %dma_start3A_948 = arith.constant 0 : i32
        %dma_start3A_949 = tpu.memref_slice %arg5[%dma_start3A_947, %dma_start3A_948] : memref<204800x128xf32, #tpu.memory_space<hbm>> -> memref<204800x128xf32, #tpu.memory_space<hbm>>
        tpu.enqueue_indirect_dma source(%arg9 : memref<128x128xf32, #tpu.memory_space<vmem>>) target(%dma_start3A_949 : memref<204800x128xf32, #tpu.memory_space<hbm>>) offsets(%dma_start3A_946 : memref<128xi32, #tpu.memory_space<vmem>>) semaphore(%run_scoped3A_943 : memref<!tpu.dma_semaphore, #tpu.memory_space<semaphore_mem>>)
        %dma_wait3A_950 = arith.constant 0 : i32
        %dma_wait3A_951 = tpu.memref_slice %arg11[%run_scoped3A, %dma_wait3A_950] : memref<50x128xi32, #tpu.memory_space<vmem>> -> memref<1x128xi32, #tpu.memory_space<vmem>>
        %dma_wait3A_952 = tpu.memref_squeeze %dma_wait3A_951 : memref<1x128xi32, #tpu.memory_space<vmem>> -> memref<128xi32, #tpu.memory_space<vmem>>
        %dma_wait3A_953 = arith.constant 0 : i32
        %dma_wait3A_954 = arith.constant 0 : i32
        %dma_wait3A_955 = tpu.memref_slice %arg5[%dma_wait3A_953, %dma_wait3A_954] : memref<204800x128xf32, #tpu.memory_space<hbm>> -> memref<204800x128xf32, #tpu.memory_space<hbm>>
        tpu.wait_indirect_dma semaphore(%run_scoped3A_943 : memref<!tpu.dma_semaphore, #tpu.memory_space<semaphore_mem>>) src(%arg9 : memref<128x128xf32, #tpu.memory_space<vmem>>) dst(%dma_wait3A_955 : memref<204800x128xf32, #tpu.memory_space<hbm>>)
        tpu.yield
      }) : () -> ()
    } else {
    }
    %gt3A_708 = arith.constant 384 : i32
    %gt3A_709 = arith.cmpi sgt, %scan3A_308#0, %gt3A_708 : i32
    %convert_element_type3A_710 = arith.extui %gt3A_709 : i1 to i32
    %cond3A_711 = arith.constant 0 : i32
    %cond3A_712 = arith.cmpi ne, %convert_element_type3A_710, %cond3A_711 : i32
    scf.if %cond3A_712 {
      "tpu.region"() ({
        %run_scoped3A_943 = tpu.sem_alloc : memref<!tpu.dma_semaphore, #tpu.memory_space<semaphore_mem>>
        %dma_start3A_944 = arith.constant 384 : i32
        %dma_start3A_945 = tpu.memref_slice %arg10[%dma_start3A_944] : memref<6400xi32, #tpu.memory_space<vmem>> -> memref<128xi32, #tpu.memory_space<vmem>>
        %dma_start3A_946 = arith.constant 0 : i32
        %dma_start3A_947 = arith.constant 0 : i32
        %dma_start3A_948 = tpu.memref_slice %arg4[%dma_start3A_946, %dma_start3A_947] : memref<2024x128xf32, #tpu.memory_space<hbm>> -> memref<2024x128xf32, #tpu.memory_space<hbm>>
        tpu.enqueue_indirect_dma source(%dma_start3A_948 : memref<2024x128xf32, #tpu.memory_space<hbm>>) target(%arg9 : memref<128x128xf32, #tpu.memory_space<vmem>>) offsets(%dma_start3A_945 : memref<128xi32, #tpu.memory_space<vmem>>) semaphore(%run_scoped3A_943 : memref<!tpu.dma_semaphore, #tpu.memory_space<semaphore_mem>>)
        %dma_wait3A_949 = arith.constant 384 : i32
        %dma_wait3A_950 = tpu.memref_slice %arg10[%dma_wait3A_949] : memref<6400xi32, #tpu.memory_space<vmem>> -> memref<128xi32, #tpu.memory_space<vmem>>
        %dma_wait3A_951 = arith.constant 0 : i32
        %dma_wait3A_952 = arith.constant 0 : i32
        %dma_wait3A_953 = tpu.memref_slice %arg4[%dma_wait3A_951, %dma_wait3A_952] : memref<2024x128xf32, #tpu.memory_space<hbm>> -> memref<2024x128xf32, #tpu.memory_space<hbm>>
        tpu.wait_indirect_dma semaphore(%run_scoped3A_943 : memref<!tpu.dma_semaphore, #tpu.memory_space<semaphore_mem>>) src(%dma_wait3A_953 : memref<2024x128xf32, #tpu.memory_space<hbm>>) dst(%arg9 : memref<128x128xf32, #tpu.memory_space<vmem>>)
        tpu.yield
      }) : () -> ()
      %run_scoped3A = arith.constant 3 : i32
      "tpu.region"() ({
        %run_scoped3A_943 = tpu.sem_alloc : memref<!tpu.dma_semaphore, #tpu.memory_space<semaphore_mem>>
        %dma_start3A_944 = arith.constant 0 : i32
        %dma_start3A_945 = tpu.memref_slice %arg11[%run_scoped3A, %dma_start3A_944] : memref<50x128xi32, #tpu.memory_space<vmem>> -> memref<1x128xi32, #tpu.memory_space<vmem>>
        %dma_start3A_946 = tpu.memref_squeeze %dma_start3A_945 : memref<1x128xi32, #tpu.memory_space<vmem>> -> memref<128xi32, #tpu.memory_space<vmem>>
        %dma_start3A_947 = arith.constant 0 : i32
        %dma_start3A_948 = arith.constant 0 : i32
        %dma_start3A_949 = tpu.memref_slice %arg5[%dma_start3A_947, %dma_start3A_948] : memref<204800x128xf32, #tpu.memory_space<hbm>> -> memref<204800x128xf32, #tpu.memory_space<hbm>>
        tpu.enqueue_indirect_dma source(%arg9 : memref<128x128xf32, #tpu.memory_space<vmem>>) target(%dma_start3A_949 : memref<204800x128xf32, #tpu.memory_space<hbm>>) offsets(%dma_start3A_946 : memref<128xi32, #tpu.memory_space<vmem>>) semaphore(%run_scoped3A_943 : memref<!tpu.dma_semaphore, #tpu.memory_space<semaphore_mem>>)
        %dma_wait3A_950 = arith.constant 0 : i32
        %dma_wait3A_951 = tpu.memref_slice %arg11[%run_scoped3A, %dma_wait3A_950] : memref<50x128xi32, #tpu.memory_space<vmem>> -> memref<1x128xi32, #tpu.memory_space<vmem>>
        %dma_wait3A_952 = tpu.memref_squeeze %dma_wait3A_951 : memref<1x128xi32, #tpu.memory_space<vmem>> -> memref<128xi32, #tpu.memory_space<vmem>>
        %dma_wait3A_953 = arith.constant 0 : i32
        %dma_wait3A_954 = arith.constant 0 : i32
        %dma_wait3A_955 = tpu.memref_slice %arg5[%dma_wait3A_953, %dma_wait3A_954] : memref<204800x128xf32, #tpu.memory_space<hbm>> -> memref<204800x128xf32, #tpu.memory_space<hbm>>
        tpu.wait_indirect_dma semaphore(%run_scoped3A_943 : memref<!tpu.dma_semaphore, #tpu.memory_space<semaphore_mem>>) src(%arg9 : memref<128x128xf32, #tpu.memory_space<vmem>>) dst(%dma_wait3A_955 : memref<204800x128xf32, #tpu.memory_space<hbm>>)
        tpu.yield
      }) : () -> ()
    } else {
    }
    %gt3A_713 = arith.constant 512 : i32
    %gt3A_714 = arith.cmpi sgt, %scan3A_308#0, %gt3A_713 : i32
    %convert_element_type3A_715 = arith.extui %gt3A_714 : i1 to i32
    %cond3A_716 = arith.constant 0 : i32
    %cond3A_717 = arith.cmpi ne, %convert_element_type3A_715, %cond3A_716 : i32
    scf.if %cond3A_717 {
      "tpu.region"() ({
        %run_scoped3A_943 = tpu.sem_alloc : memref<!tpu.dma_semaphore, #tpu.memory_space<semaphore_mem>>
        %dma_start3A_944 = arith.constant 512 : i32
        %dma_start3A_945 = tpu.memref_slice %arg10[%dma_start3A_944] : memref<6400xi32, #tpu.memory_space<vmem>> -> memref<128xi32, #tpu.memory_space<vmem>>
        %dma_start3A_946 = arith.constant 0 : i32
        %dma_start3A_947 = arith.constant 0 : i32
        %dma_start3A_948 = tpu.memref_slice %arg4[%dma_start3A_946, %dma_start3A_947] : memref<2024x128xf32, #tpu.memory_space<hbm>> -> memref<2024x128xf32, #tpu.memory_space<hbm>>
        tpu.enqueue_indirect_dma source(%dma_start3A_948 : memref<2024x128xf32, #tpu.memory_space<hbm>>) target(%arg9 : memref<128x128xf32, #tpu.memory_space<vmem>>) offsets(%dma_start3A_945 : memref<128xi32, #tpu.memory_space<vmem>>) semaphore(%run_scoped3A_943 : memref<!tpu.dma_semaphore, #tpu.memory_space<semaphore_mem>>)
        %dma_wait3A_949 = arith.constant 512 : i32
        %dma_wait3A_950 = tpu.memref_slice %arg10[%dma_wait3A_949] : memref<6400xi32, #tpu.memory_space<vmem>> -> memref<128xi32, #tpu.memory_space<vmem>>
        %dma_wait3A_951 = arith.constant 0 : i32
        %dma_wait3A_952 = arith.constant 0 : i32
        %dma_wait3A_953 = tpu.memref_slice %arg4[%dma_wait3A_951, %dma_wait3A_952] : memref<2024x128xf32, #tpu.memory_space<hbm>> -> memref<2024x128xf32, #tpu.memory_space<hbm>>
        tpu.wait_indirect_dma semaphore(%run_scoped3A_943 : memref<!tpu.dma_semaphore, #tpu.memory_space<semaphore_mem>>) src(%dma_wait3A_953 : memref<2024x128xf32, #tpu.memory_space<hbm>>) dst(%arg9 : memref<128x128xf32, #tpu.memory_space<vmem>>)
        tpu.yield
      }) : () -> ()
      %run_scoped3A = arith.constant 4 : i32
      "tpu.region"() ({
        %run_scoped3A_943 = tpu.sem_alloc : memref<!tpu.dma_semaphore, #tpu.memory_space<semaphore_mem>>
        %dma_start3A_944 = arith.constant 0 : i32
        %dma_start3A_945 = tpu.memref_slice %arg11[%run_scoped3A, %dma_start3A_944] : memref<50x128xi32, #tpu.memory_space<vmem>> -> memref<1x128xi32, #tpu.memory_space<vmem>>
        %dma_start3A_946 = tpu.memref_squeeze %dma_start3A_945 : memref<1x128xi32, #tpu.memory_space<vmem>> -> memref<128xi32, #tpu.memory_space<vmem>>
        %dma_start3A_947 = arith.constant 0 : i32
        %dma_start3A_948 = arith.constant 0 : i32
        %dma_start3A_949 = tpu.memref_slice %arg5[%dma_start3A_947, %dma_start3A_948] : memref<204800x128xf32, #tpu.memory_space<hbm>> -> memref<204800x128xf32, #tpu.memory_space<hbm>>
        tpu.enqueue_indirect_dma source(%arg9 : memref<128x128xf32, #tpu.memory_space<vmem>>) target(%dma_start3A_949 : memref<204800x128xf32, #tpu.memory_space<hbm>>) offsets(%dma_start3A_946 : memref<128xi32, #tpu.memory_space<vmem>>) semaphore(%run_scoped3A_943 : memref<!tpu.dma_semaphore, #tpu.memory_space<semaphore_mem>>)
        %dma_wait3A_950 = arith.constant 0 : i32
        %dma_wait3A_951 = tpu.memref_slice %arg11[%run_scoped3A, %dma_wait3A_950] : memref<50x128xi32, #tpu.memory_space<vmem>> -> memref<1x128xi32, #tpu.memory_space<vmem>>
        %dma_wait3A_952 = tpu.memref_squeeze %dma_wait3A_951 : memref<1x128xi32, #tpu.memory_space<vmem>> -> memref<128xi32, #tpu.memory_space<vmem>>
        %dma_wait3A_953 = arith.constant 0 : i32
        %dma_wait3A_954 = arith.constant 0 : i32
        %dma_wait3A_955 = tpu.memref_slice %arg5[%dma_wait3A_953, %dma_wait3A_954] : memref<204800x128xf32, #tpu.memory_space<hbm>> -> memref<204800x128xf32, #tpu.memory_space<hbm>>
        tpu.wait_indirect_dma semaphore(%run_scoped3A_943 : memref<!tpu.dma_semaphore, #tpu.memory_space<semaphore_mem>>) src(%arg9 : memref<128x128xf32, #tpu.memory_space<vmem>>) dst(%dma_wait3A_955 : memref<204800x128xf32, #tpu.memory_space<hbm>>)
        tpu.yield
      }) : () -> ()
    } else {
    }
    %gt3A_718 = arith.constant 640 : i32
    %gt3A_719 = arith.cmpi sgt, %scan3A_308#0, %gt3A_718 : i32
    %convert_element_type3A_720 = arith.extui %gt3A_719 : i1 to i32
    %cond3A_721 = arith.constant 0 : i32
    %cond3A_722 = arith.cmpi ne, %convert_element_type3A_720, %cond3A_721 : i32
    scf.if %cond3A_722 {
      "tpu.region"() ({
        %run_scoped3A_943 = tpu.sem_alloc : memref<!tpu.dma_semaphore, #tpu.memory_space<semaphore_mem>>
        %dma_start3A_944 = arith.constant 640 : i32
        %dma_start3A_945 = tpu.memref_slice %arg10[%dma_start3A_944] : memref<6400xi32, #tpu.memory_space<vmem>> -> memref<128xi32, #tpu.memory_space<vmem>>
        %dma_start3A_946 = arith.constant 0 : i32
        %dma_start3A_947 = arith.constant 0 : i32
        %dma_start3A_948 = tpu.memref_slice %arg4[%dma_start3A_946, %dma_start3A_947] : memref<2024x128xf32, #tpu.memory_space<hbm>> -> memref<2024x128xf32, #tpu.memory_space<hbm>>
        tpu.enqueue_indirect_dma source(%dma_start3A_948 : memref<2024x128xf32, #tpu.memory_space<hbm>>) target(%arg9 : memref<128x128xf32, #tpu.memory_space<vmem>>) offsets(%dma_start3A_945 : memref<128xi32, #tpu.memory_space<vmem>>) semaphore(%run_scoped3A_943 : memref<!tpu.dma_semaphore, #tpu.memory_space<semaphore_mem>>)
        %dma_wait3A_949 = arith.constant 640 : i32
        %dma_wait3A_950 = tpu.memref_slice %arg10[%dma_wait3A_949] : memref<6400xi32, #tpu.memory_space<vmem>> -> memref<128xi32, #tpu.memory_space<vmem>>
        %dma_wait3A_951 = arith.constant 0 : i32
        %dma_wait3A_952 = arith.constant 0 : i32
        %dma_wait3A_953 = tpu.memref_slice %arg4[%dma_wait3A_951, %dma_wait3A_952] : memref<2024x128xf32, #tpu.memory_space<hbm>> -> memref<2024x128xf32, #tpu.memory_space<hbm>>
        tpu.wait_indirect_dma semaphore(%run_scoped3A_943 : memref<!tpu.dma_semaphore, #tpu.memory_space<semaphore_mem>>) src(%dma_wait3A_953 : memref<2024x128xf32, #tpu.memory_space<hbm>>) dst(%arg9 : memref<128x128xf32, #tpu.memory_space<vmem>>)
        tpu.yield
      }) : () -> ()
      %run_scoped3A = arith.constant 5 : i32
      "tpu.region"() ({
        %run_scoped3A_943 = tpu.sem_alloc : memref<!tpu.dma_semaphore, #tpu.memory_space<semaphore_mem>>
        %dma_start3A_944 = arith.constant 0 : i32
        %dma_start3A_945 = tpu.memref_slice %arg11[%run_scoped3A, %dma_start3A_944] : memref<50x128xi32, #tpu.memory_space<vmem>> -> memref<1x128xi32, #tpu.memory_space<vmem>>
        %dma_start3A_946 = tpu.memref_squeeze %dma_start3A_945 : memref<1x128xi32, #tpu.memory_space<vmem>> -> memref<128xi32, #tpu.memory_space<vmem>>
        %dma_start3A_947 = arith.constant 0 : i32
        %dma_start3A_948 = arith.constant 0 : i32
        %dma_start3A_949 = tpu.memref_slice %arg5[%dma_start3A_947, %dma_start3A_948] : memref<204800x128xf32, #tpu.memory_space<hbm>> -> memref<204800x128xf32, #tpu.memory_space<hbm>>
        tpu.enqueue_indirect_dma source(%arg9 : memref<128x128xf32, #tpu.memory_space<vmem>>) target(%dma_start3A_949 : memref<204800x128xf32, #tpu.memory_space<hbm>>) offsets(%dma_start3A_946 : memref<128xi32, #tpu.memory_space<vmem>>) semaphore(%run_scoped3A_943 : memref<!tpu.dma_semaphore, #tpu.memory_space<semaphore_mem>>)
        %dma_wait3A_950 = arith.constant 0 : i32
        %dma_wait3A_951 = tpu.memref_slice %arg11[%run_scoped3A, %dma_wait3A_950] : memref<50x128xi32, #tpu.memory_space<vmem>> -> memref<1x128xi32, #tpu.memory_space<vmem>>
        %dma_wait3A_952 = tpu.memref_squeeze %dma_wait3A_951 : memref<1x128xi32, #tpu.memory_space<vmem>> -> memref<128xi32, #tpu.memory_space<vmem>>
        %dma_wait3A_953 = arith.constant 0 : i32
        %dma_wait3A_954 = arith.constant 0 : i32
        %dma_wait3A_955 = tpu.memref_slice %arg5[%dma_wait3A_953, %dma_wait3A_954] : memref<204800x128xf32, #tpu.memory_space<hbm>> -> memref<204800x128xf32, #tpu.memory_space<hbm>>
        tpu.wait_indirect_dma semaphore(%run_scoped3A_943 : memref<!tpu.dma_semaphore, #tpu.memory_space<semaphore_mem>>) src(%arg9 : memref<128x128xf32, #tpu.memory_space<vmem>>) dst(%dma_wait3A_955 : memref<204800x128xf32, #tpu.memory_space<hbm>>)
        tpu.yield
      }) : () -> ()
    } else {
    }
    %gt3A_723 = arith.constant 768 : i32
    %gt3A_724 = arith.cmpi sgt, %scan3A_308#0, %gt3A_723 : i32
    %convert_element_type3A_725 = arith.extui %gt3A_724 : i1 to i32
    %cond3A_726 = arith.constant 0 : i32
    %cond3A_727 = arith.cmpi ne, %convert_element_type3A_725, %cond3A_726 : i32
    scf.if %cond3A_727 {
      "tpu.region"() ({
        %run_scoped3A_943 = tpu.sem_alloc : memref<!tpu.dma_semaphore, #tpu.memory_space<semaphore_mem>>
        %dma_start3A_944 = arith.constant 768 : i32
        %dma_start3A_945 = tpu.memref_slice %arg10[%dma_start3A_944] : memref<6400xi32, #tpu.memory_space<vmem>> -> memref<128xi32, #tpu.memory_space<vmem>>
        %dma_start3A_946 = arith.constant 0 : i32
        %dma_start3A_947 = arith.constant 0 : i32
        %dma_start3A_948 = tpu.memref_slice %arg4[%dma_start3A_946, %dma_start3A_947] : memref<2024x128xf32, #tpu.memory_space<hbm>> -> memref<2024x128xf32, #tpu.memory_space<hbm>>
        tpu.enqueue_indirect_dma source(%dma_start3A_948 : memref<2024x128xf32, #tpu.memory_space<hbm>>) target(%arg9 : memref<128x128xf32, #tpu.memory_space<vmem>>) offsets(%dma_start3A_945 : memref<128xi32, #tpu.memory_space<vmem>>) semaphore(%run_scoped3A_943 : memref<!tpu.dma_semaphore, #tpu.memory_space<semaphore_mem>>)
        %dma_wait3A_949 = arith.constant 768 : i32
        %dma_wait3A_950 = tpu.memref_slice %arg10[%dma_wait3A_949] : memref<6400xi32, #tpu.memory_space<vmem>> -> memref<128xi32, #tpu.memory_space<vmem>>
        %dma_wait3A_951 = arith.constant 0 : i32
        %dma_wait3A_952 = arith.constant 0 : i32
        %dma_wait3A_953 = tpu.memref_slice %arg4[%dma_wait3A_951, %dma_wait3A_952] : memref<2024x128xf32, #tpu.memory_space<hbm>> -> memref<2024x128xf32, #tpu.memory_space<hbm>>
        tpu.wait_indirect_dma semaphore(%run_scoped3A_943 : memref<!tpu.dma_semaphore, #tpu.memory_space<semaphore_mem>>) src(%dma_wait3A_953 : memref<2024x128xf32, #tpu.memory_space<hbm>>) dst(%arg9 : memref<128x128xf32, #tpu.memory_space<vmem>>)
        tpu.yield
      }) : () -> ()
      %run_scoped3A = arith.constant 6 : i32
      "tpu.region"() ({
        %run_scoped3A_943 = tpu.sem_alloc : memref<!tpu.dma_semaphore, #tpu.memory_space<semaphore_mem>>
        %dma_start3A_944 = arith.constant 0 : i32
        %dma_start3A_945 = tpu.memref_slice %arg11[%run_scoped3A, %dma_start3A_944] : memref<50x128xi32, #tpu.memory_space<vmem>> -> memref<1x128xi32, #tpu.memory_space<vmem>>
        %dma_start3A_946 = tpu.memref_squeeze %dma_start3A_945 : memref<1x128xi32, #tpu.memory_space<vmem>> -> memref<128xi32, #tpu.memory_space<vmem>>
        %dma_start3A_947 = arith.constant 0 : i32
        %dma_start3A_948 = arith.constant 0 : i32
        %dma_start3A_949 = tpu.memref_slice %arg5[%dma_start3A_947, %dma_start3A_948] : memref<204800x128xf32, #tpu.memory_space<hbm>> -> memref<204800x128xf32, #tpu.memory_space<hbm>>
        tpu.enqueue_indirect_dma source(%arg9 : memref<128x128xf32, #tpu.memory_space<vmem>>) target(%dma_start3A_949 : memref<204800x128xf32, #tpu.memory_space<hbm>>) offsets(%dma_start3A_946 : memref<128xi32, #tpu.memory_space<vmem>>) semaphore(%run_scoped3A_943 : memref<!tpu.dma_semaphore, #tpu.memory_space<semaphore_mem>>)
        %dma_wait3A_950 = arith.constant 0 : i32
        %dma_wait3A_951 = tpu.memref_slice %arg11[%run_scoped3A, %dma_wait3A_950] : memref<50x128xi32, #tpu.memory_space<vmem>> -> memref<1x128xi32, #tpu.memory_space<vmem>>
        %dma_wait3A_952 = tpu.memref_squeeze %dma_wait3A_951 : memref<1x128xi32, #tpu.memory_space<vmem>> -> memref<128xi32, #tpu.memory_space<vmem>>
        %dma_wait3A_953 = arith.constant 0 : i32
        %dma_wait3A_954 = arith.constant 0 : i32
        %dma_wait3A_955 = tpu.memref_slice %arg5[%dma_wait3A_953, %dma_wait3A_954] : memref<204800x128xf32, #tpu.memory_space<hbm>> -> memref<204800x128xf32, #tpu.memory_space<hbm>>
        tpu.wait_indirect_dma semaphore(%run_scoped3A_943 : memref<!tpu.dma_semaphore, #tpu.memory_space<semaphore_mem>>) src(%arg9 : memref<128x128xf32, #tpu.memory_space<vmem>>) dst(%dma_wait3A_955 : memref<204800x128xf32, #tpu.memory_space<hbm>>)
        tpu.yield
      }) : () -> ()
    } else {
    }
    %gt3A_728 = arith.constant 896 : i32
    %gt3A_729 = arith.cmpi sgt, %scan3A_308#0, %gt3A_728 : i32
    %convert_element_type3A_730 = arith.extui %gt3A_729 : i1 to i32
    %cond3A_731 = arith.constant 0 : i32
    %cond3A_732 = arith.cmpi ne, %convert_element_type3A_730, %cond3A_731 : i32
    scf.if %cond3A_732 {
      "tpu.region"() ({
        %run_scoped3A_943 = tpu.sem_alloc : memref<!tpu.dma_semaphore, #tpu.memory_space<semaphore_mem>>
        %dma_start3A_944 = arith.constant 896 : i32
        %dma_start3A_945 = tpu.memref_slice %arg10[%dma_start3A_944] : memref<6400xi32, #tpu.memory_space<vmem>> -> memref<128xi32, #tpu.memory_space<vmem>>
        %dma_start3A_946 = arith.constant 0 : i32
        %dma_start3A_947 = arith.constant 0 : i32
        %dma_start3A_948 = tpu.memref_slice %arg4[%dma_start3A_946, %dma_start3A_947] : memref<2024x128xf32, #tpu.memory_space<hbm>> -> memref<2024x128xf32, #tpu.memory_space<hbm>>
        tpu.enqueue_indirect_dma source(%dma_start3A_948 : memref<2024x128xf32, #tpu.memory_space<hbm>>) target(%arg9 : memref<128x128xf32, #tpu.memory_space<vmem>>) offsets(%dma_start3A_945 : memref<128xi32, #tpu.memory_space<vmem>>) semaphore(%run_scoped3A_943 : memref<!tpu.dma_semaphore, #tpu.memory_space<semaphore_mem>>)
        %dma_wait3A_949 = arith.constant 896 : i32
        %dma_wait3A_950 = tpu.memref_slice %arg10[%dma_wait3A_949] : memref<6400xi32, #tpu.memory_space<vmem>> -> memref<128xi32, #tpu.memory_space<vmem>>
        %dma_wait3A_951 = arith.constant 0 : i32
        %dma_wait3A_952 = arith.constant 0 : i32
        %dma_wait3A_953 = tpu.memref_slice %arg4[%dma_wait3A_951, %dma_wait3A_952] : memref<2024x128xf32, #tpu.memory_space<hbm>> -> memref<2024x128xf32, #tpu.memory_space<hbm>>
        tpu.wait_indirect_dma semaphore(%run_scoped3A_943 : memref<!tpu.dma_semaphore, #tpu.memory_space<semaphore_mem>>) src(%dma_wait3A_953 : memref<2024x128xf32, #tpu.memory_space<hbm>>) dst(%arg9 : memref<128x128xf32, #tpu.memory_space<vmem>>)
        tpu.yield
      }) : () -> ()
      %run_scoped3A = arith.constant 7 : i32
      "tpu.region"() ({
        %run_scoped3A_943 = tpu.sem_alloc : memref<!tpu.dma_semaphore, #tpu.memory_space<semaphore_mem>>
        %dma_start3A_944 = arith.constant 0 : i32
        %dma_start3A_945 = tpu.memref_slice %arg11[%run_scoped3A, %dma_start3A_944] : memref<50x128xi32, #tpu.memory_space<vmem>> -> memref<1x128xi32, #tpu.memory_space<vmem>>
        %dma_start3A_946 = tpu.memref_squeeze %dma_start3A_945 : memref<1x128xi32, #tpu.memory_space<vmem>> -> memref<128xi32, #tpu.memory_space<vmem>>
        %dma_start3A_947 = arith.constant 0 : i32
        %dma_start3A_948 = arith.constant 0 : i32
        %dma_start3A_949 = tpu.memref_slice %arg5[%dma_start3A_947, %dma_start3A_948] : memref<204800x128xf32, #tpu.memory_space<hbm>> -> memref<204800x128xf32, #tpu.memory_space<hbm>>
        tpu.enqueue_indirect_dma source(%arg9 : memref<128x128xf32, #tpu.memory_space<vmem>>) target(%dma_start3A_949 : memref<204800x128xf32, #tpu.memory_space<hbm>>) offsets(%dma_start3A_946 : memref<128xi32, #tpu.memory_space<vmem>>) semaphore(%run_scoped3A_943 : memref<!tpu.dma_semaphore, #tpu.memory_space<semaphore_mem>>)
        %dma_wait3A_950 = arith.constant 0 : i32
        %dma_wait3A_951 = tpu.memref_slice %arg11[%run_scoped3A, %dma_wait3A_950] : memref<50x128xi32, #tpu.memory_space<vmem>> -> memref<1x128xi32, #tpu.memory_space<vmem>>
        %dma_wait3A_952 = tpu.memref_squeeze %dma_wait3A_951 : memref<1x128xi32, #tpu.memory_space<vmem>> -> memref<128xi32, #tpu.memory_space<vmem>>
        %dma_wait3A_953 = arith.constant 0 : i32
        %dma_wait3A_954 = arith.constant 0 : i32
        %dma_wait3A_955 = tpu.memref_slice %arg5[%dma_wait3A_953, %dma_wait3A_954] : memref<204800x128xf32, #tpu.memory_space<hbm>> -> memref<204800x128xf32, #tpu.memory_space<hbm>>
        tpu.wait_indirect_dma semaphore(%run_scoped3A_943 : memref<!tpu.dma_semaphore, #tpu.memory_space<semaphore_mem>>) src(%arg9 : memref<128x128xf32, #tpu.memory_space<vmem>>) dst(%dma_wait3A_955 : memref<204800x128xf32, #tpu.memory_space<hbm>>)
        tpu.yield
      }) : () -> ()
    } else {
    }
    %gt3A_733 = arith.constant 1024 : i32
    %gt3A_734 = arith.cmpi sgt, %scan3A_308#0, %gt3A_733 : i32
    %convert_element_type3A_735 = arith.extui %gt3A_734 : i1 to i32
    %cond3A_736 = arith.constant 0 : i32
    %cond3A_737 = arith.cmpi ne, %convert_element_type3A_735, %cond3A_736 : i32
    scf.if %cond3A_737 {
      "tpu.region"() ({
        %run_scoped3A_943 = tpu.sem_alloc : memref<!tpu.dma_semaphore, #tpu.memory_space<semaphore_mem>>
        %dma_start3A_944 = arith.constant 1024 : i32
        %dma_start3A_945 = tpu.memref_slice %arg10[%dma_start3A_944] : memref<6400xi32, #tpu.memory_space<vmem>> -> memref<128xi32, #tpu.memory_space<vmem>>
        %dma_start3A_946 = arith.constant 0 : i32
        %dma_start3A_947 = arith.constant 0 : i32
        %dma_start3A_948 = tpu.memref_slice %arg4[%dma_start3A_946, %dma_start3A_947] : memref<2024x128xf32, #tpu.memory_space<hbm>> -> memref<2024x128xf32, #tpu.memory_space<hbm>>
        tpu.enqueue_indirect_dma source(%dma_start3A_948 : memref<2024x128xf32, #tpu.memory_space<hbm>>) target(%arg9 : memref<128x128xf32, #tpu.memory_space<vmem>>) offsets(%dma_start3A_945 : memref<128xi32, #tpu.memory_space<vmem>>) semaphore(%run_scoped3A_943 : memref<!tpu.dma_semaphore, #tpu.memory_space<semaphore_mem>>)
        %dma_wait3A_949 = arith.constant 1024 : i32
        %dma_wait3A_950 = tpu.memref_slice %arg10[%dma_wait3A_949] : memref<6400xi32, #tpu.memory_space<vmem>> -> memref<128xi32, #tpu.memory_space<vmem>>
        %dma_wait3A_951 = arith.constant 0 : i32
        %dma_wait3A_952 = arith.constant 0 : i32
        %dma_wait3A_953 = tpu.memref_slice %arg4[%dma_wait3A_951, %dma_wait3A_952] : memref<2024x128xf32, #tpu.memory_space<hbm>> -> memref<2024x128xf32, #tpu.memory_space<hbm>>
        tpu.wait_indirect_dma semaphore(%run_scoped3A_943 : memref<!tpu.dma_semaphore, #tpu.memory_space<semaphore_mem>>) src(%dma_wait3A_953 : memref<2024x128xf32, #tpu.memory_space<hbm>>) dst(%arg9 : memref<128x128xf32, #tpu.memory_space<vmem>>)
        tpu.yield
      }) : () -> ()
      %run_scoped3A = arith.constant 8 : i32
      "tpu.region"() ({
        %run_scoped3A_943 = tpu.sem_alloc : memref<!tpu.dma_semaphore, #tpu.memory_space<semaphore_mem>>
        %dma_start3A_944 = arith.constant 0 : i32
        %dma_start3A_945 = tpu.memref_slice %arg11[%run_scoped3A, %dma_start3A_944] : memref<50x128xi32, #tpu.memory_space<vmem>> -> memref<1x128xi32, #tpu.memory_space<vmem>>
        %dma_start3A_946 = tpu.memref_squeeze %dma_start3A_945 : memref<1x128xi32, #tpu.memory_space<vmem>> -> memref<128xi32, #tpu.memory_space<vmem>>
        %dma_start3A_947 = arith.constant 0 : i32
        %dma_start3A_948 = arith.constant 0 : i32
        %dma_start3A_949 = tpu.memref_slice %arg5[%dma_start3A_947, %dma_start3A_948] : memref<204800x128xf32, #tpu.memory_space<hbm>> -> memref<204800x128xf32, #tpu.memory_space<hbm>>
        tpu.enqueue_indirect_dma source(%arg9 : memref<128x128xf32, #tpu.memory_space<vmem>>) target(%dma_start3A_949 : memref<204800x128xf32, #tpu.memory_space<hbm>>) offsets(%dma_start3A_946 : memref<128xi32, #tpu.memory_space<vmem>>) semaphore(%run_scoped3A_943 : memref<!tpu.dma_semaphore, #tpu.memory_space<semaphore_mem>>)
        %dma_wait3A_950 = arith.constant 0 : i32
        %dma_wait3A_951 = tpu.memref_slice %arg11[%run_scoped3A, %dma_wait3A_950] : memref<50x128xi32, #tpu.memory_space<vmem>> -> memref<1x128xi32, #tpu.memory_space<vmem>>
        %dma_wait3A_952 = tpu.memref_squeeze %dma_wait3A_951 : memref<1x128xi32, #tpu.memory_space<vmem>> -> memref<128xi32, #tpu.memory_space<vmem>>
        %dma_wait3A_953 = arith.constant 0 : i32
        %dma_wait3A_954 = arith.constant 0 : i32
        %dma_wait3A_955 = tpu.memref_slice %arg5[%dma_wait3A_953, %dma_wait3A_954] : memref<204800x128xf32, #tpu.memory_space<hbm>> -> memref<204800x128xf32, #tpu.memory_space<hbm>>
        tpu.wait_indirect_dma semaphore(%run_scoped3A_943 : memref<!tpu.dma_semaphore, #tpu.memory_space<semaphore_mem>>) src(%arg9 : memref<128x128xf32, #tpu.memory_space<vmem>>) dst(%dma_wait3A_955 : memref<204800x128xf32, #tpu.memory_space<hbm>>)
        tpu.yield
      }) : () -> ()
    } else {
    }
    %gt3A_738 = arith.constant 1152 : i32
    %gt3A_739 = arith.cmpi sgt, %scan3A_308#0, %gt3A_738 : i32
    %convert_element_type3A_740 = arith.extui %gt3A_739 : i1 to i32
    %cond3A_741 = arith.constant 0 : i32
    %cond3A_742 = arith.cmpi ne, %convert_element_type3A_740, %cond3A_741 : i32
    scf.if %cond3A_742 {
      "tpu.region"() ({
        %run_scoped3A_943 = tpu.sem_alloc : memref<!tpu.dma_semaphore, #tpu.memory_space<semaphore_mem>>
        %dma_start3A_944 = arith.constant 1152 : i32
        %dma_start3A_945 = tpu.memref_slice %arg10[%dma_start3A_944] : memref<6400xi32, #tpu.memory_space<vmem>> -> memref<128xi32, #tpu.memory_space<vmem>>
        %dma_start3A_946 = arith.constant 0 : i32
        %dma_start3A_947 = arith.constant 0 : i32
        %dma_start3A_948 = tpu.memref_slice %arg4[%dma_start3A_946, %dma_start3A_947] : memref<2024x128xf32, #tpu.memory_space<hbm>> -> memref<2024x128xf32, #tpu.memory_space<hbm>>
        tpu.enqueue_indirect_dma source(%dma_start3A_948 : memref<2024x128xf32, #tpu.memory_space<hbm>>) target(%arg9 : memref<128x128xf32, #tpu.memory_space<vmem>>) offsets(%dma_start3A_945 : memref<128xi32, #tpu.memory_space<vmem>>) semaphore(%run_scoped3A_943 : memref<!tpu.dma_semaphore, #tpu.memory_space<semaphore_mem>>)
        %dma_wait3A_949 = arith.constant 1152 : i32
        %dma_wait3A_950 = tpu.memref_slice %arg10[%dma_wait3A_949] : memref<6400xi32, #tpu.memory_space<vmem>> -> memref<128xi32, #tpu.memory_space<vmem>>
        %dma_wait3A_951 = arith.constant 0 : i32
        %dma_wait3A_952 = arith.constant 0 : i32
        %dma_wait3A_953 = tpu.memref_slice %arg4[%dma_wait3A_951, %dma_wait3A_952] : memref<2024x128xf32, #tpu.memory_space<hbm>> -> memref<2024x128xf32, #tpu.memory_space<hbm>>
        tpu.wait_indirect_dma semaphore(%run_scoped3A_943 : memref<!tpu.dma_semaphore, #tpu.memory_space<semaphore_mem>>) src(%dma_wait3A_953 : memref<2024x128xf32, #tpu.memory_space<hbm>>) dst(%arg9 : memref<128x128xf32, #tpu.memory_space<vmem>>)
        tpu.yield
      }) : () -> ()
      %run_scoped3A = arith.constant 9 : i32
      "tpu.region"() ({
        %run_scoped3A_943 = tpu.sem_alloc : memref<!tpu.dma_semaphore, #tpu.memory_space<semaphore_mem>>
        %dma_start3A_944 = arith.constant 0 : i32
        %dma_start3A_945 = tpu.memref_slice %arg11[%run_scoped3A, %dma_start3A_944] : memref<50x128xi32, #tpu.memory_space<vmem>> -> memref<1x128xi32, #tpu.memory_space<vmem>>
        %dma_start3A_946 = tpu.memref_squeeze %dma_start3A_945 : memref<1x128xi32, #tpu.memory_space<vmem>> -> memref<128xi32, #tpu.memory_space<vmem>>
        %dma_start3A_947 = arith.constant 0 : i32
        %dma_start3A_948 = arith.constant 0 : i32
        %dma_start3A_949 = tpu.memref_slice %arg5[%dma_start3A_947, %dma_start3A_948] : memref<204800x128xf32, #tpu.memory_space<hbm>> -> memref<204800x128xf32, #tpu.memory_space<hbm>>
        tpu.enqueue_indirect_dma source(%arg9 : memref<128x128xf32, #tpu.memory_space<vmem>>) target(%dma_start3A_949 : memref<204800x128xf32, #tpu.memory_space<hbm>>) offsets(%dma_start3A_946 : memref<128xi32, #tpu.memory_space<vmem>>) semaphore(%run_scoped3A_943 : memref<!tpu.dma_semaphore, #tpu.memory_space<semaphore_mem>>)
        %dma_wait3A_950 = arith.constant 0 : i32
        %dma_wait3A_951 = tpu.memref_slice %arg11[%run_scoped3A, %dma_wait3A_950] : memref<50x128xi32, #tpu.memory_space<vmem>> -> memref<1x128xi32, #tpu.memory_space<vmem>>
        %dma_wait3A_952 = tpu.memref_squeeze %dma_wait3A_951 : memref<1x128xi32, #tpu.memory_space<vmem>> -> memref<128xi32, #tpu.memory_space<vmem>>
        %dma_wait3A_953 = arith.constant 0 : i32
        %dma_wait3A_954 = arith.constant 0 : i32
        %dma_wait3A_955 = tpu.memref_slice %arg5[%dma_wait3A_953, %dma_wait3A_954] : memref<204800x128xf32, #tpu.memory_space<hbm>> -> memref<204800x128xf32, #tpu.memory_space<hbm>>
        tpu.wait_indirect_dma semaphore(%run_scoped3A_943 : memref<!tpu.dma_semaphore, #tpu.memory_space<semaphore_mem>>) src(%arg9 : memref<128x128xf32, #tpu.memory_space<vmem>>) dst(%dma_wait3A_955 : memref<204800x128xf32, #tpu.memory_space<hbm>>)
        tpu.yield
      }) : () -> ()
    } else {
    }
    %gt3A_743 = arith.constant 1280 : i32
    %gt3A_744 = arith.cmpi sgt, %scan3A_308#0, %gt3A_743 : i32
    %convert_element_type3A_745 = arith.extui %gt3A_744 : i1 to i32
    %cond3A_746 = arith.constant 0 : i32
    %cond3A_747 = arith.cmpi ne, %convert_element_type3A_745, %cond3A_746 : i32
    scf.if %cond3A_747 {
      "tpu.region"() ({
        %run_scoped3A_943 = tpu.sem_alloc : memref<!tpu.dma_semaphore, #tpu.memory_space<semaphore_mem>>
        %dma_start3A_944 = arith.constant 1280 : i32
        %dma_start3A_945 = tpu.memref_slice %arg10[%dma_start3A_944] : memref<6400xi32, #tpu.memory_space<vmem>> -> memref<128xi32, #tpu.memory_space<vmem>>
        %dma_start3A_946 = arith.constant 0 : i32
        %dma_start3A_947 = arith.constant 0 : i32
        %dma_start3A_948 = tpu.memref_slice %arg4[%dma_start3A_946, %dma_start3A_947] : memref<2024x128xf32, #tpu.memory_space<hbm>> -> memref<2024x128xf32, #tpu.memory_space<hbm>>
        tpu.enqueue_indirect_dma source(%dma_start3A_948 : memref<2024x128xf32, #tpu.memory_space<hbm>>) target(%arg9 : memref<128x128xf32, #tpu.memory_space<vmem>>) offsets(%dma_start3A_945 : memref<128xi32, #tpu.memory_space<vmem>>) semaphore(%run_scoped3A_943 : memref<!tpu.dma_semaphore, #tpu.memory_space<semaphore_mem>>)
        %dma_wait3A_949 = arith.constant 1280 : i32
        %dma_wait3A_950 = tpu.memref_slice %arg10[%dma_wait3A_949] : memref<6400xi32, #tpu.memory_space<vmem>> -> memref<128xi32, #tpu.memory_space<vmem>>
        %dma_wait3A_951 = arith.constant 0 : i32
        %dma_wait3A_952 = arith.constant 0 : i32
        %dma_wait3A_953 = tpu.memref_slice %arg4[%dma_wait3A_951, %dma_wait3A_952] : memref<2024x128xf32, #tpu.memory_space<hbm>> -> memref<2024x128xf32, #tpu.memory_space<hbm>>
        tpu.wait_indirect_dma semaphore(%run_scoped3A_943 : memref<!tpu.dma_semaphore, #tpu.memory_space<semaphore_mem>>) src(%dma_wait3A_953 : memref<2024x128xf32, #tpu.memory_space<hbm>>) dst(%arg9 : memref<128x128xf32, #tpu.memory_space<vmem>>)
        tpu.yield
      }) : () -> ()
      %run_scoped3A = arith.constant 10 : i32
      "tpu.region"() ({
        %run_scoped3A_943 = tpu.sem_alloc : memref<!tpu.dma_semaphore, #tpu.memory_space<semaphore_mem>>
        %dma_start3A_944 = arith.constant 0 : i32
        %dma_start3A_945 = tpu.memref_slice %arg11[%run_scoped3A, %dma_start3A_944] : memref<50x128xi32, #tpu.memory_space<vmem>> -> memref<1x128xi32, #tpu.memory_space<vmem>>
        %dma_start3A_946 = tpu.memref_squeeze %dma_start3A_945 : memref<1x128xi32, #tpu.memory_space<vmem>> -> memref<128xi32, #tpu.memory_space<vmem>>
        %dma_start3A_947 = arith.constant 0 : i32
        %dma_start3A_948 = arith.constant 0 : i32
        %dma_start3A_949 = tpu.memref_slice %arg5[%dma_start3A_947, %dma_start3A_948] : memref<204800x128xf32, #tpu.memory_space<hbm>> -> memref<204800x128xf32, #tpu.memory_space<hbm>>
        tpu.enqueue_indirect_dma source(%arg9 : memref<128x128xf32, #tpu.memory_space<vmem>>) target(%dma_start3A_949 : memref<204800x128xf32, #tpu.memory_space<hbm>>) offsets(%dma_start3A_946 : memref<128xi32, #tpu.memory_space<vmem>>) semaphore(%run_scoped3A_943 : memref<!tpu.dma_semaphore, #tpu.memory_space<semaphore_mem>>)
        %dma_wait3A_950 = arith.constant 0 : i32
        %dma_wait3A_951 = tpu.memref_slice %arg11[%run_scoped3A, %dma_wait3A_950] : memref<50x128xi32, #tpu.memory_space<vmem>> -> memref<1x128xi32, #tpu.memory_space<vmem>>
        %dma_wait3A_952 = tpu.memref_squeeze %dma_wait3A_951 : memref<1x128xi32, #tpu.memory_space<vmem>> -> memref<128xi32, #tpu.memory_space<vmem>>
        %dma_wait3A_953 = arith.constant 0 : i32
        %dma_wait3A_954 = arith.constant 0 : i32
        %dma_wait3A_955 = tpu.memref_slice %arg5[%dma_wait3A_953, %dma_wait3A_954] : memref<204800x128xf32, #tpu.memory_space<hbm>> -> memref<204800x128xf32, #tpu.memory_space<hbm>>
        tpu.wait_indirect_dma semaphore(%run_scoped3A_943 : memref<!tpu.dma_semaphore, #tpu.memory_space<semaphore_mem>>) src(%arg9 : memref<128x128xf32, #tpu.memory_space<vmem>>) dst(%dma_wait3A_955 : memref<204800x128xf32, #tpu.memory_space<hbm>>)
        tpu.yield
      }) : () -> ()
    } else {
    }
    %gt3A_748 = arith.constant 1408 : i32
    %gt3A_749 = arith.cmpi sgt, %scan3A_308#0, %gt3A_748 : i32
    %convert_element_type3A_750 = arith.extui %gt3A_749 : i1 to i32
    %cond3A_751 = arith.constant 0 : i32
    %cond3A_752 = arith.cmpi ne, %convert_element_type3A_750, %cond3A_751 : i32
    scf.if %cond3A_752 {
      "tpu.region"() ({
        %run_scoped3A_943 = tpu.sem_alloc : memref<!tpu.dma_semaphore, #tpu.memory_space<semaphore_mem>>
        %dma_start3A_944 = arith.constant 1408 : i32
        %dma_start3A_945 = tpu.memref_slice %arg10[%dma_start3A_944] : memref<6400xi32, #tpu.memory_space<vmem>> -> memref<128xi32, #tpu.memory_space<vmem>>
        %dma_start3A_946 = arith.constant 0 : i32
        %dma_start3A_947 = arith.constant 0 : i32
        %dma_start3A_948 = tpu.memref_slice %arg4[%dma_start3A_946, %dma_start3A_947] : memref<2024x128xf32, #tpu.memory_space<hbm>> -> memref<2024x128xf32, #tpu.memory_space<hbm>>
        tpu.enqueue_indirect_dma source(%dma_start3A_948 : memref<2024x128xf32, #tpu.memory_space<hbm>>) target(%arg9 : memref<128x128xf32, #tpu.memory_space<vmem>>) offsets(%dma_start3A_945 : memref<128xi32, #tpu.memory_space<vmem>>) semaphore(%run_scoped3A_943 : memref<!tpu.dma_semaphore, #tpu.memory_space<semaphore_mem>>)
        %dma_wait3A_949 = arith.constant 1408 : i32
        %dma_wait3A_950 = tpu.memref_slice %arg10[%dma_wait3A_949] : memref<6400xi32, #tpu.memory_space<vmem>> -> memref<128xi32, #tpu.memory_space<vmem>>
        %dma_wait3A_951 = arith.constant 0 : i32
        %dma_wait3A_952 = arith.constant 0 : i32
        %dma_wait3A_953 = tpu.memref_slice %arg4[%dma_wait3A_951, %dma_wait3A_952] : memref<2024x128xf32, #tpu.memory_space<hbm>> -> memref<2024x128xf32, #tpu.memory_space<hbm>>
        tpu.wait_indirect_dma semaphore(%run_scoped3A_943 : memref<!tpu.dma_semaphore, #tpu.memory_space<semaphore_mem>>) src(%dma_wait3A_953 : memref<2024x128xf32, #tpu.memory_space<hbm>>) dst(%arg9 : memref<128x128xf32, #tpu.memory_space<vmem>>)
        tpu.yield
      }) : () -> ()
      %run_scoped3A = arith.constant 11 : i32
      "tpu.region"() ({
        %run_scoped3A_943 = tpu.sem_alloc : memref<!tpu.dma_semaphore, #tpu.memory_space<semaphore_mem>>
        %dma_start3A_944 = arith.constant 0 : i32
        %dma_start3A_945 = tpu.memref_slice %arg11[%run_scoped3A, %dma_start3A_944] : memref<50x128xi32, #tpu.memory_space<vmem>> -> memref<1x128xi32, #tpu.memory_space<vmem>>
        %dma_start3A_946 = tpu.memref_squeeze %dma_start3A_945 : memref<1x128xi32, #tpu.memory_space<vmem>> -> memref<128xi32, #tpu.memory_space<vmem>>
        %dma_start3A_947 = arith.constant 0 : i32
        %dma_start3A_948 = arith.constant 0 : i32
        %dma_start3A_949 = tpu.memref_slice %arg5[%dma_start3A_947, %dma_start3A_948] : memref<204800x128xf32, #tpu.memory_space<hbm>> -> memref<204800x128xf32, #tpu.memory_space<hbm>>
        tpu.enqueue_indirect_dma source(%arg9 : memref<128x128xf32, #tpu.memory_space<vmem>>) target(%dma_start3A_949 : memref<204800x128xf32, #tpu.memory_space<hbm>>) offsets(%dma_start3A_946 : memref<128xi32, #tpu.memory_space<vmem>>) semaphore(%run_scoped3A_943 : memref<!tpu.dma_semaphore, #tpu.memory_space<semaphore_mem>>)
        %dma_wait3A_950 = arith.constant 0 : i32
        %dma_wait3A_951 = tpu.memref_slice %arg11[%run_scoped3A, %dma_wait3A_950] : memref<50x128xi32, #tpu.memory_space<vmem>> -> memref<1x128xi32, #tpu.memory_space<vmem>>
        %dma_wait3A_952 = tpu.memref_squeeze %dma_wait3A_951 : memref<1x128xi32, #tpu.memory_space<vmem>> -> memref<128xi32, #tpu.memory_space<vmem>>
        %dma_wait3A_953 = arith.constant 0 : i32
        %dma_wait3A_954 = arith.constant 0 : i32
        %dma_wait3A_955 = tpu.memref_slice %arg5[%dma_wait3A_953, %dma_wait3A_954] : memref<204800x128xf32, #tpu.memory_space<hbm>> -> memref<204800x128xf32, #tpu.memory_space<hbm>>
        tpu.wait_indirect_dma semaphore(%run_scoped3A_943 : memref<!tpu.dma_semaphore, #tpu.memory_space<semaphore_mem>>) src(%arg9 : memref<128x128xf32, #tpu.memory_space<vmem>>) dst(%dma_wait3A_955 : memref<204800x128xf32, #tpu.memory_space<hbm>>)
        tpu.yield
      }) : () -> ()
    } else {
    }
    %gt3A_753 = arith.constant 1536 : i32
    %gt3A_754 = arith.cmpi sgt, %scan3A_308#0, %gt3A_753 : i32
    %convert_element_type3A_755 = arith.extui %gt3A_754 : i1 to i32
    %cond3A_756 = arith.constant 0 : i32
    %cond3A_757 = arith.cmpi ne, %convert_element_type3A_755, %cond3A_756 : i32
    scf.if %cond3A_757 {
      "tpu.region"() ({
        %run_scoped3A_943 = tpu.sem_alloc : memref<!tpu.dma_semaphore, #tpu.memory_space<semaphore_mem>>
        %dma_start3A_944 = arith.constant 1536 : i32
        %dma_start3A_945 = tpu.memref_slice %arg10[%dma_start3A_944] : memref<6400xi32, #tpu.memory_space<vmem>> -> memref<128xi32, #tpu.memory_space<vmem>>
        %dma_start3A_946 = arith.constant 0 : i32
        %dma_start3A_947 = arith.constant 0 : i32
        %dma_start3A_948 = tpu.memref_slice %arg4[%dma_start3A_946, %dma_start3A_947] : memref<2024x128xf32, #tpu.memory_space<hbm>> -> memref<2024x128xf32, #tpu.memory_space<hbm>>
        tpu.enqueue_indirect_dma source(%dma_start3A_948 : memref<2024x128xf32, #tpu.memory_space<hbm>>) target(%arg9 : memref<128x128xf32, #tpu.memory_space<vmem>>) offsets(%dma_start3A_945 : memref<128xi32, #tpu.memory_space<vmem>>) semaphore(%run_scoped3A_943 : memref<!tpu.dma_semaphore, #tpu.memory_space<semaphore_mem>>)
        %dma_wait3A_949 = arith.constant 1536 : i32
        %dma_wait3A_950 = tpu.memref_slice %arg10[%dma_wait3A_949] : memref<6400xi32, #tpu.memory_space<vmem>> -> memref<128xi32, #tpu.memory_space<vmem>>
        %dma_wait3A_951 = arith.constant 0 : i32
        %dma_wait3A_952 = arith.constant 0 : i32
        %dma_wait3A_953 = tpu.memref_slice %arg4[%dma_wait3A_951, %dma_wait3A_952] : memref<2024x128xf32, #tpu.memory_space<hbm>> -> memref<2024x128xf32, #tpu.memory_space<hbm>>
        tpu.wait_indirect_dma semaphore(%run_scoped3A_943 : memref<!tpu.dma_semaphore, #tpu.memory_space<semaphore_mem>>) src(%dma_wait3A_953 : memref<2024x128xf32, #tpu.memory_space<hbm>>) dst(%arg9 : memref<128x128xf32, #tpu.memory_space<vmem>>)
        tpu.yield
      }) : () -> ()
      %run_scoped3A = arith.constant 12 : i32
      "tpu.region"() ({
        %run_scoped3A_943 = tpu.sem_alloc : memref<!tpu.dma_semaphore, #tpu.memory_space<semaphore_mem>>
        %dma_start3A_944 = arith.constant 0 : i32
        %dma_start3A_945 = tpu.memref_slice %arg11[%run_scoped3A, %dma_start3A_944] : memref<50x128xi32, #tpu.memory_space<vmem>> -> memref<1x128xi32, #tpu.memory_space<vmem>>
        %dma_start3A_946 = tpu.memref_squeeze %dma_start3A_945 : memref<1x128xi32, #tpu.memory_space<vmem>> -> memref<128xi32, #tpu.memory_space<vmem>>
        %dma_start3A_947 = arith.constant 0 : i32
        %dma_start3A_948 = arith.constant 0 : i32
        %dma_start3A_949 = tpu.memref_slice %arg5[%dma_start3A_947, %dma_start3A_948] : memref<204800x128xf32, #tpu.memory_space<hbm>> -> memref<204800x128xf32, #tpu.memory_space<hbm>>
        tpu.enqueue_indirect_dma source(%arg9 : memref<128x128xf32, #tpu.memory_space<vmem>>) target(%dma_start3A_949 : memref<204800x128xf32, #tpu.memory_space<hbm>>) offsets(%dma_start3A_946 : memref<128xi32, #tpu.memory_space<vmem>>) semaphore(%run_scoped3A_943 : memref<!tpu.dma_semaphore, #tpu.memory_space<semaphore_mem>>)
        %dma_wait3A_950 = arith.constant 0 : i32
        %dma_wait3A_951 = tpu.memref_slice %arg11[%run_scoped3A, %dma_wait3A_950] : memref<50x128xi32, #tpu.memory_space<vmem>> -> memref<1x128xi32, #tpu.memory_space<vmem>>
        %dma_wait3A_952 = tpu.memref_squeeze %dma_wait3A_951 : memref<1x128xi32, #tpu.memory_space<vmem>> -> memref<128xi32, #tpu.memory_space<vmem>>
        %dma_wait3A_953 = arith.constant 0 : i32
        %dma_wait3A_954 = arith.constant 0 : i32
        %dma_wait3A_955 = tpu.memref_slice %arg5[%dma_wait3A_953, %dma_wait3A_954] : memref<204800x128xf32, #tpu.memory_space<hbm>> -> memref<204800x128xf32, #tpu.memory_space<hbm>>
        tpu.wait_indirect_dma semaphore(%run_scoped3A_943 : memref<!tpu.dma_semaphore, #tpu.memory_space<semaphore_mem>>) src(%arg9 : memref<128x128xf32, #tpu.memory_space<vmem>>) dst(%dma_wait3A_955 : memref<204800x128xf32, #tpu.memory_space<hbm>>)
        tpu.yield
      }) : () -> ()
    } else {
    }
    %gt3A_758 = arith.constant 1664 : i32
    %gt3A_759 = arith.cmpi sgt, %scan3A_308#0, %gt3A_758 : i32
    %convert_element_type3A_760 = arith.extui %gt3A_759 : i1 to i32
    %cond3A_761 = arith.constant 0 : i32
    %cond3A_762 = arith.cmpi ne, %convert_element_type3A_760, %cond3A_761 : i32
    scf.if %cond3A_762 {
      "tpu.region"() ({
        %run_scoped3A_943 = tpu.sem_alloc : memref<!tpu.dma_semaphore, #tpu.memory_space<semaphore_mem>>
        %dma_start3A_944 = arith.constant 1664 : i32
        %dma_start3A_945 = tpu.memref_slice %arg10[%dma_start3A_944] : memref<6400xi32, #tpu.memory_space<vmem>> -> memref<128xi32, #tpu.memory_space<vmem>>
        %dma_start3A_946 = arith.constant 0 : i32
        %dma_start3A_947 = arith.constant 0 : i32
        %dma_start3A_948 = tpu.memref_slice %arg4[%dma_start3A_946, %dma_start3A_947] : memref<2024x128xf32, #tpu.memory_space<hbm>> -> memref<2024x128xf32, #tpu.memory_space<hbm>>
        tpu.enqueue_indirect_dma source(%dma_start3A_948 : memref<2024x128xf32, #tpu.memory_space<hbm>>) target(%arg9 : memref<128x128xf32, #tpu.memory_space<vmem>>) offsets(%dma_start3A_945 : memref<128xi32, #tpu.memory_space<vmem>>) semaphore(%run_scoped3A_943 : memref<!tpu.dma_semaphore, #tpu.memory_space<semaphore_mem>>)
        %dma_wait3A_949 = arith.constant 1664 : i32
        %dma_wait3A_950 = tpu.memref_slice %arg10[%dma_wait3A_949] : memref<6400xi32, #tpu.memory_space<vmem>> -> memref<128xi32, #tpu.memory_space<vmem>>
        %dma_wait3A_951 = arith.constant 0 : i32
        %dma_wait3A_952 = arith.constant 0 : i32
        %dma_wait3A_953 = tpu.memref_slice %arg4[%dma_wait3A_951, %dma_wait3A_952] : memref<2024x128xf32, #tpu.memory_space<hbm>> -> memref<2024x128xf32, #tpu.memory_space<hbm>>
        tpu.wait_indirect_dma semaphore(%run_scoped3A_943 : memref<!tpu.dma_semaphore, #tpu.memory_space<semaphore_mem>>) src(%dma_wait3A_953 : memref<2024x128xf32, #tpu.memory_space<hbm>>) dst(%arg9 : memref<128x128xf32, #tpu.memory_space<vmem>>)
        tpu.yield
      }) : () -> ()
      %run_scoped3A = arith.constant 13 : i32
      "tpu.region"() ({
        %run_scoped3A_943 = tpu.sem_alloc : memref<!tpu.dma_semaphore, #tpu.memory_space<semaphore_mem>>
        %dma_start3A_944 = arith.constant 0 : i32
        %dma_start3A_945 = tpu.memref_slice %arg11[%run_scoped3A, %dma_start3A_944] : memref<50x128xi32, #tpu.memory_space<vmem>> -> memref<1x128xi32, #tpu.memory_space<vmem>>
        %dma_start3A_946 = tpu.memref_squeeze %dma_start3A_945 : memref<1x128xi32, #tpu.memory_space<vmem>> -> memref<128xi32, #tpu.memory_space<vmem>>
        %dma_start3A_947 = arith.constant 0 : i32
        %dma_start3A_948 = arith.constant 0 : i32
        %dma_start3A_949 = tpu.memref_slice %arg5[%dma_start3A_947, %dma_start3A_948] : memref<204800x128xf32, #tpu.memory_space<hbm>> -> memref<204800x128xf32, #tpu.memory_space<hbm>>
        tpu.enqueue_indirect_dma source(%arg9 : memref<128x128xf32, #tpu.memory_space<vmem>>) target(%dma_start3A_949 : memref<204800x128xf32, #tpu.memory_space<hbm>>) offsets(%dma_start3A_946 : memref<128xi32, #tpu.memory_space<vmem>>) semaphore(%run_scoped3A_943 : memref<!tpu.dma_semaphore, #tpu.memory_space<semaphore_mem>>)
        %dma_wait3A_950 = arith.constant 0 : i32
        %dma_wait3A_951 = tpu.memref_slice %arg11[%run_scoped3A, %dma_wait3A_950] : memref<50x128xi32, #tpu.memory_space<vmem>> -> memref<1x128xi32, #tpu.memory_space<vmem>>
        %dma_wait3A_952 = tpu.memref_squeeze %dma_wait3A_951 : memref<1x128xi32, #tpu.memory_space<vmem>> -> memref<128xi32, #tpu.memory_space<vmem>>
        %dma_wait3A_953 = arith.constant 0 : i32
        %dma_wait3A_954 = arith.constant 0 : i32
        %dma_wait3A_955 = tpu.memref_slice %arg5[%dma_wait3A_953, %dma_wait3A_954] : memref<204800x128xf32, #tpu.memory_space<hbm>> -> memref<204800x128xf32, #tpu.memory_space<hbm>>
        tpu.wait_indirect_dma semaphore(%run_scoped3A_943 : memref<!tpu.dma_semaphore, #tpu.memory_space<semaphore_mem>>) src(%arg9 : memref<128x128xf32, #tpu.memory_space<vmem>>) dst(%dma_wait3A_955 : memref<204800x128xf32, #tpu.memory_space<hbm>>)
        tpu.yield
      }) : () -> ()
    } else {
    }
    %gt3A_763 = arith.constant 1792 : i32
    %gt3A_764 = arith.cmpi sgt, %scan3A_308#0, %gt3A_763 : i32
    %convert_element_type3A_765 = arith.extui %gt3A_764 : i1 to i32
    %cond3A_766 = arith.constant 0 : i32
    %cond3A_767 = arith.cmpi ne, %convert_element_type3A_765, %cond3A_766 : i32
    scf.if %cond3A_767 {
      "tpu.region"() ({
        %run_scoped3A_943 = tpu.sem_alloc : memref<!tpu.dma_semaphore, #tpu.memory_space<semaphore_mem>>
        %dma_start3A_944 = arith.constant 1792 : i32
        %dma_start3A_945 = tpu.memref_slice %arg10[%dma_start3A_944] : memref<6400xi32, #tpu.memory_space<vmem>> -> memref<128xi32, #tpu.memory_space<vmem>>
        %dma_start3A_946 = arith.constant 0 : i32
        %dma_start3A_947 = arith.constant 0 : i32
        %dma_start3A_948 = tpu.memref_slice %arg4[%dma_start3A_946, %dma_start3A_947] : memref<2024x128xf32, #tpu.memory_space<hbm>> -> memref<2024x128xf32, #tpu.memory_space<hbm>>
        tpu.enqueue_indirect_dma source(%dma_start3A_948 : memref<2024x128xf32, #tpu.memory_space<hbm>>) target(%arg9 : memref<128x128xf32, #tpu.memory_space<vmem>>) offsets(%dma_start3A_945 : memref<128xi32, #tpu.memory_space<vmem>>) semaphore(%run_scoped3A_943 : memref<!tpu.dma_semaphore, #tpu.memory_space<semaphore_mem>>)
        %dma_wait3A_949 = arith.constant 1792 : i32
        %dma_wait3A_950 = tpu.memref_slice %arg10[%dma_wait3A_949] : memref<6400xi32, #tpu.memory_space<vmem>> -> memref<128xi32, #tpu.memory_space<vmem>>
        %dma_wait3A_951 = arith.constant 0 : i32
        %dma_wait3A_952 = arith.constant 0 : i32
        %dma_wait3A_953 = tpu.memref_slice %arg4[%dma_wait3A_951, %dma_wait3A_952] : memref<2024x128xf32, #tpu.memory_space<hbm>> -> memref<2024x128xf32, #tpu.memory_space<hbm>>
        tpu.wait_indirect_dma semaphore(%run_scoped3A_943 : memref<!tpu.dma_semaphore, #tpu.memory_space<semaphore_mem>>) src(%dma_wait3A_953 : memref<2024x128xf32, #tpu.memory_space<hbm>>) dst(%arg9 : memref<128x128xf32, #tpu.memory_space<vmem>>)
        tpu.yield
      }) : () -> ()
      %run_scoped3A = arith.constant 14 : i32
      "tpu.region"() ({
        %run_scoped3A_943 = tpu.sem_alloc : memref<!tpu.dma_semaphore, #tpu.memory_space<semaphore_mem>>
        %dma_start3A_944 = arith.constant 0 : i32
        %dma_start3A_945 = tpu.memref_slice %arg11[%run_scoped3A, %dma_start3A_944] : memref<50x128xi32, #tpu.memory_space<vmem>> -> memref<1x128xi32, #tpu.memory_space<vmem>>
        %dma_start3A_946 = tpu.memref_squeeze %dma_start3A_945 : memref<1x128xi32, #tpu.memory_space<vmem>> -> memref<128xi32, #tpu.memory_space<vmem>>
        %dma_start3A_947 = arith.constant 0 : i32
        %dma_start3A_948 = arith.constant 0 : i32
        %dma_start3A_949 = tpu.memref_slice %arg5[%dma_start3A_947, %dma_start3A_948] : memref<204800x128xf32, #tpu.memory_space<hbm>> -> memref<204800x128xf32, #tpu.memory_space<hbm>>
        tpu.enqueue_indirect_dma source(%arg9 : memref<128x128xf32, #tpu.memory_space<vmem>>) target(%dma_start3A_949 : memref<204800x128xf32, #tpu.memory_space<hbm>>) offsets(%dma_start3A_946 : memref<128xi32, #tpu.memory_space<vmem>>) semaphore(%run_scoped3A_943 : memref<!tpu.dma_semaphore, #tpu.memory_space<semaphore_mem>>)
        %dma_wait3A_950 = arith.constant 0 : i32
        %dma_wait3A_951 = tpu.memref_slice %arg11[%run_scoped3A, %dma_wait3A_950] : memref<50x128xi32, #tpu.memory_space<vmem>> -> memref<1x128xi32, #tpu.memory_space<vmem>>
        %dma_wait3A_952 = tpu.memref_squeeze %dma_wait3A_951 : memref<1x128xi32, #tpu.memory_space<vmem>> -> memref<128xi32, #tpu.memory_space<vmem>>
        %dma_wait3A_953 = arith.constant 0 : i32
        %dma_wait3A_954 = arith.constant 0 : i32
        %dma_wait3A_955 = tpu.memref_slice %arg5[%dma_wait3A_953, %dma_wait3A_954] : memref<204800x128xf32, #tpu.memory_space<hbm>> -> memref<204800x128xf32, #tpu.memory_space<hbm>>
        tpu.wait_indirect_dma semaphore(%run_scoped3A_943 : memref<!tpu.dma_semaphore, #tpu.memory_space<semaphore_mem>>) src(%arg9 : memref<128x128xf32, #tpu.memory_space<vmem>>) dst(%dma_wait3A_955 : memref<204800x128xf32, #tpu.memory_space<hbm>>)
        tpu.yield
      }) : () -> ()
    } else {
    }
    %gt3A_768 = arith.constant 1920 : i32
    %gt3A_769 = arith.cmpi sgt, %scan3A_308#0, %gt3A_768 : i32
    %convert_element_type3A_770 = arith.extui %gt3A_769 : i1 to i32
    %cond3A_771 = arith.constant 0 : i32
    %cond3A_772 = arith.cmpi ne, %convert_element_type3A_770, %cond3A_771 : i32
    scf.if %cond3A_772 {
      "tpu.region"() ({
        %run_scoped3A_943 = tpu.sem_alloc : memref<!tpu.dma_semaphore, #tpu.memory_space<semaphore_mem>>
        %dma_start3A_944 = arith.constant 1920 : i32
        %dma_start3A_945 = tpu.memref_slice %arg10[%dma_start3A_944] : memref<6400xi32, #tpu.memory_space<vmem>> -> memref<128xi32, #tpu.memory_space<vmem>>
        %dma_start3A_946 = arith.constant 0 : i32
        %dma_start3A_947 = arith.constant 0 : i32
        %dma_start3A_948 = tpu.memref_slice %arg4[%dma_start3A_946, %dma_start3A_947] : memref<2024x128xf32, #tpu.memory_space<hbm>> -> memref<2024x128xf32, #tpu.memory_space<hbm>>
        tpu.enqueue_indirect_dma source(%dma_start3A_948 : memref<2024x128xf32, #tpu.memory_space<hbm>>) target(%arg9 : memref<128x128xf32, #tpu.memory_space<vmem>>) offsets(%dma_start3A_945 : memref<128xi32, #tpu.memory_space<vmem>>) semaphore(%run_scoped3A_943 : memref<!tpu.dma_semaphore, #tpu.memory_space<semaphore_mem>>)
        %dma_wait3A_949 = arith.constant 1920 : i32
        %dma_wait3A_950 = tpu.memref_slice %arg10[%dma_wait3A_949] : memref<6400xi32, #tpu.memory_space<vmem>> -> memref<128xi32, #tpu.memory_space<vmem>>
        %dma_wait3A_951 = arith.constant 0 : i32
        %dma_wait3A_952 = arith.constant 0 : i32
        %dma_wait3A_953 = tpu.memref_slice %arg4[%dma_wait3A_951, %dma_wait3A_952] : memref<2024x128xf32, #tpu.memory_space<hbm>> -> memref<2024x128xf32, #tpu.memory_space<hbm>>
        tpu.wait_indirect_dma semaphore(%run_scoped3A_943 : memref<!tpu.dma_semaphore, #tpu.memory_space<semaphore_mem>>) src(%dma_wait3A_953 : memref<2024x128xf32, #tpu.memory_space<hbm>>) dst(%arg9 : memref<128x128xf32, #tpu.memory_space<vmem>>)
        tpu.yield
      }) : () -> ()
      %run_scoped3A = arith.constant 15 : i32
      "tpu.region"() ({
        %run_scoped3A_943 = tpu.sem_alloc : memref<!tpu.dma_semaphore, #tpu.memory_space<semaphore_mem>>
        %dma_start3A_944 = arith.constant 0 : i32
        %dma_start3A_945 = tpu.memref_slice %arg11[%run_scoped3A, %dma_start3A_944] : memref<50x128xi32, #tpu.memory_space<vmem>> -> memref<1x128xi32, #tpu.memory_space<vmem>>
        %dma_start3A_946 = tpu.memref_squeeze %dma_start3A_945 : memref<1x128xi32, #tpu.memory_space<vmem>> -> memref<128xi32, #tpu.memory_space<vmem>>
        %dma_start3A_947 = arith.constant 0 : i32
        %dma_start3A_948 = arith.constant 0 : i32
        %dma_start3A_949 = tpu.memref_slice %arg5[%dma_start3A_947, %dma_start3A_948] : memref<204800x128xf32, #tpu.memory_space<hbm>> -> memref<204800x128xf32, #tpu.memory_space<hbm>>
        tpu.enqueue_indirect_dma source(%arg9 : memref<128x128xf32, #tpu.memory_space<vmem>>) target(%dma_start3A_949 : memref<204800x128xf32, #tpu.memory_space<hbm>>) offsets(%dma_start3A_946 : memref<128xi32, #tpu.memory_space<vmem>>) semaphore(%run_scoped3A_943 : memref<!tpu.dma_semaphore, #tpu.memory_space<semaphore_mem>>)
        %dma_wait3A_950 = arith.constant 0 : i32
        %dma_wait3A_951 = tpu.memref_slice %arg11[%run_scoped3A, %dma_wait3A_950] : memref<50x128xi32, #tpu.memory_space<vmem>> -> memref<1x128xi32, #tpu.memory_space<vmem>>
        %dma_wait3A_952 = tpu.memref_squeeze %dma_wait3A_951 : memref<1x128xi32, #tpu.memory_space<vmem>> -> memref<128xi32, #tpu.memory_space<vmem>>
        %dma_wait3A_953 = arith.constant 0 : i32
        %dma_wait3A_954 = arith.constant 0 : i32
        %dma_wait3A_955 = tpu.memref_slice %arg5[%dma_wait3A_953, %dma_wait3A_954] : memref<204800x128xf32, #tpu.memory_space<hbm>> -> memref<204800x128xf32, #tpu.memory_space<hbm>>
        tpu.wait_indirect_dma semaphore(%run_scoped3A_943 : memref<!tpu.dma_semaphore, #tpu.memory_space<semaphore_mem>>) src(%arg9 : memref<128x128xf32, #tpu.memory_space<vmem>>) dst(%dma_wait3A_955 : memref<204800x128xf32, #tpu.memory_space<hbm>>)
        tpu.yield
      }) : () -> ()
    } else {
    }
    %gt3A_773 = arith.constant 2048 : i32
    %gt3A_774 = arith.cmpi sgt, %scan3A_308#0, %gt3A_773 : i32
    %convert_element_type3A_775 = arith.extui %gt3A_774 : i1 to i32
    %cond3A_776 = arith.constant 0 : i32
    %cond3A_777 = arith.cmpi ne, %convert_element_type3A_775, %cond3A_776 : i32
    scf.if %cond3A_777 {
      "tpu.region"() ({
        %run_scoped3A_943 = tpu.sem_alloc : memref<!tpu.dma_semaphore, #tpu.memory_space<semaphore_mem>>
        %dma_start3A_944 = arith.constant 2048 : i32
        %dma_start3A_945 = tpu.memref_slice %arg10[%dma_start3A_944] : memref<6400xi32, #tpu.memory_space<vmem>> -> memref<128xi32, #tpu.memory_space<vmem>>
        %dma_start3A_946 = arith.constant 0 : i32
        %dma_start3A_947 = arith.constant 0 : i32
        %dma_start3A_948 = tpu.memref_slice %arg4[%dma_start3A_946, %dma_start3A_947] : memref<2024x128xf32, #tpu.memory_space<hbm>> -> memref<2024x128xf32, #tpu.memory_space<hbm>>
        tpu.enqueue_indirect_dma source(%dma_start3A_948 : memref<2024x128xf32, #tpu.memory_space<hbm>>) target(%arg9 : memref<128x128xf32, #tpu.memory_space<vmem>>) offsets(%dma_start3A_945 : memref<128xi32, #tpu.memory_space<vmem>>) semaphore(%run_scoped3A_943 : memref<!tpu.dma_semaphore, #tpu.memory_space<semaphore_mem>>)
        %dma_wait3A_949 = arith.constant 2048 : i32
        %dma_wait3A_950 = tpu.memref_slice %arg10[%dma_wait3A_949] : memref<6400xi32, #tpu.memory_space<vmem>> -> memref<128xi32, #tpu.memory_space<vmem>>
        %dma_wait3A_951 = arith.constant 0 : i32
        %dma_wait3A_952 = arith.constant 0 : i32
        %dma_wait3A_953 = tpu.memref_slice %arg4[%dma_wait3A_951, %dma_wait3A_952] : memref<2024x128xf32, #tpu.memory_space<hbm>> -> memref<2024x128xf32, #tpu.memory_space<hbm>>
        tpu.wait_indirect_dma semaphore(%run_scoped3A_943 : memref<!tpu.dma_semaphore, #tpu.memory_space<semaphore_mem>>) src(%dma_wait3A_953 : memref<2024x128xf32, #tpu.memory_space<hbm>>) dst(%arg9 : memref<128x128xf32, #tpu.memory_space<vmem>>)
        tpu.yield
      }) : () -> ()
      %run_scoped3A = arith.constant 16 : i32
      "tpu.region"() ({
        %run_scoped3A_943 = tpu.sem_alloc : memref<!tpu.dma_semaphore, #tpu.memory_space<semaphore_mem>>
        %dma_start3A_944 = arith.constant 0 : i32
        %dma_start3A_945 = tpu.memref_slice %arg11[%run_scoped3A, %dma_start3A_944] : memref<50x128xi32, #tpu.memory_space<vmem>> -> memref<1x128xi32, #tpu.memory_space<vmem>>
        %dma_start3A_946 = tpu.memref_squeeze %dma_start3A_945 : memref<1x128xi32, #tpu.memory_space<vmem>> -> memref<128xi32, #tpu.memory_space<vmem>>
        %dma_start3A_947 = arith.constant 0 : i32
        %dma_start3A_948 = arith.constant 0 : i32
        %dma_start3A_949 = tpu.memref_slice %arg5[%dma_start3A_947, %dma_start3A_948] : memref<204800x128xf32, #tpu.memory_space<hbm>> -> memref<204800x128xf32, #tpu.memory_space<hbm>>
        tpu.enqueue_indirect_dma source(%arg9 : memref<128x128xf32, #tpu.memory_space<vmem>>) target(%dma_start3A_949 : memref<204800x128xf32, #tpu.memory_space<hbm>>) offsets(%dma_start3A_946 : memref<128xi32, #tpu.memory_space<vmem>>) semaphore(%run_scoped3A_943 : memref<!tpu.dma_semaphore, #tpu.memory_space<semaphore_mem>>)
        %dma_wait3A_950 = arith.constant 0 : i32
        %dma_wait3A_951 = tpu.memref_slice %arg11[%run_scoped3A, %dma_wait3A_950] : memref<50x128xi32, #tpu.memory_space<vmem>> -> memref<1x128xi32, #tpu.memory_space<vmem>>
        %dma_wait3A_952 = tpu.memref_squeeze %dma_wait3A_951 : memref<1x128xi32, #tpu.memory_space<vmem>> -> memref<128xi32, #tpu.memory_space<vmem>>
        %dma_wait3A_953 = arith.constant 0 : i32
        %dma_wait3A_954 = arith.constant 0 : i32
        %dma_wait3A_955 = tpu.memref_slice %arg5[%dma_wait3A_953, %dma_wait3A_954] : memref<204800x128xf32, #tpu.memory_space<hbm>> -> memref<204800x128xf32, #tpu.memory_space<hbm>>
        tpu.wait_indirect_dma semaphore(%run_scoped3A_943 : memref<!tpu.dma_semaphore, #tpu.memory_space<semaphore_mem>>) src(%arg9 : memref<128x128xf32, #tpu.memory_space<vmem>>) dst(%dma_wait3A_955 : memref<204800x128xf32, #tpu.memory_space<hbm>>)
        tpu.yield
      }) : () -> ()
    } else {
    }
    %gt3A_778 = arith.constant 2176 : i32
    %gt3A_779 = arith.cmpi sgt, %scan3A_308#0, %gt3A_778 : i32
    %convert_element_type3A_780 = arith.extui %gt3A_779 : i1 to i32
    %cond3A_781 = arith.constant 0 : i32
    %cond3A_782 = arith.cmpi ne, %convert_element_type3A_780, %cond3A_781 : i32
    scf.if %cond3A_782 {
      "tpu.region"() ({
        %run_scoped3A_943 = tpu.sem_alloc : memref<!tpu.dma_semaphore, #tpu.memory_space<semaphore_mem>>
        %dma_start3A_944 = arith.constant 2176 : i32
        %dma_start3A_945 = tpu.memref_slice %arg10[%dma_start3A_944] : memref<6400xi32, #tpu.memory_space<vmem>> -> memref<128xi32, #tpu.memory_space<vmem>>
        %dma_start3A_946 = arith.constant 0 : i32
        %dma_start3A_947 = arith.constant 0 : i32
        %dma_start3A_948 = tpu.memref_slice %arg4[%dma_start3A_946, %dma_start3A_947] : memref<2024x128xf32, #tpu.memory_space<hbm>> -> memref<2024x128xf32, #tpu.memory_space<hbm>>
        tpu.enqueue_indirect_dma source(%dma_start3A_948 : memref<2024x128xf32, #tpu.memory_space<hbm>>) target(%arg9 : memref<128x128xf32, #tpu.memory_space<vmem>>) offsets(%dma_start3A_945 : memref<128xi32, #tpu.memory_space<vmem>>) semaphore(%run_scoped3A_943 : memref<!tpu.dma_semaphore, #tpu.memory_space<semaphore_mem>>)
        %dma_wait3A_949 = arith.constant 2176 : i32
        %dma_wait3A_950 = tpu.memref_slice %arg10[%dma_wait3A_949] : memref<6400xi32, #tpu.memory_space<vmem>> -> memref<128xi32, #tpu.memory_space<vmem>>
        %dma_wait3A_951 = arith.constant 0 : i32
        %dma_wait3A_952 = arith.constant 0 : i32
        %dma_wait3A_953 = tpu.memref_slice %arg4[%dma_wait3A_951, %dma_wait3A_952] : memref<2024x128xf32, #tpu.memory_space<hbm>> -> memref<2024x128xf32, #tpu.memory_space<hbm>>
        tpu.wait_indirect_dma semaphore(%run_scoped3A_943 : memref<!tpu.dma_semaphore, #tpu.memory_space<semaphore_mem>>) src(%dma_wait3A_953 : memref<2024x128xf32, #tpu.memory_space<hbm>>) dst(%arg9 : memref<128x128xf32, #tpu.memory_space<vmem>>)
        tpu.yield
      }) : () -> ()
      %run_scoped3A = arith.constant 17 : i32
      "tpu.region"() ({
        %run_scoped3A_943 = tpu.sem_alloc : memref<!tpu.dma_semaphore, #tpu.memory_space<semaphore_mem>>
        %dma_start3A_944 = arith.constant 0 : i32
        %dma_start3A_945 = tpu.memref_slice %arg11[%run_scoped3A, %dma_start3A_944] : memref<50x128xi32, #tpu.memory_space<vmem>> -> memref<1x128xi32, #tpu.memory_space<vmem>>
        %dma_start3A_946 = tpu.memref_squeeze %dma_start3A_945 : memref<1x128xi32, #tpu.memory_space<vmem>> -> memref<128xi32, #tpu.memory_space<vmem>>
        %dma_start3A_947 = arith.constant 0 : i32
        %dma_start3A_948 = arith.constant 0 : i32
        %dma_start3A_949 = tpu.memref_slice %arg5[%dma_start3A_947, %dma_start3A_948] : memref<204800x128xf32, #tpu.memory_space<hbm>> -> memref<204800x128xf32, #tpu.memory_space<hbm>>
        tpu.enqueue_indirect_dma source(%arg9 : memref<128x128xf32, #tpu.memory_space<vmem>>) target(%dma_start3A_949 : memref<204800x128xf32, #tpu.memory_space<hbm>>) offsets(%dma_start3A_946 : memref<128xi32, #tpu.memory_space<vmem>>) semaphore(%run_scoped3A_943 : memref<!tpu.dma_semaphore, #tpu.memory_space<semaphore_mem>>)
        %dma_wait3A_950 = arith.constant 0 : i32
        %dma_wait3A_951 = tpu.memref_slice %arg11[%run_scoped3A, %dma_wait3A_950] : memref<50x128xi32, #tpu.memory_space<vmem>> -> memref<1x128xi32, #tpu.memory_space<vmem>>
        %dma_wait3A_952 = tpu.memref_squeeze %dma_wait3A_951 : memref<1x128xi32, #tpu.memory_space<vmem>> -> memref<128xi32, #tpu.memory_space<vmem>>
        %dma_wait3A_953 = arith.constant 0 : i32
        %dma_wait3A_954 = arith.constant 0 : i32
        %dma_wait3A_955 = tpu.memref_slice %arg5[%dma_wait3A_953, %dma_wait3A_954] : memref<204800x128xf32, #tpu.memory_space<hbm>> -> memref<204800x128xf32, #tpu.memory_space<hbm>>
        tpu.wait_indirect_dma semaphore(%run_scoped3A_943 : memref<!tpu.dma_semaphore, #tpu.memory_space<semaphore_mem>>) src(%arg9 : memref<128x128xf32, #tpu.memory_space<vmem>>) dst(%dma_wait3A_955 : memref<204800x128xf32, #tpu.memory_space<hbm>>)
        tpu.yield
      }) : () -> ()
    } else {
    }
    %gt3A_783 = arith.constant 2304 : i32
    %gt3A_784 = arith.cmpi sgt, %scan3A_308#0, %gt3A_783 : i32
    %convert_element_type3A_785 = arith.extui %gt3A_784 : i1 to i32
    %cond3A_786 = arith.constant 0 : i32
    %cond3A_787 = arith.cmpi ne, %convert_element_type3A_785, %cond3A_786 : i32
    scf.if %cond3A_787 {
      "tpu.region"() ({
        %run_scoped3A_943 = tpu.sem_alloc : memref<!tpu.dma_semaphore, #tpu.memory_space<semaphore_mem>>
        %dma_start3A_944 = arith.constant 2304 : i32
        %dma_start3A_945 = tpu.memref_slice %arg10[%dma_start3A_944] : memref<6400xi32, #tpu.memory_space<vmem>> -> memref<128xi32, #tpu.memory_space<vmem>>
        %dma_start3A_946 = arith.constant 0 : i32
        %dma_start3A_947 = arith.constant 0 : i32
        %dma_start3A_948 = tpu.memref_slice %arg4[%dma_start3A_946, %dma_start3A_947] : memref<2024x128xf32, #tpu.memory_space<hbm>> -> memref<2024x128xf32, #tpu.memory_space<hbm>>
        tpu.enqueue_indirect_dma source(%dma_start3A_948 : memref<2024x128xf32, #tpu.memory_space<hbm>>) target(%arg9 : memref<128x128xf32, #tpu.memory_space<vmem>>) offsets(%dma_start3A_945 : memref<128xi32, #tpu.memory_space<vmem>>) semaphore(%run_scoped3A_943 : memref<!tpu.dma_semaphore, #tpu.memory_space<semaphore_mem>>)
        %dma_wait3A_949 = arith.constant 2304 : i32
        %dma_wait3A_950 = tpu.memref_slice %arg10[%dma_wait3A_949] : memref<6400xi32, #tpu.memory_space<vmem>> -> memref<128xi32, #tpu.memory_space<vmem>>
        %dma_wait3A_951 = arith.constant 0 : i32
        %dma_wait3A_952 = arith.constant 0 : i32
        %dma_wait3A_953 = tpu.memref_slice %arg4[%dma_wait3A_951, %dma_wait3A_952] : memref<2024x128xf32, #tpu.memory_space<hbm>> -> memref<2024x128xf32, #tpu.memory_space<hbm>>
        tpu.wait_indirect_dma semaphore(%run_scoped3A_943 : memref<!tpu.dma_semaphore, #tpu.memory_space<semaphore_mem>>) src(%dma_wait3A_953 : memref<2024x128xf32, #tpu.memory_space<hbm>>) dst(%arg9 : memref<128x128xf32, #tpu.memory_space<vmem>>)
        tpu.yield
      }) : () -> ()
      %run_scoped3A = arith.constant 18 : i32
      "tpu.region"() ({
        %run_scoped3A_943 = tpu.sem_alloc : memref<!tpu.dma_semaphore, #tpu.memory_space<semaphore_mem>>
        %dma_start3A_944 = arith.constant 0 : i32
        %dma_start3A_945 = tpu.memref_slice %arg11[%run_scoped3A, %dma_start3A_944] : memref<50x128xi32, #tpu.memory_space<vmem>> -> memref<1x128xi32, #tpu.memory_space<vmem>>
        %dma_start3A_946 = tpu.memref_squeeze %dma_start3A_945 : memref<1x128xi32, #tpu.memory_space<vmem>> -> memref<128xi32, #tpu.memory_space<vmem>>
        %dma_start3A_947 = arith.constant 0 : i32
        %dma_start3A_948 = arith.constant 0 : i32
        %dma_start3A_949 = tpu.memref_slice %arg5[%dma_start3A_947, %dma_start3A_948] : memref<204800x128xf32, #tpu.memory_space<hbm>> -> memref<204800x128xf32, #tpu.memory_space<hbm>>
        tpu.enqueue_indirect_dma source(%arg9 : memref<128x128xf32, #tpu.memory_space<vmem>>) target(%dma_start3A_949 : memref<204800x128xf32, #tpu.memory_space<hbm>>) offsets(%dma_start3A_946 : memref<128xi32, #tpu.memory_space<vmem>>) semaphore(%run_scoped3A_943 : memref<!tpu.dma_semaphore, #tpu.memory_space<semaphore_mem>>)
        %dma_wait3A_950 = arith.constant 0 : i32
        %dma_wait3A_951 = tpu.memref_slice %arg11[%run_scoped3A, %dma_wait3A_950] : memref<50x128xi32, #tpu.memory_space<vmem>> -> memref<1x128xi32, #tpu.memory_space<vmem>>
        %dma_wait3A_952 = tpu.memref_squeeze %dma_wait3A_951 : memref<1x128xi32, #tpu.memory_space<vmem>> -> memref<128xi32, #tpu.memory_space<vmem>>
        %dma_wait3A_953 = arith.constant 0 : i32
        %dma_wait3A_954 = arith.constant 0 : i32
        %dma_wait3A_955 = tpu.memref_slice %arg5[%dma_wait3A_953, %dma_wait3A_954] : memref<204800x128xf32, #tpu.memory_space<hbm>> -> memref<204800x128xf32, #tpu.memory_space<hbm>>
        tpu.wait_indirect_dma semaphore(%run_scoped3A_943 : memref<!tpu.dma_semaphore, #tpu.memory_space<semaphore_mem>>) src(%arg9 : memref<128x128xf32, #tpu.memory_space<vmem>>) dst(%dma_wait3A_955 : memref<204800x128xf32, #tpu.memory_space<hbm>>)
        tpu.yield
      }) : () -> ()
    } else {
    }
    %gt3A_788 = arith.constant 2432 : i32
    %gt3A_789 = arith.cmpi sgt, %scan3A_308#0, %gt3A_788 : i32
    %convert_element_type3A_790 = arith.extui %gt3A_789 : i1 to i32
    %cond3A_791 = arith.constant 0 : i32
    %cond3A_792 = arith.cmpi ne, %convert_element_type3A_790, %cond3A_791 : i32
    scf.if %cond3A_792 {
      "tpu.region"() ({
        %run_scoped3A_943 = tpu.sem_alloc : memref<!tpu.dma_semaphore, #tpu.memory_space<semaphore_mem>>
        %dma_start3A_944 = arith.constant 2432 : i32
        %dma_start3A_945 = tpu.memref_slice %arg10[%dma_start3A_944] : memref<6400xi32, #tpu.memory_space<vmem>> -> memref<128xi32, #tpu.memory_space<vmem>>
        %dma_start3A_946 = arith.constant 0 : i32
        %dma_start3A_947 = arith.constant 0 : i32
        %dma_start3A_948 = tpu.memref_slice %arg4[%dma_start3A_946, %dma_start3A_947] : memref<2024x128xf32, #tpu.memory_space<hbm>> -> memref<2024x128xf32, #tpu.memory_space<hbm>>
        tpu.enqueue_indirect_dma source(%dma_start3A_948 : memref<2024x128xf32, #tpu.memory_space<hbm>>) target(%arg9 : memref<128x128xf32, #tpu.memory_space<vmem>>) offsets(%dma_start3A_945 : memref<128xi32, #tpu.memory_space<vmem>>) semaphore(%run_scoped3A_943 : memref<!tpu.dma_semaphore, #tpu.memory_space<semaphore_mem>>)
        %dma_wait3A_949 = arith.constant 2432 : i32
        %dma_wait3A_950 = tpu.memref_slice %arg10[%dma_wait3A_949] : memref<6400xi32, #tpu.memory_space<vmem>> -> memref<128xi32, #tpu.memory_space<vmem>>
        %dma_wait3A_951 = arith.constant 0 : i32
        %dma_wait3A_952 = arith.constant 0 : i32
        %dma_wait3A_953 = tpu.memref_slice %arg4[%dma_wait3A_951, %dma_wait3A_952] : memref<2024x128xf32, #tpu.memory_space<hbm>> -> memref<2024x128xf32, #tpu.memory_space<hbm>>
        tpu.wait_indirect_dma semaphore(%run_scoped3A_943 : memref<!tpu.dma_semaphore, #tpu.memory_space<semaphore_mem>>) src(%dma_wait3A_953 : memref<2024x128xf32, #tpu.memory_space<hbm>>) dst(%arg9 : memref<128x128xf32, #tpu.memory_space<vmem>>)
        tpu.yield
      }) : () -> ()
      %run_scoped3A = arith.constant 19 : i32
      "tpu.region"() ({
        %run_scoped3A_943 = tpu.sem_alloc : memref<!tpu.dma_semaphore, #tpu.memory_space<semaphore_mem>>
        %dma_start3A_944 = arith.constant 0 : i32
        %dma_start3A_945 = tpu.memref_slice %arg11[%run_scoped3A, %dma_start3A_944] : memref<50x128xi32, #tpu.memory_space<vmem>> -> memref<1x128xi32, #tpu.memory_space<vmem>>
        %dma_start3A_946 = tpu.memref_squeeze %dma_start3A_945 : memref<1x128xi32, #tpu.memory_space<vmem>> -> memref<128xi32, #tpu.memory_space<vmem>>
        %dma_start3A_947 = arith.constant 0 : i32
        %dma_start3A_948 = arith.constant 0 : i32
        %dma_start3A_949 = tpu.memref_slice %arg5[%dma_start3A_947, %dma_start3A_948] : memref<204800x128xf32, #tpu.memory_space<hbm>> -> memref<204800x128xf32, #tpu.memory_space<hbm>>
        tpu.enqueue_indirect_dma source(%arg9 : memref<128x128xf32, #tpu.memory_space<vmem>>) target(%dma_start3A_949 : memref<204800x128xf32, #tpu.memory_space<hbm>>) offsets(%dma_start3A_946 : memref<128xi32, #tpu.memory_space<vmem>>) semaphore(%run_scoped3A_943 : memref<!tpu.dma_semaphore, #tpu.memory_space<semaphore_mem>>)
        %dma_wait3A_950 = arith.constant 0 : i32
        %dma_wait3A_951 = tpu.memref_slice %arg11[%run_scoped3A, %dma_wait3A_950] : memref<50x128xi32, #tpu.memory_space<vmem>> -> memref<1x128xi32, #tpu.memory_space<vmem>>
        %dma_wait3A_952 = tpu.memref_squeeze %dma_wait3A_951 : memref<1x128xi32, #tpu.memory_space<vmem>> -> memref<128xi32, #tpu.memory_space<vmem>>
        %dma_wait3A_953 = arith.constant 0 : i32
        %dma_wait3A_954 = arith.constant 0 : i32
        %dma_wait3A_955 = tpu.memref_slice %arg5[%dma_wait3A_953, %dma_wait3A_954] : memref<204800x128xf32, #tpu.memory_space<hbm>> -> memref<204800x128xf32, #tpu.memory_space<hbm>>
        tpu.wait_indirect_dma semaphore(%run_scoped3A_943 : memref<!tpu.dma_semaphore, #tpu.memory_space<semaphore_mem>>) src(%arg9 : memref<128x128xf32, #tpu.memory_space<vmem>>) dst(%dma_wait3A_955 : memref<204800x128xf32, #tpu.memory_space<hbm>>)
        tpu.yield
      }) : () -> ()
    } else {
    }
    %gt3A_793 = arith.constant 2560 : i32
    %gt3A_794 = arith.cmpi sgt, %scan3A_308#0, %gt3A_793 : i32
    %convert_element_type3A_795 = arith.extui %gt3A_794 : i1 to i32
    %cond3A_796 = arith.constant 0 : i32
    %cond3A_797 = arith.cmpi ne, %convert_element_type3A_795, %cond3A_796 : i32
    scf.if %cond3A_797 {
      "tpu.region"() ({
        %run_scoped3A_943 = tpu.sem_alloc : memref<!tpu.dma_semaphore, #tpu.memory_space<semaphore_mem>>
        %dma_start3A_944 = arith.constant 2560 : i32
        %dma_start3A_945 = tpu.memref_slice %arg10[%dma_start3A_944] : memref<6400xi32, #tpu.memory_space<vmem>> -> memref<128xi32, #tpu.memory_space<vmem>>
        %dma_start3A_946 = arith.constant 0 : i32
        %dma_start3A_947 = arith.constant 0 : i32
        %dma_start3A_948 = tpu.memref_slice %arg4[%dma_start3A_946, %dma_start3A_947] : memref<2024x128xf32, #tpu.memory_space<hbm>> -> memref<2024x128xf32, #tpu.memory_space<hbm>>
        tpu.enqueue_indirect_dma source(%dma_start3A_948 : memref<2024x128xf32, #tpu.memory_space<hbm>>) target(%arg9 : memref<128x128xf32, #tpu.memory_space<vmem>>) offsets(%dma_start3A_945 : memref<128xi32, #tpu.memory_space<vmem>>) semaphore(%run_scoped3A_943 : memref<!tpu.dma_semaphore, #tpu.memory_space<semaphore_mem>>)
        %dma_wait3A_949 = arith.constant 2560 : i32
        %dma_wait3A_950 = tpu.memref_slice %arg10[%dma_wait3A_949] : memref<6400xi32, #tpu.memory_space<vmem>> -> memref<128xi32, #tpu.memory_space<vmem>>
        %dma_wait3A_951 = arith.constant 0 : i32
        %dma_wait3A_952 = arith.constant 0 : i32
        %dma_wait3A_953 = tpu.memref_slice %arg4[%dma_wait3A_951, %dma_wait3A_952] : memref<2024x128xf32, #tpu.memory_space<hbm>> -> memref<2024x128xf32, #tpu.memory_space<hbm>>
        tpu.wait_indirect_dma semaphore(%run_scoped3A_943 : memref<!tpu.dma_semaphore, #tpu.memory_space<semaphore_mem>>) src(%dma_wait3A_953 : memref<2024x128xf32, #tpu.memory_space<hbm>>) dst(%arg9 : memref<128x128xf32, #tpu.memory_space<vmem>>)
        tpu.yield
      }) : () -> ()
      %run_scoped3A = arith.constant 20 : i32
      "tpu.region"() ({
        %run_scoped3A_943 = tpu.sem_alloc : memref<!tpu.dma_semaphore, #tpu.memory_space<semaphore_mem>>
        %dma_start3A_944 = arith.constant 0 : i32
        %dma_start3A_945 = tpu.memref_slice %arg11[%run_scoped3A, %dma_start3A_944] : memref<50x128xi32, #tpu.memory_space<vmem>> -> memref<1x128xi32, #tpu.memory_space<vmem>>
        %dma_start3A_946 = tpu.memref_squeeze %dma_start3A_945 : memref<1x128xi32, #tpu.memory_space<vmem>> -> memref<128xi32, #tpu.memory_space<vmem>>
        %dma_start3A_947 = arith.constant 0 : i32
        %dma_start3A_948 = arith.constant 0 : i32
        %dma_start3A_949 = tpu.memref_slice %arg5[%dma_start3A_947, %dma_start3A_948] : memref<204800x128xf32, #tpu.memory_space<hbm>> -> memref<204800x128xf32, #tpu.memory_space<hbm>>
        tpu.enqueue_indirect_dma source(%arg9 : memref<128x128xf32, #tpu.memory_space<vmem>>) target(%dma_start3A_949 : memref<204800x128xf32, #tpu.memory_space<hbm>>) offsets(%dma_start3A_946 : memref<128xi32, #tpu.memory_space<vmem>>) semaphore(%run_scoped3A_943 : memref<!tpu.dma_semaphore, #tpu.memory_space<semaphore_mem>>)
        %dma_wait3A_950 = arith.constant 0 : i32
        %dma_wait3A_951 = tpu.memref_slice %arg11[%run_scoped3A, %dma_wait3A_950] : memref<50x128xi32, #tpu.memory_space<vmem>> -> memref<1x128xi32, #tpu.memory_space<vmem>>
        %dma_wait3A_952 = tpu.memref_squeeze %dma_wait3A_951 : memref<1x128xi32, #tpu.memory_space<vmem>> -> memref<128xi32, #tpu.memory_space<vmem>>
        %dma_wait3A_953 = arith.constant 0 : i32
        %dma_wait3A_954 = arith.constant 0 : i32
        %dma_wait3A_955 = tpu.memref_slice %arg5[%dma_wait3A_953, %dma_wait3A_954] : memref<204800x128xf32, #tpu.memory_space<hbm>> -> memref<204800x128xf32, #tpu.memory_space<hbm>>
        tpu.wait_indirect_dma semaphore(%run_scoped3A_943 : memref<!tpu.dma_semaphore, #tpu.memory_space<semaphore_mem>>) src(%arg9 : memref<128x128xf32, #tpu.memory_space<vmem>>) dst(%dma_wait3A_955 : memref<204800x128xf32, #tpu.memory_space<hbm>>)
        tpu.yield
      }) : () -> ()
    } else {
    }
    %gt3A_798 = arith.constant 2688 : i32
    %gt3A_799 = arith.cmpi sgt, %scan3A_308#0, %gt3A_798 : i32
    %convert_element_type3A_800 = arith.extui %gt3A_799 : i1 to i32
    %cond3A_801 = arith.constant 0 : i32
    %cond3A_802 = arith.cmpi ne, %convert_element_type3A_800, %cond3A_801 : i32
    scf.if %cond3A_802 {
      "tpu.region"() ({
        %run_scoped3A_943 = tpu.sem_alloc : memref<!tpu.dma_semaphore, #tpu.memory_space<semaphore_mem>>
        %dma_start3A_944 = arith.constant 2688 : i32
        %dma_start3A_945 = tpu.memref_slice %arg10[%dma_start3A_944] : memref<6400xi32, #tpu.memory_space<vmem>> -> memref<128xi32, #tpu.memory_space<vmem>>
        %dma_start3A_946 = arith.constant 0 : i32
        %dma_start3A_947 = arith.constant 0 : i32
        %dma_start3A_948 = tpu.memref_slice %arg4[%dma_start3A_946, %dma_start3A_947] : memref<2024x128xf32, #tpu.memory_space<hbm>> -> memref<2024x128xf32, #tpu.memory_space<hbm>>
        tpu.enqueue_indirect_dma source(%dma_start3A_948 : memref<2024x128xf32, #tpu.memory_space<hbm>>) target(%arg9 : memref<128x128xf32, #tpu.memory_space<vmem>>) offsets(%dma_start3A_945 : memref<128xi32, #tpu.memory_space<vmem>>) semaphore(%run_scoped3A_943 : memref<!tpu.dma_semaphore, #tpu.memory_space<semaphore_mem>>)
        %dma_wait3A_949 = arith.constant 2688 : i32
        %dma_wait3A_950 = tpu.memref_slice %arg10[%dma_wait3A_949] : memref<6400xi32, #tpu.memory_space<vmem>> -> memref<128xi32, #tpu.memory_space<vmem>>
        %dma_wait3A_951 = arith.constant 0 : i32
        %dma_wait3A_952 = arith.constant 0 : i32
        %dma_wait3A_953 = tpu.memref_slice %arg4[%dma_wait3A_951, %dma_wait3A_952] : memref<2024x128xf32, #tpu.memory_space<hbm>> -> memref<2024x128xf32, #tpu.memory_space<hbm>>
        tpu.wait_indirect_dma semaphore(%run_scoped3A_943 : memref<!tpu.dma_semaphore, #tpu.memory_space<semaphore_mem>>) src(%dma_wait3A_953 : memref<2024x128xf32, #tpu.memory_space<hbm>>) dst(%arg9 : memref<128x128xf32, #tpu.memory_space<vmem>>)
        tpu.yield
      }) : () -> ()
      %run_scoped3A = arith.constant 21 : i32
      "tpu.region"() ({
        %run_scoped3A_943 = tpu.sem_alloc : memref<!tpu.dma_semaphore, #tpu.memory_space<semaphore_mem>>
        %dma_start3A_944 = arith.constant 0 : i32
        %dma_start3A_945 = tpu.memref_slice %arg11[%run_scoped3A, %dma_start3A_944] : memref<50x128xi32, #tpu.memory_space<vmem>> -> memref<1x128xi32, #tpu.memory_space<vmem>>
        %dma_start3A_946 = tpu.memref_squeeze %dma_start3A_945 : memref<1x128xi32, #tpu.memory_space<vmem>> -> memref<128xi32, #tpu.memory_space<vmem>>
        %dma_start3A_947 = arith.constant 0 : i32
        %dma_start3A_948 = arith.constant 0 : i32
        %dma_start3A_949 = tpu.memref_slice %arg5[%dma_start3A_947, %dma_start3A_948] : memref<204800x128xf32, #tpu.memory_space<hbm>> -> memref<204800x128xf32, #tpu.memory_space<hbm>>
        tpu.enqueue_indirect_dma source(%arg9 : memref<128x128xf32, #tpu.memory_space<vmem>>) target(%dma_start3A_949 : memref<204800x128xf32, #tpu.memory_space<hbm>>) offsets(%dma_start3A_946 : memref<128xi32, #tpu.memory_space<vmem>>) semaphore(%run_scoped3A_943 : memref<!tpu.dma_semaphore, #tpu.memory_space<semaphore_mem>>)
        %dma_wait3A_950 = arith.constant 0 : i32
        %dma_wait3A_951 = tpu.memref_slice %arg11[%run_scoped3A, %dma_wait3A_950] : memref<50x128xi32, #tpu.memory_space<vmem>> -> memref<1x128xi32, #tpu.memory_space<vmem>>
        %dma_wait3A_952 = tpu.memref_squeeze %dma_wait3A_951 : memref<1x128xi32, #tpu.memory_space<vmem>> -> memref<128xi32, #tpu.memory_space<vmem>>
        %dma_wait3A_953 = arith.constant 0 : i32
        %dma_wait3A_954 = arith.constant 0 : i32
        %dma_wait3A_955 = tpu.memref_slice %arg5[%dma_wait3A_953, %dma_wait3A_954] : memref<204800x128xf32, #tpu.memory_space<hbm>> -> memref<204800x128xf32, #tpu.memory_space<hbm>>
        tpu.wait_indirect_dma semaphore(%run_scoped3A_943 : memref<!tpu.dma_semaphore, #tpu.memory_space<semaphore_mem>>) src(%arg9 : memref<128x128xf32, #tpu.memory_space<vmem>>) dst(%dma_wait3A_955 : memref<204800x128xf32, #tpu.memory_space<hbm>>)
        tpu.yield
      }) : () -> ()
    } else {
    }
    %gt3A_803 = arith.constant 2816 : i32
    %gt3A_804 = arith.cmpi sgt, %scan3A_308#0, %gt3A_803 : i32
    %convert_element_type3A_805 = arith.extui %gt3A_804 : i1 to i32
    %cond3A_806 = arith.constant 0 : i32
    %cond3A_807 = arith.cmpi ne, %convert_element_type3A_805, %cond3A_806 : i32
    scf.if %cond3A_807 {
      "tpu.region"() ({
        %run_scoped3A_943 = tpu.sem_alloc : memref<!tpu.dma_semaphore, #tpu.memory_space<semaphore_mem>>
        %dma_start3A_944 = arith.constant 2816 : i32
        %dma_start3A_945 = tpu.memref_slice %arg10[%dma_start3A_944] : memref<6400xi32, #tpu.memory_space<vmem>> -> memref<128xi32, #tpu.memory_space<vmem>>
        %dma_start3A_946 = arith.constant 0 : i32
        %dma_start3A_947 = arith.constant 0 : i32
        %dma_start3A_948 = tpu.memref_slice %arg4[%dma_start3A_946, %dma_start3A_947] : memref<2024x128xf32, #tpu.memory_space<hbm>> -> memref<2024x128xf32, #tpu.memory_space<hbm>>
        tpu.enqueue_indirect_dma source(%dma_start3A_948 : memref<2024x128xf32, #tpu.memory_space<hbm>>) target(%arg9 : memref<128x128xf32, #tpu.memory_space<vmem>>) offsets(%dma_start3A_945 : memref<128xi32, #tpu.memory_space<vmem>>) semaphore(%run_scoped3A_943 : memref<!tpu.dma_semaphore, #tpu.memory_space<semaphore_mem>>)
        %dma_wait3A_949 = arith.constant 2816 : i32
        %dma_wait3A_950 = tpu.memref_slice %arg10[%dma_wait3A_949] : memref<6400xi32, #tpu.memory_space<vmem>> -> memref<128xi32, #tpu.memory_space<vmem>>
        %dma_wait3A_951 = arith.constant 0 : i32
        %dma_wait3A_952 = arith.constant 0 : i32
        %dma_wait3A_953 = tpu.memref_slice %arg4[%dma_wait3A_951, %dma_wait3A_952] : memref<2024x128xf32, #tpu.memory_space<hbm>> -> memref<2024x128xf32, #tpu.memory_space<hbm>>
        tpu.wait_indirect_dma semaphore(%run_scoped3A_943 : memref<!tpu.dma_semaphore, #tpu.memory_space<semaphore_mem>>) src(%dma_wait3A_953 : memref<2024x128xf32, #tpu.memory_space<hbm>>) dst(%arg9 : memref<128x128xf32, #tpu.memory_space<vmem>>)
        tpu.yield
      }) : () -> ()
      %run_scoped3A = arith.constant 22 : i32
      "tpu.region"() ({
        %run_scoped3A_943 = tpu.sem_alloc : memref<!tpu.dma_semaphore, #tpu.memory_space<semaphore_mem>>
        %dma_start3A_944 = arith.constant 0 : i32
        %dma_start3A_945 = tpu.memref_slice %arg11[%run_scoped3A, %dma_start3A_944] : memref<50x128xi32, #tpu.memory_space<vmem>> -> memref<1x128xi32, #tpu.memory_space<vmem>>
        %dma_start3A_946 = tpu.memref_squeeze %dma_start3A_945 : memref<1x128xi32, #tpu.memory_space<vmem>> -> memref<128xi32, #tpu.memory_space<vmem>>
        %dma_start3A_947 = arith.constant 0 : i32
        %dma_start3A_948 = arith.constant 0 : i32
        %dma_start3A_949 = tpu.memref_slice %arg5[%dma_start3A_947, %dma_start3A_948] : memref<204800x128xf32, #tpu.memory_space<hbm>> -> memref<204800x128xf32, #tpu.memory_space<hbm>>
        tpu.enqueue_indirect_dma source(%arg9 : memref<128x128xf32, #tpu.memory_space<vmem>>) target(%dma_start3A_949 : memref<204800x128xf32, #tpu.memory_space<hbm>>) offsets(%dma_start3A_946 : memref<128xi32, #tpu.memory_space<vmem>>) semaphore(%run_scoped3A_943 : memref<!tpu.dma_semaphore, #tpu.memory_space<semaphore_mem>>)
        %dma_wait3A_950 = arith.constant 0 : i32
        %dma_wait3A_951 = tpu.memref_slice %arg11[%run_scoped3A, %dma_wait3A_950] : memref<50x128xi32, #tpu.memory_space<vmem>> -> memref<1x128xi32, #tpu.memory_space<vmem>>
        %dma_wait3A_952 = tpu.memref_squeeze %dma_wait3A_951 : memref<1x128xi32, #tpu.memory_space<vmem>> -> memref<128xi32, #tpu.memory_space<vmem>>
        %dma_wait3A_953 = arith.constant 0 : i32
        %dma_wait3A_954 = arith.constant 0 : i32
        %dma_wait3A_955 = tpu.memref_slice %arg5[%dma_wait3A_953, %dma_wait3A_954] : memref<204800x128xf32, #tpu.memory_space<hbm>> -> memref<204800x128xf32, #tpu.memory_space<hbm>>
        tpu.wait_indirect_dma semaphore(%run_scoped3A_943 : memref<!tpu.dma_semaphore, #tpu.memory_space<semaphore_mem>>) src(%arg9 : memref<128x128xf32, #tpu.memory_space<vmem>>) dst(%dma_wait3A_955 : memref<204800x128xf32, #tpu.memory_space<hbm>>)
        tpu.yield
      }) : () -> ()
    } else {
    }
    %gt3A_808 = arith.constant 2944 : i32
    %gt3A_809 = arith.cmpi sgt, %scan3A_308#0, %gt3A_808 : i32
    %convert_element_type3A_810 = arith.extui %gt3A_809 : i1 to i32
    %cond3A_811 = arith.constant 0 : i32
    %cond3A_812 = arith.cmpi ne, %convert_element_type3A_810, %cond3A_811 : i32
    scf.if %cond3A_812 {
      "tpu.region"() ({
        %run_scoped3A_943 = tpu.sem_alloc : memref<!tpu.dma_semaphore, #tpu.memory_space<semaphore_mem>>
        %dma_start3A_944 = arith.constant 2944 : i32
        %dma_start3A_945 = tpu.memref_slice %arg10[%dma_start3A_944] : memref<6400xi32, #tpu.memory_space<vmem>> -> memref<128xi32, #tpu.memory_space<vmem>>
        %dma_start3A_946 = arith.constant 0 : i32
        %dma_start3A_947 = arith.constant 0 : i32
        %dma_start3A_948 = tpu.memref_slice %arg4[%dma_start3A_946, %dma_start3A_947] : memref<2024x128xf32, #tpu.memory_space<hbm>> -> memref<2024x128xf32, #tpu.memory_space<hbm>>
        tpu.enqueue_indirect_dma source(%dma_start3A_948 : memref<2024x128xf32, #tpu.memory_space<hbm>>) target(%arg9 : memref<128x128xf32, #tpu.memory_space<vmem>>) offsets(%dma_start3A_945 : memref<128xi32, #tpu.memory_space<vmem>>) semaphore(%run_scoped3A_943 : memref<!tpu.dma_semaphore, #tpu.memory_space<semaphore_mem>>)
        %dma_wait3A_949 = arith.constant 2944 : i32
        %dma_wait3A_950 = tpu.memref_slice %arg10[%dma_wait3A_949] : memref<6400xi32, #tpu.memory_space<vmem>> -> memref<128xi32, #tpu.memory_space<vmem>>
        %dma_wait3A_951 = arith.constant 0 : i32
        %dma_wait3A_952 = arith.constant 0 : i32
        %dma_wait3A_953 = tpu.memref_slice %arg4[%dma_wait3A_951, %dma_wait3A_952] : memref<2024x128xf32, #tpu.memory_space<hbm>> -> memref<2024x128xf32, #tpu.memory_space<hbm>>
        tpu.wait_indirect_dma semaphore(%run_scoped3A_943 : memref<!tpu.dma_semaphore, #tpu.memory_space<semaphore_mem>>) src(%dma_wait3A_953 : memref<2024x128xf32, #tpu.memory_space<hbm>>) dst(%arg9 : memref<128x128xf32, #tpu.memory_space<vmem>>)
        tpu.yield
      }) : () -> ()
      %run_scoped3A = arith.constant 23 : i32
      "tpu.region"() ({
        %run_scoped3A_943 = tpu.sem_alloc : memref<!tpu.dma_semaphore, #tpu.memory_space<semaphore_mem>>
        %dma_start3A_944 = arith.constant 0 : i32
        %dma_start3A_945 = tpu.memref_slice %arg11[%run_scoped3A, %dma_start3A_944] : memref<50x128xi32, #tpu.memory_space<vmem>> -> memref<1x128xi32, #tpu.memory_space<vmem>>
        %dma_start3A_946 = tpu.memref_squeeze %dma_start3A_945 : memref<1x128xi32, #tpu.memory_space<vmem>> -> memref<128xi32, #tpu.memory_space<vmem>>
        %dma_start3A_947 = arith.constant 0 : i32
        %dma_start3A_948 = arith.constant 0 : i32
        %dma_start3A_949 = tpu.memref_slice %arg5[%dma_start3A_947, %dma_start3A_948] : memref<204800x128xf32, #tpu.memory_space<hbm>> -> memref<204800x128xf32, #tpu.memory_space<hbm>>
        tpu.enqueue_indirect_dma source(%arg9 : memref<128x128xf32, #tpu.memory_space<vmem>>) target(%dma_start3A_949 : memref<204800x128xf32, #tpu.memory_space<hbm>>) offsets(%dma_start3A_946 : memref<128xi32, #tpu.memory_space<vmem>>) semaphore(%run_scoped3A_943 : memref<!tpu.dma_semaphore, #tpu.memory_space<semaphore_mem>>)
        %dma_wait3A_950 = arith.constant 0 : i32
        %dma_wait3A_951 = tpu.memref_slice %arg11[%run_scoped3A, %dma_wait3A_950] : memref<50x128xi32, #tpu.memory_space<vmem>> -> memref<1x128xi32, #tpu.memory_space<vmem>>
        %dma_wait3A_952 = tpu.memref_squeeze %dma_wait3A_951 : memref<1x128xi32, #tpu.memory_space<vmem>> -> memref<128xi32, #tpu.memory_space<vmem>>
        %dma_wait3A_953 = arith.constant 0 : i32
        %dma_wait3A_954 = arith.constant 0 : i32
        %dma_wait3A_955 = tpu.memref_slice %arg5[%dma_wait3A_953, %dma_wait3A_954] : memref<204800x128xf32, #tpu.memory_space<hbm>> -> memref<204800x128xf32, #tpu.memory_space<hbm>>
        tpu.wait_indirect_dma semaphore(%run_scoped3A_943 : memref<!tpu.dma_semaphore, #tpu.memory_space<semaphore_mem>>) src(%arg9 : memref<128x128xf32, #tpu.memory_space<vmem>>) dst(%dma_wait3A_955 : memref<204800x128xf32, #tpu.memory_space<hbm>>)
        tpu.yield
      }) : () -> ()
    } else {
    }
    %gt3A_813 = arith.constant 3072 : i32
    %gt3A_814 = arith.cmpi sgt, %scan3A_308#0, %gt3A_813 : i32
    %convert_element_type3A_815 = arith.extui %gt3A_814 : i1 to i32
    %cond3A_816 = arith.constant 0 : i32
    %cond3A_817 = arith.cmpi ne, %convert_element_type3A_815, %cond3A_816 : i32
    scf.if %cond3A_817 {
      "tpu.region"() ({
        %run_scoped3A_943 = tpu.sem_alloc : memref<!tpu.dma_semaphore, #tpu.memory_space<semaphore_mem>>
        %dma_start3A_944 = arith.constant 3072 : i32
        %dma_start3A_945 = tpu.memref_slice %arg10[%dma_start3A_944] : memref<6400xi32, #tpu.memory_space<vmem>> -> memref<128xi32, #tpu.memory_space<vmem>>
        %dma_start3A_946 = arith.constant 0 : i32
        %dma_start3A_947 = arith.constant 0 : i32
        %dma_start3A_948 = tpu.memref_slice %arg4[%dma_start3A_946, %dma_start3A_947] : memref<2024x128xf32, #tpu.memory_space<hbm>> -> memref<2024x128xf32, #tpu.memory_space<hbm>>
        tpu.enqueue_indirect_dma source(%dma_start3A_948 : memref<2024x128xf32, #tpu.memory_space<hbm>>) target(%arg9 : memref<128x128xf32, #tpu.memory_space<vmem>>) offsets(%dma_start3A_945 : memref<128xi32, #tpu.memory_space<vmem>>) semaphore(%run_scoped3A_943 : memref<!tpu.dma_semaphore, #tpu.memory_space<semaphore_mem>>)
        %dma_wait3A_949 = arith.constant 3072 : i32
        %dma_wait3A_950 = tpu.memref_slice %arg10[%dma_wait3A_949] : memref<6400xi32, #tpu.memory_space<vmem>> -> memref<128xi32, #tpu.memory_space<vmem>>
        %dma_wait3A_951 = arith.constant 0 : i32
        %dma_wait3A_952 = arith.constant 0 : i32
        %dma_wait3A_953 = tpu.memref_slice %arg4[%dma_wait3A_951, %dma_wait3A_952] : memref<2024x128xf32, #tpu.memory_space<hbm>> -> memref<2024x128xf32, #tpu.memory_space<hbm>>
        tpu.wait_indirect_dma semaphore(%run_scoped3A_943 : memref<!tpu.dma_semaphore, #tpu.memory_space<semaphore_mem>>) src(%dma_wait3A_953 : memref<2024x128xf32, #tpu.memory_space<hbm>>) dst(%arg9 : memref<128x128xf32, #tpu.memory_space<vmem>>)
        tpu.yield
      }) : () -> ()
      %run_scoped3A = arith.constant 24 : i32
      "tpu.region"() ({
        %run_scoped3A_943 = tpu.sem_alloc : memref<!tpu.dma_semaphore, #tpu.memory_space<semaphore_mem>>
        %dma_start3A_944 = arith.constant 0 : i32
        %dma_start3A_945 = tpu.memref_slice %arg11[%run_scoped3A, %dma_start3A_944] : memref<50x128xi32, #tpu.memory_space<vmem>> -> memref<1x128xi32, #tpu.memory_space<vmem>>
        %dma_start3A_946 = tpu.memref_squeeze %dma_start3A_945 : memref<1x128xi32, #tpu.memory_space<vmem>> -> memref<128xi32, #tpu.memory_space<vmem>>
        %dma_start3A_947 = arith.constant 0 : i32
        %dma_start3A_948 = arith.constant 0 : i32
        %dma_start3A_949 = tpu.memref_slice %arg5[%dma_start3A_947, %dma_start3A_948] : memref<204800x128xf32, #tpu.memory_space<hbm>> -> memref<204800x128xf32, #tpu.memory_space<hbm>>
        tpu.enqueue_indirect_dma source(%arg9 : memref<128x128xf32, #tpu.memory_space<vmem>>) target(%dma_start3A_949 : memref<204800x128xf32, #tpu.memory_space<hbm>>) offsets(%dma_start3A_946 : memref<128xi32, #tpu.memory_space<vmem>>) semaphore(%run_scoped3A_943 : memref<!tpu.dma_semaphore, #tpu.memory_space<semaphore_mem>>)
        %dma_wait3A_950 = arith.constant 0 : i32
        %dma_wait3A_951 = tpu.memref_slice %arg11[%run_scoped3A, %dma_wait3A_950] : memref<50x128xi32, #tpu.memory_space<vmem>> -> memref<1x128xi32, #tpu.memory_space<vmem>>
        %dma_wait3A_952 = tpu.memref_squeeze %dma_wait3A_951 : memref<1x128xi32, #tpu.memory_space<vmem>> -> memref<128xi32, #tpu.memory_space<vmem>>
        %dma_wait3A_953 = arith.constant 0 : i32
        %dma_wait3A_954 = arith.constant 0 : i32
        %dma_wait3A_955 = tpu.memref_slice %arg5[%dma_wait3A_953, %dma_wait3A_954] : memref<204800x128xf32, #tpu.memory_space<hbm>> -> memref<204800x128xf32, #tpu.memory_space<hbm>>
        tpu.wait_indirect_dma semaphore(%run_scoped3A_943 : memref<!tpu.dma_semaphore, #tpu.memory_space<semaphore_mem>>) src(%arg9 : memref<128x128xf32, #tpu.memory_space<vmem>>) dst(%dma_wait3A_955 : memref<204800x128xf32, #tpu.memory_space<hbm>>)
        tpu.yield
      }) : () -> ()
    } else {
    }
    %gt3A_818 = arith.constant 3200 : i32
    %gt3A_819 = arith.cmpi sgt, %scan3A_308#0, %gt3A_818 : i32
    %convert_element_type3A_820 = arith.extui %gt3A_819 : i1 to i32
    %cond3A_821 = arith.constant 0 : i32
    %cond3A_822 = arith.cmpi ne, %convert_element_type3A_820, %cond3A_821 : i32
    scf.if %cond3A_822 {
      "tpu.region"() ({
        %run_scoped3A_943 = tpu.sem_alloc : memref<!tpu.dma_semaphore, #tpu.memory_space<semaphore_mem>>
        %dma_start3A_944 = arith.constant 3200 : i32
        %dma_start3A_945 = tpu.memref_slice %arg10[%dma_start3A_944] : memref<6400xi32, #tpu.memory_space<vmem>> -> memref<128xi32, #tpu.memory_space<vmem>>
        %dma_start3A_946 = arith.constant 0 : i32
        %dma_start3A_947 = arith.constant 0 : i32
        %dma_start3A_948 = tpu.memref_slice %arg4[%dma_start3A_946, %dma_start3A_947] : memref<2024x128xf32, #tpu.memory_space<hbm>> -> memref<2024x128xf32, #tpu.memory_space<hbm>>
        tpu.enqueue_indirect_dma source(%dma_start3A_948 : memref<2024x128xf32, #tpu.memory_space<hbm>>) target(%arg9 : memref<128x128xf32, #tpu.memory_space<vmem>>) offsets(%dma_start3A_945 : memref<128xi32, #tpu.memory_space<vmem>>) semaphore(%run_scoped3A_943 : memref<!tpu.dma_semaphore, #tpu.memory_space<semaphore_mem>>)
        %dma_wait3A_949 = arith.constant 3200 : i32
        %dma_wait3A_950 = tpu.memref_slice %arg10[%dma_wait3A_949] : memref<6400xi32, #tpu.memory_space<vmem>> -> memref<128xi32, #tpu.memory_space<vmem>>
        %dma_wait3A_951 = arith.constant 0 : i32
        %dma_wait3A_952 = arith.constant 0 : i32
        %dma_wait3A_953 = tpu.memref_slice %arg4[%dma_wait3A_951, %dma_wait3A_952] : memref<2024x128xf32, #tpu.memory_space<hbm>> -> memref<2024x128xf32, #tpu.memory_space<hbm>>
        tpu.wait_indirect_dma semaphore(%run_scoped3A_943 : memref<!tpu.dma_semaphore, #tpu.memory_space<semaphore_mem>>) src(%dma_wait3A_953 : memref<2024x128xf32, #tpu.memory_space<hbm>>) dst(%arg9 : memref<128x128xf32, #tpu.memory_space<vmem>>)
        tpu.yield
      }) : () -> ()
      %run_scoped3A = arith.constant 25 : i32
      "tpu.region"() ({
        %run_scoped3A_943 = tpu.sem_alloc : memref<!tpu.dma_semaphore, #tpu.memory_space<semaphore_mem>>
        %dma_start3A_944 = arith.constant 0 : i32
        %dma_start3A_945 = tpu.memref_slice %arg11[%run_scoped3A, %dma_start3A_944] : memref<50x128xi32, #tpu.memory_space<vmem>> -> memref<1x128xi32, #tpu.memory_space<vmem>>
        %dma_start3A_946 = tpu.memref_squeeze %dma_start3A_945 : memref<1x128xi32, #tpu.memory_space<vmem>> -> memref<128xi32, #tpu.memory_space<vmem>>
        %dma_start3A_947 = arith.constant 0 : i32
        %dma_start3A_948 = arith.constant 0 : i32
        %dma_start3A_949 = tpu.memref_slice %arg5[%dma_start3A_947, %dma_start3A_948] : memref<204800x128xf32, #tpu.memory_space<hbm>> -> memref<204800x128xf32, #tpu.memory_space<hbm>>
        tpu.enqueue_indirect_dma source(%arg9 : memref<128x128xf32, #tpu.memory_space<vmem>>) target(%dma_start3A_949 : memref<204800x128xf32, #tpu.memory_space<hbm>>) offsets(%dma_start3A_946 : memref<128xi32, #tpu.memory_space<vmem>>) semaphore(%run_scoped3A_943 : memref<!tpu.dma_semaphore, #tpu.memory_space<semaphore_mem>>)
        %dma_wait3A_950 = arith.constant 0 : i32
        %dma_wait3A_951 = tpu.memref_slice %arg11[%run_scoped3A, %dma_wait3A_950] : memref<50x128xi32, #tpu.memory_space<vmem>> -> memref<1x128xi32, #tpu.memory_space<vmem>>
        %dma_wait3A_952 = tpu.memref_squeeze %dma_wait3A_951 : memref<1x128xi32, #tpu.memory_space<vmem>> -> memref<128xi32, #tpu.memory_space<vmem>>
        %dma_wait3A_953 = arith.constant 0 : i32
        %dma_wait3A_954 = arith.constant 0 : i32
        %dma_wait3A_955 = tpu.memref_slice %arg5[%dma_wait3A_953, %dma_wait3A_954] : memref<204800x128xf32, #tpu.memory_space<hbm>> -> memref<204800x128xf32, #tpu.memory_space<hbm>>
        tpu.wait_indirect_dma semaphore(%run_scoped3A_943 : memref<!tpu.dma_semaphore, #tpu.memory_space<semaphore_mem>>) src(%arg9 : memref<128x128xf32, #tpu.memory_space<vmem>>) dst(%dma_wait3A_955 : memref<204800x128xf32, #tpu.memory_space<hbm>>)
        tpu.yield
      }) : () -> ()
    } else {
    }
    %gt3A_823 = arith.constant 3328 : i32
    %gt3A_824 = arith.cmpi sgt, %scan3A_308#0, %gt3A_823 : i32
    %convert_element_type3A_825 = arith.extui %gt3A_824 : i1 to i32
    %cond3A_826 = arith.constant 0 : i32
    %cond3A_827 = arith.cmpi ne, %convert_element_type3A_825, %cond3A_826 : i32
    scf.if %cond3A_827 {
      "tpu.region"() ({
        %run_scoped3A_943 = tpu.sem_alloc : memref<!tpu.dma_semaphore, #tpu.memory_space<semaphore_mem>>
        %dma_start3A_944 = arith.constant 3328 : i32
        %dma_start3A_945 = tpu.memref_slice %arg10[%dma_start3A_944] : memref<6400xi32, #tpu.memory_space<vmem>> -> memref<128xi32, #tpu.memory_space<vmem>>
        %dma_start3A_946 = arith.constant 0 : i32
        %dma_start3A_947 = arith.constant 0 : i32
        %dma_start3A_948 = tpu.memref_slice %arg4[%dma_start3A_946, %dma_start3A_947] : memref<2024x128xf32, #tpu.memory_space<hbm>> -> memref<2024x128xf32, #tpu.memory_space<hbm>>
        tpu.enqueue_indirect_dma source(%dma_start3A_948 : memref<2024x128xf32, #tpu.memory_space<hbm>>) target(%arg9 : memref<128x128xf32, #tpu.memory_space<vmem>>) offsets(%dma_start3A_945 : memref<128xi32, #tpu.memory_space<vmem>>) semaphore(%run_scoped3A_943 : memref<!tpu.dma_semaphore, #tpu.memory_space<semaphore_mem>>)
        %dma_wait3A_949 = arith.constant 3328 : i32
        %dma_wait3A_950 = tpu.memref_slice %arg10[%dma_wait3A_949] : memref<6400xi32, #tpu.memory_space<vmem>> -> memref<128xi32, #tpu.memory_space<vmem>>
        %dma_wait3A_951 = arith.constant 0 : i32
        %dma_wait3A_952 = arith.constant 0 : i32
        %dma_wait3A_953 = tpu.memref_slice %arg4[%dma_wait3A_951, %dma_wait3A_952] : memref<2024x128xf32, #tpu.memory_space<hbm>> -> memref<2024x128xf32, #tpu.memory_space<hbm>>
        tpu.wait_indirect_dma semaphore(%run_scoped3A_943 : memref<!tpu.dma_semaphore, #tpu.memory_space<semaphore_mem>>) src(%dma_wait3A_953 : memref<2024x128xf32, #tpu.memory_space<hbm>>) dst(%arg9 : memref<128x128xf32, #tpu.memory_space<vmem>>)
        tpu.yield
      }) : () -> ()
      %run_scoped3A = arith.constant 26 : i32
      "tpu.region"() ({
        %run_scoped3A_943 = tpu.sem_alloc : memref<!tpu.dma_semaphore, #tpu.memory_space<semaphore_mem>>
        %dma_start3A_944 = arith.constant 0 : i32
        %dma_start3A_945 = tpu.memref_slice %arg11[%run_scoped3A, %dma_start3A_944] : memref<50x128xi32, #tpu.memory_space<vmem>> -> memref<1x128xi32, #tpu.memory_space<vmem>>
        %dma_start3A_946 = tpu.memref_squeeze %dma_start3A_945 : memref<1x128xi32, #tpu.memory_space<vmem>> -> memref<128xi32, #tpu.memory_space<vmem>>
        %dma_start3A_947 = arith.constant 0 : i32
        %dma_start3A_948 = arith.constant 0 : i32
        %dma_start3A_949 = tpu.memref_slice %arg5[%dma_start3A_947, %dma_start3A_948] : memref<204800x128xf32, #tpu.memory_space<hbm>> -> memref<204800x128xf32, #tpu.memory_space<hbm>>
        tpu.enqueue_indirect_dma source(%arg9 : memref<128x128xf32, #tpu.memory_space<vmem>>) target(%dma_start3A_949 : memref<204800x128xf32, #tpu.memory_space<hbm>>) offsets(%dma_start3A_946 : memref<128xi32, #tpu.memory_space<vmem>>) semaphore(%run_scoped3A_943 : memref<!tpu.dma_semaphore, #tpu.memory_space<semaphore_mem>>)
        %dma_wait3A_950 = arith.constant 0 : i32
        %dma_wait3A_951 = tpu.memref_slice %arg11[%run_scoped3A, %dma_wait3A_950] : memref<50x128xi32, #tpu.memory_space<vmem>> -> memref<1x128xi32, #tpu.memory_space<vmem>>
        %dma_wait3A_952 = tpu.memref_squeeze %dma_wait3A_951 : memref<1x128xi32, #tpu.memory_space<vmem>> -> memref<128xi32, #tpu.memory_space<vmem>>
        %dma_wait3A_953 = arith.constant 0 : i32
        %dma_wait3A_954 = arith.constant 0 : i32
        %dma_wait3A_955 = tpu.memref_slice %arg5[%dma_wait3A_953, %dma_wait3A_954] : memref<204800x128xf32, #tpu.memory_space<hbm>> -> memref<204800x128xf32, #tpu.memory_space<hbm>>
        tpu.wait_indirect_dma semaphore(%run_scoped3A_943 : memref<!tpu.dma_semaphore, #tpu.memory_space<semaphore_mem>>) src(%arg9 : memref<128x128xf32, #tpu.memory_space<vmem>>) dst(%dma_wait3A_955 : memref<204800x128xf32, #tpu.memory_space<hbm>>)
        tpu.yield
      }) : () -> ()
    } else {
    }
    %gt3A_828 = arith.constant 3456 : i32
    %gt3A_829 = arith.cmpi sgt, %scan3A_308#0, %gt3A_828 : i32
    %convert_element_type3A_830 = arith.extui %gt3A_829 : i1 to i32
    %cond3A_831 = arith.constant 0 : i32
    %cond3A_832 = arith.cmpi ne, %convert_element_type3A_830, %cond3A_831 : i32
    scf.if %cond3A_832 {
      "tpu.region"() ({
        %run_scoped3A_943 = tpu.sem_alloc : memref<!tpu.dma_semaphore, #tpu.memory_space<semaphore_mem>>
        %dma_start3A_944 = arith.constant 3456 : i32
        %dma_start3A_945 = tpu.memref_slice %arg10[%dma_start3A_944] : memref<6400xi32, #tpu.memory_space<vmem>> -> memref<128xi32, #tpu.memory_space<vmem>>
        %dma_start3A_946 = arith.constant 0 : i32
        %dma_start3A_947 = arith.constant 0 : i32
        %dma_start3A_948 = tpu.memref_slice %arg4[%dma_start3A_946, %dma_start3A_947] : memref<2024x128xf32, #tpu.memory_space<hbm>> -> memref<2024x128xf32, #tpu.memory_space<hbm>>
        tpu.enqueue_indirect_dma source(%dma_start3A_948 : memref<2024x128xf32, #tpu.memory_space<hbm>>) target(%arg9 : memref<128x128xf32, #tpu.memory_space<vmem>>) offsets(%dma_start3A_945 : memref<128xi32, #tpu.memory_space<vmem>>) semaphore(%run_scoped3A_943 : memref<!tpu.dma_semaphore, #tpu.memory_space<semaphore_mem>>)
        %dma_wait3A_949 = arith.constant 3456 : i32
        %dma_wait3A_950 = tpu.memref_slice %arg10[%dma_wait3A_949] : memref<6400xi32, #tpu.memory_space<vmem>> -> memref<128xi32, #tpu.memory_space<vmem>>
        %dma_wait3A_951 = arith.constant 0 : i32
        %dma_wait3A_952 = arith.constant 0 : i32
        %dma_wait3A_953 = tpu.memref_slice %arg4[%dma_wait3A_951, %dma_wait3A_952] : memref<2024x128xf32, #tpu.memory_space<hbm>> -> memref<2024x128xf32, #tpu.memory_space<hbm>>
        tpu.wait_indirect_dma semaphore(%run_scoped3A_943 : memref<!tpu.dma_semaphore, #tpu.memory_space<semaphore_mem>>) src(%dma_wait3A_953 : memref<2024x128xf32, #tpu.memory_space<hbm>>) dst(%arg9 : memref<128x128xf32, #tpu.memory_space<vmem>>)
        tpu.yield
      }) : () -> ()
      %run_scoped3A = arith.constant 27 : i32
      "tpu.region"() ({
        %run_scoped3A_943 = tpu.sem_alloc : memref<!tpu.dma_semaphore, #tpu.memory_space<semaphore_mem>>
        %dma_start3A_944 = arith.constant 0 : i32
        %dma_start3A_945 = tpu.memref_slice %arg11[%run_scoped3A, %dma_start3A_944] : memref<50x128xi32, #tpu.memory_space<vmem>> -> memref<1x128xi32, #tpu.memory_space<vmem>>
        %dma_start3A_946 = tpu.memref_squeeze %dma_start3A_945 : memref<1x128xi32, #tpu.memory_space<vmem>> -> memref<128xi32, #tpu.memory_space<vmem>>
        %dma_start3A_947 = arith.constant 0 : i32
        %dma_start3A_948 = arith.constant 0 : i32
        %dma_start3A_949 = tpu.memref_slice %arg5[%dma_start3A_947, %dma_start3A_948] : memref<204800x128xf32, #tpu.memory_space<hbm>> -> memref<204800x128xf32, #tpu.memory_space<hbm>>
        tpu.enqueue_indirect_dma source(%arg9 : memref<128x128xf32, #tpu.memory_space<vmem>>) target(%dma_start3A_949 : memref<204800x128xf32, #tpu.memory_space<hbm>>) offsets(%dma_start3A_946 : memref<128xi32, #tpu.memory_space<vmem>>) semaphore(%run_scoped3A_943 : memref<!tpu.dma_semaphore, #tpu.memory_space<semaphore_mem>>)
        %dma_wait3A_950 = arith.constant 0 : i32
        %dma_wait3A_951 = tpu.memref_slice %arg11[%run_scoped3A, %dma_wait3A_950] : memref<50x128xi32, #tpu.memory_space<vmem>> -> memref<1x128xi32, #tpu.memory_space<vmem>>
        %dma_wait3A_952 = tpu.memref_squeeze %dma_wait3A_951 : memref<1x128xi32, #tpu.memory_space<vmem>> -> memref<128xi32, #tpu.memory_space<vmem>>
        %dma_wait3A_953 = arith.constant 0 : i32
        %dma_wait3A_954 = arith.constant 0 : i32
        %dma_wait3A_955 = tpu.memref_slice %arg5[%dma_wait3A_953, %dma_wait3A_954] : memref<204800x128xf32, #tpu.memory_space<hbm>> -> memref<204800x128xf32, #tpu.memory_space<hbm>>
        tpu.wait_indirect_dma semaphore(%run_scoped3A_943 : memref<!tpu.dma_semaphore, #tpu.memory_space<semaphore_mem>>) src(%arg9 : memref<128x128xf32, #tpu.memory_space<vmem>>) dst(%dma_wait3A_955 : memref<204800x128xf32, #tpu.memory_space<hbm>>)
        tpu.yield
      }) : () -> ()
    } else {
    }
    %gt3A_833 = arith.constant 3584 : i32
    %gt3A_834 = arith.cmpi sgt, %scan3A_308#0, %gt3A_833 : i32
    %convert_element_type3A_835 = arith.extui %gt3A_834 : i1 to i32
    %cond3A_836 = arith.constant 0 : i32
    %cond3A_837 = arith.cmpi ne, %convert_element_type3A_835, %cond3A_836 : i32
    scf.if %cond3A_837 {
      "tpu.region"() ({
        %run_scoped3A_943 = tpu.sem_alloc : memref<!tpu.dma_semaphore, #tpu.memory_space<semaphore_mem>>
        %dma_start3A_944 = arith.constant 3584 : i32
        %dma_start3A_945 = tpu.memref_slice %arg10[%dma_start3A_944] : memref<6400xi32, #tpu.memory_space<vmem>> -> memref<128xi32, #tpu.memory_space<vmem>>
        %dma_start3A_946 = arith.constant 0 : i32
        %dma_start3A_947 = arith.constant 0 : i32
        %dma_start3A_948 = tpu.memref_slice %arg4[%dma_start3A_946, %dma_start3A_947] : memref<2024x128xf32, #tpu.memory_space<hbm>> -> memref<2024x128xf32, #tpu.memory_space<hbm>>
        tpu.enqueue_indirect_dma source(%dma_start3A_948 : memref<2024x128xf32, #tpu.memory_space<hbm>>) target(%arg9 : memref<128x128xf32, #tpu.memory_space<vmem>>) offsets(%dma_start3A_945 : memref<128xi32, #tpu.memory_space<vmem>>) semaphore(%run_scoped3A_943 : memref<!tpu.dma_semaphore, #tpu.memory_space<semaphore_mem>>)
        %dma_wait3A_949 = arith.constant 3584 : i32
        %dma_wait3A_950 = tpu.memref_slice %arg10[%dma_wait3A_949] : memref<6400xi32, #tpu.memory_space<vmem>> -> memref<128xi32, #tpu.memory_space<vmem>>
        %dma_wait3A_951 = arith.constant 0 : i32
        %dma_wait3A_952 = arith.constant 0 : i32
        %dma_wait3A_953 = tpu.memref_slice %arg4[%dma_wait3A_951, %dma_wait3A_952] : memref<2024x128xf32, #tpu.memory_space<hbm>> -> memref<2024x128xf32, #tpu.memory_space<hbm>>
        tpu.wait_indirect_dma semaphore(%run_scoped3A_943 : memref<!tpu.dma_semaphore, #tpu.memory_space<semaphore_mem>>) src(%dma_wait3A_953 : memref<2024x128xf32, #tpu.memory_space<hbm>>) dst(%arg9 : memref<128x128xf32, #tpu.memory_space<vmem>>)
        tpu.yield
      }) : () -> ()
      %run_scoped3A = arith.constant 28 : i32
      "tpu.region"() ({
        %run_scoped3A_943 = tpu.sem_alloc : memref<!tpu.dma_semaphore, #tpu.memory_space<semaphore_mem>>
        %dma_start3A_944 = arith.constant 0 : i32
        %dma_start3A_945 = tpu.memref_slice %arg11[%run_scoped3A, %dma_start3A_944] : memref<50x128xi32, #tpu.memory_space<vmem>> -> memref<1x128xi32, #tpu.memory_space<vmem>>
        %dma_start3A_946 = tpu.memref_squeeze %dma_start3A_945 : memref<1x128xi32, #tpu.memory_space<vmem>> -> memref<128xi32, #tpu.memory_space<vmem>>
        %dma_start3A_947 = arith.constant 0 : i32
        %dma_start3A_948 = arith.constant 0 : i32
        %dma_start3A_949 = tpu.memref_slice %arg5[%dma_start3A_947, %dma_start3A_948] : memref<204800x128xf32, #tpu.memory_space<hbm>> -> memref<204800x128xf32, #tpu.memory_space<hbm>>
        tpu.enqueue_indirect_dma source(%arg9 : memref<128x128xf32, #tpu.memory_space<vmem>>) target(%dma_start3A_949 : memref<204800x128xf32, #tpu.memory_space<hbm>>) offsets(%dma_start3A_946 : memref<128xi32, #tpu.memory_space<vmem>>) semaphore(%run_scoped3A_943 : memref<!tpu.dma_semaphore, #tpu.memory_space<semaphore_mem>>)
        %dma_wait3A_950 = arith.constant 0 : i32
        %dma_wait3A_951 = tpu.memref_slice %arg11[%run_scoped3A, %dma_wait3A_950] : memref<50x128xi32, #tpu.memory_space<vmem>> -> memref<1x128xi32, #tpu.memory_space<vmem>>
        %dma_wait3A_952 = tpu.memref_squeeze %dma_wait3A_951 : memref<1x128xi32, #tpu.memory_space<vmem>> -> memref<128xi32, #tpu.memory_space<vmem>>
        %dma_wait3A_953 = arith.constant 0 : i32
        %dma_wait3A_954 = arith.constant 0 : i32
        %dma_wait3A_955 = tpu.memref_slice %arg5[%dma_wait3A_953, %dma_wait3A_954] : memref<204800x128xf32, #tpu.memory_space<hbm>> -> memref<204800x128xf32, #tpu.memory_space<hbm>>
        tpu.wait_indirect_dma semaphore(%run_scoped3A_943 : memref<!tpu.dma_semaphore, #tpu.memory_space<semaphore_mem>>) src(%arg9 : memref<128x128xf32, #tpu.memory_space<vmem>>) dst(%dma_wait3A_955 : memref<204800x128xf32, #tpu.memory_space<hbm>>)
        tpu.yield
      }) : () -> ()
    } else {
    }
    %gt3A_838 = arith.constant 3712 : i32
    %gt3A_839 = arith.cmpi sgt, %scan3A_308#0, %gt3A_838 : i32
    %convert_element_type3A_840 = arith.extui %gt3A_839 : i1 to i32
    %cond3A_841 = arith.constant 0 : i32
    %cond3A_842 = arith.cmpi ne, %convert_element_type3A_840, %cond3A_841 : i32
    scf.if %cond3A_842 {
      "tpu.region"() ({
        %run_scoped3A_943 = tpu.sem_alloc : memref<!tpu.dma_semaphore, #tpu.memory_space<semaphore_mem>>
        %dma_start3A_944 = arith.constant 3712 : i32
        %dma_start3A_945 = tpu.memref_slice %arg10[%dma_start3A_944] : memref<6400xi32, #tpu.memory_space<vmem>> -> memref<128xi32, #tpu.memory_space<vmem>>
        %dma_start3A_946 = arith.constant 0 : i32
        %dma_start3A_947 = arith.constant 0 : i32
        %dma_start3A_948 = tpu.memref_slice %arg4[%dma_start3A_946, %dma_start3A_947] : memref<2024x128xf32, #tpu.memory_space<hbm>> -> memref<2024x128xf32, #tpu.memory_space<hbm>>
        tpu.enqueue_indirect_dma source(%dma_start3A_948 : memref<2024x128xf32, #tpu.memory_space<hbm>>) target(%arg9 : memref<128x128xf32, #tpu.memory_space<vmem>>) offsets(%dma_start3A_945 : memref<128xi32, #tpu.memory_space<vmem>>) semaphore(%run_scoped3A_943 : memref<!tpu.dma_semaphore, #tpu.memory_space<semaphore_mem>>)
        %dma_wait3A_949 = arith.constant 3712 : i32
        %dma_wait3A_950 = tpu.memref_slice %arg10[%dma_wait3A_949] : memref<6400xi32, #tpu.memory_space<vmem>> -> memref<128xi32, #tpu.memory_space<vmem>>
        %dma_wait3A_951 = arith.constant 0 : i32
        %dma_wait3A_952 = arith.constant 0 : i32
        %dma_wait3A_953 = tpu.memref_slice %arg4[%dma_wait3A_951, %dma_wait3A_952] : memref<2024x128xf32, #tpu.memory_space<hbm>> -> memref<2024x128xf32, #tpu.memory_space<hbm>>
        tpu.wait_indirect_dma semaphore(%run_scoped3A_943 : memref<!tpu.dma_semaphore, #tpu.memory_space<semaphore_mem>>) src(%dma_wait3A_953 : memref<2024x128xf32, #tpu.memory_space<hbm>>) dst(%arg9 : memref<128x128xf32, #tpu.memory_space<vmem>>)
        tpu.yield
      }) : () -> ()
      %run_scoped3A = arith.constant 29 : i32
      "tpu.region"() ({
        %run_scoped3A_943 = tpu.sem_alloc : memref<!tpu.dma_semaphore, #tpu.memory_space<semaphore_mem>>
        %dma_start3A_944 = arith.constant 0 : i32
        %dma_start3A_945 = tpu.memref_slice %arg11[%run_scoped3A, %dma_start3A_944] : memref<50x128xi32, #tpu.memory_space<vmem>> -> memref<1x128xi32, #tpu.memory_space<vmem>>
        %dma_start3A_946 = tpu.memref_squeeze %dma_start3A_945 : memref<1x128xi32, #tpu.memory_space<vmem>> -> memref<128xi32, #tpu.memory_space<vmem>>
        %dma_start3A_947 = arith.constant 0 : i32
        %dma_start3A_948 = arith.constant 0 : i32
        %dma_start3A_949 = tpu.memref_slice %arg5[%dma_start3A_947, %dma_start3A_948] : memref<204800x128xf32, #tpu.memory_space<hbm>> -> memref<204800x128xf32, #tpu.memory_space<hbm>>
        tpu.enqueue_indirect_dma source(%arg9 : memref<128x128xf32, #tpu.memory_space<vmem>>) target(%dma_start3A_949 : memref<204800x128xf32, #tpu.memory_space<hbm>>) offsets(%dma_start3A_946 : memref<128xi32, #tpu.memory_space<vmem>>) semaphore(%run_scoped3A_943 : memref<!tpu.dma_semaphore, #tpu.memory_space<semaphore_mem>>)
        %dma_wait3A_950 = arith.constant 0 : i32
        %dma_wait3A_951 = tpu.memref_slice %arg11[%run_scoped3A, %dma_wait3A_950] : memref<50x128xi32, #tpu.memory_space<vmem>> -> memref<1x128xi32, #tpu.memory_space<vmem>>
        %dma_wait3A_952 = tpu.memref_squeeze %dma_wait3A_951 : memref<1x128xi32, #tpu.memory_space<vmem>> -> memref<128xi32, #tpu.memory_space<vmem>>
        %dma_wait3A_953 = arith.constant 0 : i32
        %dma_wait3A_954 = arith.constant 0 : i32
        %dma_wait3A_955 = tpu.memref_slice %arg5[%dma_wait3A_953, %dma_wait3A_954] : memref<204800x128xf32, #tpu.memory_space<hbm>> -> memref<204800x128xf32, #tpu.memory_space<hbm>>
        tpu.wait_indirect_dma semaphore(%run_scoped3A_943 : memref<!tpu.dma_semaphore, #tpu.memory_space<semaphore_mem>>) src(%arg9 : memref<128x128xf32, #tpu.memory_space<vmem>>) dst(%dma_wait3A_955 : memref<204800x128xf32, #tpu.memory_space<hbm>>)
        tpu.yield
      }) : () -> ()
    } else {
    }
    %gt3A_843 = arith.constant 3840 : i32
    %gt3A_844 = arith.cmpi sgt, %scan3A_308#0, %gt3A_843 : i32
    %convert_element_type3A_845 = arith.extui %gt3A_844 : i1 to i32
    %cond3A_846 = arith.constant 0 : i32
    %cond3A_847 = arith.cmpi ne, %convert_element_type3A_845, %cond3A_846 : i32
    scf.if %cond3A_847 {
      "tpu.region"() ({
        %run_scoped3A_943 = tpu.sem_alloc : memref<!tpu.dma_semaphore, #tpu.memory_space<semaphore_mem>>
        %dma_start3A_944 = arith.constant 3840 : i32
        %dma_start3A_945 = tpu.memref_slice %arg10[%dma_start3A_944] : memref<6400xi32, #tpu.memory_space<vmem>> -> memref<128xi32, #tpu.memory_space<vmem>>
        %dma_start3A_946 = arith.constant 0 : i32
        %dma_start3A_947 = arith.constant 0 : i32
        %dma_start3A_948 = tpu.memref_slice %arg4[%dma_start3A_946, %dma_start3A_947] : memref<2024x128xf32, #tpu.memory_space<hbm>> -> memref<2024x128xf32, #tpu.memory_space<hbm>>
        tpu.enqueue_indirect_dma source(%dma_start3A_948 : memref<2024x128xf32, #tpu.memory_space<hbm>>) target(%arg9 : memref<128x128xf32, #tpu.memory_space<vmem>>) offsets(%dma_start3A_945 : memref<128xi32, #tpu.memory_space<vmem>>) semaphore(%run_scoped3A_943 : memref<!tpu.dma_semaphore, #tpu.memory_space<semaphore_mem>>)
        %dma_wait3A_949 = arith.constant 3840 : i32
        %dma_wait3A_950 = tpu.memref_slice %arg10[%dma_wait3A_949] : memref<6400xi32, #tpu.memory_space<vmem>> -> memref<128xi32, #tpu.memory_space<vmem>>
        %dma_wait3A_951 = arith.constant 0 : i32
        %dma_wait3A_952 = arith.constant 0 : i32
        %dma_wait3A_953 = tpu.memref_slice %arg4[%dma_wait3A_951, %dma_wait3A_952] : memref<2024x128xf32, #tpu.memory_space<hbm>> -> memref<2024x128xf32, #tpu.memory_space<hbm>>
        tpu.wait_indirect_dma semaphore(%run_scoped3A_943 : memref<!tpu.dma_semaphore, #tpu.memory_space<semaphore_mem>>) src(%dma_wait3A_953 : memref<2024x128xf32, #tpu.memory_space<hbm>>) dst(%arg9 : memref<128x128xf32, #tpu.memory_space<vmem>>)
        tpu.yield
      }) : () -> ()
      %run_scoped3A = arith.constant 30 : i32
      "tpu.region"() ({
        %run_scoped3A_943 = tpu.sem_alloc : memref<!tpu.dma_semaphore, #tpu.memory_space<semaphore_mem>>
        %dma_start3A_944 = arith.constant 0 : i32
        %dma_start3A_945 = tpu.memref_slice %arg11[%run_scoped3A, %dma_start3A_944] : memref<50x128xi32, #tpu.memory_space<vmem>> -> memref<1x128xi32, #tpu.memory_space<vmem>>
        %dma_start3A_946 = tpu.memref_squeeze %dma_start3A_945 : memref<1x128xi32, #tpu.memory_space<vmem>> -> memref<128xi32, #tpu.memory_space<vmem>>
        %dma_start3A_947 = arith.constant 0 : i32
        %dma_start3A_948 = arith.constant 0 : i32
        %dma_start3A_949 = tpu.memref_slice %arg5[%dma_start3A_947, %dma_start3A_948] : memref<204800x128xf32, #tpu.memory_space<hbm>> -> memref<204800x128xf32, #tpu.memory_space<hbm>>
        tpu.enqueue_indirect_dma source(%arg9 : memref<128x128xf32, #tpu.memory_space<vmem>>) target(%dma_start3A_949 : memref<204800x128xf32, #tpu.memory_space<hbm>>) offsets(%dma_start3A_946 : memref<128xi32, #tpu.memory_space<vmem>>) semaphore(%run_scoped3A_943 : memref<!tpu.dma_semaphore, #tpu.memory_space<semaphore_mem>>)
        %dma_wait3A_950 = arith.constant 0 : i32
        %dma_wait3A_951 = tpu.memref_slice %arg11[%run_scoped3A, %dma_wait3A_950] : memref<50x128xi32, #tpu.memory_space<vmem>> -> memref<1x128xi32, #tpu.memory_space<vmem>>
        %dma_wait3A_952 = tpu.memref_squeeze %dma_wait3A_951 : memref<1x128xi32, #tpu.memory_space<vmem>> -> memref<128xi32, #tpu.memory_space<vmem>>
        %dma_wait3A_953 = arith.constant 0 : i32
        %dma_wait3A_954 = arith.constant 0 : i32
        %dma_wait3A_955 = tpu.memref_slice %arg5[%dma_wait3A_953, %dma_wait3A_954] : memref<204800x128xf32, #tpu.memory_space<hbm>> -> memref<204800x128xf32, #tpu.memory_space<hbm>>
        tpu.wait_indirect_dma semaphore(%run_scoped3A_943 : memref<!tpu.dma_semaphore, #tpu.memory_space<semaphore_mem>>) src(%arg9 : memref<128x128xf32, #tpu.memory_space<vmem>>) dst(%dma_wait3A_955 : memref<204800x128xf32, #tpu.memory_space<hbm>>)
        tpu.yield
      }) : () -> ()
    } else {
    }
    %gt3A_848 = arith.constant 3968 : i32
    %gt3A_849 = arith.cmpi sgt, %scan3A_308#0, %gt3A_848 : i32
    %convert_element_type3A_850 = arith.extui %gt3A_849 : i1 to i32
    %cond3A_851 = arith.constant 0 : i32
    %cond3A_852 = arith.cmpi ne, %convert_element_type3A_850, %cond3A_851 : i32
    scf.if %cond3A_852 {
      "tpu.region"() ({
        %run_scoped3A_943 = tpu.sem_alloc : memref<!tpu.dma_semaphore, #tpu.memory_space<semaphore_mem>>
        %dma_start3A_944 = arith.constant 3968 : i32
        %dma_start3A_945 = tpu.memref_slice %arg10[%dma_start3A_944] : memref<6400xi32, #tpu.memory_space<vmem>> -> memref<128xi32, #tpu.memory_space<vmem>>
        %dma_start3A_946 = arith.constant 0 : i32
        %dma_start3A_947 = arith.constant 0 : i32
        %dma_start3A_948 = tpu.memref_slice %arg4[%dma_start3A_946, %dma_start3A_947] : memref<2024x128xf32, #tpu.memory_space<hbm>> -> memref<2024x128xf32, #tpu.memory_space<hbm>>
        tpu.enqueue_indirect_dma source(%dma_start3A_948 : memref<2024x128xf32, #tpu.memory_space<hbm>>) target(%arg9 : memref<128x128xf32, #tpu.memory_space<vmem>>) offsets(%dma_start3A_945 : memref<128xi32, #tpu.memory_space<vmem>>) semaphore(%run_scoped3A_943 : memref<!tpu.dma_semaphore, #tpu.memory_space<semaphore_mem>>)
        %dma_wait3A_949 = arith.constant 3968 : i32
        %dma_wait3A_950 = tpu.memref_slice %arg10[%dma_wait3A_949] : memref<6400xi32, #tpu.memory_space<vmem>> -> memref<128xi32, #tpu.memory_space<vmem>>
        %dma_wait3A_951 = arith.constant 0 : i32
        %dma_wait3A_952 = arith.constant 0 : i32
        %dma_wait3A_953 = tpu.memref_slice %arg4[%dma_wait3A_951, %dma_wait3A_952] : memref<2024x128xf32, #tpu.memory_space<hbm>> -> memref<2024x128xf32, #tpu.memory_space<hbm>>
        tpu.wait_indirect_dma semaphore(%run_scoped3A_943 : memref<!tpu.dma_semaphore, #tpu.memory_space<semaphore_mem>>) src(%dma_wait3A_953 : memref<2024x128xf32, #tpu.memory_space<hbm>>) dst(%arg9 : memref<128x128xf32, #tpu.memory_space<vmem>>)
        tpu.yield
      }) : () -> ()
      %run_scoped3A = arith.constant 31 : i32
      "tpu.region"() ({
        %run_scoped3A_943 = tpu.sem_alloc : memref<!tpu.dma_semaphore, #tpu.memory_space<semaphore_mem>>
        %dma_start3A_944 = arith.constant 0 : i32
        %dma_start3A_945 = tpu.memref_slice %arg11[%run_scoped3A, %dma_start3A_944] : memref<50x128xi32, #tpu.memory_space<vmem>> -> memref<1x128xi32, #tpu.memory_space<vmem>>
        %dma_start3A_946 = tpu.memref_squeeze %dma_start3A_945 : memref<1x128xi32, #tpu.memory_space<vmem>> -> memref<128xi32, #tpu.memory_space<vmem>>
        %dma_start3A_947 = arith.constant 0 : i32
        %dma_start3A_948 = arith.constant 0 : i32
        %dma_start3A_949 = tpu.memref_slice %arg5[%dma_start3A_947, %dma_start3A_948] : memref<204800x128xf32, #tpu.memory_space<hbm>> -> memref<204800x128xf32, #tpu.memory_space<hbm>>
        tpu.enqueue_indirect_dma source(%arg9 : memref<128x128xf32, #tpu.memory_space<vmem>>) target(%dma_start3A_949 : memref<204800x128xf32, #tpu.memory_space<hbm>>) offsets(%dma_start3A_946 : memref<128xi32, #tpu.memory_space<vmem>>) semaphore(%run_scoped3A_943 : memref<!tpu.dma_semaphore, #tpu.memory_space<semaphore_mem>>)
        %dma_wait3A_950 = arith.constant 0 : i32
        %dma_wait3A_951 = tpu.memref_slice %arg11[%run_scoped3A, %dma_wait3A_950] : memref<50x128xi32, #tpu.memory_space<vmem>> -> memref<1x128xi32, #tpu.memory_space<vmem>>
        %dma_wait3A_952 = tpu.memref_squeeze %dma_wait3A_951 : memref<1x128xi32, #tpu.memory_space<vmem>> -> memref<128xi32, #tpu.memory_space<vmem>>
        %dma_wait3A_953 = arith.constant 0 : i32
        %dma_wait3A_954 = arith.constant 0 : i32
        %dma_wait3A_955 = tpu.memref_slice %arg5[%dma_wait3A_953, %dma_wait3A_954] : memref<204800x128xf32, #tpu.memory_space<hbm>> -> memref<204800x128xf32, #tpu.memory_space<hbm>>
        tpu.wait_indirect_dma semaphore(%run_scoped3A_943 : memref<!tpu.dma_semaphore, #tpu.memory_space<semaphore_mem>>) src(%arg9 : memref<128x128xf32, #tpu.memory_space<vmem>>) dst(%dma_wait3A_955 : memref<204800x128xf32, #tpu.memory_space<hbm>>)
        tpu.yield
      }) : () -> ()
    } else {
    }
    %gt3A_853 = arith.constant 4096 : i32
    %gt3A_854 = arith.cmpi sgt, %scan3A_308#0, %gt3A_853 : i32
    %convert_element_type3A_855 = arith.extui %gt3A_854 : i1 to i32
    %cond3A_856 = arith.constant 0 : i32
    %cond3A_857 = arith.cmpi ne, %convert_element_type3A_855, %cond3A_856 : i32
    scf.if %cond3A_857 {
      "tpu.region"() ({
        %run_scoped3A_943 = tpu.sem_alloc : memref<!tpu.dma_semaphore, #tpu.memory_space<semaphore_mem>>
        %dma_start3A_944 = arith.constant 4096 : i32
        %dma_start3A_945 = tpu.memref_slice %arg10[%dma_start3A_944] : memref<6400xi32, #tpu.memory_space<vmem>> -> memref<128xi32, #tpu.memory_space<vmem>>
        %dma_start3A_946 = arith.constant 0 : i32
        %dma_start3A_947 = arith.constant 0 : i32
        %dma_start3A_948 = tpu.memref_slice %arg4[%dma_start3A_946, %dma_start3A_947] : memref<2024x128xf32, #tpu.memory_space<hbm>> -> memref<2024x128xf32, #tpu.memory_space<hbm>>
        tpu.enqueue_indirect_dma source(%dma_start3A_948 : memref<2024x128xf32, #tpu.memory_space<hbm>>) target(%arg9 : memref<128x128xf32, #tpu.memory_space<vmem>>) offsets(%dma_start3A_945 : memref<128xi32, #tpu.memory_space<vmem>>) semaphore(%run_scoped3A_943 : memref<!tpu.dma_semaphore, #tpu.memory_space<semaphore_mem>>)
        %dma_wait3A_949 = arith.constant 4096 : i32
        %dma_wait3A_950 = tpu.memref_slice %arg10[%dma_wait3A_949] : memref<6400xi32, #tpu.memory_space<vmem>> -> memref<128xi32, #tpu.memory_space<vmem>>
        %dma_wait3A_951 = arith.constant 0 : i32
        %dma_wait3A_952 = arith.constant 0 : i32
        %dma_wait3A_953 = tpu.memref_slice %arg4[%dma_wait3A_951, %dma_wait3A_952] : memref<2024x128xf32, #tpu.memory_space<hbm>> -> memref<2024x128xf32, #tpu.memory_space<hbm>>
        tpu.wait_indirect_dma semaphore(%run_scoped3A_943 : memref<!tpu.dma_semaphore, #tpu.memory_space<semaphore_mem>>) src(%dma_wait3A_953 : memref<2024x128xf32, #tpu.memory_space<hbm>>) dst(%arg9 : memref<128x128xf32, #tpu.memory_space<vmem>>)
        tpu.yield
      }) : () -> ()
      %run_scoped3A = arith.constant 32 : i32
      "tpu.region"() ({
        %run_scoped3A_943 = tpu.sem_alloc : memref<!tpu.dma_semaphore, #tpu.memory_space<semaphore_mem>>
        %dma_start3A_944 = arith.constant 0 : i32
        %dma_start3A_945 = tpu.memref_slice %arg11[%run_scoped3A, %dma_start3A_944] : memref<50x128xi32, #tpu.memory_space<vmem>> -> memref<1x128xi32, #tpu.memory_space<vmem>>
        %dma_start3A_946 = tpu.memref_squeeze %dma_start3A_945 : memref<1x128xi32, #tpu.memory_space<vmem>> -> memref<128xi32, #tpu.memory_space<vmem>>
        %dma_start3A_947 = arith.constant 0 : i32
        %dma_start3A_948 = arith.constant 0 : i32
        %dma_start3A_949 = tpu.memref_slice %arg5[%dma_start3A_947, %dma_start3A_948] : memref<204800x128xf32, #tpu.memory_space<hbm>> -> memref<204800x128xf32, #tpu.memory_space<hbm>>
        tpu.enqueue_indirect_dma source(%arg9 : memref<128x128xf32, #tpu.memory_space<vmem>>) target(%dma_start3A_949 : memref<204800x128xf32, #tpu.memory_space<hbm>>) offsets(%dma_start3A_946 : memref<128xi32, #tpu.memory_space<vmem>>) semaphore(%run_scoped3A_943 : memref<!tpu.dma_semaphore, #tpu.memory_space<semaphore_mem>>)
        %dma_wait3A_950 = arith.constant 0 : i32
        %dma_wait3A_951 = tpu.memref_slice %arg11[%run_scoped3A, %dma_wait3A_950] : memref<50x128xi32, #tpu.memory_space<vmem>> -> memref<1x128xi32, #tpu.memory_space<vmem>>
        %dma_wait3A_952 = tpu.memref_squeeze %dma_wait3A_951 : memref<1x128xi32, #tpu.memory_space<vmem>> -> memref<128xi32, #tpu.memory_space<vmem>>
        %dma_wait3A_953 = arith.constant 0 : i32
        %dma_wait3A_954 = arith.constant 0 : i32
        %dma_wait3A_955 = tpu.memref_slice %arg5[%dma_wait3A_953, %dma_wait3A_954] : memref<204800x128xf32, #tpu.memory_space<hbm>> -> memref<204800x128xf32, #tpu.memory_space<hbm>>
        tpu.wait_indirect_dma semaphore(%run_scoped3A_943 : memref<!tpu.dma_semaphore, #tpu.memory_space<semaphore_mem>>) src(%arg9 : memref<128x128xf32, #tpu.memory_space<vmem>>) dst(%dma_wait3A_955 : memref<204800x128xf32, #tpu.memory_space<hbm>>)
        tpu.yield
      }) : () -> ()
    } else {
    }
    %gt3A_858 = arith.constant 4224 : i32
    %gt3A_859 = arith.cmpi sgt, %scan3A_308#0, %gt3A_858 : i32
    %convert_element_type3A_860 = arith.extui %gt3A_859 : i1 to i32
    %cond3A_861 = arith.constant 0 : i32
    %cond3A_862 = arith.cmpi ne, %convert_element_type3A_860, %cond3A_861 : i32
    scf.if %cond3A_862 {
      "tpu.region"() ({
        %run_scoped3A_943 = tpu.sem_alloc : memref<!tpu.dma_semaphore, #tpu.memory_space<semaphore_mem>>
        %dma_start3A_944 = arith.constant 4224 : i32
        %dma_start3A_945 = tpu.memref_slice %arg10[%dma_start3A_944] : memref<6400xi32, #tpu.memory_space<vmem>> -> memref<128xi32, #tpu.memory_space<vmem>>
        %dma_start3A_946 = arith.constant 0 : i32
        %dma_start3A_947 = arith.constant 0 : i32
        %dma_start3A_948 = tpu.memref_slice %arg4[%dma_start3A_946, %dma_start3A_947] : memref<2024x128xf32, #tpu.memory_space<hbm>> -> memref<2024x128xf32, #tpu.memory_space<hbm>>
        tpu.enqueue_indirect_dma source(%dma_start3A_948 : memref<2024x128xf32, #tpu.memory_space<hbm>>) target(%arg9 : memref<128x128xf32, #tpu.memory_space<vmem>>) offsets(%dma_start3A_945 : memref<128xi32, #tpu.memory_space<vmem>>) semaphore(%run_scoped3A_943 : memref<!tpu.dma_semaphore, #tpu.memory_space<semaphore_mem>>)
        %dma_wait3A_949 = arith.constant 4224 : i32
        %dma_wait3A_950 = tpu.memref_slice %arg10[%dma_wait3A_949] : memref<6400xi32, #tpu.memory_space<vmem>> -> memref<128xi32, #tpu.memory_space<vmem>>
        %dma_wait3A_951 = arith.constant 0 : i32
        %dma_wait3A_952 = arith.constant 0 : i32
        %dma_wait3A_953 = tpu.memref_slice %arg4[%dma_wait3A_951, %dma_wait3A_952] : memref<2024x128xf32, #tpu.memory_space<hbm>> -> memref<2024x128xf32, #tpu.memory_space<hbm>>
        tpu.wait_indirect_dma semaphore(%run_scoped3A_943 : memref<!tpu.dma_semaphore, #tpu.memory_space<semaphore_mem>>) src(%dma_wait3A_953 : memref<2024x128xf32, #tpu.memory_space<hbm>>) dst(%arg9 : memref<128x128xf32, #tpu.memory_space<vmem>>)
        tpu.yield
      }) : () -> ()
      %run_scoped3A = arith.constant 33 : i32
      "tpu.region"() ({
        %run_scoped3A_943 = tpu.sem_alloc : memref<!tpu.dma_semaphore, #tpu.memory_space<semaphore_mem>>
        %dma_start3A_944 = arith.constant 0 : i32
        %dma_start3A_945 = tpu.memref_slice %arg11[%run_scoped3A, %dma_start3A_944] : memref<50x128xi32, #tpu.memory_space<vmem>> -> memref<1x128xi32, #tpu.memory_space<vmem>>
        %dma_start3A_946 = tpu.memref_squeeze %dma_start3A_945 : memref<1x128xi32, #tpu.memory_space<vmem>> -> memref<128xi32, #tpu.memory_space<vmem>>
        %dma_start3A_947 = arith.constant 0 : i32
        %dma_start3A_948 = arith.constant 0 : i32
        %dma_start3A_949 = tpu.memref_slice %arg5[%dma_start3A_947, %dma_start3A_948] : memref<204800x128xf32, #tpu.memory_space<hbm>> -> memref<204800x128xf32, #tpu.memory_space<hbm>>
        tpu.enqueue_indirect_dma source(%arg9 : memref<128x128xf32, #tpu.memory_space<vmem>>) target(%dma_start3A_949 : memref<204800x128xf32, #tpu.memory_space<hbm>>) offsets(%dma_start3A_946 : memref<128xi32, #tpu.memory_space<vmem>>) semaphore(%run_scoped3A_943 : memref<!tpu.dma_semaphore, #tpu.memory_space<semaphore_mem>>)
        %dma_wait3A_950 = arith.constant 0 : i32
        %dma_wait3A_951 = tpu.memref_slice %arg11[%run_scoped3A, %dma_wait3A_950] : memref<50x128xi32, #tpu.memory_space<vmem>> -> memref<1x128xi32, #tpu.memory_space<vmem>>
        %dma_wait3A_952 = tpu.memref_squeeze %dma_wait3A_951 : memref<1x128xi32, #tpu.memory_space<vmem>> -> memref<128xi32, #tpu.memory_space<vmem>>
        %dma_wait3A_953 = arith.constant 0 : i32
        %dma_wait3A_954 = arith.constant 0 : i32
        %dma_wait3A_955 = tpu.memref_slice %arg5[%dma_wait3A_953, %dma_wait3A_954] : memref<204800x128xf32, #tpu.memory_space<hbm>> -> memref<204800x128xf32, #tpu.memory_space<hbm>>
        tpu.wait_indirect_dma semaphore(%run_scoped3A_943 : memref<!tpu.dma_semaphore, #tpu.memory_space<semaphore_mem>>) src(%arg9 : memref<128x128xf32, #tpu.memory_space<vmem>>) dst(%dma_wait3A_955 : memref<204800x128xf32, #tpu.memory_space<hbm>>)
        tpu.yield
      }) : () -> ()
    } else {
    }
    %gt3A_863 = arith.constant 4352 : i32
    %gt3A_864 = arith.cmpi sgt, %scan3A_308#0, %gt3A_863 : i32
    %convert_element_type3A_865 = arith.extui %gt3A_864 : i1 to i32
    %cond3A_866 = arith.constant 0 : i32
    %cond3A_867 = arith.cmpi ne, %convert_element_type3A_865, %cond3A_866 : i32
    scf.if %cond3A_867 {
      "tpu.region"() ({
        %run_scoped3A_943 = tpu.sem_alloc : memref<!tpu.dma_semaphore, #tpu.memory_space<semaphore_mem>>
        %dma_start3A_944 = arith.constant 4352 : i32
        %dma_start3A_945 = tpu.memref_slice %arg10[%dma_start3A_944] : memref<6400xi32, #tpu.memory_space<vmem>> -> memref<128xi32, #tpu.memory_space<vmem>>
        %dma_start3A_946 = arith.constant 0 : i32
        %dma_start3A_947 = arith.constant 0 : i32
        %dma_start3A_948 = tpu.memref_slice %arg4[%dma_start3A_946, %dma_start3A_947] : memref<2024x128xf32, #tpu.memory_space<hbm>> -> memref<2024x128xf32, #tpu.memory_space<hbm>>
        tpu.enqueue_indirect_dma source(%dma_start3A_948 : memref<2024x128xf32, #tpu.memory_space<hbm>>) target(%arg9 : memref<128x128xf32, #tpu.memory_space<vmem>>) offsets(%dma_start3A_945 : memref<128xi32, #tpu.memory_space<vmem>>) semaphore(%run_scoped3A_943 : memref<!tpu.dma_semaphore, #tpu.memory_space<semaphore_mem>>)
        %dma_wait3A_949 = arith.constant 4352 : i32
        %dma_wait3A_950 = tpu.memref_slice %arg10[%dma_wait3A_949] : memref<6400xi32, #tpu.memory_space<vmem>> -> memref<128xi32, #tpu.memory_space<vmem>>
        %dma_wait3A_951 = arith.constant 0 : i32
        %dma_wait3A_952 = arith.constant 0 : i32
        %dma_wait3A_953 = tpu.memref_slice %arg4[%dma_wait3A_951, %dma_wait3A_952] : memref<2024x128xf32, #tpu.memory_space<hbm>> -> memref<2024x128xf32, #tpu.memory_space<hbm>>
        tpu.wait_indirect_dma semaphore(%run_scoped3A_943 : memref<!tpu.dma_semaphore, #tpu.memory_space<semaphore_mem>>) src(%dma_wait3A_953 : memref<2024x128xf32, #tpu.memory_space<hbm>>) dst(%arg9 : memref<128x128xf32, #tpu.memory_space<vmem>>)
        tpu.yield
      }) : () -> ()
      %run_scoped3A = arith.constant 34 : i32
      "tpu.region"() ({
        %run_scoped3A_943 = tpu.sem_alloc : memref<!tpu.dma_semaphore, #tpu.memory_space<semaphore_mem>>
        %dma_start3A_944 = arith.constant 0 : i32
        %dma_start3A_945 = tpu.memref_slice %arg11[%run_scoped3A, %dma_start3A_944] : memref<50x128xi32, #tpu.memory_space<vmem>> -> memref<1x128xi32, #tpu.memory_space<vmem>>
        %dma_start3A_946 = tpu.memref_squeeze %dma_start3A_945 : memref<1x128xi32, #tpu.memory_space<vmem>> -> memref<128xi32, #tpu.memory_space<vmem>>
        %dma_start3A_947 = arith.constant 0 : i32
        %dma_start3A_948 = arith.constant 0 : i32
        %dma_start3A_949 = tpu.memref_slice %arg5[%dma_start3A_947, %dma_start3A_948] : memref<204800x128xf32, #tpu.memory_space<hbm>> -> memref<204800x128xf32, #tpu.memory_space<hbm>>
        tpu.enqueue_indirect_dma source(%arg9 : memref<128x128xf32, #tpu.memory_space<vmem>>) target(%dma_start3A_949 : memref<204800x128xf32, #tpu.memory_space<hbm>>) offsets(%dma_start3A_946 : memref<128xi32, #tpu.memory_space<vmem>>) semaphore(%run_scoped3A_943 : memref<!tpu.dma_semaphore, #tpu.memory_space<semaphore_mem>>)
        %dma_wait3A_950 = arith.constant 0 : i32
        %dma_wait3A_951 = tpu.memref_slice %arg11[%run_scoped3A, %dma_wait3A_950] : memref<50x128xi32, #tpu.memory_space<vmem>> -> memref<1x128xi32, #tpu.memory_space<vmem>>
        %dma_wait3A_952 = tpu.memref_squeeze %dma_wait3A_951 : memref<1x128xi32, #tpu.memory_space<vmem>> -> memref<128xi32, #tpu.memory_space<vmem>>
        %dma_wait3A_953 = arith.constant 0 : i32
        %dma_wait3A_954 = arith.constant 0 : i32
        %dma_wait3A_955 = tpu.memref_slice %arg5[%dma_wait3A_953, %dma_wait3A_954] : memref<204800x128xf32, #tpu.memory_space<hbm>> -> memref<204800x128xf32, #tpu.memory_space<hbm>>
        tpu.wait_indirect_dma semaphore(%run_scoped3A_943 : memref<!tpu.dma_semaphore, #tpu.memory_space<semaphore_mem>>) src(%arg9 : memref<128x128xf32, #tpu.memory_space<vmem>>) dst(%dma_wait3A_955 : memref<204800x128xf32, #tpu.memory_space<hbm>>)
        tpu.yield
      }) : () -> ()
    } else {
    }
    %gt3A_868 = arith.constant 4480 : i32
    %gt3A_869 = arith.cmpi sgt, %scan3A_308#0, %gt3A_868 : i32
    %convert_element_type3A_870 = arith.extui %gt3A_869 : i1 to i32
    %cond3A_871 = arith.constant 0 : i32
    %cond3A_872 = arith.cmpi ne, %convert_element_type3A_870, %cond3A_871 : i32
    scf.if %cond3A_872 {
      "tpu.region"() ({
        %run_scoped3A_943 = tpu.sem_alloc : memref<!tpu.dma_semaphore, #tpu.memory_space<semaphore_mem>>
        %dma_start3A_944 = arith.constant 4480 : i32
        %dma_start3A_945 = tpu.memref_slice %arg10[%dma_start3A_944] : memref<6400xi32, #tpu.memory_space<vmem>> -> memref<128xi32, #tpu.memory_space<vmem>>
        %dma_start3A_946 = arith.constant 0 : i32
        %dma_start3A_947 = arith.constant 0 : i32
        %dma_start3A_948 = tpu.memref_slice %arg4[%dma_start3A_946, %dma_start3A_947] : memref<2024x128xf32, #tpu.memory_space<hbm>> -> memref<2024x128xf32, #tpu.memory_space<hbm>>
        tpu.enqueue_indirect_dma source(%dma_start3A_948 : memref<2024x128xf32, #tpu.memory_space<hbm>>) target(%arg9 : memref<128x128xf32, #tpu.memory_space<vmem>>) offsets(%dma_start3A_945 : memref<128xi32, #tpu.memory_space<vmem>>) semaphore(%run_scoped3A_943 : memref<!tpu.dma_semaphore, #tpu.memory_space<semaphore_mem>>)
        %dma_wait3A_949 = arith.constant 4480 : i32
        %dma_wait3A_950 = tpu.memref_slice %arg10[%dma_wait3A_949] : memref<6400xi32, #tpu.memory_space<vmem>> -> memref<128xi32, #tpu.memory_space<vmem>>
        %dma_wait3A_951 = arith.constant 0 : i32
        %dma_wait3A_952 = arith.constant 0 : i32
        %dma_wait3A_953 = tpu.memref_slice %arg4[%dma_wait3A_951, %dma_wait3A_952] : memref<2024x128xf32, #tpu.memory_space<hbm>> -> memref<2024x128xf32, #tpu.memory_space<hbm>>
        tpu.wait_indirect_dma semaphore(%run_scoped3A_943 : memref<!tpu.dma_semaphore, #tpu.memory_space<semaphore_mem>>) src(%dma_wait3A_953 : memref<2024x128xf32, #tpu.memory_space<hbm>>) dst(%arg9 : memref<128x128xf32, #tpu.memory_space<vmem>>)
        tpu.yield
      }) : () -> ()
      %run_scoped3A = arith.constant 35 : i32
      "tpu.region"() ({
        %run_scoped3A_943 = tpu.sem_alloc : memref<!tpu.dma_semaphore, #tpu.memory_space<semaphore_mem>>
        %dma_start3A_944 = arith.constant 0 : i32
        %dma_start3A_945 = tpu.memref_slice %arg11[%run_scoped3A, %dma_start3A_944] : memref<50x128xi32, #tpu.memory_space<vmem>> -> memref<1x128xi32, #tpu.memory_space<vmem>>
        %dma_start3A_946 = tpu.memref_squeeze %dma_start3A_945 : memref<1x128xi32, #tpu.memory_space<vmem>> -> memref<128xi32, #tpu.memory_space<vmem>>
        %dma_start3A_947 = arith.constant 0 : i32
        %dma_start3A_948 = arith.constant 0 : i32
        %dma_start3A_949 = tpu.memref_slice %arg5[%dma_start3A_947, %dma_start3A_948] : memref<204800x128xf32, #tpu.memory_space<hbm>> -> memref<204800x128xf32, #tpu.memory_space<hbm>>
        tpu.enqueue_indirect_dma source(%arg9 : memref<128x128xf32, #tpu.memory_space<vmem>>) target(%dma_start3A_949 : memref<204800x128xf32, #tpu.memory_space<hbm>>) offsets(%dma_start3A_946 : memref<128xi32, #tpu.memory_space<vmem>>) semaphore(%run_scoped3A_943 : memref<!tpu.dma_semaphore, #tpu.memory_space<semaphore_mem>>)
        %dma_wait3A_950 = arith.constant 0 : i32
        %dma_wait3A_951 = tpu.memref_slice %arg11[%run_scoped3A, %dma_wait3A_950] : memref<50x128xi32, #tpu.memory_space<vmem>> -> memref<1x128xi32, #tpu.memory_space<vmem>>
        %dma_wait3A_952 = tpu.memref_squeeze %dma_wait3A_951 : memref<1x128xi32, #tpu.memory_space<vmem>> -> memref<128xi32, #tpu.memory_space<vmem>>
        %dma_wait3A_953 = arith.constant 0 : i32
        %dma_wait3A_954 = arith.constant 0 : i32
        %dma_wait3A_955 = tpu.memref_slice %arg5[%dma_wait3A_953, %dma_wait3A_954] : memref<204800x128xf32, #tpu.memory_space<hbm>> -> memref<204800x128xf32, #tpu.memory_space<hbm>>
        tpu.wait_indirect_dma semaphore(%run_scoped3A_943 : memref<!tpu.dma_semaphore, #tpu.memory_space<semaphore_mem>>) src(%arg9 : memref<128x128xf32, #tpu.memory_space<vmem>>) dst(%dma_wait3A_955 : memref<204800x128xf32, #tpu.memory_space<hbm>>)
        tpu.yield
      }) : () -> ()
    } else {
    }
    %gt3A_873 = arith.constant 4608 : i32
    %gt3A_874 = arith.cmpi sgt, %scan3A_308#0, %gt3A_873 : i32
    %convert_element_type3A_875 = arith.extui %gt3A_874 : i1 to i32
    %cond3A_876 = arith.constant 0 : i32
    %cond3A_877 = arith.cmpi ne, %convert_element_type3A_875, %cond3A_876 : i32
    scf.if %cond3A_877 {
      "tpu.region"() ({
        %run_scoped3A_943 = tpu.sem_alloc : memref<!tpu.dma_semaphore, #tpu.memory_space<semaphore_mem>>
        %dma_start3A_944 = arith.constant 4608 : i32
        %dma_start3A_945 = tpu.memref_slice %arg10[%dma_start3A_944] : memref<6400xi32, #tpu.memory_space<vmem>> -> memref<128xi32, #tpu.memory_space<vmem>>
        %dma_start3A_946 = arith.constant 0 : i32
        %dma_start3A_947 = arith.constant 0 : i32
        %dma_start3A_948 = tpu.memref_slice %arg4[%dma_start3A_946, %dma_start3A_947] : memref<2024x128xf32, #tpu.memory_space<hbm>> -> memref<2024x128xf32, #tpu.memory_space<hbm>>
        tpu.enqueue_indirect_dma source(%dma_start3A_948 : memref<2024x128xf32, #tpu.memory_space<hbm>>) target(%arg9 : memref<128x128xf32, #tpu.memory_space<vmem>>) offsets(%dma_start3A_945 : memref<128xi32, #tpu.memory_space<vmem>>) semaphore(%run_scoped3A_943 : memref<!tpu.dma_semaphore, #tpu.memory_space<semaphore_mem>>)
        %dma_wait3A_949 = arith.constant 4608 : i32
        %dma_wait3A_950 = tpu.memref_slice %arg10[%dma_wait3A_949] : memref<6400xi32, #tpu.memory_space<vmem>> -> memref<128xi32, #tpu.memory_space<vmem>>
        %dma_wait3A_951 = arith.constant 0 : i32
        %dma_wait3A_952 = arith.constant 0 : i32
        %dma_wait3A_953 = tpu.memref_slice %arg4[%dma_wait3A_951, %dma_wait3A_952] : memref<2024x128xf32, #tpu.memory_space<hbm>> -> memref<2024x128xf32, #tpu.memory_space<hbm>>
        tpu.wait_indirect_dma semaphore(%run_scoped3A_943 : memref<!tpu.dma_semaphore, #tpu.memory_space<semaphore_mem>>) src(%dma_wait3A_953 : memref<2024x128xf32, #tpu.memory_space<hbm>>) dst(%arg9 : memref<128x128xf32, #tpu.memory_space<vmem>>)
        tpu.yield
      }) : () -> ()
      %run_scoped3A = arith.constant 36 : i32
      "tpu.region"() ({
        %run_scoped3A_943 = tpu.sem_alloc : memref<!tpu.dma_semaphore, #tpu.memory_space<semaphore_mem>>
        %dma_start3A_944 = arith.constant 0 : i32
        %dma_start3A_945 = tpu.memref_slice %arg11[%run_scoped3A, %dma_start3A_944] : memref<50x128xi32, #tpu.memory_space<vmem>> -> memref<1x128xi32, #tpu.memory_space<vmem>>
        %dma_start3A_946 = tpu.memref_squeeze %dma_start3A_945 : memref<1x128xi32, #tpu.memory_space<vmem>> -> memref<128xi32, #tpu.memory_space<vmem>>
        %dma_start3A_947 = arith.constant 0 : i32
        %dma_start3A_948 = arith.constant 0 : i32
        %dma_start3A_949 = tpu.memref_slice %arg5[%dma_start3A_947, %dma_start3A_948] : memref<204800x128xf32, #tpu.memory_space<hbm>> -> memref<204800x128xf32, #tpu.memory_space<hbm>>
        tpu.enqueue_indirect_dma source(%arg9 : memref<128x128xf32, #tpu.memory_space<vmem>>) target(%dma_start3A_949 : memref<204800x128xf32, #tpu.memory_space<hbm>>) offsets(%dma_start3A_946 : memref<128xi32, #tpu.memory_space<vmem>>) semaphore(%run_scoped3A_943 : memref<!tpu.dma_semaphore, #tpu.memory_space<semaphore_mem>>)
        %dma_wait3A_950 = arith.constant 0 : i32
        %dma_wait3A_951 = tpu.memref_slice %arg11[%run_scoped3A, %dma_wait3A_950] : memref<50x128xi32, #tpu.memory_space<vmem>> -> memref<1x128xi32, #tpu.memory_space<vmem>>
        %dma_wait3A_952 = tpu.memref_squeeze %dma_wait3A_951 : memref<1x128xi32, #tpu.memory_space<vmem>> -> memref<128xi32, #tpu.memory_space<vmem>>
        %dma_wait3A_953 = arith.constant 0 : i32
        %dma_wait3A_954 = arith.constant 0 : i32
        %dma_wait3A_955 = tpu.memref_slice %arg5[%dma_wait3A_953, %dma_wait3A_954] : memref<204800x128xf32, #tpu.memory_space<hbm>> -> memref<204800x128xf32, #tpu.memory_space<hbm>>
        tpu.wait_indirect_dma semaphore(%run_scoped3A_943 : memref<!tpu.dma_semaphore, #tpu.memory_space<semaphore_mem>>) src(%arg9 : memref<128x128xf32, #tpu.memory_space<vmem>>) dst(%dma_wait3A_955 : memref<204800x128xf32, #tpu.memory_space<hbm>>)
        tpu.yield
      }) : () -> ()
    } else {
    }
    %gt3A_878 = arith.constant 4736 : i32
    %gt3A_879 = arith.cmpi sgt, %scan3A_308#0, %gt3A_878 : i32
    %convert_element_type3A_880 = arith.extui %gt3A_879 : i1 to i32
    %cond3A_881 = arith.constant 0 : i32
    %cond3A_882 = arith.cmpi ne, %convert_element_type3A_880, %cond3A_881 : i32
    scf.if %cond3A_882 {
      "tpu.region"() ({
        %run_scoped3A_943 = tpu.sem_alloc : memref<!tpu.dma_semaphore, #tpu.memory_space<semaphore_mem>>
        %dma_start3A_944 = arith.constant 4736 : i32
        %dma_start3A_945 = tpu.memref_slice %arg10[%dma_start3A_944] : memref<6400xi32, #tpu.memory_space<vmem>> -> memref<128xi32, #tpu.memory_space<vmem>>
        %dma_start3A_946 = arith.constant 0 : i32
        %dma_start3A_947 = arith.constant 0 : i32
        %dma_start3A_948 = tpu.memref_slice %arg4[%dma_start3A_946, %dma_start3A_947] : memref<2024x128xf32, #tpu.memory_space<hbm>> -> memref<2024x128xf32, #tpu.memory_space<hbm>>
        tpu.enqueue_indirect_dma source(%dma_start3A_948 : memref<2024x128xf32, #tpu.memory_space<hbm>>) target(%arg9 : memref<128x128xf32, #tpu.memory_space<vmem>>) offsets(%dma_start3A_945 : memref<128xi32, #tpu.memory_space<vmem>>) semaphore(%run_scoped3A_943 : memref<!tpu.dma_semaphore, #tpu.memory_space<semaphore_mem>>)
        %dma_wait3A_949 = arith.constant 4736 : i32
        %dma_wait3A_950 = tpu.memref_slice %arg10[%dma_wait3A_949] : memref<6400xi32, #tpu.memory_space<vmem>> -> memref<128xi32, #tpu.memory_space<vmem>>
        %dma_wait3A_951 = arith.constant 0 : i32
        %dma_wait3A_952 = arith.constant 0 : i32
        %dma_wait3A_953 = tpu.memref_slice %arg4[%dma_wait3A_951, %dma_wait3A_952] : memref<2024x128xf32, #tpu.memory_space<hbm>> -> memref<2024x128xf32, #tpu.memory_space<hbm>>
        tpu.wait_indirect_dma semaphore(%run_scoped3A_943 : memref<!tpu.dma_semaphore, #tpu.memory_space<semaphore_mem>>) src(%dma_wait3A_953 : memref<2024x128xf32, #tpu.memory_space<hbm>>) dst(%arg9 : memref<128x128xf32, #tpu.memory_space<vmem>>)
        tpu.yield
      }) : () -> ()
      %run_scoped3A = arith.constant 37 : i32
      "tpu.region"() ({
        %run_scoped3A_943 = tpu.sem_alloc : memref<!tpu.dma_semaphore, #tpu.memory_space<semaphore_mem>>
        %dma_start3A_944 = arith.constant 0 : i32
        %dma_start3A_945 = tpu.memref_slice %arg11[%run_scoped3A, %dma_start3A_944] : memref<50x128xi32, #tpu.memory_space<vmem>> -> memref<1x128xi32, #tpu.memory_space<vmem>>
        %dma_start3A_946 = tpu.memref_squeeze %dma_start3A_945 : memref<1x128xi32, #tpu.memory_space<vmem>> -> memref<128xi32, #tpu.memory_space<vmem>>
        %dma_start3A_947 = arith.constant 0 : i32
        %dma_start3A_948 = arith.constant 0 : i32
        %dma_start3A_949 = tpu.memref_slice %arg5[%dma_start3A_947, %dma_start3A_948] : memref<204800x128xf32, #tpu.memory_space<hbm>> -> memref<204800x128xf32, #tpu.memory_space<hbm>>
        tpu.enqueue_indirect_dma source(%arg9 : memref<128x128xf32, #tpu.memory_space<vmem>>) target(%dma_start3A_949 : memref<204800x128xf32, #tpu.memory_space<hbm>>) offsets(%dma_start3A_946 : memref<128xi32, #tpu.memory_space<vmem>>) semaphore(%run_scoped3A_943 : memref<!tpu.dma_semaphore, #tpu.memory_space<semaphore_mem>>)
        %dma_wait3A_950 = arith.constant 0 : i32
        %dma_wait3A_951 = tpu.memref_slice %arg11[%run_scoped3A, %dma_wait3A_950] : memref<50x128xi32, #tpu.memory_space<vmem>> -> memref<1x128xi32, #tpu.memory_space<vmem>>
        %dma_wait3A_952 = tpu.memref_squeeze %dma_wait3A_951 : memref<1x128xi32, #tpu.memory_space<vmem>> -> memref<128xi32, #tpu.memory_space<vmem>>
        %dma_wait3A_953 = arith.constant 0 : i32
        %dma_wait3A_954 = arith.constant 0 : i32
        %dma_wait3A_955 = tpu.memref_slice %arg5[%dma_wait3A_953, %dma_wait3A_954] : memref<204800x128xf32, #tpu.memory_space<hbm>> -> memref<204800x128xf32, #tpu.memory_space<hbm>>
        tpu.wait_indirect_dma semaphore(%run_scoped3A_943 : memref<!tpu.dma_semaphore, #tpu.memory_space<semaphore_mem>>) src(%arg9 : memref<128x128xf32, #tpu.memory_space<vmem>>) dst(%dma_wait3A_955 : memref<204800x128xf32, #tpu.memory_space<hbm>>)
        tpu.yield
      }) : () -> ()
    } else {
    }
    %gt3A_883 = arith.constant 4864 : i32
    %gt3A_884 = arith.cmpi sgt, %scan3A_308#0, %gt3A_883 : i32
    %convert_element_type3A_885 = arith.extui %gt3A_884 : i1 to i32
    %cond3A_886 = arith.constant 0 : i32
    %cond3A_887 = arith.cmpi ne, %convert_element_type3A_885, %cond3A_886 : i32
    scf.if %cond3A_887 {
      "tpu.region"() ({
        %run_scoped3A_943 = tpu.sem_alloc : memref<!tpu.dma_semaphore, #tpu.memory_space<semaphore_mem>>
        %dma_start3A_944 = arith.constant 4864 : i32
        %dma_start3A_945 = tpu.memref_slice %arg10[%dma_start3A_944] : memref<6400xi32, #tpu.memory_space<vmem>> -> memref<128xi32, #tpu.memory_space<vmem>>
        %dma_start3A_946 = arith.constant 0 : i32
        %dma_start3A_947 = arith.constant 0 : i32
        %dma_start3A_948 = tpu.memref_slice %arg4[%dma_start3A_946, %dma_start3A_947] : memref<2024x128xf32, #tpu.memory_space<hbm>> -> memref<2024x128xf32, #tpu.memory_space<hbm>>
        tpu.enqueue_indirect_dma source(%dma_start3A_948 : memref<2024x128xf32, #tpu.memory_space<hbm>>) target(%arg9 : memref<128x128xf32, #tpu.memory_space<vmem>>) offsets(%dma_start3A_945 : memref<128xi32, #tpu.memory_space<vmem>>) semaphore(%run_scoped3A_943 : memref<!tpu.dma_semaphore, #tpu.memory_space<semaphore_mem>>)
        %dma_wait3A_949 = arith.constant 4864 : i32
        %dma_wait3A_950 = tpu.memref_slice %arg10[%dma_wait3A_949] : memref<6400xi32, #tpu.memory_space<vmem>> -> memref<128xi32, #tpu.memory_space<vmem>>
        %dma_wait3A_951 = arith.constant 0 : i32
        %dma_wait3A_952 = arith.constant 0 : i32
        %dma_wait3A_953 = tpu.memref_slice %arg4[%dma_wait3A_951, %dma_wait3A_952] : memref<2024x128xf32, #tpu.memory_space<hbm>> -> memref<2024x128xf32, #tpu.memory_space<hbm>>
        tpu.wait_indirect_dma semaphore(%run_scoped3A_943 : memref<!tpu.dma_semaphore, #tpu.memory_space<semaphore_mem>>) src(%dma_wait3A_953 : memref<2024x128xf32, #tpu.memory_space<hbm>>) dst(%arg9 : memref<128x128xf32, #tpu.memory_space<vmem>>)
        tpu.yield
      }) : () -> ()
      %run_scoped3A = arith.constant 38 : i32
      "tpu.region"() ({
        %run_scoped3A_943 = tpu.sem_alloc : memref<!tpu.dma_semaphore, #tpu.memory_space<semaphore_mem>>
        %dma_start3A_944 = arith.constant 0 : i32
        %dma_start3A_945 = tpu.memref_slice %arg11[%run_scoped3A, %dma_start3A_944] : memref<50x128xi32, #tpu.memory_space<vmem>> -> memref<1x128xi32, #tpu.memory_space<vmem>>
        %dma_start3A_946 = tpu.memref_squeeze %dma_start3A_945 : memref<1x128xi32, #tpu.memory_space<vmem>> -> memref<128xi32, #tpu.memory_space<vmem>>
        %dma_start3A_947 = arith.constant 0 : i32
        %dma_start3A_948 = arith.constant 0 : i32
        %dma_start3A_949 = tpu.memref_slice %arg5[%dma_start3A_947, %dma_start3A_948] : memref<204800x128xf32, #tpu.memory_space<hbm>> -> memref<204800x128xf32, #tpu.memory_space<hbm>>
        tpu.enqueue_indirect_dma source(%arg9 : memref<128x128xf32, #tpu.memory_space<vmem>>) target(%dma_start3A_949 : memref<204800x128xf32, #tpu.memory_space<hbm>>) offsets(%dma_start3A_946 : memref<128xi32, #tpu.memory_space<vmem>>) semaphore(%run_scoped3A_943 : memref<!tpu.dma_semaphore, #tpu.memory_space<semaphore_mem>>)
        %dma_wait3A_950 = arith.constant 0 : i32
        %dma_wait3A_951 = tpu.memref_slice %arg11[%run_scoped3A, %dma_wait3A_950] : memref<50x128xi32, #tpu.memory_space<vmem>> -> memref<1x128xi32, #tpu.memory_space<vmem>>
        %dma_wait3A_952 = tpu.memref_squeeze %dma_wait3A_951 : memref<1x128xi32, #tpu.memory_space<vmem>> -> memref<128xi32, #tpu.memory_space<vmem>>
        %dma_wait3A_953 = arith.constant 0 : i32
        %dma_wait3A_954 = arith.constant 0 : i32
        %dma_wait3A_955 = tpu.memref_slice %arg5[%dma_wait3A_953, %dma_wait3A_954] : memref<204800x128xf32, #tpu.memory_space<hbm>> -> memref<204800x128xf32, #tpu.memory_space<hbm>>
        tpu.wait_indirect_dma semaphore(%run_scoped3A_943 : memref<!tpu.dma_semaphore, #tpu.memory_space<semaphore_mem>>) src(%arg9 : memref<128x128xf32, #tpu.memory_space<vmem>>) dst(%dma_wait3A_955 : memref<204800x128xf32, #tpu.memory_space<hbm>>)
        tpu.yield
      }) : () -> ()
    } else {
    }
    %gt3A_888 = arith.constant 4992 : i32
    %gt3A_889 = arith.cmpi sgt, %scan3A_308#0, %gt3A_888 : i32
    %convert_element_type3A_890 = arith.extui %gt3A_889 : i1 to i32
    %cond3A_891 = arith.constant 0 : i32
    %cond3A_892 = arith.cmpi ne, %convert_element_type3A_890, %cond3A_891 : i32
    scf.if %cond3A_892 {
      "tpu.region"() ({
        %run_scoped3A_943 = tpu.sem_alloc : memref<!tpu.dma_semaphore, #tpu.memory_space<semaphore_mem>>
        %dma_start3A_944 = arith.constant 4992 : i32
        %dma_start3A_945 = tpu.memref_slice %arg10[%dma_start3A_944] : memref<6400xi32, #tpu.memory_space<vmem>> -> memref<128xi32, #tpu.memory_space<vmem>>
        %dma_start3A_946 = arith.constant 0 : i32
        %dma_start3A_947 = arith.constant 0 : i32
        %dma_start3A_948 = tpu.memref_slice %arg4[%dma_start3A_946, %dma_start3A_947] : memref<2024x128xf32, #tpu.memory_space<hbm>> -> memref<2024x128xf32, #tpu.memory_space<hbm>>
        tpu.enqueue_indirect_dma source(%dma_start3A_948 : memref<2024x128xf32, #tpu.memory_space<hbm>>) target(%arg9 : memref<128x128xf32, #tpu.memory_space<vmem>>) offsets(%dma_start3A_945 : memref<128xi32, #tpu.memory_space<vmem>>) semaphore(%run_scoped3A_943 : memref<!tpu.dma_semaphore, #tpu.memory_space<semaphore_mem>>)
        %dma_wait3A_949 = arith.constant 4992 : i32
        %dma_wait3A_950 = tpu.memref_slice %arg10[%dma_wait3A_949] : memref<6400xi32, #tpu.memory_space<vmem>> -> memref<128xi32, #tpu.memory_space<vmem>>
        %dma_wait3A_951 = arith.constant 0 : i32
        %dma_wait3A_952 = arith.constant 0 : i32
        %dma_wait3A_953 = tpu.memref_slice %arg4[%dma_wait3A_951, %dma_wait3A_952] : memref<2024x128xf32, #tpu.memory_space<hbm>> -> memref<2024x128xf32, #tpu.memory_space<hbm>>
        tpu.wait_indirect_dma semaphore(%run_scoped3A_943 : memref<!tpu.dma_semaphore, #tpu.memory_space<semaphore_mem>>) src(%dma_wait3A_953 : memref<2024x128xf32, #tpu.memory_space<hbm>>) dst(%arg9 : memref<128x128xf32, #tpu.memory_space<vmem>>)
        tpu.yield
      }) : () -> ()
      %run_scoped3A = arith.constant 39 : i32
      "tpu.region"() ({
        %run_scoped3A_943 = tpu.sem_alloc : memref<!tpu.dma_semaphore, #tpu.memory_space<semaphore_mem>>
        %dma_start3A_944 = arith.constant 0 : i32
        %dma_start3A_945 = tpu.memref_slice %arg11[%run_scoped3A, %dma_start3A_944] : memref<50x128xi32, #tpu.memory_space<vmem>> -> memref<1x128xi32, #tpu.memory_space<vmem>>
        %dma_start3A_946 = tpu.memref_squeeze %dma_start3A_945 : memref<1x128xi32, #tpu.memory_space<vmem>> -> memref<128xi32, #tpu.memory_space<vmem>>
        %dma_start3A_947 = arith.constant 0 : i32
        %dma_start3A_948 = arith.constant 0 : i32
        %dma_start3A_949 = tpu.memref_slice %arg5[%dma_start3A_947, %dma_start3A_948] : memref<204800x128xf32, #tpu.memory_space<hbm>> -> memref<204800x128xf32, #tpu.memory_space<hbm>>
        tpu.enqueue_indirect_dma source(%arg9 : memref<128x128xf32, #tpu.memory_space<vmem>>) target(%dma_start3A_949 : memref<204800x128xf32, #tpu.memory_space<hbm>>) offsets(%dma_start3A_946 : memref<128xi32, #tpu.memory_space<vmem>>) semaphore(%run_scoped3A_943 : memref<!tpu.dma_semaphore, #tpu.memory_space<semaphore_mem>>)
        %dma_wait3A_950 = arith.constant 0 : i32
        %dma_wait3A_951 = tpu.memref_slice %arg11[%run_scoped3A, %dma_wait3A_950] : memref<50x128xi32, #tpu.memory_space<vmem>> -> memref<1x128xi32, #tpu.memory_space<vmem>>
        %dma_wait3A_952 = tpu.memref_squeeze %dma_wait3A_951 : memref<1x128xi32, #tpu.memory_space<vmem>> -> memref<128xi32, #tpu.memory_space<vmem>>
        %dma_wait3A_953 = arith.constant 0 : i32
        %dma_wait3A_954 = arith.constant 0 : i32
        %dma_wait3A_955 = tpu.memref_slice %arg5[%dma_wait3A_953, %dma_wait3A_954] : memref<204800x128xf32, #tpu.memory_space<hbm>> -> memref<204800x128xf32, #tpu.memory_space<hbm>>
        tpu.wait_indirect_dma semaphore(%run_scoped3A_943 : memref<!tpu.dma_semaphore, #tpu.memory_space<semaphore_mem>>) src(%arg9 : memref<128x128xf32, #tpu.memory_space<vmem>>) dst(%dma_wait3A_955 : memref<204800x128xf32, #tpu.memory_space<hbm>>)
        tpu.yield
      }) : () -> ()
    } else {
    }
    %gt3A_893 = arith.constant 5120 : i32
    %gt3A_894 = arith.cmpi sgt, %scan3A_308#0, %gt3A_893 : i32
    %convert_element_type3A_895 = arith.extui %gt3A_894 : i1 to i32
    %cond3A_896 = arith.constant 0 : i32
    %cond3A_897 = arith.cmpi ne, %convert_element_type3A_895, %cond3A_896 : i32
    scf.if %cond3A_897 {
      "tpu.region"() ({
        %run_scoped3A_943 = tpu.sem_alloc : memref<!tpu.dma_semaphore, #tpu.memory_space<semaphore_mem>>
        %dma_start3A_944 = arith.constant 5120 : i32
        %dma_start3A_945 = tpu.memref_slice %arg10[%dma_start3A_944] : memref<6400xi32, #tpu.memory_space<vmem>> -> memref<128xi32, #tpu.memory_space<vmem>>
        %dma_start3A_946 = arith.constant 0 : i32
        %dma_start3A_947 = arith.constant 0 : i32
        %dma_start3A_948 = tpu.memref_slice %arg4[%dma_start3A_946, %dma_start3A_947] : memref<2024x128xf32, #tpu.memory_space<hbm>> -> memref<2024x128xf32, #tpu.memory_space<hbm>>
        tpu.enqueue_indirect_dma source(%dma_start3A_948 : memref<2024x128xf32, #tpu.memory_space<hbm>>) target(%arg9 : memref<128x128xf32, #tpu.memory_space<vmem>>) offsets(%dma_start3A_945 : memref<128xi32, #tpu.memory_space<vmem>>) semaphore(%run_scoped3A_943 : memref<!tpu.dma_semaphore, #tpu.memory_space<semaphore_mem>>)
        %dma_wait3A_949 = arith.constant 5120 : i32
        %dma_wait3A_950 = tpu.memref_slice %arg10[%dma_wait3A_949] : memref<6400xi32, #tpu.memory_space<vmem>> -> memref<128xi32, #tpu.memory_space<vmem>>
        %dma_wait3A_951 = arith.constant 0 : i32
        %dma_wait3A_952 = arith.constant 0 : i32
        %dma_wait3A_953 = tpu.memref_slice %arg4[%dma_wait3A_951, %dma_wait3A_952] : memref<2024x128xf32, #tpu.memory_space<hbm>> -> memref<2024x128xf32, #tpu.memory_space<hbm>>
        tpu.wait_indirect_dma semaphore(%run_scoped3A_943 : memref<!tpu.dma_semaphore, #tpu.memory_space<semaphore_mem>>) src(%dma_wait3A_953 : memref<2024x128xf32, #tpu.memory_space<hbm>>) dst(%arg9 : memref<128x128xf32, #tpu.memory_space<vmem>>)
        tpu.yield
      }) : () -> ()
      %run_scoped3A = arith.constant 40 : i32
      "tpu.region"() ({
        %run_scoped3A_943 = tpu.sem_alloc : memref<!tpu.dma_semaphore, #tpu.memory_space<semaphore_mem>>
        %dma_start3A_944 = arith.constant 0 : i32
        %dma_start3A_945 = tpu.memref_slice %arg11[%run_scoped3A, %dma_start3A_944] : memref<50x128xi32, #tpu.memory_space<vmem>> -> memref<1x128xi32, #tpu.memory_space<vmem>>
        %dma_start3A_946 = tpu.memref_squeeze %dma_start3A_945 : memref<1x128xi32, #tpu.memory_space<vmem>> -> memref<128xi32, #tpu.memory_space<vmem>>
        %dma_start3A_947 = arith.constant 0 : i32
        %dma_start3A_948 = arith.constant 0 : i32
        %dma_start3A_949 = tpu.memref_slice %arg5[%dma_start3A_947, %dma_start3A_948] : memref<204800x128xf32, #tpu.memory_space<hbm>> -> memref<204800x128xf32, #tpu.memory_space<hbm>>
        tpu.enqueue_indirect_dma source(%arg9 : memref<128x128xf32, #tpu.memory_space<vmem>>) target(%dma_start3A_949 : memref<204800x128xf32, #tpu.memory_space<hbm>>) offsets(%dma_start3A_946 : memref<128xi32, #tpu.memory_space<vmem>>) semaphore(%run_scoped3A_943 : memref<!tpu.dma_semaphore, #tpu.memory_space<semaphore_mem>>)
        %dma_wait3A_950 = arith.constant 0 : i32
        %dma_wait3A_951 = tpu.memref_slice %arg11[%run_scoped3A, %dma_wait3A_950] : memref<50x128xi32, #tpu.memory_space<vmem>> -> memref<1x128xi32, #tpu.memory_space<vmem>>
        %dma_wait3A_952 = tpu.memref_squeeze %dma_wait3A_951 : memref<1x128xi32, #tpu.memory_space<vmem>> -> memref<128xi32, #tpu.memory_space<vmem>>
        %dma_wait3A_953 = arith.constant 0 : i32
        %dma_wait3A_954 = arith.constant 0 : i32
        %dma_wait3A_955 = tpu.memref_slice %arg5[%dma_wait3A_953, %dma_wait3A_954] : memref<204800x128xf32, #tpu.memory_space<hbm>> -> memref<204800x128xf32, #tpu.memory_space<hbm>>
        tpu.wait_indirect_dma semaphore(%run_scoped3A_943 : memref<!tpu.dma_semaphore, #tpu.memory_space<semaphore_mem>>) src(%arg9 : memref<128x128xf32, #tpu.memory_space<vmem>>) dst(%dma_wait3A_955 : memref<204800x128xf32, #tpu.memory_space<hbm>>)
        tpu.yield
      }) : () -> ()
    } else {
    }
    %gt3A_898 = arith.constant 5248 : i32
    %gt3A_899 = arith.cmpi sgt, %scan3A_308#0, %gt3A_898 : i32
    %convert_element_type3A_900 = arith.extui %gt3A_899 : i1 to i32
    %cond3A_901 = arith.constant 0 : i32
    %cond3A_902 = arith.cmpi ne, %convert_element_type3A_900, %cond3A_901 : i32
    scf.if %cond3A_902 {
      "tpu.region"() ({
        %run_scoped3A_943 = tpu.sem_alloc : memref<!tpu.dma_semaphore, #tpu.memory_space<semaphore_mem>>
        %dma_start3A_944 = arith.constant 5248 : i32
        %dma_start3A_945 = tpu.memref_slice %arg10[%dma_start3A_944] : memref<6400xi32, #tpu.memory_space<vmem>> -> memref<128xi32, #tpu.memory_space<vmem>>
        %dma_start3A_946 = arith.constant 0 : i32
        %dma_start3A_947 = arith.constant 0 : i32
        %dma_start3A_948 = tpu.memref_slice %arg4[%dma_start3A_946, %dma_start3A_947] : memref<2024x128xf32, #tpu.memory_space<hbm>> -> memref<2024x128xf32, #tpu.memory_space<hbm>>
        tpu.enqueue_indirect_dma source(%dma_start3A_948 : memref<2024x128xf32, #tpu.memory_space<hbm>>) target(%arg9 : memref<128x128xf32, #tpu.memory_space<vmem>>) offsets(%dma_start3A_945 : memref<128xi32, #tpu.memory_space<vmem>>) semaphore(%run_scoped3A_943 : memref<!tpu.dma_semaphore, #tpu.memory_space<semaphore_mem>>)
        %dma_wait3A_949 = arith.constant 5248 : i32
        %dma_wait3A_950 = tpu.memref_slice %arg10[%dma_wait3A_949] : memref<6400xi32, #tpu.memory_space<vmem>> -> memref<128xi32, #tpu.memory_space<vmem>>
        %dma_wait3A_951 = arith.constant 0 : i32
        %dma_wait3A_952 = arith.constant 0 : i32
        %dma_wait3A_953 = tpu.memref_slice %arg4[%dma_wait3A_951, %dma_wait3A_952] : memref<2024x128xf32, #tpu.memory_space<hbm>> -> memref<2024x128xf32, #tpu.memory_space<hbm>>
        tpu.wait_indirect_dma semaphore(%run_scoped3A_943 : memref<!tpu.dma_semaphore, #tpu.memory_space<semaphore_mem>>) src(%dma_wait3A_953 : memref<2024x128xf32, #tpu.memory_space<hbm>>) dst(%arg9 : memref<128x128xf32, #tpu.memory_space<vmem>>)
        tpu.yield
      }) : () -> ()
      %run_scoped3A = arith.constant 41 : i32
      "tpu.region"() ({
        %run_scoped3A_943 = tpu.sem_alloc : memref<!tpu.dma_semaphore, #tpu.memory_space<semaphore_mem>>
        %dma_start3A_944 = arith.constant 0 : i32
        %dma_start3A_945 = tpu.memref_slice %arg11[%run_scoped3A, %dma_start3A_944] : memref<50x128xi32, #tpu.memory_space<vmem>> -> memref<1x128xi32, #tpu.memory_space<vmem>>
        %dma_start3A_946 = tpu.memref_squeeze %dma_start3A_945 : memref<1x128xi32, #tpu.memory_space<vmem>> -> memref<128xi32, #tpu.memory_space<vmem>>
        %dma_start3A_947 = arith.constant 0 : i32
        %dma_start3A_948 = arith.constant 0 : i32
        %dma_start3A_949 = tpu.memref_slice %arg5[%dma_start3A_947, %dma_start3A_948] : memref<204800x128xf32, #tpu.memory_space<hbm>> -> memref<204800x128xf32, #tpu.memory_space<hbm>>
        tpu.enqueue_indirect_dma source(%arg9 : memref<128x128xf32, #tpu.memory_space<vmem>>) target(%dma_start3A_949 : memref<204800x128xf32, #tpu.memory_space<hbm>>) offsets(%dma_start3A_946 : memref<128xi32, #tpu.memory_space<vmem>>) semaphore(%run_scoped3A_943 : memref<!tpu.dma_semaphore, #tpu.memory_space<semaphore_mem>>)
        %dma_wait3A_950 = arith.constant 0 : i32
        %dma_wait3A_951 = tpu.memref_slice %arg11[%run_scoped3A, %dma_wait3A_950] : memref<50x128xi32, #tpu.memory_space<vmem>> -> memref<1x128xi32, #tpu.memory_space<vmem>>
        %dma_wait3A_952 = tpu.memref_squeeze %dma_wait3A_951 : memref<1x128xi32, #tpu.memory_space<vmem>> -> memref<128xi32, #tpu.memory_space<vmem>>
        %dma_wait3A_953 = arith.constant 0 : i32
        %dma_wait3A_954 = arith.constant 0 : i32
        %dma_wait3A_955 = tpu.memref_slice %arg5[%dma_wait3A_953, %dma_wait3A_954] : memref<204800x128xf32, #tpu.memory_space<hbm>> -> memref<204800x128xf32, #tpu.memory_space<hbm>>
        tpu.wait_indirect_dma semaphore(%run_scoped3A_943 : memref<!tpu.dma_semaphore, #tpu.memory_space<semaphore_mem>>) src(%arg9 : memref<128x128xf32, #tpu.memory_space<vmem>>) dst(%dma_wait3A_955 : memref<204800x128xf32, #tpu.memory_space<hbm>>)
        tpu.yield
      }) : () -> ()
    } else {
    }
    %gt3A_903 = arith.constant 5376 : i32
    %gt3A_904 = arith.cmpi sgt, %scan3A_308#0, %gt3A_903 : i32
    %convert_element_type3A_905 = arith.extui %gt3A_904 : i1 to i32
    %cond3A_906 = arith.constant 0 : i32
    %cond3A_907 = arith.cmpi ne, %convert_element_type3A_905, %cond3A_906 : i32
    scf.if %cond3A_907 {
      "tpu.region"() ({
        %run_scoped3A_943 = tpu.sem_alloc : memref<!tpu.dma_semaphore, #tpu.memory_space<semaphore_mem>>
        %dma_start3A_944 = arith.constant 5376 : i32
        %dma_start3A_945 = tpu.memref_slice %arg10[%dma_start3A_944] : memref<6400xi32, #tpu.memory_space<vmem>> -> memref<128xi32, #tpu.memory_space<vmem>>
        %dma_start3A_946 = arith.constant 0 : i32
        %dma_start3A_947 = arith.constant 0 : i32
        %dma_start3A_948 = tpu.memref_slice %arg4[%dma_start3A_946, %dma_start3A_947] : memref<2024x128xf32, #tpu.memory_space<hbm>> -> memref<2024x128xf32, #tpu.memory_space<hbm>>
        tpu.enqueue_indirect_dma source(%dma_start3A_948 : memref<2024x128xf32, #tpu.memory_space<hbm>>) target(%arg9 : memref<128x128xf32, #tpu.memory_space<vmem>>) offsets(%dma_start3A_945 : memref<128xi32, #tpu.memory_space<vmem>>) semaphore(%run_scoped3A_943 : memref<!tpu.dma_semaphore, #tpu.memory_space<semaphore_mem>>)
        %dma_wait3A_949 = arith.constant 5376 : i32
        %dma_wait3A_950 = tpu.memref_slice %arg10[%dma_wait3A_949] : memref<6400xi32, #tpu.memory_space<vmem>> -> memref<128xi32, #tpu.memory_space<vmem>>
        %dma_wait3A_951 = arith.constant 0 : i32
        %dma_wait3A_952 = arith.constant 0 : i32
        %dma_wait3A_953 = tpu.memref_slice %arg4[%dma_wait3A_951, %dma_wait3A_952] : memref<2024x128xf32, #tpu.memory_space<hbm>> -> memref<2024x128xf32, #tpu.memory_space<hbm>>
        tpu.wait_indirect_dma semaphore(%run_scoped3A_943 : memref<!tpu.dma_semaphore, #tpu.memory_space<semaphore_mem>>) src(%dma_wait3A_953 : memref<2024x128xf32, #tpu.memory_space<hbm>>) dst(%arg9 : memref<128x128xf32, #tpu.memory_space<vmem>>)
        tpu.yield
      }) : () -> ()
      %run_scoped3A = arith.constant 42 : i32
      "tpu.region"() ({
        %run_scoped3A_943 = tpu.sem_alloc : memref<!tpu.dma_semaphore, #tpu.memory_space<semaphore_mem>>
        %dma_start3A_944 = arith.constant 0 : i32
        %dma_start3A_945 = tpu.memref_slice %arg11[%run_scoped3A, %dma_start3A_944] : memref<50x128xi32, #tpu.memory_space<vmem>> -> memref<1x128xi32, #tpu.memory_space<vmem>>
        %dma_start3A_946 = tpu.memref_squeeze %dma_start3A_945 : memref<1x128xi32, #tpu.memory_space<vmem>> -> memref<128xi32, #tpu.memory_space<vmem>>
        %dma_start3A_947 = arith.constant 0 : i32
        %dma_start3A_948 = arith.constant 0 : i32
        %dma_start3A_949 = tpu.memref_slice %arg5[%dma_start3A_947, %dma_start3A_948] : memref<204800x128xf32, #tpu.memory_space<hbm>> -> memref<204800x128xf32, #tpu.memory_space<hbm>>
        tpu.enqueue_indirect_dma source(%arg9 : memref<128x128xf32, #tpu.memory_space<vmem>>) target(%dma_start3A_949 : memref<204800x128xf32, #tpu.memory_space<hbm>>) offsets(%dma_start3A_946 : memref<128xi32, #tpu.memory_space<vmem>>) semaphore(%run_scoped3A_943 : memref<!tpu.dma_semaphore, #tpu.memory_space<semaphore_mem>>)
        %dma_wait3A_950 = arith.constant 0 : i32
        %dma_wait3A_951 = tpu.memref_slice %arg11[%run_scoped3A, %dma_wait3A_950] : memref<50x128xi32, #tpu.memory_space<vmem>> -> memref<1x128xi32, #tpu.memory_space<vmem>>
        %dma_wait3A_952 = tpu.memref_squeeze %dma_wait3A_951 : memref<1x128xi32, #tpu.memory_space<vmem>> -> memref<128xi32, #tpu.memory_space<vmem>>
        %dma_wait3A_953 = arith.constant 0 : i32
        %dma_wait3A_954 = arith.constant 0 : i32
        %dma_wait3A_955 = tpu.memref_slice %arg5[%dma_wait3A_953, %dma_wait3A_954] : memref<204800x128xf32, #tpu.memory_space<hbm>> -> memref<204800x128xf32, #tpu.memory_space<hbm>>
        tpu.wait_indirect_dma semaphore(%run_scoped3A_943 : memref<!tpu.dma_semaphore, #tpu.memory_space<semaphore_mem>>) src(%arg9 : memref<128x128xf32, #tpu.memory_space<vmem>>) dst(%dma_wait3A_955 : memref<204800x128xf32, #tpu.memory_space<hbm>>)
        tpu.yield
      }) : () -> ()
    } else {
    }
    %gt3A_908 = arith.constant 5504 : i32
    %gt3A_909 = arith.cmpi sgt, %scan3A_308#0, %gt3A_908 : i32
    %convert_element_type3A_910 = arith.extui %gt3A_909 : i1 to i32
    %cond3A_911 = arith.constant 0 : i32
    %cond3A_912 = arith.cmpi ne, %convert_element_type3A_910, %cond3A_911 : i32
    scf.if %cond3A_912 {
      "tpu.region"() ({
        %run_scoped3A_943 = tpu.sem_alloc : memref<!tpu.dma_semaphore, #tpu.memory_space<semaphore_mem>>
        %dma_start3A_944 = arith.constant 5504 : i32
        %dma_start3A_945 = tpu.memref_slice %arg10[%dma_start3A_944] : memref<6400xi32, #tpu.memory_space<vmem>> -> memref<128xi32, #tpu.memory_space<vmem>>
        %dma_start3A_946 = arith.constant 0 : i32
        %dma_start3A_947 = arith.constant 0 : i32
        %dma_start3A_948 = tpu.memref_slice %arg4[%dma_start3A_946, %dma_start3A_947] : memref<2024x128xf32, #tpu.memory_space<hbm>> -> memref<2024x128xf32, #tpu.memory_space<hbm>>
        tpu.enqueue_indirect_dma source(%dma_start3A_948 : memref<2024x128xf32, #tpu.memory_space<hbm>>) target(%arg9 : memref<128x128xf32, #tpu.memory_space<vmem>>) offsets(%dma_start3A_945 : memref<128xi32, #tpu.memory_space<vmem>>) semaphore(%run_scoped3A_943 : memref<!tpu.dma_semaphore, #tpu.memory_space<semaphore_mem>>)
        %dma_wait3A_949 = arith.constant 5504 : i32
        %dma_wait3A_950 = tpu.memref_slice %arg10[%dma_wait3A_949] : memref<6400xi32, #tpu.memory_space<vmem>> -> memref<128xi32, #tpu.memory_space<vmem>>
        %dma_wait3A_951 = arith.constant 0 : i32
        %dma_wait3A_952 = arith.constant 0 : i32
        %dma_wait3A_953 = tpu.memref_slice %arg4[%dma_wait3A_951, %dma_wait3A_952] : memref<2024x128xf32, #tpu.memory_space<hbm>> -> memref<2024x128xf32, #tpu.memory_space<hbm>>
        tpu.wait_indirect_dma semaphore(%run_scoped3A_943 : memref<!tpu.dma_semaphore, #tpu.memory_space<semaphore_mem>>) src(%dma_wait3A_953 : memref<2024x128xf32, #tpu.memory_space<hbm>>) dst(%arg9 : memref<128x128xf32, #tpu.memory_space<vmem>>)
        tpu.yield
      }) : () -> ()
      %run_scoped3A = arith.constant 43 : i32
      "tpu.region"() ({
        %run_scoped3A_943 = tpu.sem_alloc : memref<!tpu.dma_semaphore, #tpu.memory_space<semaphore_mem>>
        %dma_start3A_944 = arith.constant 0 : i32
        %dma_start3A_945 = tpu.memref_slice %arg11[%run_scoped3A, %dma_start3A_944] : memref<50x128xi32, #tpu.memory_space<vmem>> -> memref<1x128xi32, #tpu.memory_space<vmem>>
        %dma_start3A_946 = tpu.memref_squeeze %dma_start3A_945 : memref<1x128xi32, #tpu.memory_space<vmem>> -> memref<128xi32, #tpu.memory_space<vmem>>
        %dma_start3A_947 = arith.constant 0 : i32
        %dma_start3A_948 = arith.constant 0 : i32
        %dma_start3A_949 = tpu.memref_slice %arg5[%dma_start3A_947, %dma_start3A_948] : memref<204800x128xf32, #tpu.memory_space<hbm>> -> memref<204800x128xf32, #tpu.memory_space<hbm>>
        tpu.enqueue_indirect_dma source(%arg9 : memref<128x128xf32, #tpu.memory_space<vmem>>) target(%dma_start3A_949 : memref<204800x128xf32, #tpu.memory_space<hbm>>) offsets(%dma_start3A_946 : memref<128xi32, #tpu.memory_space<vmem>>) semaphore(%run_scoped3A_943 : memref<!tpu.dma_semaphore, #tpu.memory_space<semaphore_mem>>)
        %dma_wait3A_950 = arith.constant 0 : i32
        %dma_wait3A_951 = tpu.memref_slice %arg11[%run_scoped3A, %dma_wait3A_950] : memref<50x128xi32, #tpu.memory_space<vmem>> -> memref<1x128xi32, #tpu.memory_space<vmem>>
        %dma_wait3A_952 = tpu.memref_squeeze %dma_wait3A_951 : memref<1x128xi32, #tpu.memory_space<vmem>> -> memref<128xi32, #tpu.memory_space<vmem>>
        %dma_wait3A_953 = arith.constant 0 : i32
        %dma_wait3A_954 = arith.constant 0 : i32
        %dma_wait3A_955 = tpu.memref_slice %arg5[%dma_wait3A_953, %dma_wait3A_954] : memref<204800x128xf32, #tpu.memory_space<hbm>> -> memref<204800x128xf32, #tpu.memory_space<hbm>>
        tpu.wait_indirect_dma semaphore(%run_scoped3A_943 : memref<!tpu.dma_semaphore, #tpu.memory_space<semaphore_mem>>) src(%arg9 : memref<128x128xf32, #tpu.memory_space<vmem>>) dst(%dma_wait3A_955 : memref<204800x128xf32, #tpu.memory_space<hbm>>)
        tpu.yield
      }) : () -> ()
    } else {
    }
    %gt3A_913 = arith.constant 5632 : i32
    %gt3A_914 = arith.cmpi sgt, %scan3A_308#0, %gt3A_913 : i32
    %convert_element_type3A_915 = arith.extui %gt3A_914 : i1 to i32
    %cond3A_916 = arith.constant 0 : i32
    %cond3A_917 = arith.cmpi ne, %convert_element_type3A_915, %cond3A_916 : i32
    scf.if %cond3A_917 {
      "tpu.region"() ({
        %run_scoped3A_943 = tpu.sem_alloc : memref<!tpu.dma_semaphore, #tpu.memory_space<semaphore_mem>>
        %dma_start3A_944 = arith.constant 5632 : i32
        %dma_start3A_945 = tpu.memref_slice %arg10[%dma_start3A_944] : memref<6400xi32, #tpu.memory_space<vmem>> -> memref<128xi32, #tpu.memory_space<vmem>>
        %dma_start3A_946 = arith.constant 0 : i32
        %dma_start3A_947 = arith.constant 0 : i32
        %dma_start3A_948 = tpu.memref_slice %arg4[%dma_start3A_946, %dma_start3A_947] : memref<2024x128xf32, #tpu.memory_space<hbm>> -> memref<2024x128xf32, #tpu.memory_space<hbm>>
        tpu.enqueue_indirect_dma source(%dma_start3A_948 : memref<2024x128xf32, #tpu.memory_space<hbm>>) target(%arg9 : memref<128x128xf32, #tpu.memory_space<vmem>>) offsets(%dma_start3A_945 : memref<128xi32, #tpu.memory_space<vmem>>) semaphore(%run_scoped3A_943 : memref<!tpu.dma_semaphore, #tpu.memory_space<semaphore_mem>>)
        %dma_wait3A_949 = arith.constant 5632 : i32
        %dma_wait3A_950 = tpu.memref_slice %arg10[%dma_wait3A_949] : memref<6400xi32, #tpu.memory_space<vmem>> -> memref<128xi32, #tpu.memory_space<vmem>>
        %dma_wait3A_951 = arith.constant 0 : i32
        %dma_wait3A_952 = arith.constant 0 : i32
        %dma_wait3A_953 = tpu.memref_slice %arg4[%dma_wait3A_951, %dma_wait3A_952] : memref<2024x128xf32, #tpu.memory_space<hbm>> -> memref<2024x128xf32, #tpu.memory_space<hbm>>
        tpu.wait_indirect_dma semaphore(%run_scoped3A_943 : memref<!tpu.dma_semaphore, #tpu.memory_space<semaphore_mem>>) src(%dma_wait3A_953 : memref<2024x128xf32, #tpu.memory_space<hbm>>) dst(%arg9 : memref<128x128xf32, #tpu.memory_space<vmem>>)
        tpu.yield
      }) : () -> ()
      %run_scoped3A = arith.constant 44 : i32
      "tpu.region"() ({
        %run_scoped3A_943 = tpu.sem_alloc : memref<!tpu.dma_semaphore, #tpu.memory_space<semaphore_mem>>
        %dma_start3A_944 = arith.constant 0 : i32
        %dma_start3A_945 = tpu.memref_slice %arg11[%run_scoped3A, %dma_start3A_944] : memref<50x128xi32, #tpu.memory_space<vmem>> -> memref<1x128xi32, #tpu.memory_space<vmem>>
        %dma_start3A_946 = tpu.memref_squeeze %dma_start3A_945 : memref<1x128xi32, #tpu.memory_space<vmem>> -> memref<128xi32, #tpu.memory_space<vmem>>
        %dma_start3A_947 = arith.constant 0 : i32
        %dma_start3A_948 = arith.constant 0 : i32
        %dma_start3A_949 = tpu.memref_slice %arg5[%dma_start3A_947, %dma_start3A_948] : memref<204800x128xf32, #tpu.memory_space<hbm>> -> memref<204800x128xf32, #tpu.memory_space<hbm>>
        tpu.enqueue_indirect_dma source(%arg9 : memref<128x128xf32, #tpu.memory_space<vmem>>) target(%dma_start3A_949 : memref<204800x128xf32, #tpu.memory_space<hbm>>) offsets(%dma_start3A_946 : memref<128xi32, #tpu.memory_space<vmem>>) semaphore(%run_scoped3A_943 : memref<!tpu.dma_semaphore, #tpu.memory_space<semaphore_mem>>)
        %dma_wait3A_950 = arith.constant 0 : i32
        %dma_wait3A_951 = tpu.memref_slice %arg11[%run_scoped3A, %dma_wait3A_950] : memref<50x128xi32, #tpu.memory_space<vmem>> -> memref<1x128xi32, #tpu.memory_space<vmem>>
        %dma_wait3A_952 = tpu.memref_squeeze %dma_wait3A_951 : memref<1x128xi32, #tpu.memory_space<vmem>> -> memref<128xi32, #tpu.memory_space<vmem>>
        %dma_wait3A_953 = arith.constant 0 : i32
        %dma_wait3A_954 = arith.constant 0 : i32
        %dma_wait3A_955 = tpu.memref_slice %arg5[%dma_wait3A_953, %dma_wait3A_954] : memref<204800x128xf32, #tpu.memory_space<hbm>> -> memref<204800x128xf32, #tpu.memory_space<hbm>>
        tpu.wait_indirect_dma semaphore(%run_scoped3A_943 : memref<!tpu.dma_semaphore, #tpu.memory_space<semaphore_mem>>) src(%arg9 : memref<128x128xf32, #tpu.memory_space<vmem>>) dst(%dma_wait3A_955 : memref<204800x128xf32, #tpu.memory_space<hbm>>)
        tpu.yield
      }) : () -> ()
    } else {
    }
    %gt3A_918 = arith.constant 5760 : i32
    %gt3A_919 = arith.cmpi sgt, %scan3A_308#0, %gt3A_918 : i32
    %convert_element_type3A_920 = arith.extui %gt3A_919 : i1 to i32
    %cond3A_921 = arith.constant 0 : i32
    %cond3A_922 = arith.cmpi ne, %convert_element_type3A_920, %cond3A_921 : i32
    scf.if %cond3A_922 {
      "tpu.region"() ({
        %run_scoped3A_943 = tpu.sem_alloc : memref<!tpu.dma_semaphore, #tpu.memory_space<semaphore_mem>>
        %dma_start3A_944 = arith.constant 5760 : i32
        %dma_start3A_945 = tpu.memref_slice %arg10[%dma_start3A_944] : memref<6400xi32, #tpu.memory_space<vmem>> -> memref<128xi32, #tpu.memory_space<vmem>>
        %dma_start3A_946 = arith.constant 0 : i32
        %dma_start3A_947 = arith.constant 0 : i32
        %dma_start3A_948 = tpu.memref_slice %arg4[%dma_start3A_946, %dma_start3A_947] : memref<2024x128xf32, #tpu.memory_space<hbm>> -> memref<2024x128xf32, #tpu.memory_space<hbm>>
        tpu.enqueue_indirect_dma source(%dma_start3A_948 : memref<2024x128xf32, #tpu.memory_space<hbm>>) target(%arg9 : memref<128x128xf32, #tpu.memory_space<vmem>>) offsets(%dma_start3A_945 : memref<128xi32, #tpu.memory_space<vmem>>) semaphore(%run_scoped3A_943 : memref<!tpu.dma_semaphore, #tpu.memory_space<semaphore_mem>>)
        %dma_wait3A_949 = arith.constant 5760 : i32
        %dma_wait3A_950 = tpu.memref_slice %arg10[%dma_wait3A_949] : memref<6400xi32, #tpu.memory_space<vmem>> -> memref<128xi32, #tpu.memory_space<vmem>>
        %dma_wait3A_951 = arith.constant 0 : i32
        %dma_wait3A_952 = arith.constant 0 : i32
        %dma_wait3A_953 = tpu.memref_slice %arg4[%dma_wait3A_951, %dma_wait3A_952] : memref<2024x128xf32, #tpu.memory_space<hbm>> -> memref<2024x128xf32, #tpu.memory_space<hbm>>
        tpu.wait_indirect_dma semaphore(%run_scoped3A_943 : memref<!tpu.dma_semaphore, #tpu.memory_space<semaphore_mem>>) src(%dma_wait3A_953 : memref<2024x128xf32, #tpu.memory_space<hbm>>) dst(%arg9 : memref<128x128xf32, #tpu.memory_space<vmem>>)
        tpu.yield
      }) : () -> ()
      %run_scoped3A = arith.constant 45 : i32
      "tpu.region"() ({
        %run_scoped3A_943 = tpu.sem_alloc : memref<!tpu.dma_semaphore, #tpu.memory_space<semaphore_mem>>
        %dma_start3A_944 = arith.constant 0 : i32
        %dma_start3A_945 = tpu.memref_slice %arg11[%run_scoped3A, %dma_start3A_944] : memref<50x128xi32, #tpu.memory_space<vmem>> -> memref<1x128xi32, #tpu.memory_space<vmem>>
        %dma_start3A_946 = tpu.memref_squeeze %dma_start3A_945 : memref<1x128xi32, #tpu.memory_space<vmem>> -> memref<128xi32, #tpu.memory_space<vmem>>
        %dma_start3A_947 = arith.constant 0 : i32
        %dma_start3A_948 = arith.constant 0 : i32
        %dma_start3A_949 = tpu.memref_slice %arg5[%dma_start3A_947, %dma_start3A_948] : memref<204800x128xf32, #tpu.memory_space<hbm>> -> memref<204800x128xf32, #tpu.memory_space<hbm>>
        tpu.enqueue_indirect_dma source(%arg9 : memref<128x128xf32, #tpu.memory_space<vmem>>) target(%dma_start3A_949 : memref<204800x128xf32, #tpu.memory_space<hbm>>) offsets(%dma_start3A_946 : memref<128xi32, #tpu.memory_space<vmem>>) semaphore(%run_scoped3A_943 : memref<!tpu.dma_semaphore, #tpu.memory_space<semaphore_mem>>)
        %dma_wait3A_950 = arith.constant 0 : i32
        %dma_wait3A_951 = tpu.memref_slice %arg11[%run_scoped3A, %dma_wait3A_950] : memref<50x128xi32, #tpu.memory_space<vmem>> -> memref<1x128xi32, #tpu.memory_space<vmem>>
        %dma_wait3A_952 = tpu.memref_squeeze %dma_wait3A_951 : memref<1x128xi32, #tpu.memory_space<vmem>> -> memref<128xi32, #tpu.memory_space<vmem>>
        %dma_wait3A_953 = arith.constant 0 : i32
        %dma_wait3A_954 = arith.constant 0 : i32
        %dma_wait3A_955 = tpu.memref_slice %arg5[%dma_wait3A_953, %dma_wait3A_954] : memref<204800x128xf32, #tpu.memory_space<hbm>> -> memref<204800x128xf32, #tpu.memory_space<hbm>>
        tpu.wait_indirect_dma semaphore(%run_scoped3A_943 : memref<!tpu.dma_semaphore, #tpu.memory_space<semaphore_mem>>) src(%arg9 : memref<128x128xf32, #tpu.memory_space<vmem>>) dst(%dma_wait3A_955 : memref<204800x128xf32, #tpu.memory_space<hbm>>)
        tpu.yield
      }) : () -> ()
    } else {
    }
    %gt3A_923 = arith.constant 5888 : i32
    %gt3A_924 = arith.cmpi sgt, %scan3A_308#0, %gt3A_923 : i32
    %convert_element_type3A_925 = arith.extui %gt3A_924 : i1 to i32
    %cond3A_926 = arith.constant 0 : i32
    %cond3A_927 = arith.cmpi ne, %convert_element_type3A_925, %cond3A_926 : i32
    scf.if %cond3A_927 {
      "tpu.region"() ({
        %run_scoped3A_943 = tpu.sem_alloc : memref<!tpu.dma_semaphore, #tpu.memory_space<semaphore_mem>>
        %dma_start3A_944 = arith.constant 5888 : i32
        %dma_start3A_945 = tpu.memref_slice %arg10[%dma_start3A_944] : memref<6400xi32, #tpu.memory_space<vmem>> -> memref<128xi32, #tpu.memory_space<vmem>>
        %dma_start3A_946 = arith.constant 0 : i32
        %dma_start3A_947 = arith.constant 0 : i32
        %dma_start3A_948 = tpu.memref_slice %arg4[%dma_start3A_946, %dma_start3A_947] : memref<2024x128xf32, #tpu.memory_space<hbm>> -> memref<2024x128xf32, #tpu.memory_space<hbm>>
        tpu.enqueue_indirect_dma source(%dma_start3A_948 : memref<2024x128xf32, #tpu.memory_space<hbm>>) target(%arg9 : memref<128x128xf32, #tpu.memory_space<vmem>>) offsets(%dma_start3A_945 : memref<128xi32, #tpu.memory_space<vmem>>) semaphore(%run_scoped3A_943 : memref<!tpu.dma_semaphore, #tpu.memory_space<semaphore_mem>>)
        %dma_wait3A_949 = arith.constant 5888 : i32
        %dma_wait3A_950 = tpu.memref_slice %arg10[%dma_wait3A_949] : memref<6400xi32, #tpu.memory_space<vmem>> -> memref<128xi32, #tpu.memory_space<vmem>>
        %dma_wait3A_951 = arith.constant 0 : i32
        %dma_wait3A_952 = arith.constant 0 : i32
        %dma_wait3A_953 = tpu.memref_slice %arg4[%dma_wait3A_951, %dma_wait3A_952] : memref<2024x128xf32, #tpu.memory_space<hbm>> -> memref<2024x128xf32, #tpu.memory_space<hbm>>
        tpu.wait_indirect_dma semaphore(%run_scoped3A_943 : memref<!tpu.dma_semaphore, #tpu.memory_space<semaphore_mem>>) src(%dma_wait3A_953 : memref<2024x128xf32, #tpu.memory_space<hbm>>) dst(%arg9 : memref<128x128xf32, #tpu.memory_space<vmem>>)
        tpu.yield
      }) : () -> ()
      %run_scoped3A = arith.constant 46 : i32
      "tpu.region"() ({
        %run_scoped3A_943 = tpu.sem_alloc : memref<!tpu.dma_semaphore, #tpu.memory_space<semaphore_mem>>
        %dma_start3A_944 = arith.constant 0 : i32
        %dma_start3A_945 = tpu.memref_slice %arg11[%run_scoped3A, %dma_start3A_944] : memref<50x128xi32, #tpu.memory_space<vmem>> -> memref<1x128xi32, #tpu.memory_space<vmem>>
        %dma_start3A_946 = tpu.memref_squeeze %dma_start3A_945 : memref<1x128xi32, #tpu.memory_space<vmem>> -> memref<128xi32, #tpu.memory_space<vmem>>
        %dma_start3A_947 = arith.constant 0 : i32
        %dma_start3A_948 = arith.constant 0 : i32
        %dma_start3A_949 = tpu.memref_slice %arg5[%dma_start3A_947, %dma_start3A_948] : memref<204800x128xf32, #tpu.memory_space<hbm>> -> memref<204800x128xf32, #tpu.memory_space<hbm>>
        tpu.enqueue_indirect_dma source(%arg9 : memref<128x128xf32, #tpu.memory_space<vmem>>) target(%dma_start3A_949 : memref<204800x128xf32, #tpu.memory_space<hbm>>) offsets(%dma_start3A_946 : memref<128xi32, #tpu.memory_space<vmem>>) semaphore(%run_scoped3A_943 : memref<!tpu.dma_semaphore, #tpu.memory_space<semaphore_mem>>)
        %dma_wait3A_950 = arith.constant 0 : i32
        %dma_wait3A_951 = tpu.memref_slice %arg11[%run_scoped3A, %dma_wait3A_950] : memref<50x128xi32, #tpu.memory_space<vmem>> -> memref<1x128xi32, #tpu.memory_space<vmem>>
        %dma_wait3A_952 = tpu.memref_squeeze %dma_wait3A_951 : memref<1x128xi32, #tpu.memory_space<vmem>> -> memref<128xi32, #tpu.memory_space<vmem>>
        %dma_wait3A_953 = arith.constant 0 : i32
        %dma_wait3A_954 = arith.constant 0 : i32
        %dma_wait3A_955 = tpu.memref_slice %arg5[%dma_wait3A_953, %dma_wait3A_954] : memref<204800x128xf32, #tpu.memory_space<hbm>> -> memref<204800x128xf32, #tpu.memory_space<hbm>>
        tpu.wait_indirect_dma semaphore(%run_scoped3A_943 : memref<!tpu.dma_semaphore, #tpu.memory_space<semaphore_mem>>) src(%arg9 : memref<128x128xf32, #tpu.memory_space<vmem>>) dst(%dma_wait3A_955 : memref<204800x128xf32, #tpu.memory_space<hbm>>)
        tpu.yield
      }) : () -> ()
    } else {
    }
    %gt3A_928 = arith.constant 6016 : i32
    %gt3A_929 = arith.cmpi sgt, %scan3A_308#0, %gt3A_928 : i32
    %convert_element_type3A_930 = arith.extui %gt3A_929 : i1 to i32
    %cond3A_931 = arith.constant 0 : i32
    %cond3A_932 = arith.cmpi ne, %convert_element_type3A_930, %cond3A_931 : i32
    scf.if %cond3A_932 {
      "tpu.region"() ({
        %run_scoped3A_943 = tpu.sem_alloc : memref<!tpu.dma_semaphore, #tpu.memory_space<semaphore_mem>>
        %dma_start3A_944 = arith.constant 6016 : i32
        %dma_start3A_945 = tpu.memref_slice %arg10[%dma_start3A_944] : memref<6400xi32, #tpu.memory_space<vmem>> -> memref<128xi32, #tpu.memory_space<vmem>>
        %dma_start3A_946 = arith.constant 0 : i32
        %dma_start3A_947 = arith.constant 0 : i32
        %dma_start3A_948 = tpu.memref_slice %arg4[%dma_start3A_946, %dma_start3A_947] : memref<2024x128xf32, #tpu.memory_space<hbm>> -> memref<2024x128xf32, #tpu.memory_space<hbm>>
        tpu.enqueue_indirect_dma source(%dma_start3A_948 : memref<2024x128xf32, #tpu.memory_space<hbm>>) target(%arg9 : memref<128x128xf32, #tpu.memory_space<vmem>>) offsets(%dma_start3A_945 : memref<128xi32, #tpu.memory_space<vmem>>) semaphore(%run_scoped3A_943 : memref<!tpu.dma_semaphore, #tpu.memory_space<semaphore_mem>>)
        %dma_wait3A_949 = arith.constant 6016 : i32
        %dma_wait3A_950 = tpu.memref_slice %arg10[%dma_wait3A_949] : memref<6400xi32, #tpu.memory_space<vmem>> -> memref<128xi32, #tpu.memory_space<vmem>>
        %dma_wait3A_951 = arith.constant 0 : i32
        %dma_wait3A_952 = arith.constant 0 : i32
        %dma_wait3A_953 = tpu.memref_slice %arg4[%dma_wait3A_951, %dma_wait3A_952] : memref<2024x128xf32, #tpu.memory_space<hbm>> -> memref<2024x128xf32, #tpu.memory_space<hbm>>
        tpu.wait_indirect_dma semaphore(%run_scoped3A_943 : memref<!tpu.dma_semaphore, #tpu.memory_space<semaphore_mem>>) src(%dma_wait3A_953 : memref<2024x128xf32, #tpu.memory_space<hbm>>) dst(%arg9 : memref<128x128xf32, #tpu.memory_space<vmem>>)
        tpu.yield
      }) : () -> ()
      %run_scoped3A = arith.constant 47 : i32
      "tpu.region"() ({
        %run_scoped3A_943 = tpu.sem_alloc : memref<!tpu.dma_semaphore, #tpu.memory_space<semaphore_mem>>
        %dma_start3A_944 = arith.constant 0 : i32
        %dma_start3A_945 = tpu.memref_slice %arg11[%run_scoped3A, %dma_start3A_944] : memref<50x128xi32, #tpu.memory_space<vmem>> -> memref<1x128xi32, #tpu.memory_space<vmem>>
        %dma_start3A_946 = tpu.memref_squeeze %dma_start3A_945 : memref<1x128xi32, #tpu.memory_space<vmem>> -> memref<128xi32, #tpu.memory_space<vmem>>
        %dma_start3A_947 = arith.constant 0 : i32
        %dma_start3A_948 = arith.constant 0 : i32
        %dma_start3A_949 = tpu.memref_slice %arg5[%dma_start3A_947, %dma_start3A_948] : memref<204800x128xf32, #tpu.memory_space<hbm>> -> memref<204800x128xf32, #tpu.memory_space<hbm>>
        tpu.enqueue_indirect_dma source(%arg9 : memref<128x128xf32, #tpu.memory_space<vmem>>) target(%dma_start3A_949 : memref<204800x128xf32, #tpu.memory_space<hbm>>) offsets(%dma_start3A_946 : memref<128xi32, #tpu.memory_space<vmem>>) semaphore(%run_scoped3A_943 : memref<!tpu.dma_semaphore, #tpu.memory_space<semaphore_mem>>)
        %dma_wait3A_950 = arith.constant 0 : i32
        %dma_wait3A_951 = tpu.memref_slice %arg11[%run_scoped3A, %dma_wait3A_950] : memref<50x128xi32, #tpu.memory_space<vmem>> -> memref<1x128xi32, #tpu.memory_space<vmem>>
        %dma_wait3A_952 = tpu.memref_squeeze %dma_wait3A_951 : memref<1x128xi32, #tpu.memory_space<vmem>> -> memref<128xi32, #tpu.memory_space<vmem>>
        %dma_wait3A_953 = arith.constant 0 : i32
        %dma_wait3A_954 = arith.constant 0 : i32
        %dma_wait3A_955 = tpu.memref_slice %arg5[%dma_wait3A_953, %dma_wait3A_954] : memref<204800x128xf32, #tpu.memory_space<hbm>> -> memref<204800x128xf32, #tpu.memory_space<hbm>>
        tpu.wait_indirect_dma semaphore(%run_scoped3A_943 : memref<!tpu.dma_semaphore, #tpu.memory_space<semaphore_mem>>) src(%arg9 : memref<128x128xf32, #tpu.memory_space<vmem>>) dst(%dma_wait3A_955 : memref<204800x128xf32, #tpu.memory_space<hbm>>)
        tpu.yield
      }) : () -> ()
    } else {
    }
    %gt3A_933 = arith.constant 6144 : i32
    %gt3A_934 = arith.cmpi sgt, %scan3A_308#0, %gt3A_933 : i32
    %convert_element_type3A_935 = arith.extui %gt3A_934 : i1 to i32
    %cond3A_936 = arith.constant 0 : i32
    %cond3A_937 = arith.cmpi ne, %convert_element_type3A_935, %cond3A_936 : i32
    scf.if %cond3A_937 {
      "tpu.region"() ({
        %run_scoped3A_943 = tpu.sem_alloc : memref<!tpu.dma_semaphore, #tpu.memory_space<semaphore_mem>>
        %dma_start3A_944 = arith.constant 6144 : i32
        %dma_start3A_945 = tpu.memref_slice %arg10[%dma_start3A_944] : memref<6400xi32, #tpu.memory_space<vmem>> -> memref<128xi32, #tpu.memory_space<vmem>>
        %dma_start3A_946 = arith.constant 0 : i32
        %dma_start3A_947 = arith.constant 0 : i32
        %dma_start3A_948 = tpu.memref_slice %arg4[%dma_start3A_946, %dma_start3A_947] : memref<2024x128xf32, #tpu.memory_space<hbm>> -> memref<2024x128xf32, #tpu.memory_space<hbm>>
        tpu.enqueue_indirect_dma source(%dma_start3A_948 : memref<2024x128xf32, #tpu.memory_space<hbm>>) target(%arg9 : memref<128x128xf32, #tpu.memory_space<vmem>>) offsets(%dma_start3A_945 : memref<128xi32, #tpu.memory_space<vmem>>) semaphore(%run_scoped3A_943 : memref<!tpu.dma_semaphore, #tpu.memory_space<semaphore_mem>>)
        %dma_wait3A_949 = arith.constant 6144 : i32
        %dma_wait3A_950 = tpu.memref_slice %arg10[%dma_wait3A_949] : memref<6400xi32, #tpu.memory_space<vmem>> -> memref<128xi32, #tpu.memory_space<vmem>>
        %dma_wait3A_951 = arith.constant 0 : i32
        %dma_wait3A_952 = arith.constant 0 : i32
        %dma_wait3A_953 = tpu.memref_slice %arg4[%dma_wait3A_951, %dma_wait3A_952] : memref<2024x128xf32, #tpu.memory_space<hbm>> -> memref<2024x128xf32, #tpu.memory_space<hbm>>
        tpu.wait_indirect_dma semaphore(%run_scoped3A_943 : memref<!tpu.dma_semaphore, #tpu.memory_space<semaphore_mem>>) src(%dma_wait3A_953 : memref<2024x128xf32, #tpu.memory_space<hbm>>) dst(%arg9 : memref<128x128xf32, #tpu.memory_space<vmem>>)
        tpu.yield
      }) : () -> ()
      %run_scoped3A = arith.constant 48 : i32
      "tpu.region"() ({
        %run_scoped3A_943 = tpu.sem_alloc : memref<!tpu.dma_semaphore, #tpu.memory_space<semaphore_mem>>
        %dma_start3A_944 = arith.constant 0 : i32
        %dma_start3A_945 = tpu.memref_slice %arg11[%run_scoped3A, %dma_start3A_944] : memref<50x128xi32, #tpu.memory_space<vmem>> -> memref<1x128xi32, #tpu.memory_space<vmem>>
        %dma_start3A_946 = tpu.memref_squeeze %dma_start3A_945 : memref<1x128xi32, #tpu.memory_space<vmem>> -> memref<128xi32, #tpu.memory_space<vmem>>
        %dma_start3A_947 = arith.constant 0 : i32
        %dma_start3A_948 = arith.constant 0 : i32
        %dma_start3A_949 = tpu.memref_slice %arg5[%dma_start3A_947, %dma_start3A_948] : memref<204800x128xf32, #tpu.memory_space<hbm>> -> memref<204800x128xf32, #tpu.memory_space<hbm>>
        tpu.enqueue_indirect_dma source(%arg9 : memref<128x128xf32, #tpu.memory_space<vmem>>) target(%dma_start3A_949 : memref<204800x128xf32, #tpu.memory_space<hbm>>) offsets(%dma_start3A_946 : memref<128xi32, #tpu.memory_space<vmem>>) semaphore(%run_scoped3A_943 : memref<!tpu.dma_semaphore, #tpu.memory_space<semaphore_mem>>)
        %dma_wait3A_950 = arith.constant 0 : i32
        %dma_wait3A_951 = tpu.memref_slice %arg11[%run_scoped3A, %dma_wait3A_950] : memref<50x128xi32, #tpu.memory_space<vmem>> -> memref<1x128xi32, #tpu.memory_space<vmem>>
        %dma_wait3A_952 = tpu.memref_squeeze %dma_wait3A_951 : memref<1x128xi32, #tpu.memory_space<vmem>> -> memref<128xi32, #tpu.memory_space<vmem>>
        %dma_wait3A_953 = arith.constant 0 : i32
        %dma_wait3A_954 = arith.constant 0 : i32
        %dma_wait3A_955 = tpu.memref_slice %arg5[%dma_wait3A_953, %dma_wait3A_954] : memref<204800x128xf32, #tpu.memory_space<hbm>> -> memref<204800x128xf32, #tpu.memory_space<hbm>>
        tpu.wait_indirect_dma semaphore(%run_scoped3A_943 : memref<!tpu.dma_semaphore, #tpu.memory_space<semaphore_mem>>) src(%arg9 : memref<128x128xf32, #tpu.memory_space<vmem>>) dst(%dma_wait3A_955 : memref<204800x128xf32, #tpu.memory_space<hbm>>)
        tpu.yield
      }) : () -> ()
    } else {
    }
    %gt3A_938 = arith.constant 6272 : i32
    %gt3A_939 = arith.cmpi sgt, %scan3A_308#0, %gt3A_938 : i32
    %convert_element_type3A_940 = arith.extui %gt3A_939 : i1 to i32
    %cond3A_941 = arith.constant 0 : i32
    %cond3A_942 = arith.cmpi ne, %convert_element_type3A_940, %cond3A_941 : i32
    scf.if %cond3A_942 {
      "tpu.region"() ({
        %run_scoped3A_943 = tpu.sem_alloc : memref<!tpu.dma_semaphore, #tpu.memory_space<semaphore_mem>>
        %dma_start3A_944 = arith.constant 6272 : i32
        %dma_start3A_945 = tpu.memref_slice %arg10[%dma_start3A_944] : memref<6400xi32, #tpu.memory_space<vmem>> -> memref<128xi32, #tpu.memory_space<vmem>>
        %dma_start3A_946 = arith.constant 0 : i32
        %dma_start3A_947 = arith.constant 0 : i32
        %dma_start3A_948 = tpu.memref_slice %arg4[%dma_start3A_946, %dma_start3A_947] : memref<2024x128xf32, #tpu.memory_space<hbm>> -> memref<2024x128xf32, #tpu.memory_space<hbm>>
        tpu.enqueue_indirect_dma source(%dma_start3A_948 : memref<2024x128xf32, #tpu.memory_space<hbm>>) target(%arg9 : memref<128x128xf32, #tpu.memory_space<vmem>>) offsets(%dma_start3A_945 : memref<128xi32, #tpu.memory_space<vmem>>) semaphore(%run_scoped3A_943 : memref<!tpu.dma_semaphore, #tpu.memory_space<semaphore_mem>>)
        %dma_wait3A_949 = arith.constant 6272 : i32
        %dma_wait3A_950 = tpu.memref_slice %arg10[%dma_wait3A_949] : memref<6400xi32, #tpu.memory_space<vmem>> -> memref<128xi32, #tpu.memory_space<vmem>>
        %dma_wait3A_951 = arith.constant 0 : i32
        %dma_wait3A_952 = arith.constant 0 : i32
        %dma_wait3A_953 = tpu.memref_slice %arg4[%dma_wait3A_951, %dma_wait3A_952] : memref<2024x128xf32, #tpu.memory_space<hbm>> -> memref<2024x128xf32, #tpu.memory_space<hbm>>
        tpu.wait_indirect_dma semaphore(%run_scoped3A_943 : memref<!tpu.dma_semaphore, #tpu.memory_space<semaphore_mem>>) src(%dma_wait3A_953 : memref<2024x128xf32, #tpu.memory_space<hbm>>) dst(%arg9 : memref<128x128xf32, #tpu.memory_space<vmem>>)
        tpu.yield
      }) : () -> ()
      %run_scoped3A = arith.constant 49 : i32
      "tpu.region"() ({
        %run_scoped3A_943 = tpu.sem_alloc : memref<!tpu.dma_semaphore, #tpu.memory_space<semaphore_mem>>
        %dma_start3A_944 = arith.constant 0 : i32
        %dma_start3A_945 = tpu.memref_slice %arg11[%run_scoped3A, %dma_start3A_944] : memref<50x128xi32, #tpu.memory_space<vmem>> -> memref<1x128xi32, #tpu.memory_space<vmem>>
        %dma_start3A_946 = tpu.memref_squeeze %dma_start3A_945 : memref<1x128xi32, #tpu.memory_space<vmem>> -> memref<128xi32, #tpu.memory_space<vmem>>
        %dma_start3A_947 = arith.constant 0 : i32
        %dma_start3A_948 = arith.constant 0 : i32
        %dma_start3A_949 = tpu.memref_slice %arg5[%dma_start3A_947, %dma_start3A_948] : memref<204800x128xf32, #tpu.memory_space<hbm>> -> memref<204800x128xf32, #tpu.memory_space<hbm>>
        tpu.enqueue_indirect_dma source(%arg9 : memref<128x128xf32, #tpu.memory_space<vmem>>) target(%dma_start3A_949 : memref<204800x128xf32, #tpu.memory_space<hbm>>) offsets(%dma_start3A_946 : memref<128xi32, #tpu.memory_space<vmem>>) semaphore(%run_scoped3A_943 : memref<!tpu.dma_semaphore, #tpu.memory_space<semaphore_mem>>)
        %dma_wait3A_950 = arith.constant 0 : i32
        %dma_wait3A_951 = tpu.memref_slice %arg11[%run_scoped3A, %dma_wait3A_950] : memref<50x128xi32, #tpu.memory_space<vmem>> -> memref<1x128xi32, #tpu.memory_space<vmem>>
        %dma_wait3A_952 = tpu.memref_squeeze %dma_wait3A_951 : memref<1x128xi32, #tpu.memory_space<vmem>> -> memref<128xi32, #tpu.memory_space<vmem>>
        %dma_wait3A_953 = arith.constant 0 : i32
        %dma_wait3A_954 = arith.constant 0 : i32
        %dma_wait3A_955 = tpu.memref_slice %arg5[%dma_wait3A_953, %dma_wait3A_954] : memref<204800x128xf32, #tpu.memory_space<hbm>> -> memref<204800x128xf32, #tpu.memory_space<hbm>>
        tpu.wait_indirect_dma semaphore(%run_scoped3A_943 : memref<!tpu.dma_semaphore, #tpu.memory_space<semaphore_mem>>) src(%arg9 : memref<128x128xf32, #tpu.memory_space<vmem>>) dst(%dma_wait3A_955 : memref<204800x128xf32, #tpu.memory_space<hbm>>)
        tpu.yield
      }) : () -> ()
    } else {
    }
    return
  }
}

</mosaic_0001>

<sc_bundles>
// kernel: kernel.3.cloned.1.call-start
scs
__scs_entry_jumppad:
0x0: {  	(pc) =	sbr.rel $0x88, $3  }
0x1: {  	(tag) =	ssettag $0x0;
	lr =	simm.s32 $0x1  }
0x2: {  	[smem:$0x3F9E] =	sst lr;
	_ =	strace $0xD0000000  }
0x3: {  	_ = 	snop  }
0x4: {  	_ = 	snop  }
0x5: {  	_ = 	snop  }
0x6: {  	_ = 	snop  }
0x7: {  	_ = 	snop  }
__scs_overlays_trampoline_lowered:
0x8: {  	[smem:$0x3FAD] =	sst s0  }
0x9: {  	[smem:$0x3FAE] =	sst s1  }
0xa: {  	[smem:$0x3FAF] =	sst s2  }
0xb: {  	[smem:$0x3FB0] =	sst s3  }
0xc: {  	[smem:$0x3FB1] =	sst s4  }
0xd: {  	[smem:$0x3FB2] =	sst s5  }
0xe: {  	[smem:$0x3FB3] =	sst s6  }
0xf: {  	[smem:$0x3FB4] =	sst s7  }
0x10: {  	[smem:$0x3FB5] =	sst s8  }
0x11: {  	[smem:$0x3FB6] =	sst s9;
	s0 =	simm.s32 @!p0 $0x0  }
0x12: {  	s1 =	sld [smem:$0x3F9C];
	s0 =	simm.s32 @p0 $0x1  }
0x13: {  	[smem:$0x3FB7] =	sst s0;
	s0 =	simm.s32 @!p1 $0x0  }
0x14: {  	s2 =	sld [smem:$0x3F9B];
	s0 =	simm.s32 @p1 $0x1  }
0x15: {  	[smem:$0x3FB8] =	sst s0;
	s0 =	simm.s32 @!p2 $0x0  }
0x16: {  	s3 =	sld [smem:$0x3FDB];
	s0 =	simm.s32 @p2 $0x1  }
0x17: {  	s4 =	simm.s32 $0x1BF5;
	[smem:$0x3FBA] =	sst s0  }
0x18: {  	s0 =	sld [smem:$0x3F9D];
	_ =	swait.ge [sflag:s4], $0x0  }
0x19: {  	s7 =	sld [smem:$0x3F9E]  }
0x1a: {  	s8 =	sadd.s32 $0xFFFFE003, lr  }
0x1b: {  	s9 =	sadd.s32 $0xFFFFFEF7, lr;
	s5 =	simm.s32 $0xFFFFFFFF;
	p2 =	slt.u32 s8, $0xFFFFF086  }
0x1c: {  	p1 =	slt.u32 s9, $0xF7A;
	s5 =	simm.s32 @!p2 $0x0  }
0x1d: {  	s5 =	simm.s32 @p1 $0x1;
	p0 =	seq.s32 s7, s2  }
0x1e: {  	s7 =	smul.u32 @!p0 $0xF7A, s2;
	p2 =	seq.s32 @!p0 s5, $0x0  }
0x1f: {  	s9 =	smul.u32 $0xF7A, s1;
	s8 =	simm.s32 @!p0 $0x1BF5;
	p2 =	por !p2, p0  }
0x20: {  	[sflag:s8] =	ssyncset.s32 @!p0 $0xFFFFF086;
	s6 =	sadd.s32 @!p0 s3, s7;
	s7 =	simm.s32 @!p0 $0x108  }
0x21: {  	s3 =	sadd.s32 s3, s9;
	s6 =	sadd.s32 @!p0 $0x88, s6;
	s7 =	simm.s32 @p2 $0x1082  }
0x22: {  	[simem:s7], [sflag:s8] =	dma.local @!p0 [hbm:s6], $0xF7A  }
0x23: {  	s9 =	sor.u32 $0xD0000000, s2;
	s6 =	simm.s32 $0x108;
	_ =	swait.ge @!p0 [sflag:s8], $0x0  }
0x24: {  	s3 =	sadd.s32 $0x88, s3;
	s6 =	simm.s32 @!p1 $0x1082;
	[sflag:s4] =	ssyncset.s32 $0xFFFFF086  }
0x25: {  	[simem:s6], [sflag:s4] =	dma.local [hbm:s3], $0xF7A  }
0x26: {  	[smem:$0x3F9E] =	sst s1;
	(tag) =	ssettag s2;
	_ =	strace s9  }
0x27: {  	s1 =	sld [smem:$0x3FAE]  }
0x28: {  	s2 =	sld [smem:$0x3FAF]  }
0x29: {  	s4 =	sld [smem:$0x3FB1]  }
0x2a: {  	p0 =	seq.s32 s5, $0x0;
	s5 =	sld [smem:$0x3FB2]  }
0x2b: {  	s6 =	sld [smem:$0x3FB3]  }
0x2c: {  	s7 =	sld [smem:$0x3FB4]  }
0x2d: {  	s3 =	simm.s32 $0x108;
	s8 =	sld [smem:$0x3FB5]  }
0x2e: {  	s3 =	simm.s32 @!p0 $0x1082;
	s9 =	sld [smem:$0x3FB6]  }
0x2f: {  	lr =	sadd.s32 s0, s3;
	s0 =	sld [smem:$0x3FAD]  }
0x30: {  	s3 =	sld [smem:$0x3FB0]  }
0x31: {  	[smem:$0x3FB9] =	sst s10  }
0x32: {  	s10 =	sld [smem:$0x3FB7];
	_ =	sdelay $0x3  }
0x33: {  	p0 =	seq.s32 s10, $0x1;
	s10 =	sld [smem:$0x3FB9];
	_ =	sdelay $0x3  }
0x34: {  	[smem:$0x3FB9] =	sst s10  }
0x35: {  	s10 =	sld [smem:$0x3FB8];
	_ =	sdelay $0x3  }
0x36: {  	p1 =	seq.s32 s10, $0x1;
	s10 =	sld [smem:$0x3FB9];
	_ =	sdelay $0x3  }
0x37: {  	[smem:$0x3FB9] =	sst s10  }
0x38: {  	s10 =	sld [smem:$0x3FBA]  }
0x39: {  	_ = 	snop;
	(pc) =	sbr.ind lr, $3  }
0x3a: {  	_ = 	snop  }
0x3b: {  	_ = 	snop  }
0x3c: {  	p2 =	seq.s32 s10, $0x1;
	s10 =	sld [smem:$0x3FB9]  }
0x3d: {  	_ =	shalt  }
0x3e: {  	_ =	shalt  }
0x3f: {  	_ =	shalt  }
0x40: {  	_ =	shalt  }
0x41: {  	_ =	shalt  }
0x42: {  	_ =	shalt  }
0x43: {  	_ =	shalt  }
0x44: {  	_ =	shalt  }
0x45: {  	_ =	shalt  }
0x46: {  	_ =	shalt  }
0x47: {  	_ =	shalt  }
0x48: {  	_ =	shalt  }
0x49: {  	_ =	shalt  }
0x4a: {  	_ =	shalt  }
0x4b: {  	_ =	shalt  }
0x4c: {  	_ =	shalt  }
0x4d: {  	_ =	shalt  }
0x4e: {  	_ =	shalt  }
0x4f: {  	_ =	shalt  }
0x50: {  	_ =	shalt  }
0x51: {  	_ =	shalt  }
0x52: {  	_ =	shalt  }
0x53: {  	_ =	shalt  }
0x54: {  	_ =	shalt  }
0x55: {  	_ =	shalt  }
0x56: {  	_ =	shalt  }
0x57: {  	_ =	shalt  }
0x58: {  	_ =	shalt  }
0x59: {  	_ =	shalt  }
0x5a: {  	_ =	shalt  }
0x5b: {  	_ =	shalt  }
0x5c: {  	_ =	shalt  }
0x5d: {  	_ =	shalt  }
0x5e: {  	_ =	shalt  }
0x5f: {  	_ =	shalt  }
0x60: {  	_ =	shalt  }
0x61: {  	_ =	shalt  }
0x62: {  	_ =	shalt  }
0x63: {  	_ =	shalt  }
0x64: {  	_ =	shalt  }
0x65: {  	_ =	shalt  }
0x66: {  	_ =	shalt  }
0x67: {  	_ =	shalt  }
0x68: {  	_ =	shalt  }
0x69: {  	_ =	shalt  }
0x6a: {  	_ =	shalt  }
0x6b: {  	_ =	shalt  }
0x6c: {  	_ =	shalt  }
0x6d: {  	_ =	shalt  }
0x6e: {  	_ =	shalt  }
0x6f: {  	_ =	shalt  }
0x70: {  	_ =	shalt  }
0x71: {  	_ =	shalt  }
0x72: {  	_ =	shalt  }
0x73: {  	_ =	shalt  }
0x74: {  	_ =	shalt  }
0x75: {  	_ =	shalt  }
0x76: {  	_ =	shalt  }
0x77: {  	_ =	shalt  }
0x78: {  	_ =	shalt  }
0x79: {  	_ =	shalt  }
0x7a: {  	_ =	shalt  }
0x7b: {  	_ =	shalt  }
0x7c: {  	_ =	shalt  }
0x7d: {  	_ =	shalt  }
0x7e: {  	_ =	shalt  }
0x7f: {  	_ =	shalt  }
0x80: {  	_ =	shalt  }
0x81: {  	_ =	shalt  }
0x82: {  	_ =	shalt  }
0x83: {  	_ =	shalt  }
0x84: {  	_ =	shalt  }
0x85: {  	_ =	shalt  }
0x86: {  	_ =	shalt  }
0x87: {  	_ =	shalt  }
.Lfunc_end0:
.L_simem_size_0:
called_computation_lowered:
.L_overlay_start_0:
0x88: {  	s2 =	sld [smem:$0x3FD9]  }
0x89: {  	s3 =	sld [smem:$0x3FFE];
	_ =	sdelay $0x1  }
0x8a: {  	s1 =	srdreg.scid  }
0x8b: {  	s0 =	sand.u32 $0x1, s1  }
0x8c: {  	s17 =	sshll.u32 s0, $0xA;
	s2 =	sadd.s32 s3, s2  }
0x8d: {  	s2 =	sadd.s32 s2, s17  }
0x8e: {  	[smem:$0x3FC5] =	sst s2  }
0x8f: {  	_ = 	snop  }
0x90: {  	s2 =	sld [smem:$0x3FD0];
	(tm) =	ssettm $0x1  }
0x91: {  	s18 =	sld [smem:$0x3FFB];
	_ =	sdelay $0x3  }
0x92: {  	_ =	strace s18  }
0x93: {  	s3 =	sld [smem:$0x3FFC];
	_ =	sdelay $0x3  }
0x94: {  	_ =	strace s3  }
0x95: {  	s3 =	sld [smem:$0x3FFD];
	_ =	sdelay $0x3  }
0x96: {  	_ =	strace s3  }
0x97: {  	_ =	strace $0x8FFFFFFF  }
0x98: {  	s19 =	sld [smem:$0x3FDB];
	_ =	sdelay $0x1  }
0x99: {  	s4 =	simm.s32 $_scs_section_size  }
0x9a: {  	s5 =	simm.s32 $_size__tile_overlayer_lowered;
	s6 =	simm.s32 $_tile_overlayer_lowered  }
0x9b: {  	s22 =	simm.s32 $0x1BFF;
	s21 =	sshll.u32 s6, $0x1;
	s3 =	sadd.s32 s4, s19  }
0x9c: {  	s7 =	simm.s32 $0x0;
	s20 =	sshll.u32 s5, $0x1;
	s5 =	sadd.s32 s21, s3  }
0x9d: {  	[timem:s7], [sflag:s22] =	dma.local [hbm:s5], s20  }
0x9e: {  	_ =	swait.ge [sflag:s22], s20  }
0x9f: {  	s4 =	ssub.s32 $0x0, s20;
	[sflag:s22] =	ssyncset.done $0x0  }
0xa0: {  	[sflag:s22] =	ssyncadd.s32 s4;
	_ =	sdelay $0x1  }
0xa1: {  	s23 =	simm.s32 $0x1B8B  }
0xa2: {  	_ =	swait.ge [sflag:s23], $0x1  }
0xa3: {  	[sflag:s23] =	ssyncset.done $0x0  }
0xa4: {  	s25 =	simm.s32 $0x1B8E;
	s24 =	sld [smem:$0x3FFE];
	[sflag:s23] =	ssyncadd.s32 $0xFFFFFFFF  }
0xa5: {  	s26 =	simm.s32 $execute0_lowered;
	[smem:$0x3FD2] =	sst s25  }
0xa6: {  	s5 =	sshll.u32 s26, $0x1;
	_ =	strace $0x80000046;
	[dreg:$0x1] =	wrdreg $0xFFFFFFFF  }
0xa7: {  	s28 =	simm.s32 $_size_execute0_lowered;
	s3 =	sadd.s32 s3, s5;
	[dreg:$0x0] =	wrdreg $0x0  }
0xa8: {  	s5 =	sshll.u32 s28, $0x1;
	[dreg:$0x2] =	wrdreg s3  }
0xa9: {  	[dreg:$0x3] =	wrdreg s5  }
0xaa: {  	[dreg:$0x4] =	wrdreg $0xC0  }
0xab: {  	_ =	task [dreg:s7], $0x5FFFF  }
0xac: {  	[dreg:$0x1] =	wrdreg $0xFFFFFFFF  }
0xad: {  	[dreg:$0x0] =	wrdreg $0x60  }
0xae: {  	[dreg:$0x2] =	wrdreg s24  }
0xaf: {  	[dreg:$0x3] =	wrdreg s2  }
0xb0: {  	[dreg:$0x4] =	wrdreg $0x9  }
0xb1: {  	_ =	task.clear_ibuf [dreg:s7], $0x5FFFF;
	_ =	strace $0x90000046  }
0xb2: {  	s29 =	simm.s32 $0x9;
	_ =	strace $0x80000048  }
0xb3: {  	_ =	swait.ge [sflag:s29], $0x1  }
0xb4: {  	[sflag:s29] =	ssyncadd.s32 $0xFFFFFFFF  }
0xb5: {  	_ =	strace $0x90000048  }
0xb6: {  	_ =	sfence  }
0xb7: {  	s30 =	sld [smem:$0x0];
	_ =	sdelay $0x2  }
0xb8: {  	s31 =	sshll.u32 s1, $0xD;
	s1 =	sshrl.u32 s1, $0x2  }
0xb9: {  	s3 =	sand.u32 $0x4000, s31;
	s1 =	sadd.s32 s1, s30  }
0xba: {  	s0 =	sor.u32 s3, s0;
	s1 =	sshll.u32 s1, $0x11  }
0xbb: {  	s0 =	sor.u32 s1, s0  }
0xbc: {  	s0 =	sadd.s32 $0x8F2B, s0  }
0xbd: {  	[sflag:s0] =	ssyncadd.remote.s32 $0x1  }
0xbe: {  	_ =	sfence.sel $0xFFFF  }
0xbf: {  	[dreg:$0x0] =	wrdreg $0xFFFFFFFF;
	(pc) =	sbr.abs _section_cstart, $3  }
0xc0: {  	[dreg:$0x1] =	wrdreg $0xFFFFFFFF  }
0xc1: {  	_ =	task.clear_ibuf [dreg:s7], $0x2FFFF;
	_ =	strace $0x9FFFFFFF  }
0xc2: {  	(tm) =	ssettm $0x7FFFFFFF  }
0xc3: {  	_ =	shalt  }
tec
execute0_lowered:
.L_overlay_start_1:
0x0: {  	(tag) =	ssettag $0x1  }
0x1: {  	s0 =	srdreg.scid;
	s10 =	stileid.u32  }
0x2: {  	s0 =	sand.u32 $0x1, s0;
	s1 =	sshll.u32 s10, $0x1  }
0x3: {  	s5 =	rddreg [dreg:$0x0];
	s1 =	sor.u32 s0, s1  }
0x4: {  	s2 =	rddreg [dreg:$0x1];
	s4 =	simm.s32 $0x0;
	s3 =	smul.u32 $0x1900, s1  }
0x5: {  	[smem:$0x7FF] =	sst s4;
	s7 =	smul.u32 $0xC8000, s1  }
0x6: {  	s6 =	sadd.s32 $0xE800, s5;
	[dreg:$0x3] =	wrdreg s3;
	s3 =	sshrl.u32 s3, $0x3  }
0x7: {  	s7 =	sshrl.u32 s7, $0x3;
	_ =	strace $0x80000047;
	s3 =	sadd.s32 s3, s5  }
0x8: {  	[dreg:$0x4] =	wrdreg s6;
	s6 =	sadd.s32 $0x6800, s5;
	s5 =	sadd.s32 $0xA680, s5  }
0x9: {  	[dreg:$0x5] =	wrdreg s5;
	s5 =	sadd.s32 s2, s7  }
0xa: {  	s25 =	sadd.s32 $0x1000, s5  }
0xb: {  	s26 =	sadd.s32 $0x1800, s5;
	[dreg:$0x6] =	wrdreg s25  }
0xc: {  	s7 =	sadd.s32 $0x2000, s5;
	[dreg:$0x7] =	wrdreg s26  }
0xd: {  	s11 =	sadd.s32 $0x2800, s5;
	[dreg:$0x8] =	wrdreg s7  }
0xe: {  	s12 =	sadd.s32 $0x3000, s5;
	[dreg:$0x9] =	wrdreg s11  }
0xf: {  	s13 =	sadd.s32 $0x3800, s5;
	[dreg:$0xa] =	wrdreg s12  }
0x10: {  	s14 =	sadd.s32 $0x4000, s5;
	[dreg:$0xb] =	wrdreg s13  }
0x11: {  	s16 =	sadd.s32 $0x5000, s5;
	[dreg:$0xc] =	wrdreg s14  }
0x12: {  	s17 =	sadd.s32 $0x5800, s5;
	[dreg:$0xe] =	wrdreg s16  }
0x13: {  	s18 =	sadd.s32 $0x6000, s5;
	[dreg:$0xf] =	wrdreg s17  }
0x14: {  	s19 =	sadd.s32 $0x6800, s5;
	[dreg:$0x10] =	wrdreg s18  }
0x15: {  	s20 =	sadd.s32 $0x7000, s5;
	[dreg:$0x11] =	wrdreg s19  }
0x16: {  	s8 =	ssub.s32 $0x2, s0;
	s21 =	sadd.s32 $0x7800, s5;
	[dreg:$0x12] =	wrdreg s20  }
0x17: {  	s9 =	sshrl.u32 s8, $0x1;
	s22 =	sadd.s32 $0x8000, s5;
	[dreg:$0x13] =	wrdreg s21  }
0x18: {  	s1 =	smul.u32 $0x19000, s1;
	s23 =	sadd.s32 $0x8800, s5;
	[dreg:$0x14] =	wrdreg s22  }
0x19: {  	s8 =	ssub.s32 s8, s9;
	s24 =	sadd.s32 $0x9000, s5;
	[dreg:$0x15] =	wrdreg s23  }
0x1a: {  	s9 =	sadd.s32 s2, s1;
	s1 =	sadd.s32 $0xA800, s5;
	[dreg:$0x16] =	wrdreg s24  }
0x1b: {  	s15 =	smul.u32 $0x3200, s10;
	s10 =	sadd.s32 $0xB800, s5;
	[dreg:$0x19] =	wrdreg s1  }
0x1c: {  	s7 =	sadd.s32 $0x4800, s5;
	[dreg:$0x1b] =	wrdreg s10  }
0x1d: {  	s25 =	sadd.s32 $0x9800, s5;
	[dreg:$0xd] =	wrdreg s7  }
0x1e: {  	s26 =	sadd.s32 $0xA000, s5;
	[dreg:$0x17] =	wrdreg s25  }
0x1f: {  	s11 =	sadd.s32 $0xC000, s5;
	[dreg:$0x18] =	wrdreg s26  }
0x20: {  	s12 =	sadd.s32 $0xC800, s5;
	[dreg:$0x1c] =	wrdreg s11  }
0x21: {  	s0 =	smul.u32 $0x1900, s0;
	s13 =	sadd.s32 $0xD000, s5;
	[dreg:$0x1d] =	wrdreg s12  }
0x22: {  	s14 =	sadd.s32 $0xD800, s5;
	[dreg:$0x1e] =	wrdreg s13  }
0x23: {  	s17 =	sadd.s32 s0, s15;
	s15 =	sadd.s32 $0xE000, s5;
	[dreg:$0x1f] =	wrdreg s14  }
0x24: {  	s28 =	sadd.s32 $0x16000, s5;
	s16 =	sadd.s32 $0xE800, s5;
	[smem:$0x7F3] =	sst s15  }
0x25: {  	s29 =	sadd.s32 $0x16800, s5;
	s18 =	sadd.s32 $0xF000, s5;
	[smem:$0x7F4] =	sst s16  }
0x26: {  	s30 =	sadd.s32 $0x17000, s5;
	s19 =	sadd.s32 $0xF800, s5;
	[smem:$0x7F5] =	sst s18  }
0x27: {  	s31 =	sadd.s32 $0x17800, s5;
	s20 =	sadd.s32 $0x10000, s5;
	[smem:$0x7F6] =	sst s19  }
0x28: {  	s21 =	sadd.s32 $0x10800, s5;
	s22 =	sadd.s32 $0x11000, s5;
	[smem:$0x7F7] =	sst s20  }
0x29: {  	s23 =	sadd.s32 $0x11800, s5;
	s24 =	sadd.s32 $0x12000, s5;
	[smem:$0x7F8] =	sst s21  }
0x2a: {  	s1 =	sadd.s32 $0x18000, s5;
	s0 =	sadd.s32 $0x18800, s5;
	[smem:$0x7F9] =	sst s22  }
0x2b: {  	s10 =	simm.s32 $0x1980;
	s7 =	sadd.s32 $0xB000, s5;
	[smem:$0x7FA] =	sst s23  }
0x2c: {  	[smem:$0x7FB] =	sst s24;
	s25 =	sadd.s32 $0x12800, s5;
	s26 =	sadd.s32 $0x13000, s5  }
0x2d: {  	s22 =	sadd.s32 $0x13800, s5;
	s23 =	sadd.s32 $0x14000, s5;
	s24 =	sadd.s32 $0x14800, s5  }
.Ltmp0:
0x2e: {  	s20 =	smov.u32 s9;
	s9 =	sadd.s32 $0x800, s9;
	(pc) =	sbr.rel .LBB2_1-.Ltmp0, $4  }
0x2f: {  	s11 =	simm.s32 $0x2;
	s12 =	simm.s32 $0x9980;
	[dreg:$0x1a] =	wrdreg s7  }
0x30: {  	s13 =	simm.s32 $0xB280;
	s14 =	simm.s32 $0x1;
	[smem:$0x7FC] =	sst s25  }
0x31: {  	v0 =	vlaneseq.u32;
	[smem:$0x7FD] =	sst s26;
	s25 =	sadd.s32 $0x15000, s5;
	s26 =	sadd.s32 $0x15800, s5  }
0x32: {  	v1 =	vimm.s32 $0x0;
	v2 =	vor.u32 $0x80000000, v0;
	s5 =	sadd.s32 $0x400, s3;
	s7 =	smax.u32 s8, $0x1;
	s3 =	simm.s32 $0x0  }
.LBB2_5:
0x33: {  	s3 =	sadd.s32 $0x1, s3  }
0x34: {  	p0 =	sne.s32 s3, s7  }
.Ltmp1:
0x35: {  	_ = 	snop;
	(pc) =	sbr.rel @!p0 .LBB2_6-.Ltmp1, $1  }
0x36: {  	_ =	sdelay $0x3  }
.LBB2_1:
0x37: {  	s8 =	rddreg [dreg:$0x5]  }
0x38: {  	[tilespmem:s10], [sflag:$0x2] =	stream.linear.gather [hbm4b:s8+s4], $0x4000, $0x38;
	[tilespmem:$0xCE80] =	vst v63  }
0x39: {  	_ =	swait.ge [sflag:s11], $0x4000  }
0x3a: {  	[sflag:s11] =	ssyncset.done $0x0  }
0x3b: {  	[sflag:s11] =	ssyncadd.s32 $0xFFFFC000  }
0x3c: {  	[hbm4b:s20+s4] =	stream.linear.scatter [tilespmem:s10], [sflag:$0x1], $0x4000, $0x38;
	[tilespmem:$0xCE80] =	vst v63  }
0x3d: {  	s16 =	rddreg [dreg:$0x6]  }
0x3e: {  	[hbm4b:s9+s4] =	stream.linear.scatter [tilespmem:s10], [sflag:$0x1], $0x4000, $0x38;
	[tilespmem:$0xCE80] =	vst v63  }
0x3f: {  	s18 =	rddreg [dreg:$0x7]  }
0x40: {  	[hbm4b:s16+s4] =	stream.linear.scatter [tilespmem:s10], [sflag:$0x1], $0x4000, $0x38;
	[tilespmem:$0xCE80] =	vst v63  }
0x41: {  	s19 =	rddreg [dreg:$0x8]  }
0x42: {  	[hbm4b:s18+s4] =	stream.linear.scatter [tilespmem:s10], [sflag:$0x1], $0x4000, $0x38;
	[tilespmem:$0xCE80] =	vst v63  }
0x43: {  	s21 =	rddreg [dreg:$0x9]  }
0x44: {  	[hbm4b:s19+s4] =	stream.linear.scatter [tilespmem:s10], [sflag:$0x1], $0x4000, $0x38;
	[tilespmem:$0xCE80] =	vst v63  }
0x45: {  	s15 =	rddreg [dreg:$0xa]  }
0x46: {  	[hbm4b:s21+s4] =	stream.linear.scatter [tilespmem:s10], [sflag:$0x1], $0x4000, $0x38;
	[tilespmem:$0xCE80] =	vst v63  }
0x47: {  	s16 =	rddreg [dreg:$0xb]  }
0x48: {  	[hbm4b:s15+s4] =	stream.linear.scatter [tilespmem:s10], [sflag:$0x1], $0x4000, $0x38;
	[tilespmem:$0xCE80] =	vst v63  }
0x49: {  	s18 =	rddreg [dreg:$0xc]  }
0x4a: {  	[hbm4b:s16+s4] =	stream.linear.scatter [tilespmem:s10], [sflag:$0x1], $0x4000, $0x38;
	[tilespmem:$0xCE80] =	vst v63  }
0x4b: {  	s19 =	rddreg [dreg:$0xd]  }
0x4c: {  	[hbm4b:s18+s4] =	stream.linear.scatter [tilespmem:s10], [sflag:$0x1], $0x4000, $0x38;
	[tilespmem:$0xCE80] =	vst v63  }
0x4d: {  	s21 =	rddreg [dreg:$0xe]  }
0x4e: {  	[hbm4b:s19+s4] =	stream.linear.scatter [tilespmem:s10], [sflag:$0x1], $0x4000, $0x38;
	[tilespmem:$0xCE80] =	vst v63  }
0x4f: {  	s15 =	rddreg [dreg:$0xf]  }
0x50: {  	[hbm4b:s21+s4] =	stream.linear.scatter [tilespmem:s10], [sflag:$0x1], $0x4000, $0x38;
	[tilespmem:$0xCE80] =	vst v63  }
0x51: {  	s16 =	rddreg [dreg:$0x10]  }
0x52: {  	[hbm4b:s15+s4] =	stream.linear.scatter [tilespmem:s10], [sflag:$0x1], $0x4000, $0x38;
	[tilespmem:$0xCE80] =	vst v63  }
0x53: {  	s18 =	rddreg [dreg:$0x11]  }
0x54: {  	[hbm4b:s16+s4] =	stream.linear.scatter [tilespmem:s10], [sflag:$0x1], $0x4000, $0x38;
	[tilespmem:$0xCE80] =	vst v63  }
0x55: {  	s19 =	rddreg [dreg:$0x12]  }
0x56: {  	[hbm4b:s18+s4] =	stream.linear.scatter [tilespmem:s10], [sflag:$0x1], $0x4000, $0x38;
	[tilespmem:$0xCE80] =	vst v63  }
0x57: {  	s21 =	rddreg [dreg:$0x13]  }
0x58: {  	[hbm4b:s19+s4] =	stream.linear.scatter [tilespmem:s10], [sflag:$0x1], $0x4000, $0x38;
	[tilespmem:$0xCE80] =	vst v63  }
0x59: {  	s15 =	rddreg [dreg:$0x14]  }
0x5a: {  	[hbm4b:s21+s4] =	stream.linear.scatter [tilespmem:s10], [sflag:$0x1], $0x4000, $0x38;
	[tilespmem:$0xCE80] =	vst v63  }
0x5b: {  	s16 =	rddreg [dreg:$0x15]  }
0x5c: {  	[hbm4b:s15+s4] =	stream.linear.scatter [tilespmem:s10], [sflag:$0x1], $0x4000, $0x38;
	[tilespmem:$0xCE80] =	vst v63  }
0x5d: {  	s18 =	rddreg [dreg:$0x16]  }
0x5e: {  	[hbm4b:s16+s4] =	stream.linear.scatter [tilespmem:s10], [sflag:$0x1], $0x4000, $0x38;
	[tilespmem:$0xCE80] =	vst v63  }
0x5f: {  	s19 =	rddreg [dreg:$0x17]  }
0x60: {  	[hbm4b:s18+s4] =	stream.linear.scatter [tilespmem:s10], [sflag:$0x1], $0x4000, $0x38;
	[tilespmem:$0xCE80] =	vst v63  }
0x61: {  	s21 =	rddreg [dreg:$0x18]  }
0x62: {  	[hbm4b:s19+s4] =	stream.linear.scatter [tilespmem:s10], [sflag:$0x1], $0x4000, $0x38;
	[tilespmem:$0xCE80] =	vst v63  }
0x63: {  	s15 =	rddreg [dreg:$0x19]  }
0x64: {  	[hbm4b:s21+s4] =	stream.linear.scatter [tilespmem:s10], [sflag:$0x1], $0x4000, $0x38;
	[tilespmem:$0xCE80] =	vst v63  }
0x65: {  	s16 =	rddreg [dreg:$0x1a]  }
0x66: {  	[hbm4b:s15+s4] =	stream.linear.scatter [tilespmem:s10], [sflag:$0x1], $0x4000, $0x38;
	[tilespmem:$0xCE80] =	vst v63  }
0x67: {  	s18 =	rddreg [dreg:$0x1b]  }
0x68: {  	[hbm4b:s16+s4] =	stream.linear.scatter [tilespmem:s10], [sflag:$0x1], $0x4000, $0x38;
	[tilespmem:$0xCE80] =	vst v63  }
0x69: {  	s19 =	rddreg [dreg:$0x1c]  }
0x6a: {  	[hbm4b:s18+s4] =	stream.linear.scatter [tilespmem:s10], [sflag:$0x1], $0x4000, $0x38;
	[tilespmem:$0xCE80] =	vst v63  }
0x6b: {  	s21 =	rddreg [dreg:$0x1d]  }
0x6c: {  	[hbm4b:s19+s4] =	stream.linear.scatter [tilespmem:s10], [sflag:$0x1], $0x4000, $0x38;
	[tilespmem:$0xCE80] =	vst v63  }
0x6d: {  	s15 =	rddreg [dreg:$0x1e]  }
0x6e: {  	[hbm4b:s21+s4] =	stream.linear.scatter [tilespmem:s10], [sflag:$0x1], $0x4000, $0x38;
	[tilespmem:$0xCE80] =	vst v63  }
0x6f: {  	s16 =	rddreg [dreg:$0x1f]  }
0x70: {  	[hbm4b:s15+s4] =	stream.linear.scatter [tilespmem:s10], [sflag:$0x1], $0x4000, $0x38;
	[tilespmem:$0xCE80] =	vst v63  }
0x71: {  	s18 =	sld [smem:$0x7F3]  }
0x72: {  	[hbm4b:s16+s4] =	stream.linear.scatter [tilespmem:s10], [sflag:$0x1], $0x4000, $0x38;
	[tilespmem:$0xCE80] =	vst v63  }
0x73: {  	s19 =	sld [smem:$0x7F4]  }
0x74: {  	[hbm4b:s18+s4] =	stream.linear.scatter [tilespmem:s10], [sflag:$0x1], $0x4000, $0x38;
	[tilespmem:$0xCE80] =	vst v63  }
0x75: {  	s21 =	sld [smem:$0x7F5]  }
0x76: {  	[hbm4b:s19+s4] =	stream.linear.scatter [tilespmem:s10], [sflag:$0x1], $0x4000, $0x38;
	[tilespmem:$0xCE80] =	vst v63  }
0x77: {  	s15 =	sld [smem:$0x7F6]  }
0x78: {  	[hbm4b:s21+s4] =	stream.linear.scatter [tilespmem:s10], [sflag:$0x1], $0x4000, $0x38;
	[tilespmem:$0xCE80] =	vst v63  }
0x79: {  	s16 =	sld [smem:$0x7F7]  }
0x7a: {  	[hbm4b:s15+s4] =	stream.linear.scatter [tilespmem:s10], [sflag:$0x1], $0x4000, $0x38;
	[tilespmem:$0xCE80] =	vst v63  }
0x7b: {  	s18 =	sld [smem:$0x7F8]  }
0x7c: {  	[hbm4b:s16+s4] =	stream.linear.scatter [tilespmem:s10], [sflag:$0x1], $0x4000, $0x38;
	[tilespmem:$0xCE80] =	vst v63  }
0x7d: {  	s19 =	sld [smem:$0x7F9]  }
0x7e: {  	[hbm4b:s18+s4] =	stream.linear.scatter [tilespmem:s10], [sflag:$0x1], $0x4000, $0x38;
	[tilespmem:$0xCE80] =	vst v63  }
0x7f: {  	s21 =	sld [smem:$0x7FA]  }
0x80: {  	[hbm4b:s19+s4] =	stream.linear.scatter [tilespmem:s10], [sflag:$0x1], $0x4000, $0x38;
	[tilespmem:$0xCE80] =	vst v63  }
0x81: {  	s15 =	sld [smem:$0x7FB]  }
0x82: {  	[hbm4b:s21+s4] =	stream.linear.scatter [tilespmem:s10], [sflag:$0x1], $0x4000, $0x38;
	[tilespmem:$0xCE80] =	vst v63  }
0x83: {  	s16 =	sld [smem:$0x7FC]  }
0x84: {  	[hbm4b:s15+s4] =	stream.linear.scatter [tilespmem:s10], [sflag:$0x1], $0x4000, $0x38;
	[tilespmem:$0xCE80] =	vst v63  }
0x85: {  	s18 =	sld [smem:$0x7FD]  }
0x86: {  	[hbm4b:s16+s4] =	stream.linear.scatter [tilespmem:s10], [sflag:$0x1], $0x4000, $0x38;
	[tilespmem:$0xCE80] =	vst v63  }
0x87: {  	_ = 	snop  }
0x88: {  	[hbm4b:s18+s4] =	stream.linear.scatter [tilespmem:s10], [sflag:$0x1], $0x4000, $0x38;
	[tilespmem:$0xCE80] =	vst v63  }
0x89: {  	_ = 	snop  }
0x8a: {  	[hbm4b:s22+s4] =	stream.linear.scatter [tilespmem:s10], [sflag:$0x1], $0x4000, $0x38;
	[tilespmem:$0xCE80] =	vst v63  }
0x8b: {  	_ = 	snop  }
0x8c: {  	[hbm4b:s23+s4] =	stream.linear.scatter [tilespmem:s10], [sflag:$0x1], $0x4000, $0x38;
	[tilespmem:$0xCE80] =	vst v63  }
0x8d: {  	_ = 	snop  }
0x8e: {  	[hbm4b:s24+s4] =	stream.linear.scatter [tilespmem:s10], [sflag:$0x1], $0x4000, $0x38;
	[tilespmem:$0xCE80] =	vst v63  }
0x8f: {  	_ = 	snop  }
0x90: {  	[hbm4b:s25+s4] =	stream.linear.scatter [tilespmem:s10], [sflag:$0x1], $0x4000, $0x38;
	[tilespmem:$0xCE80] =	vst v63  }
0x91: {  	_ = 	snop  }
0x92: {  	[hbm4b:s26+s4] =	stream.linear.scatter [tilespmem:s10], [sflag:$0x1], $0x4000, $0x38;
	[tilespmem:$0xCE80] =	vst v63  }
0x93: {  	_ = 	snop  }
0x94: {  	[hbm4b:s28+s4] =	stream.linear.scatter [tilespmem:s10], [sflag:$0x1], $0x4000, $0x38;
	[tilespmem:$0xCE80] =	vst v63  }
0x95: {  	_ = 	snop  }
0x96: {  	[hbm4b:s29+s4] =	stream.linear.scatter [tilespmem:s10], [sflag:$0x1], $0x4000, $0x38;
	[tilespmem:$0xCE80] =	vst v63  }
0x97: {  	_ = 	snop  }
0x98: {  	[hbm4b:s30+s4] =	stream.linear.scatter [tilespmem:s10], [sflag:$0x1], $0x4000, $0x38;
	[tilespmem:$0xCE80] =	vst v63  }
0x99: {  	_ = 	snop  }
0x9a: {  	[hbm4b:s31+s4] =	stream.linear.scatter [tilespmem:s10], [sflag:$0x1], $0x4000, $0x38;
	[tilespmem:$0xCE80] =	vst v63  }
0x9b: {  	_ = 	snop  }
0x9c: {  	[hbm4b:s1+s4] =	stream.linear.scatter [tilespmem:s10], [sflag:$0x1], $0x4000, $0x38;
	[tilespmem:$0xCE80] =	vst v63  }
0x9d: {  	_ = 	snop  }
0x9e: {  	[hbm4b:s0+s4] =	stream.linear.scatter [tilespmem:s10], [sflag:$0x1], $0x4000, $0x38;
	[tilespmem:$0xCE80] =	vst v63  }
0x9f: {  	_ = 	snop  }
0xa0: {  	[tilespmem:s4], [sflag:$0x2] =	stream.linear.gather [hbm4b:s5+s4], $0x1900, $0x38;
	[tilespmem:$0xCE80] =	vst v63  }
0xa1: {  	_ =	swait.ge [sflag:s11], $0x1900  }
0xa2: {  	[sflag:s11] =	ssyncset.done $0x0  }
0xa3: {  	s15 =	simm.s32 $0x1900;
	s19 =	rddreg [dreg:$0x4];
	[sflag:s11] =	ssyncadd.s32 $0xFFFFE700  }
0xa4: {  	[tilespmem:s15], [sflag:$0x2] =	stream.linear.gather [hbm4b:s19+s4], $0x80, $0x38;
	[tilespmem:$0xCE80] =	vst v63  }
0xa5: {  	_ =	swait.ge [sflag:s11], $0x80  }
0xa6: {  	[sflag:s11] =	ssyncset.done $0x0  }
0xa7: {  	[sflag:s11] =	ssyncadd.s32 $0xFFFFFF80  }
0xa8: {  	s21 =	simm.s32 $0x0;
	v3 =	vld [tilespmem:$0x1900]  }
0xa9: {  	v4 =	vld [tilespmem:s21+$0x0];
	_ =	sdelay $0x4  }
0xaa: {  	vm0 =	vge.s32 v4, v3  }
0xab: {  	v5 =	vsel vm0, $0x1, v1  }
0xac: {  	(xrf0) =	vadd.scan.msk.s32 $0xffff, v5;
	_ =	sdelay $0x5  }
0xad: {  	v6, _, _ =	vpop (xrf0)  }
0xae: {  	v5 =	vmov s4;
	v7 =	vxor.u32 $0x80000000, v6  }
0xaf: {  	v5 =	vadd.s32 $0xFFFFFFFF, v5;
	(xrf0) =	vmax.scan.msk.u32 $0xffff, v7  }
0xb0: {  	v5 =	vbroadcast v5, $0x0;
	_ =	sdelay $0x1  }
0xb1: {  	v5 =	vadd.s32 v6, v5  }
0xb2: {  	vm1 =	vgt.s32 v5, $0x0  }
0xb3: {  	v5 =	vnsel vm1, $0x0, v5  }
0xb4: {  	v7, _, _ =	vpop (xrf0)  }
0xb5: {  	v4 =	vsub.s32 v4, v3;
	(v2sf) =	vpush v7, $0xF  }
0xb6: {  	vm15 =	vlt.s32 v4, $0x3E8  }
0xb7: {  	v63 =	vor.u32 s17, v2;
	v4 =	vnsel vm15, $0x3E8, v4  }
0xb8: {  	s8 =	simm.s32 $0x80;
	s18 =	simm.s32 $0x10;
	v6 =	vsel vm0, $0x7FFFFFFF, v63;
	[tilespmem:v5+s12+$0x0] =	vst.idx.msk vm0, v4;
	v4 =	vor.u32 s17, v0  }
0xb9: {  	s15 =	simm.s32 $0x0;
	s16 =	rddreg [dreg:$0x3];
	s21 =	smov.u32 s17;
	(xrf0) =	vmax.scan.msk.u32 $0xffff, v6;
	[tilespmem:v5+s13+$0x0] =	vst.idx.msk vm0, v4  }
.LBB2_2:
0xba: {  	p0 =	sne.s32 s8, $0x63C0;
	v4 =	vld [tilespmem:s18+$0x0];
	_ =	sdelay $0x4  }
0xbb: {  	vm0 =	vge.s32 v4, v3;
	v4 =	vsub.s32 v4, v3;
	v5, _, _ =	vpop (xrf0)  }
0xbc: {  	v6 =	vsel vm0, $0x1, v1;
	(v2sf) =	vpush v5, $0xF  }
0xbd: {  	(xrf0) =	vadd.scan.msk.s32 $0xffff, v6;
	_ =	sdelay $0x2  }
0xbe: {  	s18 =	spop (v2sf)  }
0xbf: {  	s15 =	sadd.s32 s18, s15  }
0xc0: {  	s15 =	sadd.s32 $0x80000000, s15  }
0xc1: {  	v5 =	vmov s15;
	v6, _, _ =	vpop (xrf0)  }
0xc2: {  	v5 =	vadd.s32 $0xFFFFFFFF, v5;
	v7 =	vxor.u32 $0x80000000, v6  }
0xc3: {  	v5 =	vbroadcast v5, $0x0;
	(xrf0) =	vmax.scan.msk.u32 $0xffff, v7;
	_ =	sdelay $0x1  }
0xc4: {  	v5 =	vadd.s32 v6, v5  }
0xc5: {  	vm1 =	vgt.s32 v5, $0x0  }
0xc6: {  	v5 =	vnsel vm1, $0x0, v5;
	_ =	sdelay $0x1  }
0xc7: {  	v6, _, _ =	vpop (xrf0);
	s18 =	spop (v2sf)  }
.Ltmp2:
0xc8: {  	vm1 =	vlt.s32 v4, $0x3E8;
	(v2sf) =	vpush v6, $0xF;
	s19 =	sxor.u32 $0x80000000, s18;
	p1 =	slt.s32 s18, $0x0;
	(pc) =	sbr.rel @p0 .LBB2_2-.Ltmp2, $4  }
0xc9: {  	s21 =	sadd.s32 $0x10, s21;
	v4 =	vnsel vm1, $0x3E8, v4;
	s16 =	smov.u32 @p1 s19  }
0xca: {  	v6 =	vor.u32 s21, v0;
	[tilespmem:v5+s12+$0x0] =	vst.idx.msk vm0, v4;
	v4 =	vor.u32 s21, v2  }
0xcb: {  	[tilespmem:v5+s13+$0x0] =	vst.idx.msk vm0, v6;
	v4 =	vsel vm0, $0x7FFFFFFF, v4  }
0xcc: {  	s18 =	sshra.s32 s8, $0x2;
	s8 =	sadd.s32 $0x40, s8;
	(xrf0) =	vmax.scan.msk.u32 $0xffff, v4  }
0xcd: {  	v4 =	vld [tilespmem:s18+$0x0];
	_ =	sdelay $0x4  }
0xce: {  	vm0 =	vge.s32 v4, v3  }
0xcf: {  	v5 =	vsel vm0, $0x1, v1  }
0xd0: {  	(xrf0) =	vadd.scan.msk.s32 $0xffff, v5;
	_ =	sdelay $0x4  }
0xd1: {  	v43, _, _ =	vpop (xrf0)  }
0xd2: {  	s18 =	sadd.s32 $0x10, s21;
	v6, _, _ =	vpop (xrf0)  }
0xd3: {  	v8 =	vor.u32 s18, v2;
	v7 =	vxor.u32 $0x80000000, v6  }
0xd4: {  	v44 =	vsel vm0, $0x7FFFFFFF, v8;
	(xrf0) =	vmax.scan.msk.u32 $0xffff, v7  }
0xd5: {  	(xrf0) =	vmax.scan.msk.u32 $0xffff, v44;
	_ =	sdelay $0x4  }
0xd6: {  	(v2sf) =	vpush v43, $0xF;
	v45, _, _ =	vpop (xrf0)  }
0xd7: {  	(v2sf) =	vpush v45, $0xF;
	v46, _, _ =	vpop (xrf0)  }
0xd8: {  	(v2sf) =	vpush v46, $0xF;
	_ =	sdelay $0x8  }
0xd9: {  	s8 =	spop (v2sf)  }
0xda: {  	s8 =	sadd.s32 s8, s15  }
0xdb: {  	s8 =	sadd.s32 $0x80000000, s8  }
0xdc: {  	v47 =	vmov s8  }
0xdd: {  	v5 =	vadd.s32 $0xFFFFFFFF, v47;
	s21 =	spop (v2sf)  }
0xde: {  	v5 =	vbroadcast v5, $0x0;
	s19 =	sxor.u32 $0x80000000, s21;
	p0 =	slt.s32 s21, $0x0;
	s21 =	spop (v2sf)  }
0xdf: {  	v3 =	vsub.s32 v4, v3;
	s16 =	smov.u32 @p0 s19;
	s8 =	sadd.s32 s21, s8;
	s21 =	spop (v2sf)  }
0xe0: {  	vm2 =	vlt.s32 v3, $0x3E8;
	v48 =	vadd.s32 v6, v5;
	s15 =	sadd.s32 $0x80000000, s8;
	s8 =	sxor.u32 $0x80000000, s21;
	p0 =	slt.s32 s21, $0x0  }
0xe1: {  	v49 =	vor.u32 s18, v0;
	v3 =	vnsel vm2, $0x3E8, v3;
	vm1 =	vgt.s32 v48, $0x0;
	s16 =	smov.u32 @p0 s8;
	s8 =	sand.u32 $0xFFFFFF80, s15  }
0xe2: {  	v4 =	vnsel vm1, $0x0, v48;
	v50 =	vmov s16;
	v51 =	vor.u32 s8, v0  }
0xe3: {  	s18 =	sor.u32 $0x10, s8;
	s19 =	sor.u32 $0x20, s8;
	vm14 =	vge.s32 v51, s15;
	vm15 =	vlt.s32 v51, $0x1900;
	vm4 =	vlt.s32 v51, $0x18FF  }
0xe4: {  	s21 =	sor.u32 $0x30, s8;
	v9 =	vor.u32 s18, v0;
	v7 =	vand.u32 $0x38F, v51;
	v11 =	vor.u32 s19, v0  }
0xe5: {  	v13 =	vor.u32 s21, v0;
	vm3 =	vmand vm14, vm15;
	v52 =	vnsel vm4, $0x18FF, v51  }
0xe6: {  	vm5 =	vge.s32 v9, s15;
	vm6 =	vlt.s32 v9, $0x1900;
	v7 =	vadd.s32 $0x3E8, v7  }
0xe7: {  	vm7 =	vlt.s32 v9, $0x18FF;
	vm8 =	vge.s32 v11, s15;
	vm9 =	vlt.s32 v11, $0x1900  }
0xe8: {  	s18 =	sor.u32 $0x40, s8;
	vm10 =	vlt.s32 v11, $0x18FF;
	v12 =	vand.u32 $0x3AF, v11;
	vm11 =	vge.s32 v13, s15  }
0xe9: {  	s19 =	sor.u32 $0x50, s8;
	s21 =	sor.u32 $0x60, s8;
	v53 =	vor.u32 s18, v0;
	v54 =	vand.u32 $0x3BF, v13;
	vm1 =	vmand vm5, vm6  }
0xea: {  	s8 =	sor.u32 $0x70, s8;
	v56 =	vor.u32 s19, v0;
	v57 =	vor.u32 s21, v0;
	v10 =	vnsel vm7, $0x18FF, v9  }
0xeb: {  	[tilespmem:v4+s12+$0x0] =	vst.idx.msk vm0, v3;
	v59 =	vor.u32 s8, v0;
	v9 =	vand.u32 $0x39F, v9;
	vm2 =	vmand vm8, vm9  }
0xec: {  	[tilespmem:v4+s13+$0x0] =	vst.idx.msk vm0, v49;
	v11 =	vnsel vm10, $0x18FF, v11;
	v12 =	vadd.s32 $0x3E8, v12;
	vm5 =	vlt.s32 v13, $0x1900  }
0xed: {  	vm6 =	vlt.s32 v13, $0x18FF;
	vm12 =	vge.s32 v53, s15;
	vm0 =	vmand vm11, vm5;
	[tilespmem:v52+s12+$0x0] =	vst.idx.msk vm3, v7  }
0xee: {  	vm13 =	vlt.s32 v53, $0x1900;
	v9 =	vadd.s32 $0x3E8, v9;
	v3 =	vnsel vm6, $0x18FF, v13;
	[tilespmem:v52+s13+$0x0] =	vst.idx.msk vm3, v50  }
0xef: {  	v5 =	vadd.s32 $0x3E8, v54;
	vm14 =	vlt.s32 v53, $0x18FF;
	vm3 =	vmand vm12, vm13;
	[tilespmem:v10+s12+$0x0] =	vst.idx.msk vm1, v9  }
0xf0: {  	vm15 =	vge.s32 v56, s15;
	vm8 =	vlt.s32 v56, $0x1900;
	v55 =	vnsel vm14, $0x18FF, v53;
	[tilespmem:v10+s13+$0x0] =	vst.idx.msk vm1, v50  }
0xf1: {  	v4 =	vand.u32 $0x3CF, v53;
	vm9 =	vlt.s32 v56, $0x18FF;
	vm1 =	vmand vm15, vm8;
	[tilespmem:v11+s12+$0x0] =	vst.idx.msk vm2, v12  }
0xf2: {  	vm10 =	vge.s32 v57, s15;
	v58 =	vnsel vm9, $0x18FF, v56;
	vm11 =	vlt.s32 v57, $0x1900;
	[tilespmem:v11+s13+$0x0] =	vst.idx.msk vm2, v50  }
0xf3: {  	v4 =	vadd.s32 $0x3E8, v4;
	vm12 =	vlt.s32 v57, $0x18FF;
	vm2 =	vmand vm10, vm11;
	[tilespmem:v3+s12+$0x0] =	vst.idx.msk vm0, v5  }
0xf4: {  	vm14 =	vlt.s32 v59, $0x1900;
	vm13 =	vge.s32 v59, s15;
	[tilespmem:v3+s13+$0x0] =	vst.idx.msk vm0, v50;
	v3 =	vnsel vm12, $0x18FF, v57  }
0xf5: {  	v60 =	vand.u32 $0x3DF, v56;
	vm15 =	vlt.s32 v59, $0x18FF;
	vm0 =	vmand vm13, vm14;
	[tilespmem:v55+s12+$0x0] =	vst.idx.msk vm3, v4  }
0xf6: {  	v61 =	vnsel vm15, $0x18FF, v59;
	v4 =	vadd.s32 $0x3E8, v60;
	[tilespmem:v55+s13+$0x0] =	vst.idx.msk vm3, v50  }
0xf7: {  	v62 =	vand.u32 $0x3EF, v57;
	[tilespmem:v58+s12+$0x0] =	vst.idx.msk vm1, v4  }
0xf8: {  	v4 =	vadd.s32 $0x3E8, v62;
	[tilespmem:v58+s13+$0x0] =	vst.idx.msk vm1, v50  }
0xf9: {  	v63 =	vand.u32 $0x3FF, v59;
	[tilespmem:v3+s12+$0x0] =	vst.idx.msk vm2, v4  }
0xfa: {  	[tilespmem:v3+s13+$0x0] =	vst.idx.msk vm2, v50;
	v3 =	vadd.s32 $0x3E8, v63  }
0xfb: {  	[tilespmem:v61+s12+$0x0] =	vst.idx.msk vm0, v3  }
0xfc: {  	[tilespmem:v61+s13+$0x0] =	vst.idx.msk vm0, v50  }
0xfd: {  	_ =	swait.ge [sflag:s14], $0x4000  }
0xfe: {  	[sflag:s14] =	ssyncset.done $0x0  }
0xff: {  	[sflag:s14] =	ssyncadd.s32 $0xFFFFC000  }
0x100: {  	_ =	swait.ge [sflag:s14], $0x4000  }
0x101: {  	[sflag:s14] =	ssyncset.done $0x0  }
0x102: {  	[sflag:s14] =	ssyncadd.s32 $0xFFFFC000  }
0x103: {  	_ =	swait.ge [sflag:s14], $0x4000  }
0x104: {  	[sflag:s14] =	ssyncset.done $0x0  }
0x105: {  	[sflag:s14] =	ssyncadd.s32 $0xFFFFC000  }
0x106: {  	_ =	swait.ge [sflag:s14], $0x4000  }
0x107: {  	[sflag:s14] =	ssyncset.done $0x0  }
0x108: {  	[sflag:s14] =	ssyncadd.s32 $0xFFFFC000  }
0x109: {  	_ =	swait.ge [sflag:s14], $0x4000  }
0x10a: {  	[sflag:s14] =	ssyncset.done $0x0  }
0x10b: {  	[sflag:s14] =	ssyncadd.s32 $0xFFFFC000  }
0x10c: {  	_ =	swait.ge [sflag:s14], $0x4000  }
0x10d: {  	[sflag:s14] =	ssyncset.done $0x0  }
0x10e: {  	[sflag:s14] =	ssyncadd.s32 $0xFFFFC000  }
0x10f: {  	_ =	swait.ge [sflag:s14], $0x4000  }
0x110: {  	[sflag:s14] =	ssyncset.done $0x0  }
0x111: {  	[sflag:s14] =	ssyncadd.s32 $0xFFFFC000  }
0x112: {  	_ =	swait.ge [sflag:s14], $0x4000  }
0x113: {  	[sflag:s14] =	ssyncset.done $0x0  }
0x114: {  	[sflag:s14] =	ssyncadd.s32 $0xFFFFC000  }
0x115: {  	_ =	swait.ge [sflag:s14], $0x4000  }
0x116: {  	[sflag:s14] =	ssyncset.done $0x0  }
0x117: {  	[sflag:s14] =	ssyncadd.s32 $0xFFFFC000  }
0x118: {  	_ =	swait.ge [sflag:s14], $0x4000  }
0x119: {  	[sflag:s14] =	ssyncset.done $0x0  }
0x11a: {  	[sflag:s14] =	ssyncadd.s32 $0xFFFFC000  }
0x11b: {  	_ =	swait.ge [sflag:s14], $0x4000  }
0x11c: {  	[sflag:s14] =	ssyncset.done $0x0  }
0x11d: {  	[sflag:s14] =	ssyncadd.s32 $0xFFFFC000  }
0x11e: {  	_ =	swait.ge [sflag:s14], $0x4000  }
0x11f: {  	[sflag:s14] =	ssyncset.done $0x0  }
0x120: {  	[sflag:s14] =	ssyncadd.s32 $0xFFFFC000  }
0x121: {  	_ =	swait.ge [sflag:s14], $0x4000  }
0x122: {  	[sflag:s14] =	ssyncset.done $0x0  }
0x123: {  	[sflag:s14] =	ssyncadd.s32 $0xFFFFC000  }
0x124: {  	_ =	swait.ge [sflag:s14], $0x4000  }
0x125: {  	[sflag:s14] =	ssyncset.done $0x0  }
0x126: {  	[sflag:s14] =	ssyncadd.s32 $0xFFFFC000  }
0x127: {  	_ =	swait.ge [sflag:s14], $0x4000  }
0x128: {  	[sflag:s14] =	ssyncset.done $0x0  }
0x129: {  	[sflag:s14] =	ssyncadd.s32 $0xFFFFC000  }
0x12a: {  	_ =	swait.ge [sflag:s14], $0x4000  }
0x12b: {  	[sflag:s14] =	ssyncset.done $0x0  }
0x12c: {  	[sflag:s14] =	ssyncadd.s32 $0xFFFFC000  }
0x12d: {  	_ =	swait.ge [sflag:s14], $0x4000  }
0x12e: {  	[sflag:s14] =	ssyncset.done $0x0  }
0x12f: {  	[sflag:s14] =	ssyncadd.s32 $0xFFFFC000  }
0x130: {  	_ =	swait.ge [sflag:s14], $0x4000  }
0x131: {  	[sflag:s14] =	ssyncset.done $0x0  }
0x132: {  	[sflag:s14] =	ssyncadd.s32 $0xFFFFC000  }
0x133: {  	_ =	swait.ge [sflag:s14], $0x4000  }
0x134: {  	[sflag:s14] =	ssyncset.done $0x0  }
0x135: {  	[sflag:s14] =	ssyncadd.s32 $0xFFFFC000  }
0x136: {  	_ =	swait.ge [sflag:s14], $0x4000  }
0x137: {  	[sflag:s14] =	ssyncset.done $0x0  }
0x138: {  	[sflag:s14] =	ssyncadd.s32 $0xFFFFC000  }
0x139: {  	_ =	swait.ge [sflag:s14], $0x4000  }
0x13a: {  	[sflag:s14] =	ssyncset.done $0x0  }
0x13b: {  	[sflag:s14] =	ssyncadd.s32 $0xFFFFC000  }
0x13c: {  	_ =	swait.ge [sflag:s14], $0x4000  }
0x13d: {  	[sflag:s14] =	ssyncset.done $0x0  }
0x13e: {  	[sflag:s14] =	ssyncadd.s32 $0xFFFFC000  }
0x13f: {  	_ =	swait.ge [sflag:s14], $0x4000  }
0x140: {  	[sflag:s14] =	ssyncset.done $0x0  }
0x141: {  	[sflag:s14] =	ssyncadd.s32 $0xFFFFC000  }
0x142: {  	_ =	swait.ge [sflag:s14], $0x4000  }
0x143: {  	[sflag:s14] =	ssyncset.done $0x0  }
0x144: {  	[sflag:s14] =	ssyncadd.s32 $0xFFFFC000  }
0x145: {  	_ =	swait.ge [sflag:s14], $0x4000  }
0x146: {  	[sflag:s14] =	ssyncset.done $0x0  }
0x147: {  	[sflag:s14] =	ssyncadd.s32 $0xFFFFC000  }
0x148: {  	_ =	swait.ge [sflag:s14], $0x4000  }
0x149: {  	[sflag:s14] =	ssyncset.done $0x0  }
0x14a: {  	[sflag:s14] =	ssyncadd.s32 $0xFFFFC000  }
0x14b: {  	_ =	swait.ge [sflag:s14], $0x4000  }
0x14c: {  	[sflag:s14] =	ssyncset.done $0x0  }
0x14d: {  	[sflag:s14] =	ssyncadd.s32 $0xFFFFC000  }
0x14e: {  	_ =	swait.ge [sflag:s14], $0x4000  }
0x14f: {  	[sflag:s14] =	ssyncset.done $0x0  }
0x150: {  	[sflag:s14] =	ssyncadd.s32 $0xFFFFC000  }
0x151: {  	_ =	swait.ge [sflag:s14], $0x4000  }
0x152: {  	[sflag:s14] =	ssyncset.done $0x0  }
0x153: {  	[sflag:s14] =	ssyncadd.s32 $0xFFFFC000  }
0x154: {  	_ =	swait.ge [sflag:s14], $0x4000  }
0x155: {  	[sflag:s14] =	ssyncset.done $0x0  }
0x156: {  	[sflag:s14] =	ssyncadd.s32 $0xFFFFC000  }
0x157: {  	_ =	swait.ge [sflag:s14], $0x4000  }
0x158: {  	[sflag:s14] =	ssyncset.done $0x0  }
0x159: {  	[sflag:s14] =	ssyncadd.s32 $0xFFFFC000  }
0x15a: {  	_ =	swait.ge [sflag:s14], $0x4000  }
0x15b: {  	[sflag:s14] =	ssyncset.done $0x0  }
0x15c: {  	[sflag:s14] =	ssyncadd.s32 $0xFFFFC000  }
0x15d: {  	_ =	swait.ge [sflag:s14], $0x4000  }
0x15e: {  	[sflag:s14] =	ssyncset.done $0x0  }
0x15f: {  	[sflag:s14] =	ssyncadd.s32 $0xFFFFC000  }
0x160: {  	_ =	swait.ge [sflag:s14], $0x4000  }
0x161: {  	[sflag:s14] =	ssyncset.done $0x0  }
0x162: {  	[sflag:s14] =	ssyncadd.s32 $0xFFFFC000  }
0x163: {  	_ =	swait.ge [sflag:s14], $0x4000  }
0x164: {  	[sflag:s14] =	ssyncset.done $0x0  }
0x165: {  	[sflag:s14] =	ssyncadd.s32 $0xFFFFC000  }
0x166: {  	_ =	swait.ge [sflag:s14], $0x4000  }
0x167: {  	[sflag:s14] =	ssyncset.done $0x0  }
0x168: {  	[sflag:s14] =	ssyncadd.s32 $0xFFFFC000  }
0x169: {  	_ =	swait.ge [sflag:s14], $0x4000  }
0x16a: {  	[sflag:s14] =	ssyncset.done $0x0  }
0x16b: {  	[sflag:s14] =	ssyncadd.s32 $0xFFFFC000  }
0x16c: {  	_ =	swait.ge [sflag:s14], $0x4000  }
0x16d: {  	[sflag:s14] =	ssyncset.done $0x0  }
0x16e: {  	[sflag:s14] =	ssyncadd.s32 $0xFFFFC000  }
0x16f: {  	_ =	swait.ge [sflag:s14], $0x4000  }
0x170: {  	[sflag:s14] =	ssyncset.done $0x0  }
0x171: {  	[sflag:s14] =	ssyncadd.s32 $0xFFFFC000  }
0x172: {  	_ =	swait.ge [sflag:s14], $0x4000  }
0x173: {  	[sflag:s14] =	ssyncset.done $0x0  }
0x174: {  	[sflag:s14] =	ssyncadd.s32 $0xFFFFC000  }
0x175: {  	_ =	swait.ge [sflag:s14], $0x4000  }
0x176: {  	[sflag:s14] =	ssyncset.done $0x0  }
0x177: {  	[sflag:s14] =	ssyncadd.s32 $0xFFFFC000  }
0x178: {  	_ =	swait.ge [sflag:s14], $0x4000  }
0x179: {  	[sflag:s14] =	ssyncset.done $0x0  }
0x17a: {  	[sflag:s14] =	ssyncadd.s32 $0xFFFFC000  }
0x17b: {  	_ =	swait.ge [sflag:s14], $0x4000  }
0x17c: {  	[sflag:s14] =	ssyncset.done $0x0  }
0x17d: {  	[sflag:s14] =	ssyncadd.s32 $0xFFFFC000  }
0x17e: {  	_ =	swait.ge [sflag:s14], $0x4000  }
0x17f: {  	[sflag:s14] =	ssyncset.done $0x0  }
0x180: {  	[sflag:s14] =	ssyncadd.s32 $0xFFFFC000  }
0x181: {  	_ =	swait.ge [sflag:s14], $0x4000  }
0x182: {  	[sflag:s14] =	ssyncset.done $0x0  }
0x183: {  	[sflag:s14] =	ssyncadd.s32 $0xFFFFC000  }
0x184: {  	_ =	swait.ge [sflag:s14], $0x4000  }
0x185: {  	[sflag:s14] =	ssyncset.done $0x0  }
0x186: {  	[sflag:s14] =	ssyncadd.s32 $0xFFFFC000  }
0x187: {  	_ =	swait.ge [sflag:s14], $0x4000  }
0x188: {  	[sflag:s14] =	ssyncset.done $0x0  }
0x189: {  	[sflag:s14] =	ssyncadd.s32 $0xFFFFC000  }
0x18a: {  	_ =	swait.ge [sflag:s14], $0x4000  }
0x18b: {  	[sflag:s14] =	ssyncset.done $0x0  }
0x18c: {  	[sflag:s14] =	ssyncadd.s32 $0xFFFFC000  }
0x18d: {  	_ =	swait.ge [sflag:s14], $0x4000  }
0x18e: {  	[sflag:s14] =	ssyncset.done $0x0  }
0x18f: {  	[sflag:s14] =	ssyncadd.s32 $0xFFFFC000  }
0x190: {  	p0 =	slt.s32 s15, $0x1;
	_ =	swait.ge [sflag:s14], $0x4000  }
0x191: {  	s16 =	simm.s32 @!p0 $0x9980;
	[sflag:s14] =	ssyncset.done $0x0  }
0x192: {  	s8 =	simm.s32 @!p0 $0x80;
	s18 =	simm.s32 @!p0 $0x5980;
	[sflag:s14] =	ssyncadd.s32 $0xFFFFC000  }
0x193: {  	[tilespmem:s18], [sflag:$0x2] =	stream.indirect.gather @!p0 [hbm4b:s6+s8], $0x80, s16, s8, $0xb8;
	[tilespmem:$0xCE80] =	vst v63  }
0x194: {  	s16 =	simm.s32 @!p0 $0x2  }
0x195: {  	_ =	swait.ge @!p0 [sflag:s16], $0x4000  }
0x196: {  	[sflag:s16] =	ssyncset.done @!p0 $0x0  }
0x197: {  	s19 =	simm.s32 @!p0 $0xB280;
	[sflag:s16] =	ssyncadd.s32 @!p0 $0xFFFFC000  }
0x198: {  	[hbm4b:s2+s8] =	stream.indirect.scatter @!p0 [tilespmem:s18], [sflag:$0x2], $0x80, s19, s8, $0xb8;
	[tilespmem:$0xCE80] =	vst v63  }
0x199: {  	_ =	swait.ge @!p0 [sflag:s16], $0x4000  }
0x19a: {  	p1 =	slt.u32 @!p0 s15, $0x81;
	[sflag:s16] =	ssyncset.done @!p0 $0x0  }
0x19b: {  	[sflag:s16] =	ssyncadd.s32 @!p0 $0xFFFFC000;
	p0 =	por p0, p1  }
0x19c: {  	s8 =	simm.s32 @!p0 $0x80;
	s16 =	simm.s32 @!p0 $0x9A00;
	s18 =	simm.s32 @!p0 $0x5980  }
0x19d: {  	[tilespmem:s18], [sflag:$0x2] =	stream.indirect.gather @!p0 [hbm4b:s6+s8], $0x80, s16, s8, $0xb8;
	[tilespmem:$0xCE80] =	vst v63  }
0x19e: {  	s16 =	simm.s32 @!p0 $0x2  }
0x19f: {  	_ =	swait.ge @!p0 [sflag:s16], $0x4000  }
0x1a0: {  	[sflag:s16] =	ssyncset.done @!p0 $0x0  }
0x1a1: {  	s19 =	simm.s32 @!p0 $0xB300;
	[sflag:s16] =	ssyncadd.s32 @!p0 $0xFFFFC000  }
0x1a2: {  	[hbm4b:s2+s8] =	stream.indirect.scatter @!p0 [tilespmem:s18], [sflag:$0x2], $0x80, s19, s8, $0xb8;
	[tilespmem:$0xCE80] =	vst v63  }
0x1a3: {  	_ =	swait.ge @!p0 [sflag:s16], $0x4000  }
0x1a4: {  	p1 =	slt.u32 @!p0 s15, $0x101;
	[sflag:s16] =	ssyncset.done @!p0 $0x0  }
0x1a5: {  	[sflag:s16] =	ssyncadd.s32 @!p0 $0xFFFFC000;
	p0 =	por p0, p1  }
0x1a6: {  	s8 =	simm.s32 @!p0 $0x80;
	s16 =	simm.s32 @!p0 $0x9A80;
	s18 =	simm.s32 @!p0 $0x5980  }
0x1a7: {  	[tilespmem:s18], [sflag:$0x2] =	stream.indirect.gather @!p0 [hbm4b:s6+s8], $0x80, s16, s8, $0xb8;
	[tilespmem:$0xCE80] =	vst v63  }
0x1a8: {  	s16 =	simm.s32 @!p0 $0x2  }
0x1a9: {  	_ =	swait.ge @!p0 [sflag:s16], $0x4000  }
0x1aa: {  	[sflag:s16] =	ssyncset.done @!p0 $0x0  }
0x1ab: {  	s19 =	simm.s32 @!p0 $0xB380;
	[sflag:s16] =	ssyncadd.s32 @!p0 $0xFFFFC000  }
0x1ac: {  	[hbm4b:s2+s8] =	stream.indirect.scatter @!p0 [tilespmem:s18], [sflag:$0x2], $0x80, s19, s8, $0xb8;
	[tilespmem:$0xCE80] =	vst v63  }
0x1ad: {  	_ =	swait.ge @!p0 [sflag:s16], $0x4000  }
0x1ae: {  	p1 =	slt.u32 @!p0 s15, $0x181;
	[sflag:s16] =	ssyncset.done @!p0 $0x0  }
0x1af: {  	[sflag:s16] =	ssyncadd.s32 @!p0 $0xFFFFC000;
	p0 =	por p0, p1  }
0x1b0: {  	s8 =	simm.s32 @!p0 $0x80;
	s16 =	simm.s32 @!p0 $0x9B00;
	s18 =	simm.s32 @!p0 $0x5980  }
0x1b1: {  	[tilespmem:s18], [sflag:$0x2] =	stream.indirect.gather @!p0 [hbm4b:s6+s8], $0x80, s16, s8, $0xb8;
	[tilespmem:$0xCE80] =	vst v63  }
0x1b2: {  	s16 =	simm.s32 @!p0 $0x2  }
0x1b3: {  	_ =	swait.ge @!p0 [sflag:s16], $0x4000  }
0x1b4: {  	[sflag:s16] =	ssyncset.done @!p0 $0x0  }
0x1b5: {  	s19 =	simm.s32 @!p0 $0xB400;
	[sflag:s16] =	ssyncadd.s32 @!p0 $0xFFFFC000  }
0x1b6: {  	[hbm4b:s2+s8] =	stream.indirect.scatter @!p0 [tilespmem:s18], [sflag:$0x2], $0x80, s19, s8, $0xb8;
	[tilespmem:$0xCE80] =	vst v63  }
0x1b7: {  	_ =	swait.ge @!p0 [sflag:s16], $0x4000  }
0x1b8: {  	p1 =	slt.u32 @!p0 s15, $0x201;
	[sflag:s16] =	ssyncset.done @!p0 $0x0  }
0x1b9: {  	[sflag:s16] =	ssyncadd.s32 @!p0 $0xFFFFC000;
	p0 =	por p0, p1  }
0x1ba: {  	s8 =	simm.s32 @!p0 $0x80;
	s16 =	simm.s32 @!p0 $0x9B80;
	s18 =	simm.s32 @!p0 $0x5980  }
0x1bb: {  	[tilespmem:s18], [sflag:$0x2] =	stream.indirect.gather @!p0 [hbm4b:s6+s8], $0x80, s16, s8, $0xb8;
	[tilespmem:$0xCE80] =	vst v63  }
0x1bc: {  	s16 =	simm.s32 @!p0 $0x2  }
0x1bd: {  	_ =	swait.ge @!p0 [sflag:s16], $0x4000  }
0x1be: {  	[sflag:s16] =	ssyncset.done @!p0 $0x0  }
0x1bf: {  	s19 =	simm.s32 @!p0 $0xB480;
	[sflag:s16] =	ssyncadd.s32 @!p0 $0xFFFFC000  }
0x1c0: {  	[hbm4b:s2+s8] =	stream.indirect.scatter @!p0 [tilespmem:s18], [sflag:$0x2], $0x80, s19, s8, $0xb8;
	[tilespmem:$0xCE80] =	vst v63  }
0x1c1: {  	_ =	swait.ge @!p0 [sflag:s16], $0x4000  }
0x1c2: {  	p1 =	slt.u32 @!p0 s15, $0x281;
	[sflag:s16] =	ssyncset.done @!p0 $0x0  }
0x1c3: {  	[sflag:s16] =	ssyncadd.s32 @!p0 $0xFFFFC000;
	p0 =	por p0, p1  }
0x1c4: {  	s8 =	simm.s32 @!p0 $0x80;
	s16 =	simm.s32 @!p0 $0x9C00;
	s18 =	simm.s32 @!p0 $0x5980  }
0x1c5: {  	[tilespmem:s18], [sflag:$0x2] =	stream.indirect.gather @!p0 [hbm4b:s6+s8], $0x80, s16, s8, $0xb8;
	[tilespmem:$0xCE80] =	vst v63  }
0x1c6: {  	s16 =	simm.s32 @!p0 $0x2  }
0x1c7: {  	_ =	swait.ge @!p0 [sflag:s16], $0x4000  }
0x1c8: {  	[sflag:s16] =	ssyncset.done @!p0 $0x0  }
0x1c9: {  	s19 =	simm.s32 @!p0 $0xB500;
	[sflag:s16] =	ssyncadd.s32 @!p0 $0xFFFFC000  }
0x1ca: {  	[hbm4b:s2+s8] =	stream.indirect.scatter @!p0 [tilespmem:s18], [sflag:$0x2], $0x80, s19, s8, $0xb8;
	[tilespmem:$0xCE80] =	vst v63  }
0x1cb: {  	_ =	swait.ge @!p0 [sflag:s16], $0x4000  }
0x1cc: {  	p1 =	slt.u32 @!p0 s15, $0x301;
	[sflag:s16] =	ssyncset.done @!p0 $0x0  }
0x1cd: {  	[sflag:s16] =	ssyncadd.s32 @!p0 $0xFFFFC000;
	p0 =	por p0, p1  }
0x1ce: {  	s8 =	simm.s32 @!p0 $0x80;
	s16 =	simm.s32 @!p0 $0x9C80;
	s18 =	simm.s32 @!p0 $0x5980  }
0x1cf: {  	[tilespmem:s18], [sflag:$0x2] =	stream.indirect.gather @!p0 [hbm4b:s6+s8], $0x80, s16, s8, $0xb8;
	[tilespmem:$0xCE80] =	vst v63  }
0x1d0: {  	s16 =	simm.s32 @!p0 $0x2  }
0x1d1: {  	_ =	swait.ge @!p0 [sflag:s16], $0x4000  }
0x1d2: {  	[sflag:s16] =	ssyncset.done @!p0 $0x0  }
0x1d3: {  	s19 =	simm.s32 @!p0 $0xB580;
	[sflag:s16] =	ssyncadd.s32 @!p0 $0xFFFFC000  }
0x1d4: {  	[hbm4b:s2+s8] =	stream.indirect.scatter @!p0 [tilespmem:s18], [sflag:$0x2], $0x80, s19, s8, $0xb8;
	[tilespmem:$0xCE80] =	vst v63  }
0x1d5: {  	_ =	swait.ge @!p0 [sflag:s16], $0x4000  }
0x1d6: {  	p1 =	slt.u32 @!p0 s15, $0x381;
	[sflag:s16] =	ssyncset.done @!p0 $0x0  }
0x1d7: {  	[sflag:s16] =	ssyncadd.s32 @!p0 $0xFFFFC000;
	p0 =	por p0, p1  }
0x1d8: {  	s8 =	simm.s32 @!p0 $0x80;
	s16 =	simm.s32 @!p0 $0x9D00;
	s18 =	simm.s32 @!p0 $0x5980  }
0x1d9: {  	[tilespmem:s18], [sflag:$0x2] =	stream.indirect.gather @!p0 [hbm4b:s6+s8], $0x80, s16, s8, $0xb8;
	[tilespmem:$0xCE80] =	vst v63  }
0x1da: {  	s16 =	simm.s32 @!p0 $0x2  }
0x1db: {  	_ =	swait.ge @!p0 [sflag:s16], $0x4000  }
0x1dc: {  	[sflag:s16] =	ssyncset.done @!p0 $0x0  }
0x1dd: {  	s19 =	simm.s32 @!p0 $0xB600;
	[sflag:s16] =	ssyncadd.s32 @!p0 $0xFFFFC000  }
0x1de: {  	[hbm4b:s2+s8] =	stream.indirect.scatter @!p0 [tilespmem:s18], [sflag:$0x2], $0x80, s19, s8, $0xb8;
	[tilespmem:$0xCE80] =	vst v63  }
0x1df: {  	_ =	swait.ge @!p0 [sflag:s16], $0x4000  }
0x1e0: {  	p1 =	slt.u32 @!p0 s15, $0x401;
	[sflag:s16] =	ssyncset.done @!p0 $0x0  }
0x1e1: {  	[sflag:s16] =	ssyncadd.s32 @!p0 $0xFFFFC000;
	p0 =	por p0, p1  }
0x1e2: {  	s8 =	simm.s32 @!p0 $0x80;
	s16 =	simm.s32 @!p0 $0x9D80;
	s18 =	simm.s32 @!p0 $0x5980  }
0x1e3: {  	[tilespmem:s18], [sflag:$0x2] =	stream.indirect.gather @!p0 [hbm4b:s6+s8], $0x80, s16, s8, $0xb8;
	[tilespmem:$0xCE80] =	vst v63  }
0x1e4: {  	s16 =	simm.s32 @!p0 $0x2  }
0x1e5: {  	_ =	swait.ge @!p0 [sflag:s16], $0x4000  }
0x1e6: {  	[sflag:s16] =	ssyncset.done @!p0 $0x0  }
0x1e7: {  	s19 =	simm.s32 @!p0 $0xB680;
	[sflag:s16] =	ssyncadd.s32 @!p0 $0xFFFFC000  }
0x1e8: {  	[hbm4b:s2+s8] =	stream.indirect.scatter @!p0 [tilespmem:s18], [sflag:$0x2], $0x80, s19, s8, $0xb8;
	[tilespmem:$0xCE80] =	vst v63  }
0x1e9: {  	_ =	swait.ge @!p0 [sflag:s16], $0x4000  }
0x1ea: {  	p1 =	slt.u32 @!p0 s15, $0x481;
	[sflag:s16] =	ssyncset.done @!p0 $0x0  }
0x1eb: {  	[sflag:s16] =	ssyncadd.s32 @!p0 $0xFFFFC000;
	p0 =	por p0, p1  }
0x1ec: {  	s8 =	simm.s32 @!p0 $0x80;
	s16 =	simm.s32 @!p0 $0x9E00;
	s18 =	simm.s32 @!p0 $0x5980  }
0x1ed: {  	[tilespmem:s18], [sflag:$0x2] =	stream.indirect.gather @!p0 [hbm4b:s6+s8], $0x80, s16, s8, $0xb8;
	[tilespmem:$0xCE80] =	vst v63  }
0x1ee: {  	s16 =	simm.s32 @!p0 $0x2  }
0x1ef: {  	_ =	swait.ge @!p0 [sflag:s16], $0x4000  }
0x1f0: {  	[sflag:s16] =	ssyncset.done @!p0 $0x0  }
0x1f1: {  	s19 =	simm.s32 @!p0 $0xB700;
	[sflag:s16] =	ssyncadd.s32 @!p0 $0xFFFFC000  }
0x1f2: {  	[hbm4b:s2+s8] =	stream.indirect.scatter @!p0 [tilespmem:s18], [sflag:$0x2], $0x80, s19, s8, $0xb8;
	[tilespmem:$0xCE80] =	vst v63  }
0x1f3: {  	_ =	swait.ge @!p0 [sflag:s16], $0x4000  }
0x1f4: {  	p1 =	slt.u32 @!p0 s15, $0x501;
	[sflag:s16] =	ssyncset.done @!p0 $0x0  }
0x1f5: {  	[sflag:s16] =	ssyncadd.s32 @!p0 $0xFFFFC000;
	p0 =	por p0, p1  }
0x1f6: {  	s8 =	simm.s32 @!p0 $0x80;
	s16 =	simm.s32 @!p0 $0x9E80;
	s18 =	simm.s32 @!p0 $0x5980  }
0x1f7: {  	[tilespmem:s18], [sflag:$0x2] =	stream.indirect.gather @!p0 [hbm4b:s6+s8], $0x80, s16, s8, $0xb8;
	[tilespmem:$0xCE80] =	vst v63  }
0x1f8: {  	s16 =	simm.s32 @!p0 $0x2  }
0x1f9: {  	_ =	swait.ge @!p0 [sflag:s16], $0x4000  }
0x1fa: {  	[sflag:s16] =	ssyncset.done @!p0 $0x0  }
0x1fb: {  	s19 =	simm.s32 @!p0 $0xB780;
	[sflag:s16] =	ssyncadd.s32 @!p0 $0xFFFFC000  }
0x1fc: {  	[hbm4b:s2+s8] =	stream.indirect.scatter @!p0 [tilespmem:s18], [sflag:$0x2], $0x80, s19, s8, $0xb8;
	[tilespmem:$0xCE80] =	vst v63  }
0x1fd: {  	_ =	swait.ge @!p0 [sflag:s16], $0x4000  }
0x1fe: {  	p1 =	slt.u32 @!p0 s15, $0x581;
	[sflag:s16] =	ssyncset.done @!p0 $0x0  }
0x1ff: {  	[sflag:s16] =	ssyncadd.s32 @!p0 $0xFFFFC000;
	p0 =	por p0, p1  }
0x200: {  	s8 =	simm.s32 @!p0 $0x80;
	s16 =	simm.s32 @!p0 $0x9F00;
	s18 =	simm.s32 @!p0 $0x5980  }
0x201: {  	[tilespmem:s18], [sflag:$0x2] =	stream.indirect.gather @!p0 [hbm4b:s6+s8], $0x80, s16, s8, $0xb8;
	[tilespmem:$0xCE80] =	vst v63  }
0x202: {  	s16 =	simm.s32 @!p0 $0x2  }
0x203: {  	_ =	swait.ge @!p0 [sflag:s16], $0x4000  }
0x204: {  	[sflag:s16] =	ssyncset.done @!p0 $0x0  }
0x205: {  	s19 =	simm.s32 @!p0 $0xB800;
	[sflag:s16] =	ssyncadd.s32 @!p0 $0xFFFFC000  }
0x206: {  	[hbm4b:s2+s8] =	stream.indirect.scatter @!p0 [tilespmem:s18], [sflag:$0x2], $0x80, s19, s8, $0xb8;
	[tilespmem:$0xCE80] =	vst v63  }
0x207: {  	_ =	swait.ge @!p0 [sflag:s16], $0x4000  }
0x208: {  	p1 =	slt.u32 @!p0 s15, $0x601;
	[sflag:s16] =	ssyncset.done @!p0 $0x0  }
0x209: {  	[sflag:s16] =	ssyncadd.s32 @!p0 $0xFFFFC000;
	p0 =	por p0, p1  }
0x20a: {  	s8 =	simm.s32 @!p0 $0x80;
	s16 =	simm.s32 @!p0 $0x9F80;
	s18 =	simm.s32 @!p0 $0x5980  }
0x20b: {  	[tilespmem:s18], [sflag:$0x2] =	stream.indirect.gather @!p0 [hbm4b:s6+s8], $0x80, s16, s8, $0xb8;
	[tilespmem:$0xCE80] =	vst v63  }
0x20c: {  	s16 =	simm.s32 @!p0 $0x2  }
0x20d: {  	_ =	swait.ge @!p0 [sflag:s16], $0x4000  }
0x20e: {  	[sflag:s16] =	ssyncset.done @!p0 $0x0  }
0x20f: {  	s19 =	simm.s32 @!p0 $0xB880;
	[sflag:s16] =	ssyncadd.s32 @!p0 $0xFFFFC000  }
0x210: {  	[hbm4b:s2+s8] =	stream.indirect.scatter @!p0 [tilespmem:s18], [sflag:$0x2], $0x80, s19, s8, $0xb8;
	[tilespmem:$0xCE80] =	vst v63  }
0x211: {  	_ =	swait.ge @!p0 [sflag:s16], $0x4000  }
0x212: {  	p1 =	slt.u32 @!p0 s15, $0x681;
	[sflag:s16] =	ssyncset.done @!p0 $0x0  }
0x213: {  	[sflag:s16] =	ssyncadd.s32 @!p0 $0xFFFFC000;
	p0 =	por p0, p1  }
0x214: {  	s8 =	simm.s32 @!p0 $0x80;
	s16 =	simm.s32 @!p0 $0xA000;
	s18 =	simm.s32 @!p0 $0x5980  }
0x215: {  	[tilespmem:s18], [sflag:$0x2] =	stream.indirect.gather @!p0 [hbm4b:s6+s8], $0x80, s16, s8, $0xb8;
	[tilespmem:$0xCE80] =	vst v63  }
0x216: {  	s16 =	simm.s32 @!p0 $0x2  }
0x217: {  	_ =	swait.ge @!p0 [sflag:s16], $0x4000  }
0x218: {  	[sflag:s16] =	ssyncset.done @!p0 $0x0  }
0x219: {  	s19 =	simm.s32 @!p0 $0xB900;
	[sflag:s16] =	ssyncadd.s32 @!p0 $0xFFFFC000  }
0x21a: {  	[hbm4b:s2+s8] =	stream.indirect.scatter @!p0 [tilespmem:s18], [sflag:$0x2], $0x80, s19, s8, $0xb8;
	[tilespmem:$0xCE80] =	vst v63  }
0x21b: {  	_ =	swait.ge @!p0 [sflag:s16], $0x4000  }
0x21c: {  	p1 =	slt.u32 @!p0 s15, $0x701;
	[sflag:s16] =	ssyncset.done @!p0 $0x0  }
0x21d: {  	[sflag:s16] =	ssyncadd.s32 @!p0 $0xFFFFC000;
	p0 =	por p0, p1  }
0x21e: {  	s8 =	simm.s32 @!p0 $0x80;
	s16 =	simm.s32 @!p0 $0xA080;
	s18 =	simm.s32 @!p0 $0x5980  }
0x21f: {  	[tilespmem:s18], [sflag:$0x2] =	stream.indirect.gather @!p0 [hbm4b:s6+s8], $0x80, s16, s8, $0xb8;
	[tilespmem:$0xCE80] =	vst v63  }
0x220: {  	s16 =	simm.s32 @!p0 $0x2  }
0x221: {  	_ =	swait.ge @!p0 [sflag:s16], $0x4000  }
0x222: {  	[sflag:s16] =	ssyncset.done @!p0 $0x0  }
0x223: {  	s19 =	simm.s32 @!p0 $0xB980;
	[sflag:s16] =	ssyncadd.s32 @!p0 $0xFFFFC000  }
0x224: {  	[hbm4b:s2+s8] =	stream.indirect.scatter @!p0 [tilespmem:s18], [sflag:$0x2], $0x80, s19, s8, $0xb8;
	[tilespmem:$0xCE80] =	vst v63  }
0x225: {  	_ =	swait.ge @!p0 [sflag:s16], $0x4000  }
0x226: {  	p1 =	slt.u32 @!p0 s15, $0x781;
	[sflag:s16] =	ssyncset.done @!p0 $0x0  }
0x227: {  	[sflag:s16] =	ssyncadd.s32 @!p0 $0xFFFFC000;
	p0 =	por p0, p1  }
0x228: {  	s8 =	simm.s32 @!p0 $0x80;
	s16 =	simm.s32 @!p0 $0xA100;
	s18 =	simm.s32 @!p0 $0x5980  }
0x229: {  	[tilespmem:s18], [sflag:$0x2] =	stream.indirect.gather @!p0 [hbm4b:s6+s8], $0x80, s16, s8, $0xb8;
	[tilespmem:$0xCE80] =	vst v63  }
0x22a: {  	s16 =	simm.s32 @!p0 $0x2  }
0x22b: {  	_ =	swait.ge @!p0 [sflag:s16], $0x4000  }
0x22c: {  	[sflag:s16] =	ssyncset.done @!p0 $0x0  }
0x22d: {  	s19 =	simm.s32 @!p0 $0xBA00;
	[sflag:s16] =	ssyncadd.s32 @!p0 $0xFFFFC000  }
0x22e: {  	[hbm4b:s2+s8] =	stream.indirect.scatter @!p0 [tilespmem:s18], [sflag:$0x2], $0x80, s19, s8, $0xb8;
	[tilespmem:$0xCE80] =	vst v63  }
0x22f: {  	_ =	swait.ge @!p0 [sflag:s16], $0x4000  }
0x230: {  	p1 =	slt.u32 @!p0 s15, $0x801;
	[sflag:s16] =	ssyncset.done @!p0 $0x0  }
0x231: {  	[sflag:s16] =	ssyncadd.s32 @!p0 $0xFFFFC000;
	p0 =	por p0, p1  }
0x232: {  	s8 =	simm.s32 @!p0 $0x80;
	s16 =	simm.s32 @!p0 $0xA180;
	s18 =	simm.s32 @!p0 $0x5980  }
0x233: {  	[tilespmem:s18], [sflag:$0x2] =	stream.indirect.gather @!p0 [hbm4b:s6+s8], $0x80, s16, s8, $0xb8;
	[tilespmem:$0xCE80] =	vst v63  }
0x234: {  	s16 =	simm.s32 @!p0 $0x2  }
0x235: {  	_ =	swait.ge @!p0 [sflag:s16], $0x4000  }
0x236: {  	[sflag:s16] =	ssyncset.done @!p0 $0x0  }
0x237: {  	s19 =	simm.s32 @!p0 $0xBA80;
	[sflag:s16] =	ssyncadd.s32 @!p0 $0xFFFFC000  }
0x238: {  	[hbm4b:s2+s8] =	stream.indirect.scatter @!p0 [tilespmem:s18], [sflag:$0x2], $0x80, s19, s8, $0xb8;
	[tilespmem:$0xCE80] =	vst v63  }
0x239: {  	_ =	swait.ge @!p0 [sflag:s16], $0x4000  }
0x23a: {  	p1 =	slt.u32 @!p0 s15, $0x881;
	[sflag:s16] =	ssyncset.done @!p0 $0x0  }
0x23b: {  	[sflag:s16] =	ssyncadd.s32 @!p0 $0xFFFFC000;
	p0 =	por p0, p1  }
0x23c: {  	s8 =	simm.s32 @!p0 $0x80;
	s16 =	simm.s32 @!p0 $0xA200;
	s18 =	simm.s32 @!p0 $0x5980  }
0x23d: {  	[tilespmem:s18], [sflag:$0x2] =	stream.indirect.gather @!p0 [hbm4b:s6+s8], $0x80, s16, s8, $0xb8;
	[tilespmem:$0xCE80] =	vst v63  }
0x23e: {  	s16 =	simm.s32 @!p0 $0x2  }
0x23f: {  	_ =	swait.ge @!p0 [sflag:s16], $0x4000  }
0x240: {  	[sflag:s16] =	ssyncset.done @!p0 $0x0  }
0x241: {  	s19 =	simm.s32 @!p0 $0xBB00;
	[sflag:s16] =	ssyncadd.s32 @!p0 $0xFFFFC000  }
0x242: {  	[hbm4b:s2+s8] =	stream.indirect.scatter @!p0 [tilespmem:s18], [sflag:$0x2], $0x80, s19, s8, $0xb8;
	[tilespmem:$0xCE80] =	vst v63  }
0x243: {  	_ =	swait.ge @!p0 [sflag:s16], $0x4000  }
0x244: {  	p1 =	slt.u32 @!p0 s15, $0x901;
	[sflag:s16] =	ssyncset.done @!p0 $0x0  }
0x245: {  	[sflag:s16] =	ssyncadd.s32 @!p0 $0xFFFFC000;
	p0 =	por p0, p1  }
0x246: {  	s8 =	simm.s32 @!p0 $0x80;
	s16 =	simm.s32 @!p0 $0xA280;
	s18 =	simm.s32 @!p0 $0x5980  }
0x247: {  	[tilespmem:s18], [sflag:$0x2] =	stream.indirect.gather @!p0 [hbm4b:s6+s8], $0x80, s16, s8, $0xb8;
	[tilespmem:$0xCE80] =	vst v63  }
0x248: {  	s16 =	simm.s32 @!p0 $0x2  }
0x249: {  	_ =	swait.ge @!p0 [sflag:s16], $0x4000  }
0x24a: {  	[sflag:s16] =	ssyncset.done @!p0 $0x0  }
0x24b: {  	s19 =	simm.s32 @!p0 $0xBB80;
	[sflag:s16] =	ssyncadd.s32 @!p0 $0xFFFFC000  }
0x24c: {  	[hbm4b:s2+s8] =	stream.indirect.scatter @!p0 [tilespmem:s18], [sflag:$0x2], $0x80, s19, s8, $0xb8;
	[tilespmem:$0xCE80] =	vst v63  }
0x24d: {  	_ =	swait.ge @!p0 [sflag:s16], $0x4000  }
0x24e: {  	p1 =	slt.u32 @!p0 s15, $0x981;
	[sflag:s16] =	ssyncset.done @!p0 $0x0  }
0x24f: {  	[sflag:s16] =	ssyncadd.s32 @!p0 $0xFFFFC000;
	p0 =	por p0, p1  }
0x250: {  	s8 =	simm.s32 @!p0 $0x80;
	s16 =	simm.s32 @!p0 $0xA300;
	s18 =	simm.s32 @!p0 $0x5980  }
0x251: {  	[tilespmem:s18], [sflag:$0x2] =	stream.indirect.gather @!p0 [hbm4b:s6+s8], $0x80, s16, s8, $0xb8;
	[tilespmem:$0xCE80] =	vst v63  }
0x252: {  	s16 =	simm.s32 @!p0 $0x2  }
0x253: {  	_ =	swait.ge @!p0 [sflag:s16], $0x4000  }
0x254: {  	[sflag:s16] =	ssyncset.done @!p0 $0x0  }
0x255: {  	s19 =	simm.s32 @!p0 $0xBC00;
	[sflag:s16] =	ssyncadd.s32 @!p0 $0xFFFFC000  }
0x256: {  	[hbm4b:s2+s8] =	stream.indirect.scatter @!p0 [tilespmem:s18], [sflag:$0x2], $0x80, s19, s8, $0xb8;
	[tilespmem:$0xCE80] =	vst v63  }
0x257: {  	_ =	swait.ge @!p0 [sflag:s16], $0x4000  }
0x258: {  	p1 =	slt.u32 @!p0 s15, $0xA01;
	[sflag:s16] =	ssyncset.done @!p0 $0x0  }
0x259: {  	[sflag:s16] =	ssyncadd.s32 @!p0 $0xFFFFC000;
	p0 =	por p0, p1  }
0x25a: {  	s8 =	simm.s32 @!p0 $0x80;
	s16 =	simm.s32 @!p0 $0xA380;
	s18 =	simm.s32 @!p0 $0x5980  }
0x25b: {  	[tilespmem:s18], [sflag:$0x2] =	stream.indirect.gather @!p0 [hbm4b:s6+s8], $0x80, s16, s8, $0xb8;
	[tilespmem:$0xCE80] =	vst v63  }
0x25c: {  	s16 =	simm.s32 @!p0 $0x2  }
0x25d: {  	_ =	swait.ge @!p0 [sflag:s16], $0x4000  }
0x25e: {  	[sflag:s16] =	ssyncset.done @!p0 $0x0  }
0x25f: {  	s19 =	simm.s32 @!p0 $0xBC80;
	[sflag:s16] =	ssyncadd.s32 @!p0 $0xFFFFC000  }
0x260: {  	[hbm4b:s2+s8] =	stream.indirect.scatter @!p0 [tilespmem:s18], [sflag:$0x2], $0x80, s19, s8, $0xb8;
	[tilespmem:$0xCE80] =	vst v63  }
0x261: {  	_ =	swait.ge @!p0 [sflag:s16], $0x4000  }
0x262: {  	p1 =	slt.u32 @!p0 s15, $0xA81;
	[sflag:s16] =	ssyncset.done @!p0 $0x0  }
0x263: {  	[sflag:s16] =	ssyncadd.s32 @!p0 $0xFFFFC000;
	p0 =	por p0, p1  }
0x264: {  	s8 =	simm.s32 @!p0 $0x80;
	s16 =	simm.s32 @!p0 $0xA400;
	s18 =	simm.s32 @!p0 $0x5980  }
0x265: {  	[tilespmem:s18], [sflag:$0x2] =	stream.indirect.gather @!p0 [hbm4b:s6+s8], $0x80, s16, s8, $0xb8;
	[tilespmem:$0xCE80] =	vst v63  }
0x266: {  	s16 =	simm.s32 @!p0 $0x2  }
0x267: {  	_ =	swait.ge @!p0 [sflag:s16], $0x4000  }
0x268: {  	[sflag:s16] =	ssyncset.done @!p0 $0x0  }
0x269: {  	s19 =	simm.s32 @!p0 $0xBD00;
	[sflag:s16] =	ssyncadd.s32 @!p0 $0xFFFFC000  }
0x26a: {  	[hbm4b:s2+s8] =	stream.indirect.scatter @!p0 [tilespmem:s18], [sflag:$0x2], $0x80, s19, s8, $0xb8;
	[tilespmem:$0xCE80] =	vst v63  }
0x26b: {  	_ =	swait.ge @!p0 [sflag:s16], $0x4000  }
0x26c: {  	p1 =	slt.u32 @!p0 s15, $0xB01;
	[sflag:s16] =	ssyncset.done @!p0 $0x0  }
0x26d: {  	[sflag:s16] =	ssyncadd.s32 @!p0 $0xFFFFC000;
	p0 =	por p0, p1  }
0x26e: {  	s8 =	simm.s32 @!p0 $0x80;
	s16 =	simm.s32 @!p0 $0xA480;
	s18 =	simm.s32 @!p0 $0x5980  }
0x26f: {  	[tilespmem:s18], [sflag:$0x2] =	stream.indirect.gather @!p0 [hbm4b:s6+s8], $0x80, s16, s8, $0xb8;
	[tilespmem:$0xCE80] =	vst v63  }
0x270: {  	s16 =	simm.s32 @!p0 $0x2  }
0x271: {  	_ =	swait.ge @!p0 [sflag:s16], $0x4000  }
0x272: {  	[sflag:s16] =	ssyncset.done @!p0 $0x0  }
0x273: {  	s19 =	simm.s32 @!p0 $0xBD80;
	[sflag:s16] =	ssyncadd.s32 @!p0 $0xFFFFC000  }
0x274: {  	[hbm4b:s2+s8] =	stream.indirect.scatter @!p0 [tilespmem:s18], [sflag:$0x2], $0x80, s19, s8, $0xb8;
	[tilespmem:$0xCE80] =	vst v63  }
0x275: {  	_ =	swait.ge @!p0 [sflag:s16], $0x4000  }
0x276: {  	p1 =	slt.u32 @!p0 s15, $0xB81;
	[sflag:s16] =	ssyncset.done @!p0 $0x0  }
0x277: {  	[sflag:s16] =	ssyncadd.s32 @!p0 $0xFFFFC000;
	p0 =	por p0, p1  }
0x278: {  	s8 =	simm.s32 @!p0 $0x80;
	s16 =	simm.s32 @!p0 $0xA500;
	s18 =	simm.s32 @!p0 $0x5980  }
0x279: {  	[tilespmem:s18], [sflag:$0x2] =	stream.indirect.gather @!p0 [hbm4b:s6+s8], $0x80, s16, s8, $0xb8;
	[tilespmem:$0xCE80] =	vst v63  }
0x27a: {  	s16 =	simm.s32 @!p0 $0x2  }
0x27b: {  	_ =	swait.ge @!p0 [sflag:s16], $0x4000  }
0x27c: {  	[sflag:s16] =	ssyncset.done @!p0 $0x0  }
0x27d: {  	s19 =	simm.s32 @!p0 $0xBE00;
	[sflag:s16] =	ssyncadd.s32 @!p0 $0xFFFFC000  }
0x27e: {  	[hbm4b:s2+s8] =	stream.indirect.scatter @!p0 [tilespmem:s18], [sflag:$0x2], $0x80, s19, s8, $0xb8;
	[tilespmem:$0xCE80] =	vst v63  }
0x27f: {  	_ =	swait.ge @!p0 [sflag:s16], $0x4000  }
0x280: {  	p1 =	slt.u32 @!p0 s15, $0xC01;
	[sflag:s16] =	ssyncset.done @!p0 $0x0  }
0x281: {  	[sflag:s16] =	ssyncadd.s32 @!p0 $0xFFFFC000;
	p0 =	por p0, p1  }
0x282: {  	s8 =	simm.s32 @!p0 $0x80;
	s16 =	simm.s32 @!p0 $0xA580;
	s18 =	simm.s32 @!p0 $0x5980  }
0x283: {  	[tilespmem:s18], [sflag:$0x2] =	stream.indirect.gather @!p0 [hbm4b:s6+s8], $0x80, s16, s8, $0xb8;
	[tilespmem:$0xCE80] =	vst v63  }
0x284: {  	s16 =	simm.s32 @!p0 $0x2  }
0x285: {  	_ =	swait.ge @!p0 [sflag:s16], $0x4000  }
0x286: {  	[sflag:s16] =	ssyncset.done @!p0 $0x0  }
0x287: {  	s19 =	simm.s32 @!p0 $0xBE80;
	[sflag:s16] =	ssyncadd.s32 @!p0 $0xFFFFC000  }
0x288: {  	[hbm4b:s2+s8] =	stream.indirect.scatter @!p0 [tilespmem:s18], [sflag:$0x2], $0x80, s19, s8, $0xb8;
	[tilespmem:$0xCE80] =	vst v63  }
0x289: {  	_ =	swait.ge @!p0 [sflag:s16], $0x4000  }
0x28a: {  	p1 =	slt.u32 @!p0 s15, $0xC81;
	[sflag:s16] =	ssyncset.done @!p0 $0x0  }
0x28b: {  	[sflag:s16] =	ssyncadd.s32 @!p0 $0xFFFFC000;
	p0 =	por p0, p1  }
0x28c: {  	s8 =	simm.s32 @!p0 $0x80;
	s16 =	simm.s32 @!p0 $0xA600;
	s18 =	simm.s32 @!p0 $0x5980  }
0x28d: {  	[tilespmem:s18], [sflag:$0x2] =	stream.indirect.gather @!p0 [hbm4b:s6+s8], $0x80, s16, s8, $0xb8;
	[tilespmem:$0xCE80] =	vst v63  }
0x28e: {  	s16 =	simm.s32 @!p0 $0x2  }
0x28f: {  	_ =	swait.ge @!p0 [sflag:s16], $0x4000  }
0x290: {  	[sflag:s16] =	ssyncset.done @!p0 $0x0  }
0x291: {  	s19 =	simm.s32 @!p0 $0xBF00;
	[sflag:s16] =	ssyncadd.s32 @!p0 $0xFFFFC000  }
0x292: {  	[hbm4b:s2+s8] =	stream.indirect.scatter @!p0 [tilespmem:s18], [sflag:$0x2], $0x80, s19, s8, $0xb8;
	[tilespmem:$0xCE80] =	vst v63  }
0x293: {  	_ =	swait.ge @!p0 [sflag:s16], $0x4000  }
0x294: {  	p1 =	slt.u32 @!p0 s15, $0xD01;
	[sflag:s16] =	ssyncset.done @!p0 $0x0  }
0x295: {  	[sflag:s16] =	ssyncadd.s32 @!p0 $0xFFFFC000;
	p0 =	por p0, p1  }
0x296: {  	s8 =	simm.s32 @!p0 $0x80;
	s16 =	simm.s32 @!p0 $0xA680;
	s18 =	simm.s32 @!p0 $0x5980  }
0x297: {  	[tilespmem:s18], [sflag:$0x2] =	stream.indirect.gather @!p0 [hbm4b:s6+s8], $0x80, s16, s8, $0xb8;
	[tilespmem:$0xCE80] =	vst v63  }
0x298: {  	s16 =	simm.s32 @!p0 $0x2  }
0x299: {  	_ =	swait.ge @!p0 [sflag:s16], $0x4000  }
0x29a: {  	[sflag:s16] =	ssyncset.done @!p0 $0x0  }
0x29b: {  	s19 =	simm.s32 @!p0 $0xBF80;
	[sflag:s16] =	ssyncadd.s32 @!p0 $0xFFFFC000  }
0x29c: {  	[hbm4b:s2+s8] =	stream.indirect.scatter @!p0 [tilespmem:s18], [sflag:$0x2], $0x80, s19, s8, $0xb8;
	[tilespmem:$0xCE80] =	vst v63  }
0x29d: {  	_ =	swait.ge @!p0 [sflag:s16], $0x4000  }
0x29e: {  	p1 =	slt.u32 @!p0 s15, $0xD81;
	[sflag:s16] =	ssyncset.done @!p0 $0x0  }
0x29f: {  	[sflag:s16] =	ssyncadd.s32 @!p0 $0xFFFFC000;
	p0 =	por p0, p1  }
0x2a0: {  	s8 =	simm.s32 @!p0 $0x80;
	s16 =	simm.s32 @!p0 $0xA700;
	s18 =	simm.s32 @!p0 $0x5980  }
0x2a1: {  	[tilespmem:s18], [sflag:$0x2] =	stream.indirect.gather @!p0 [hbm4b:s6+s8], $0x80, s16, s8, $0xb8;
	[tilespmem:$0xCE80] =	vst v63  }
0x2a2: {  	s16 =	simm.s32 @!p0 $0x2  }
0x2a3: {  	_ =	swait.ge @!p0 [sflag:s16], $0x4000  }
0x2a4: {  	[sflag:s16] =	ssyncset.done @!p0 $0x0  }
0x2a5: {  	s19 =	simm.s32 @!p0 $0xC000;
	[sflag:s16] =	ssyncadd.s32 @!p0 $0xFFFFC000  }
0x2a6: {  	[hbm4b:s2+s8] =	stream.indirect.scatter @!p0 [tilespmem:s18], [sflag:$0x2], $0x80, s19, s8, $0xb8;
	[tilespmem:$0xCE80] =	vst v63  }
0x2a7: {  	_ =	swait.ge @!p0 [sflag:s16], $0x4000  }
0x2a8: {  	p1 =	slt.u32 @!p0 s15, $0xE01;
	[sflag:s16] =	ssyncset.done @!p0 $0x0  }
0x2a9: {  	[sflag:s16] =	ssyncadd.s32 @!p0 $0xFFFFC000;
	p0 =	por p0, p1  }
0x2aa: {  	s8 =	simm.s32 @!p0 $0x80;
	s16 =	simm.s32 @!p0 $0xA780;
	s18 =	simm.s32 @!p0 $0x5980  }
0x2ab: {  	[tilespmem:s18], [sflag:$0x2] =	stream.indirect.gather @!p0 [hbm4b:s6+s8], $0x80, s16, s8, $0xb8;
	[tilespmem:$0xCE80] =	vst v63  }
0x2ac: {  	s16 =	simm.s32 @!p0 $0x2  }
0x2ad: {  	_ =	swait.ge @!p0 [sflag:s16], $0x4000  }
0x2ae: {  	[sflag:s16] =	ssyncset.done @!p0 $0x0  }
0x2af: {  	s19 =	simm.s32 @!p0 $0xC080;
	[sflag:s16] =	ssyncadd.s32 @!p0 $0xFFFFC000  }
0x2b0: {  	[hbm4b:s2+s8] =	stream.indirect.scatter @!p0 [tilespmem:s18], [sflag:$0x2], $0x80, s19, s8, $0xb8;
	[tilespmem:$0xCE80] =	vst v63  }
0x2b1: {  	_ =	swait.ge @!p0 [sflag:s16], $0x4000  }
0x2b2: {  	p1 =	slt.u32 @!p0 s15, $0xE81;
	[sflag:s16] =	ssyncset.done @!p0 $0x0  }
0x2b3: {  	[sflag:s16] =	ssyncadd.s32 @!p0 $0xFFFFC000;
	p0 =	por p0, p1  }
0x2b4: {  	s8 =	simm.s32 @!p0 $0x80;
	s16 =	simm.s32 @!p0 $0xA800;
	s18 =	simm.s32 @!p0 $0x5980  }
0x2b5: {  	[tilespmem:s18], [sflag:$0x2] =	stream.indirect.gather @!p0 [hbm4b:s6+s8], $0x80, s16, s8, $0xb8;
	[tilespmem:$0xCE80] =	vst v63  }
0x2b6: {  	s16 =	simm.s32 @!p0 $0x2  }
0x2b7: {  	_ =	swait.ge @!p0 [sflag:s16], $0x4000  }
0x2b8: {  	[sflag:s16] =	ssyncset.done @!p0 $0x0  }
0x2b9: {  	s19 =	simm.s32 @!p0 $0xC100;
	[sflag:s16] =	ssyncadd.s32 @!p0 $0xFFFFC000  }
0x2ba: {  	[hbm4b:s2+s8] =	stream.indirect.scatter @!p0 [tilespmem:s18], [sflag:$0x2], $0x80, s19, s8, $0xb8;
	[tilespmem:$0xCE80] =	vst v63  }
0x2bb: {  	_ =	swait.ge @!p0 [sflag:s16], $0x4000  }
0x2bc: {  	p1 =	slt.u32 @!p0 s15, $0xF01;
	[sflag:s16] =	ssyncset.done @!p0 $0x0  }
0x2bd: {  	[sflag:s16] =	ssyncadd.s32 @!p0 $0xFFFFC000;
	p0 =	por p0, p1  }
0x2be: {  	s8 =	simm.s32 @!p0 $0x80;
	s16 =	simm.s32 @!p0 $0xA880;
	s18 =	simm.s32 @!p0 $0x5980  }
0x2bf: {  	[tilespmem:s18], [sflag:$0x2] =	stream.indirect.gather @!p0 [hbm4b:s6+s8], $0x80, s16, s8, $0xb8;
	[tilespmem:$0xCE80] =	vst v63  }
0x2c0: {  	s16 =	simm.s32 @!p0 $0x2  }
0x2c1: {  	_ =	swait.ge @!p0 [sflag:s16], $0x4000  }
0x2c2: {  	[sflag:s16] =	ssyncset.done @!p0 $0x0  }
0x2c3: {  	s19 =	simm.s32 @!p0 $0xC180;
	[sflag:s16] =	ssyncadd.s32 @!p0 $0xFFFFC000  }
0x2c4: {  	[hbm4b:s2+s8] =	stream.indirect.scatter @!p0 [tilespmem:s18], [sflag:$0x2], $0x80, s19, s8, $0xb8;
	[tilespmem:$0xCE80] =	vst v63  }
0x2c5: {  	_ =	swait.ge @!p0 [sflag:s16], $0x4000  }
0x2c6: {  	p1 =	slt.u32 @!p0 s15, $0xF81;
	[sflag:s16] =	ssyncset.done @!p0 $0x0  }
0x2c7: {  	[sflag:s16] =	ssyncadd.s32 @!p0 $0xFFFFC000;
	p0 =	por p0, p1  }
0x2c8: {  	s8 =	simm.s32 @!p0 $0x80;
	s16 =	simm.s32 @!p0 $0xA900;
	s18 =	simm.s32 @!p0 $0x5980  }
0x2c9: {  	[tilespmem:s18], [sflag:$0x2] =	stream.indirect.gather @!p0 [hbm4b:s6+s8], $0x80, s16, s8, $0xb8;
	[tilespmem:$0xCE80] =	vst v63  }
0x2ca: {  	s16 =	simm.s32 @!p0 $0x2  }
0x2cb: {  	_ =	swait.ge @!p0 [sflag:s16], $0x4000  }
0x2cc: {  	[sflag:s16] =	ssyncset.done @!p0 $0x0  }
0x2cd: {  	s19 =	simm.s32 @!p0 $0xC200;
	[sflag:s16] =	ssyncadd.s32 @!p0 $0xFFFFC000  }
0x2ce: {  	[hbm4b:s2+s8] =	stream.indirect.scatter @!p0 [tilespmem:s18], [sflag:$0x2], $0x80, s19, s8, $0xb8;
	[tilespmem:$0xCE80] =	vst v63  }
0x2cf: {  	_ =	swait.ge @!p0 [sflag:s16], $0x4000  }
0x2d0: {  	p1 =	slt.u32 @!p0 s15, $0x1001;
	[sflag:s16] =	ssyncset.done @!p0 $0x0  }
0x2d1: {  	[sflag:s16] =	ssyncadd.s32 @!p0 $0xFFFFC000;
	p0 =	por p0, p1  }
0x2d2: {  	s8 =	simm.s32 @!p0 $0x80;
	s16 =	simm.s32 @!p0 $0xA980;
	s18 =	simm.s32 @!p0 $0x5980  }
0x2d3: {  	[tilespmem:s18], [sflag:$0x2] =	stream.indirect.gather @!p0 [hbm4b:s6+s8], $0x80, s16, s8, $0xb8;
	[tilespmem:$0xCE80] =	vst v63  }
0x2d4: {  	s16 =	simm.s32 @!p0 $0x2  }
0x2d5: {  	_ =	swait.ge @!p0 [sflag:s16], $0x4000  }
0x2d6: {  	[sflag:s16] =	ssyncset.done @!p0 $0x0  }
0x2d7: {  	s19 =	simm.s32 @!p0 $0xC280;
	[sflag:s16] =	ssyncadd.s32 @!p0 $0xFFFFC000  }
0x2d8: {  	[hbm4b:s2+s8] =	stream.indirect.scatter @!p0 [tilespmem:s18], [sflag:$0x2], $0x80, s19, s8, $0xb8;
	[tilespmem:$0xCE80] =	vst v63  }
0x2d9: {  	_ =	swait.ge @!p0 [sflag:s16], $0x4000  }
0x2da: {  	p1 =	slt.u32 @!p0 s15, $0x1081;
	[sflag:s16] =	ssyncset.done @!p0 $0x0  }
0x2db: {  	[sflag:s16] =	ssyncadd.s32 @!p0 $0xFFFFC000;
	p0 =	por p0, p1  }
0x2dc: {  	s8 =	simm.s32 @!p0 $0x80;
	s16 =	simm.s32 @!p0 $0xAA00;
	s18 =	simm.s32 @!p0 $0x5980  }
0x2dd: {  	[tilespmem:s18], [sflag:$0x2] =	stream.indirect.gather @!p0 [hbm4b:s6+s8], $0x80, s16, s8, $0xb8;
	[tilespmem:$0xCE80] =	vst v63  }
0x2de: {  	s16 =	simm.s32 @!p0 $0x2  }
0x2df: {  	_ =	swait.ge @!p0 [sflag:s16], $0x4000  }
0x2e0: {  	[sflag:s16] =	ssyncset.done @!p0 $0x0  }
0x2e1: {  	s19 =	simm.s32 @!p0 $0xC300;
	[sflag:s16] =	ssyncadd.s32 @!p0 $0xFFFFC000  }
0x2e2: {  	[hbm4b:s2+s8] =	stream.indirect.scatter @!p0 [tilespmem:s18], [sflag:$0x2], $0x80, s19, s8, $0xb8;
	[tilespmem:$0xCE80] =	vst v63  }
0x2e3: {  	_ =	swait.ge @!p0 [sflag:s16], $0x4000  }
0x2e4: {  	p1 =	slt.u32 @!p0 s15, $0x1101;
	[sflag:s16] =	ssyncset.done @!p0 $0x0  }
0x2e5: {  	[sflag:s16] =	ssyncadd.s32 @!p0 $0xFFFFC000;
	p0 =	por p0, p1  }
0x2e6: {  	s8 =	simm.s32 @!p0 $0x80;
	s16 =	simm.s32 @!p0 $0xAA80;
	s18 =	simm.s32 @!p0 $0x5980  }
0x2e7: {  	[tilespmem:s18], [sflag:$0x2] =	stream.indirect.gather @!p0 [hbm4b:s6+s8], $0x80, s16, s8, $0xb8;
	[tilespmem:$0xCE80] =	vst v63  }
0x2e8: {  	s16 =	simm.s32 @!p0 $0x2  }
0x2e9: {  	_ =	swait.ge @!p0 [sflag:s16], $0x4000  }
0x2ea: {  	[sflag:s16] =	ssyncset.done @!p0 $0x0  }
0x2eb: {  	s19 =	simm.s32 @!p0 $0xC380;
	[sflag:s16] =	ssyncadd.s32 @!p0 $0xFFFFC000  }
0x2ec: {  	[hbm4b:s2+s8] =	stream.indirect.scatter @!p0 [tilespmem:s18], [sflag:$0x2], $0x80, s19, s8, $0xb8;
	[tilespmem:$0xCE80] =	vst v63  }
0x2ed: {  	_ =	swait.ge @!p0 [sflag:s16], $0x4000  }
0x2ee: {  	p1 =	slt.u32 @!p0 s15, $0x1181;
	[sflag:s16] =	ssyncset.done @!p0 $0x0  }
0x2ef: {  	[sflag:s16] =	ssyncadd.s32 @!p0 $0xFFFFC000;
	p0 =	por p0, p1  }
0x2f0: {  	s8 =	simm.s32 @!p0 $0x80;
	s16 =	simm.s32 @!p0 $0xAB00;
	s18 =	simm.s32 @!p0 $0x5980  }
0x2f1: {  	[tilespmem:s18], [sflag:$0x2] =	stream.indirect.gather @!p0 [hbm4b:s6+s8], $0x80, s16, s8, $0xb8;
	[tilespmem:$0xCE80] =	vst v63  }
0x2f2: {  	s16 =	simm.s32 @!p0 $0x2  }
0x2f3: {  	_ =	swait.ge @!p0 [sflag:s16], $0x4000  }
0x2f4: {  	[sflag:s16] =	ssyncset.done @!p0 $0x0  }
0x2f5: {  	s19 =	simm.s32 @!p0 $0xC400;
	[sflag:s16] =	ssyncadd.s32 @!p0 $0xFFFFC000  }
0x2f6: {  	[hbm4b:s2+s8] =	stream.indirect.scatter @!p0 [tilespmem:s18], [sflag:$0x2], $0x80, s19, s8, $0xb8;
	[tilespmem:$0xCE80] =	vst v63  }
0x2f7: {  	_ =	swait.ge @!p0 [sflag:s16], $0x4000  }
0x2f8: {  	p1 =	slt.u32 @!p0 s15, $0x1201;
	[sflag:s16] =	ssyncset.done @!p0 $0x0  }
0x2f9: {  	[sflag:s16] =	ssyncadd.s32 @!p0 $0xFFFFC000;
	p0 =	por p0, p1  }
0x2fa: {  	s8 =	simm.s32 @!p0 $0x80;
	s16 =	simm.s32 @!p0 $0xAB80;
	s18 =	simm.s32 @!p0 $0x5980  }
0x2fb: {  	[tilespmem:s18], [sflag:$0x2] =	stream.indirect.gather @!p0 [hbm4b:s6+s8], $0x80, s16, s8, $0xb8;
	[tilespmem:$0xCE80] =	vst v63  }
0x2fc: {  	s16 =	simm.s32 @!p0 $0x2  }
0x2fd: {  	_ =	swait.ge @!p0 [sflag:s16], $0x4000  }
0x2fe: {  	[sflag:s16] =	ssyncset.done @!p0 $0x0  }
0x2ff: {  	s19 =	simm.s32 @!p0 $0xC480;
	[sflag:s16] =	ssyncadd.s32 @!p0 $0xFFFFC000  }
0x300: {  	[hbm4b:s2+s8] =	stream.indirect.scatter @!p0 [tilespmem:s18], [sflag:$0x2], $0x80, s19, s8, $0xb8;
	[tilespmem:$0xCE80] =	vst v63  }
0x301: {  	_ =	swait.ge @!p0 [sflag:s16], $0x4000  }
0x302: {  	p1 =	slt.u32 @!p0 s15, $0x1281;
	[sflag:s16] =	ssyncset.done @!p0 $0x0  }
0x303: {  	[sflag:s16] =	ssyncadd.s32 @!p0 $0xFFFFC000;
	p0 =	por p0, p1  }
0x304: {  	s8 =	simm.s32 @!p0 $0x80;
	s16 =	simm.s32 @!p0 $0xAC00;
	s18 =	simm.s32 @!p0 $0x5980  }
0x305: {  	[tilespmem:s18], [sflag:$0x2] =	stream.indirect.gather @!p0 [hbm4b:s6+s8], $0x80, s16, s8, $0xb8;
	[tilespmem:$0xCE80] =	vst v63  }
0x306: {  	s16 =	simm.s32 @!p0 $0x2  }
0x307: {  	_ =	swait.ge @!p0 [sflag:s16], $0x4000  }
0x308: {  	[sflag:s16] =	ssyncset.done @!p0 $0x0  }
0x309: {  	s19 =	simm.s32 @!p0 $0xC500;
	[sflag:s16] =	ssyncadd.s32 @!p0 $0xFFFFC000  }
0x30a: {  	[hbm4b:s2+s8] =	stream.indirect.scatter @!p0 [tilespmem:s18], [sflag:$0x2], $0x80, s19, s8, $0xb8;
	[tilespmem:$0xCE80] =	vst v63  }
0x30b: {  	_ =	swait.ge @!p0 [sflag:s16], $0x4000  }
0x30c: {  	p1 =	slt.u32 @!p0 s15, $0x1301;
	[sflag:s16] =	ssyncset.done @!p0 $0x0  }
0x30d: {  	[sflag:s16] =	ssyncadd.s32 @!p0 $0xFFFFC000;
	p0 =	por p0, p1  }
0x30e: {  	s8 =	simm.s32 @!p0 $0x80;
	s16 =	simm.s32 @!p0 $0xAC80;
	s18 =	simm.s32 @!p0 $0x5980  }
0x30f: {  	[tilespmem:s18], [sflag:$0x2] =	stream.indirect.gather @!p0 [hbm4b:s6+s8], $0x80, s16, s8, $0xb8;
	[tilespmem:$0xCE80] =	vst v63  }
0x310: {  	s16 =	simm.s32 @!p0 $0x2  }
0x311: {  	_ =	swait.ge @!p0 [sflag:s16], $0x4000  }
0x312: {  	[sflag:s16] =	ssyncset.done @!p0 $0x0  }
0x313: {  	s19 =	simm.s32 @!p0 $0xC580;
	[sflag:s16] =	ssyncadd.s32 @!p0 $0xFFFFC000  }
0x314: {  	[hbm4b:s2+s8] =	stream.indirect.scatter @!p0 [tilespmem:s18], [sflag:$0x2], $0x80, s19, s8, $0xb8;
	[tilespmem:$0xCE80] =	vst v63  }
0x315: {  	_ =	swait.ge @!p0 [sflag:s16], $0x4000  }
0x316: {  	p1 =	slt.u32 @!p0 s15, $0x1381;
	[sflag:s16] =	ssyncset.done @!p0 $0x0  }
0x317: {  	[sflag:s16] =	ssyncadd.s32 @!p0 $0xFFFFC000;
	p0 =	por p0, p1  }
0x318: {  	s8 =	simm.s32 @!p0 $0x80;
	s16 =	simm.s32 @!p0 $0xAD00;
	s18 =	simm.s32 @!p0 $0x5980  }
0x319: {  	[tilespmem:s18], [sflag:$0x2] =	stream.indirect.gather @!p0 [hbm4b:s6+s8], $0x80, s16, s8, $0xb8;
	[tilespmem:$0xCE80] =	vst v63  }
0x31a: {  	s16 =	simm.s32 @!p0 $0x2  }
0x31b: {  	_ =	swait.ge @!p0 [sflag:s16], $0x4000  }
0x31c: {  	[sflag:s16] =	ssyncset.done @!p0 $0x0  }
0x31d: {  	s19 =	simm.s32 @!p0 $0xC600;
	[sflag:s16] =	ssyncadd.s32 @!p0 $0xFFFFC000  }
0x31e: {  	[hbm4b:s2+s8] =	stream.indirect.scatter @!p0 [tilespmem:s18], [sflag:$0x2], $0x80, s19, s8, $0xb8;
	[tilespmem:$0xCE80] =	vst v63  }
0x31f: {  	_ =	swait.ge @!p0 [sflag:s16], $0x4000  }
0x320: {  	p1 =	slt.u32 @!p0 s15, $0x1401;
	[sflag:s16] =	ssyncset.done @!p0 $0x0  }
0x321: {  	[sflag:s16] =	ssyncadd.s32 @!p0 $0xFFFFC000;
	p0 =	por p0, p1  }
0x322: {  	s8 =	simm.s32 @!p0 $0x80;
	s16 =	simm.s32 @!p0 $0xAD80;
	s18 =	simm.s32 @!p0 $0x5980  }
0x323: {  	[tilespmem:s18], [sflag:$0x2] =	stream.indirect.gather @!p0 [hbm4b:s6+s8], $0x80, s16, s8, $0xb8;
	[tilespmem:$0xCE80] =	vst v63  }
0x324: {  	s16 =	simm.s32 @!p0 $0x2  }
0x325: {  	_ =	swait.ge @!p0 [sflag:s16], $0x4000  }
0x326: {  	[sflag:s16] =	ssyncset.done @!p0 $0x0  }
0x327: {  	s19 =	simm.s32 @!p0 $0xC680;
	[sflag:s16] =	ssyncadd.s32 @!p0 $0xFFFFC000  }
0x328: {  	[hbm4b:s2+s8] =	stream.indirect.scatter @!p0 [tilespmem:s18], [sflag:$0x2], $0x80, s19, s8, $0xb8;
	[tilespmem:$0xCE80] =	vst v63  }
0x329: {  	_ =	swait.ge @!p0 [sflag:s16], $0x4000  }
0x32a: {  	p1 =	slt.u32 @!p0 s15, $0x1481;
	[sflag:s16] =	ssyncset.done @!p0 $0x0  }
0x32b: {  	[sflag:s16] =	ssyncadd.s32 @!p0 $0xFFFFC000;
	p0 =	por p0, p1  }
0x32c: {  	s8 =	simm.s32 @!p0 $0x80;
	s16 =	simm.s32 @!p0 $0xAE00;
	s18 =	simm.s32 @!p0 $0x5980  }
0x32d: {  	[tilespmem:s18], [sflag:$0x2] =	stream.indirect.gather @!p0 [hbm4b:s6+s8], $0x80, s16, s8, $0xb8;
	[tilespmem:$0xCE80] =	vst v63  }
0x32e: {  	s16 =	simm.s32 @!p0 $0x2  }
0x32f: {  	_ =	swait.ge @!p0 [sflag:s16], $0x4000  }
0x330: {  	[sflag:s16] =	ssyncset.done @!p0 $0x0  }
0x331: {  	s19 =	simm.s32 @!p0 $0xC700;
	[sflag:s16] =	ssyncadd.s32 @!p0 $0xFFFFC000  }
0x332: {  	[hbm4b:s2+s8] =	stream.indirect.scatter @!p0 [tilespmem:s18], [sflag:$0x2], $0x80, s19, s8, $0xb8;
	[tilespmem:$0xCE80] =	vst v63  }
0x333: {  	_ =	swait.ge @!p0 [sflag:s16], $0x4000  }
0x334: {  	p1 =	slt.u32 @!p0 s15, $0x1501;
	[sflag:s16] =	ssyncset.done @!p0 $0x0  }
0x335: {  	[sflag:s16] =	ssyncadd.s32 @!p0 $0xFFFFC000;
	p0 =	por p0, p1  }
0x336: {  	s8 =	simm.s32 @!p0 $0x80;
	s16 =	simm.s32 @!p0 $0xAE80;
	s18 =	simm.s32 @!p0 $0x5980  }
0x337: {  	[tilespmem:s18], [sflag:$0x2] =	stream.indirect.gather @!p0 [hbm4b:s6+s8], $0x80, s16, s8, $0xb8;
	[tilespmem:$0xCE80] =	vst v63  }
0x338: {  	s16 =	simm.s32 @!p0 $0x2  }
0x339: {  	_ =	swait.ge @!p0 [sflag:s16], $0x4000  }
0x33a: {  	[sflag:s16] =	ssyncset.done @!p0 $0x0  }
0x33b: {  	s19 =	simm.s32 @!p0 $0xC780;
	[sflag:s16] =	ssyncadd.s32 @!p0 $0xFFFFC000  }
0x33c: {  	[hbm4b:s2+s8] =	stream.indirect.scatter @!p0 [tilespmem:s18], [sflag:$0x2], $0x80, s19, s8, $0xb8;
	[tilespmem:$0xCE80] =	vst v63  }
0x33d: {  	_ =	swait.ge @!p0 [sflag:s16], $0x4000  }
0x33e: {  	p1 =	slt.u32 @!p0 s15, $0x1581;
	[sflag:s16] =	ssyncset.done @!p0 $0x0  }
0x33f: {  	[sflag:s16] =	ssyncadd.s32 @!p0 $0xFFFFC000;
	p0 =	por p0, p1  }
0x340: {  	s8 =	simm.s32 @!p0 $0x80;
	s16 =	simm.s32 @!p0 $0xAF00;
	s18 =	simm.s32 @!p0 $0x5980  }
0x341: {  	[tilespmem:s18], [sflag:$0x2] =	stream.indirect.gather @!p0 [hbm4b:s6+s8], $0x80, s16, s8, $0xb8;
	[tilespmem:$0xCE80] =	vst v63  }
0x342: {  	s16 =	simm.s32 @!p0 $0x2  }
0x343: {  	_ =	swait.ge @!p0 [sflag:s16], $0x4000  }
0x344: {  	[sflag:s16] =	ssyncset.done @!p0 $0x0  }
0x345: {  	s19 =	simm.s32 @!p0 $0xC800;
	[sflag:s16] =	ssyncadd.s32 @!p0 $0xFFFFC000  }
0x346: {  	[hbm4b:s2+s8] =	stream.indirect.scatter @!p0 [tilespmem:s18], [sflag:$0x2], $0x80, s19, s8, $0xb8;
	[tilespmem:$0xCE80] =	vst v63  }
0x347: {  	_ =	swait.ge @!p0 [sflag:s16], $0x4000  }
0x348: {  	p1 =	slt.u32 @!p0 s15, $0x1601;
	[sflag:s16] =	ssyncset.done @!p0 $0x0  }
0x349: {  	[sflag:s16] =	ssyncadd.s32 @!p0 $0xFFFFC000;
	p0 =	por p0, p1  }
0x34a: {  	s8 =	simm.s32 @!p0 $0x80;
	s16 =	simm.s32 @!p0 $0xAF80;
	s18 =	simm.s32 @!p0 $0x5980  }
0x34b: {  	[tilespmem:s18], [sflag:$0x2] =	stream.indirect.gather @!p0 [hbm4b:s6+s8], $0x80, s16, s8, $0xb8;
	[tilespmem:$0xCE80] =	vst v63  }
0x34c: {  	s16 =	simm.s32 @!p0 $0x2  }
0x34d: {  	_ =	swait.ge @!p0 [sflag:s16], $0x4000  }
0x34e: {  	[sflag:s16] =	ssyncset.done @!p0 $0x0  }
0x34f: {  	s19 =	simm.s32 @!p0 $0xC880;
	[sflag:s16] =	ssyncadd.s32 @!p0 $0xFFFFC000  }
0x350: {  	[hbm4b:s2+s8] =	stream.indirect.scatter @!p0 [tilespmem:s18], [sflag:$0x2], $0x80, s19, s8, $0xb8;
	[tilespmem:$0xCE80] =	vst v63  }
0x351: {  	_ =	swait.ge @!p0 [sflag:s16], $0x4000  }
0x352: {  	p1 =	slt.u32 @!p0 s15, $0x1681;
	[sflag:s16] =	ssyncset.done @!p0 $0x0  }
0x353: {  	[sflag:s16] =	ssyncadd.s32 @!p0 $0xFFFFC000;
	p0 =	por p0, p1  }
0x354: {  	s8 =	simm.s32 @!p0 $0x80;
	s16 =	simm.s32 @!p0 $0xB000;
	s18 =	simm.s32 @!p0 $0x5980  }
0x355: {  	[tilespmem:s18], [sflag:$0x2] =	stream.indirect.gather @!p0 [hbm4b:s6+s8], $0x80, s16, s8, $0xb8;
	[tilespmem:$0xCE80] =	vst v63  }
0x356: {  	s16 =	simm.s32 @!p0 $0x2  }
0x357: {  	p1 =	slt.u32 @!p0 s15, $0x1701;
	_ =	swait.ge @!p0 [sflag:s16], $0x4000  }
0x358: {  	p1 =	por p0, p1;
	[sflag:s16] =	ssyncset.done @!p0 $0x0  }
.Ltmp3:
0x359: {  	s19 =	simm.s32 @!p0 $0xC900;
	[sflag:s16] =	ssyncadd.s32 @!p0 $0xFFFFC000;
	(pc) =	sbr.rel @p1 .LBB2_5-.Ltmp3, $4  }
0x35a: {  	[hbm4b:s2+s8] =	stream.indirect.scatter @!p0 [tilespmem:s18], [sflag:$0x2], $0x80, s19, s8, $0xb8;
	[tilespmem:$0xCE80] =	vst v63  }
0x35b: {  	_ =	swait.ge @!p0 [sflag:s16], $0x4000  }
0x35c: {  	[sflag:s16] =	ssyncset.done @!p0 $0x0  }
0x35d: {  	[sflag:s16] =	ssyncadd.s32 @!p0 $0xFFFFC000  }
0x35e: {  	s8 =	simm.s32 $0x80;
	s16 =	simm.s32 $0xB080;
	s18 =	simm.s32 $0x5980  }
0x35f: {  	[tilespmem:s18], [sflag:$0x2] =	stream.indirect.gather [hbm4b:s6+s8], $0x80, s16, s8, $0xb8;
	[tilespmem:$0xCE80] =	vst v63  }
0x360: {  	_ =	swait.ge [sflag:s11], $0x4000  }
0x361: {  	[sflag:s11] =	ssyncset.done $0x0  }
0x362: {  	s21 =	simm.s32 $0xC980;
	[sflag:s11] =	ssyncadd.s32 $0xFFFFC000  }
0x363: {  	[hbm4b:s2+s8] =	stream.indirect.scatter [tilespmem:s18], [sflag:$0x2], $0x80, s21, s8, $0xb8;
	[tilespmem:$0xCE80] =	vst v63  }
0x364: {  	p0 =	slt.u32 s15, $0x1781;
	_ =	swait.ge [sflag:s11], $0x4000  }
0x365: {  	s16 =	simm.s32 @!p0 $0xB100;
	[sflag:s11] =	ssyncset.done $0x0  }
0x366: {  	s8 =	simm.s32 @!p0 $0x80;
	s18 =	simm.s32 @!p0 $0x5980;
	[sflag:s11] =	ssyncadd.s32 $0xFFFFC000  }
0x367: {  	[tilespmem:s18], [sflag:$0x2] =	stream.indirect.gather @!p0 [hbm4b:s6+s8], $0x80, s16, s8, $0xb8;
	[tilespmem:$0xCE80] =	vst v63  }
0x368: {  	s16 =	simm.s32 @!p0 $0x2  }
0x369: {  	_ =	swait.ge @!p0 [sflag:s16], $0x4000  }
0x36a: {  	[sflag:s16] =	ssyncset.done @!p0 $0x0  }
0x36b: {  	s19 =	simm.s32 @!p0 $0xCA00;
	p1 =	slt.u32 @!p0 s15, $0x1801;
	[sflag:s16] =	ssyncadd.s32 @!p0 $0xFFFFC000  }
0x36c: {  	[hbm4b:s2+s8] =	stream.indirect.scatter @!p0 [tilespmem:s18], [sflag:$0x2], $0x80, s19, s8, $0xb8;
	[tilespmem:$0xCE80] =	vst v63  }
0x36d: {  	p2 =	por p1, p0;
	_ =	swait.ge @!p0 [sflag:s16], $0x4000  }
0x36e: {  	s8 =	simm.s32 @!p2 $0x80;
	[sflag:s16] =	ssyncset.done @!p0 $0x0  }
0x36f: {  	s18 =	simm.s32 @!p2 $0x5980;
	[sflag:s16] =	ssyncadd.s32 @!p0 $0xFFFFC000;
	s16 =	simm.s32 @!p2 $0xB180  }
0x370: {  	[tilespmem:s18], [sflag:$0x2] =	stream.indirect.gather @!p2 [hbm4b:s6+s8], $0x80, s16, s8, $0xb8;
	[tilespmem:$0xCE80] =	vst v63  }
0x371: {  	s16 =	simm.s32 @!p2 $0x2  }
0x372: {  	_ =	swait.ge @!p2 [sflag:s16], $0x4000  }
0x373: {  	p3 =	slt.u32 @!p2 s15, $0x1881;
	[sflag:s16] =	ssyncset.done @!p2 $0x0  }
0x374: {  	p1 =	por @!p0 p3, p1;
	s19 =	simm.s32 @!p2 $0xCA80;
	[sflag:s16] =	ssyncadd.s32 @!p2 $0xFFFFC000  }
0x375: {  	[hbm4b:s2+s8] =	stream.indirect.scatter @!p2 [tilespmem:s18], [sflag:$0x2], $0x80, s19, s8, $0xb8;
	[tilespmem:$0xCE80] =	vst v63  }
0x376: {  	p0 =	por p1, p0;
	_ =	swait.ge @!p2 [sflag:s16], $0x4000  }
0x377: {  	s15 =	simm.s32 @!p0 $0xB200;
	[sflag:s16] =	ssyncset.done @!p2 $0x0  }
0x378: {  	s8 =	simm.s32 @!p0 $0x80;
	[sflag:s16] =	ssyncadd.s32 @!p2 $0xFFFFC000;
	s16 =	simm.s32 @!p0 $0x5980  }
0x379: {  	[tilespmem:s16], [sflag:$0x2] =	stream.indirect.gather @!p0 [hbm4b:s6+s8], $0x80, s15, s8, $0xb8;
	[tilespmem:$0xCE80] =	vst v63  }
0x37a: {  	s15 =	simm.s32 @!p0 $0x2  }
0x37b: {  	_ =	swait.ge @!p0 [sflag:s15], $0x4000  }
0x37c: {  	[sflag:s15] =	ssyncset.done @!p0 $0x0  }
.Ltmp4:
0x37d: {  	s18 =	simm.s32 @!p0 $0xCB00;
	[sflag:s15] =	ssyncadd.s32 @!p0 $0xFFFFC000;
	(pc) =	sbr.rel .LBB2_5-.Ltmp4, $4  }
0x37e: {  	[hbm4b:s2+s8] =	stream.indirect.scatter @!p0 [tilespmem:s16], [sflag:$0x2], $0x80, s18, s8, $0xb8;
	[tilespmem:$0xCE80] =	vst v63  }
0x37f: {  	_ =	swait.ge @!p0 [sflag:s15], $0x4000  }
0x380: {  	[sflag:s15] =	ssyncset.done @!p0 $0x0  }
0x381: {  	[sflag:s15] =	ssyncadd.s32 @!p0 $0xFFFFC000  }
.LBB2_6:
0x382: {  	_ =	sfence.sel $0x180000  }
0x383: {  	[bflag:$0x0] =	sbarrier.arrive $0xFFFF  }
0x384: {  	_ =	strace $0x90000047  }
0x385: {  	s0 =	stileid.u32;
	[bflag:$0x2] =	sbarrier.arrive $0xFFFF  }
0x386: {  	p0 =	sne.s32 s0, $0x0;
	s0 =	rddreg [dreg:$0x2]  }
0x387: {  	s0 =	sadd.s32 @!p0 $0x100000, s0  }
0x388: {  	[sflag:s0] =	ssyncadd.tile.s32 @!p0 $0x1;
	_ =	shalt  }
.Lfunc_end2:
_tile_overlayer_lowered:
.L_overlay_start_2:
0x389: {  	(tag) =	ssettag $0x2  }
0x38a: {  	s0 =	rddreg [dreg:$0x0];
	s2 =	stileid.u32  }
0x38b: {  	s1 =	rddreg [dreg:$0x1];
	p0 =	sne.s32 s2, $0x0  }
0x38c: {  	s3 =	rddreg [dreg:$0x2];
	[bflag:$0x3] =	sbarrier.arrive $0xFFFF;
	s2 =	simm.s32 @!p0 $0x1C02  }
0x38d: {  	[timem:s3], [sflag:s2] =	dma.local @!p0 [hbm:s0], s1  }
0x38e: {  	s0 =	simm.s32 @!p0 $0x2  }
0x38f: {  	_ =	swait.ge @!p0 [sflag:s0], s1  }
0x390: {  	s1 =	ssub.s32 @!p0 $0x0, s1;
	[sflag:s0] =	ssyncset.done @!p0 $0x0  }
0x391: {  	[sflag:s0] =	ssyncadd.s32 @!p0 s1  }
0x392: {  	[bflag:$0x3] =	sbarrier.arrive $0xFFFF  }
0x393: {  	_ =	shalt  }

</sc_bundles>
